<compile_context>
chip_gen: v7x
topology: tpu7x:2x2x1
jax: 0.10.2.dev20260603
libtpu: 0.0.44.dev20260713+nightly
codegen_flags: <defaults>
</compile_context>

<pallas_src>
import functools

import jax
import jax.numpy as jnp
from jax import lax
from jax.experimental import pallas as pl
from jax.experimental.pallas import tpu as pltpu
from jax.experimental.pallas import tpu_sc as plsc

N_NODES = 10000
N_EDGES = 320000
EMB = 128
D_EDGE = 16
N_GRAPHS = 32

NC = 2
NS = 16
NW = NC * NS
CHUNK = 128

GS_CHUNKS = 78

ROWS_PER_TILE = 624
ROWS_LAST = N_NODES - 15 * ROWS_PER_TILE
ZROWS = 104

_mesh = plsc.VectorSubcoreMesh(core_axis_name="c", subcore_axis_name="s")


def _zero_acc_slice(zbuf, acc, s):
    base_r = s * ROWS_PER_TILE
    for r in range(ROWS_PER_TILE // ZROWS):
        pltpu.sync_copy(zbuf, acc.at[pl.ds(base_r + r * ZROWS, ZROWS)])

    @pl.when(s == NS - 1)
    def _():
        pltpu.sync_copy(zbuf.at[pl.ds(0, ROWS_LAST - ROWS_PER_TILE)],
                        acc.at[pl.ds(base_r + ROWS_PER_TILE, ROWS_LAST - ROWS_PER_TILE)])


def _write_acc_slice(acc, out_hbm, s):
    base_r = s * ROWS_PER_TILE
    pltpu.sync_copy(acc.at[pl.ds(base_r, ROWS_PER_TILE)],
                    out_hbm.at[pl.ds(base_r, ROWS_PER_TILE)])

    @pl.when(s == NS - 1)
    def _():
        pltpu.sync_copy(acc.at[pl.ds(base_r + ROWS_PER_TILE, ROWS_LAST - ROWS_PER_TILE)],
                        out_hbm.at[pl.ds(base_r + ROWS_PER_TILE, ROWS_LAST - ROWS_PER_TILE)])


@functools.partial(
    pl.kernel,
    mesh=_mesh,
    out_type=jax.ShapeDtypeStruct((NC, N_NODES, EMB), jnp.float32),
    scratch_types=[
        pltpu.VMEM((CHUNK,), jnp.int32),
        pltpu.VMEM((CHUNK,), jnp.int32),
        pltpu.VMEM((CHUNK, EMB), jnp.float32),
        pltpu.VMEM((CHUNK, EMB), jnp.float32),
        pltpu.VMEM((ZROWS, EMB), jnp.float32),
        pltpu.VMEM_SHARED((N_NODES, EMB), jnp.float32),
        pltpu.SemaphoreType.DMA,
    ],
)
def _adj_gs(h_hbm, e_hbm, src_hbm, dst_hbm, z_hbm, out_hbm,
            src_v, dst_v, rows_v, erows_v, zbuf, acc, sem):
    c = lax.axis_index("c")
    s = lax.axis_index("s")
    wid = s * NC + c

    pltpu.sync_copy(z_hbm, zbuf)
    _zero_acc_slice(zbuf, acc, s)
    plsc.subcore_barrier()

    nchunks = GS_CHUNKS + jnp.where(wid < 4, 1, 0)
    ebase = wid * (GS_CHUNKS * CHUNK) + jnp.minimum(wid, 4) * CHUNK

    def body(i, carry):
        off = pl.multiple_of(ebase + i * CHUNK, 8)
        pltpu.sync_copy(src_hbm.at[pl.ds(off, CHUNK)], src_v)
        pltpu.sync_copy(dst_hbm.at[pl.ds(off, CHUNK)], dst_v)
        pltpu.sync_copy(e_hbm.at[pl.ds(off, CHUNK)], erows_v)
        pltpu.async_copy(h_hbm.at[src_v], rows_v, sem).wait()
        pltpu.sync_copy(rows_v, acc.at[dst_v], add=True)
        pltpu.sync_copy(erows_v, acc.at[dst_v], add=True)
        return carry

    lax.fori_loop(0, nchunks, body, 0)
    plsc.subcore_barrier()
    _write_acc_slice(acc, out_hbm.at[c], s)


_EB = 2000


def _edge_e_body(ea_ref, we_ref, be_ref, e_ref):
    e_ref[...] = jnp.dot(ea_ref[...], we_ref[...],
                         preferred_element_type=jnp.float32) + be_ref[...]


_edge_e = pl.pallas_call(
    _edge_e_body,
    grid=(N_EDGES // _EB,),
    in_specs=[pl.BlockSpec((_EB, D_EDGE), lambda i: (i, 0)),
              pl.BlockSpec((D_EDGE, EMB), lambda i: (0, 0)),
              pl.BlockSpec((1, EMB), lambda i: (0, 0))],
    out_specs=pl.BlockSpec((_EB, EMB), lambda i: (i, 0)),
    out_shape=jax.ShapeDtypeStruct((N_EDGES, EMB), jnp.float32),
)

_HI = lax.Precision.HIGHEST


def _layer_body(h_ref, p_ref, w1_ref, b1_ref, w2_ref, b2_ref, g_ref, bt_ref,
                out_ref, *, last_relu):
    agg = p_ref[...] + h_ref[...]
    u = jnp.dot(agg, w1_ref[...],
                preferred_element_type=jnp.float32) + b1_ref[...]
    u = jnp.maximum(u, 0.0)
    v = jnp.dot(u, w2_ref[...],
                preferred_element_type=jnp.float32) + b2_ref[...]
    mu = jnp.mean(v, axis=0, keepdims=True)
    var = jnp.mean((v - mu) ** 2, axis=0, keepdims=True)
    v = (v - mu) / jnp.sqrt(var + 1e-5) * g_ref[...] + bt_ref[...]
    if last_relu:
        v = jnp.maximum(v, 0.0)
    out_ref[...] = v


def _pool_layer_body(h_ref, p_ref, w1_ref, b1_ref, w2_ref, b2_ref, g_ref,
                     bt_ref, batch_ref, out_ref):
    agg = p_ref[...] + h_ref[...]
    u = jnp.dot(agg, w1_ref[...],
                preferred_element_type=jnp.float32) + b1_ref[...]
    u = jnp.maximum(u, 0.0)
    v = jnp.dot(u, w2_ref[...],
                preferred_element_type=jnp.float32) + b2_ref[...]
    mu = jnp.mean(v, axis=0, keepdims=True)
    var = jnp.mean((v - mu) ** 2, axis=0, keepdims=True)
    v = (v - mu) / jnp.sqrt(var + 1e-5) * g_ref[...] + bt_ref[...]
    gid = lax.broadcasted_iota(jnp.int32, (1, N_GRAPHS), 1)
    m = (batch_ref[...] == gid).astype(jnp.float32)
    dn = (((0,), (0,)), ((), ()))
    seg = lax.dot_general(m, v, dn, preferred_element_type=jnp.float32,
                          precision=_HI)
    cnt = lax.dot_general(m, jnp.ones_like(v[:, 0:1]), dn,
                          preferred_element_type=jnp.float32,
                          precision=_HI)
    out_ref[...] = seg / jnp.maximum(cnt, 1.0)


_mid_layer = pl.pallas_call(
    functools.partial(_layer_body, last_relu=True),
    out_shape=jax.ShapeDtypeStruct((N_NODES, EMB), jnp.float32),
)

_pool_layer = pl.pallas_call(
    _pool_layer_body,
    out_shape=jax.ShapeDtypeStruct((N_GRAPHS, EMB), jnp.float32),
)


def kernel(x, edge_index, edge_attr, batch, We, be, W1, b1, W2, b2, gamma, beta):
    src = edge_index[0]
    dst = edge_index[1]
    zeros_nd = jnp.zeros((ZROWS, EMB), jnp.float32)
    batch2d = batch.reshape(N_NODES, 1)

    outs = []
    for l in range(2):
        h = x
        for k in range(3):
            e = _edge_e(edge_attr, We[l, k], be[l, k].reshape(1, EMB))
            pp = _adj_gs(h, e, src, dst, zeros_nd)
            p = pp[0] + pp[1]
            args = (h, p,
                    W1[l, k], b1[l, k].reshape(1, EMB),
                    W2[l, k], b2[l, k].reshape(1, EMB),
                    gamma[l, k].reshape(1, EMB), beta[l, k].reshape(1, EMB))
            if k < 2:
                h = _mid_layer(*args)
            else:
                outs.append(_pool_layer(*args, batch2d))
    return tuple(outs)

# --- scband reference (transcript-rebuilt; emitter-appended) ---
"""Pipeline reference for scband-student-model-68358699483181 (READ-ONLY COPY).

The authoritative reference and input builder live on the scoring server;
editing this copy changes nothing except your own understanding.
"""

import jax, jax.numpy as jnp
import numpy as np

H_LEVEL = 2
N_LAYERS = 3
EMB = 128
D_EDGE = 16
N_NODES = 10000
N_EDGES = 320000
BATCH_GRAPHS = 32


def setup_inputs(seed: int = 0) -> dict:
    key = jax.random.key(seed)
    ks = jax.random.split(key, 12)
    x = jax.random.normal(ks[0], (N_NODES, EMB), dtype=jnp.float32)
    edge_index = jax.random.randint(ks[1], (2, N_EDGES), 0, N_NODES, dtype=jnp.int32)
    edge_attr = jax.random.normal(ks[2], (N_EDGES, D_EDGE), dtype=jnp.float32)
    batch = jnp.sort(jax.random.randint(ks[3], (N_NODES,), 0, BATCH_GRAPHS, dtype=jnp.int32))
    s = 0.05
    We = jax.random.normal(ks[4], (H_LEVEL, N_LAYERS, D_EDGE, EMB), dtype=jnp.float32) * s
    be = jnp.zeros((H_LEVEL, N_LAYERS, EMB), dtype=jnp.float32)
    W1 = jax.random.normal(ks[5], (H_LEVEL, N_LAYERS, EMB, EMB), dtype=jnp.float32) * s
    b1 = jnp.zeros((H_LEVEL, N_LAYERS, EMB), dtype=jnp.float32)
    W2 = jax.random.normal(ks[6], (H_LEVEL, N_LAYERS, EMB, EMB), dtype=jnp.float32) * s
    b2 = jnp.zeros((H_LEVEL, N_LAYERS, EMB), dtype=jnp.float32)
    gamma = jnp.ones((H_LEVEL, N_LAYERS, EMB), dtype=jnp.float32)
    beta = jnp.zeros((H_LEVEL, N_LAYERS, EMB), dtype=jnp.float32)
    return {"x": x, "edge_index": edge_index, "edge_attr": edge_attr, "batch": batch,
            "We": We, "be": be, "W1": W1, "b1": b1, "W2": W2, "b2": b2,
            "gamma": gamma, "beta": beta}


def _gnn_encoder(x, src, dst, edge_attr, We, be, W1, b1, W2, b2, gamma, beta):
    # pretrain-gnns style GIN stack, JK='last'
    h = x
    for k in range(N_LAYERS):
        e = edge_attr @ We[k] + be[k]
        msg = h[src] + e                                    # gather (SparseCore)
        agg = jnp.zeros_like(h).at[dst].add(msg) + h        # scatter-add + self loop
        h2 = jax.nn.relu(agg @ W1[k] + b1[k]) @ W2[k] + b2[k]
        mu = h2.mean(axis=0)
        var = h2.var(axis=0)
        h2 = (h2 - mu) / jnp.sqrt(var + 1e-5) * gamma[k] + beta[k]
        if k < N_LAYERS - 1:
            h2 = jax.nn.relu(h2)
        h = h2
    return h


def _global_mean_pool(z, batch):
    sums = jax.ops.segment_sum(z, batch, num_segments=BATCH_GRAPHS)
    cnt = jax.ops.segment_sum(jnp.ones((z.shape[0], 1), z.dtype), batch, num_segments=BATCH_GRAPHS)
    return sums / jnp.maximum(cnt, 1.0)


def reference(x, edge_index, edge_attr, batch, We, be, W1, b1, W2, b2, gamma, beta):
    src = edge_index[0]
    dst = edge_index[1]
    g_list = []
    for l in range(H_LEVEL):
        z = _gnn_encoder(x, src, dst, edge_attr, We[l], be[l], W1[l], b1[l], W2[l], b2[l], gamma[l], beta[l])
        g_list.append(_global_mean_pool(z, batch))
    return tuple(g_list)

if __name__ == "__main__":
    import jax
    _d = setup_inputs()
    print(jax.jit(kernel)(*tuple(_d.values())))

</pallas_src>

<mosaic_0001>
#map = affine_map<(d0, d1) -> (0, 0)>
#map1 = affine_map<(d0, d1) -> (0)>
#map2 = affine_map<(d0, d1) -> (0, 0, 0)>
module attributes {stable_mosaic.version = 14 : i64} {
  func.func @_adj_gs(%arg0: i32, %arg1: i32, %arg2: memref<10000x128xf32, #tpu.memory_space<hbm>>, %arg3: memref<320000x128xf32, #tpu.memory_space<hbm>>, %arg4: memref<320000xi32, #tpu.memory_space<hbm>>, %arg5: memref<320000xi32, #tpu.memory_space<hbm>>, %arg6: memref<104x128xf32, #tpu.memory_space<hbm>>, %arg7: memref<2x10000x128xf32, #tpu.memory_space<hbm>>, %arg8: memref<128xi32, #tpu.memory_space<vmem>>, %arg9: memref<128xi32, #tpu.memory_space<vmem>>, %arg10: memref<128x128xf32, #tpu.memory_space<vmem>>, %arg11: memref<128x128xf32, #tpu.memory_space<vmem>>, %arg12: memref<104x128xf32, #tpu.memory_space<vmem>>, %arg13: memref<10000x128xf32, #tpu.memory_space<vmem_shared>>, %arg14: memref<!tpu.dma_semaphore, #tpu.memory_space<semaphore_mem>>) attributes {dimension_semantics = [#tpu.dimension_semantics<core_parallel>, #tpu.dimension_semantics<subcore_parallel>], iteration_bounds = array<i64: 2, 16>, scalar_prefetch = 0 : i64, scratch_operands = 7 : i64, tpu.core_type = #tpu.core_type<sc_vector_subcore>, window_params = [{transform_indices = #map}, {transform_indices = #map}, {transform_indices = #map1}, {transform_indices = #map1}, {transform_indices = #map}, {transform_indices = #map2}]} {
    %mul3A = arith.constant 2 : i32
    %mul3A_0 = arith.muli %arg1, %mul3A : i32
    %add3A = arith.addi %mul3A_0, %arg0 : i32
    "tpu.region"() ({
      %run_scoped3A = tpu.sem_alloc : memref<!tpu.dma_semaphore, #tpu.memory_space<semaphore_mem>>
      tpu.enqueue_dma source(%arg6 : memref<104x128xf32, #tpu.memory_space<hbm>>) target(%arg12 : memref<104x128xf32, #tpu.memory_space<vmem>>) target_semaphore(%run_scoped3A : memref<!tpu.dma_semaphore, #tpu.memory_space<semaphore_mem>>)
      tpu.wait_dma2 semaphore(%run_scoped3A : memref<!tpu.dma_semaphore, #tpu.memory_space<semaphore_mem>>) src(%arg6 : memref<104x128xf32, #tpu.memory_space<hbm>>) dst(%arg12 : memref<104x128xf32, #tpu.memory_space<vmem>>)
      tpu.yield
    }) : () -> ()
    %mul3A_1 = arith.constant 624 : i32
    %mul3A_2 = arith.muli %arg1, %mul3A_1 : i32
    %add3A_3 = arith.constant 0 : i32
    %add3A_4 = arith.addi %mul3A_2, %add3A_3 : i32
    "tpu.region"() ({
      %run_scoped3A = tpu.sem_alloc : memref<!tpu.dma_semaphore, #tpu.memory_space<semaphore_mem>>
      %dma_start3A = arith.constant 0 : i32
      %dma_start3A_44 = tpu.memref_slice %arg13[%add3A_4, %dma_start3A] : memref<10000x128xf32, #tpu.memory_space<vmem_shared>> -> memref<104x128xf32, #tpu.memory_space<vmem_shared>>
      %dma_start3A_45 = arith.constant 0 : i32
      %dma_start3A_46 = tpu.memref_slice %arg13[%add3A_4, %dma_start3A_45] : memref<10000x128xf32, #tpu.memory_space<vmem_shared>> -> memref<104x128xf32, #tpu.memory_space<vmem_shared>>
      tpu.enqueue_dma source(%arg12 : memref<104x128xf32, #tpu.memory_space<vmem>>) target(%dma_start3A_46 : memref<104x128xf32, #tpu.memory_space<vmem_shared>>) target_semaphore(%run_scoped3A : memref<!tpu.dma_semaphore, #tpu.memory_space<semaphore_mem>>)
      %dma_wait3A = arith.constant 0 : i32
      %dma_wait3A_47 = tpu.memref_slice %arg13[%add3A_4, %dma_wait3A] : memref<10000x128xf32, #tpu.memory_space<vmem_shared>> -> memref<104x128xf32, #tpu.memory_space<vmem_shared>>
      %dma_wait3A_48 = arith.constant 0 : i32
      %dma_wait3A_49 = tpu.memref_slice %arg13[%add3A_4, %dma_wait3A_48] : memref<10000x128xf32, #tpu.memory_space<vmem_shared>> -> memref<104x128xf32, #tpu.memory_space<vmem_shared>>
      tpu.wait_dma2 semaphore(%run_scoped3A : memref<!tpu.dma_semaphore, #tpu.memory_space<semaphore_mem>>) src(%arg12 : memref<104x128xf32, #tpu.memory_space<vmem>>) dst(%dma_wait3A_49 : memref<104x128xf32, #tpu.memory_space<vmem_shared>>)
      tpu.yield
    }) : () -> ()
    %add3A_5 = arith.constant 104 : i32
    %add3A_6 = arith.addi %mul3A_2, %add3A_5 : i32
    "tpu.region"() ({
      %run_scoped3A = tpu.sem_alloc : memref<!tpu.dma_semaphore, #tpu.memory_space<semaphore_mem>>
      %dma_start3A = arith.constant 0 : i32
      %dma_start3A_44 = tpu.memref_slice %arg13[%add3A_6, %dma_start3A] : memref<10000x128xf32, #tpu.memory_space<vmem_shared>> -> memref<104x128xf32, #tpu.memory_space<vmem_shared>>
      %dma_start3A_45 = arith.constant 0 : i32
      %dma_start3A_46 = tpu.memref_slice %arg13[%add3A_6, %dma_start3A_45] : memref<10000x128xf32, #tpu.memory_space<vmem_shared>> -> memref<104x128xf32, #tpu.memory_space<vmem_shared>>
      tpu.enqueue_dma source(%arg12 : memref<104x128xf32, #tpu.memory_space<vmem>>) target(%dma_start3A_46 : memref<104x128xf32, #tpu.memory_space<vmem_shared>>) target_semaphore(%run_scoped3A : memref<!tpu.dma_semaphore, #tpu.memory_space<semaphore_mem>>)
      %dma_wait3A = arith.constant 0 : i32
      %dma_wait3A_47 = tpu.memref_slice %arg13[%add3A_6, %dma_wait3A] : memref<10000x128xf32, #tpu.memory_space<vmem_shared>> -> memref<104x128xf32, #tpu.memory_space<vmem_shared>>
      %dma_wait3A_48 = arith.constant 0 : i32
      %dma_wait3A_49 = tpu.memref_slice %arg13[%add3A_6, %dma_wait3A_48] : memref<10000x128xf32, #tpu.memory_space<vmem_shared>> -> memref<104x128xf32, #tpu.memory_space<vmem_shared>>
      tpu.wait_dma2 semaphore(%run_scoped3A : memref<!tpu.dma_semaphore, #tpu.memory_space<semaphore_mem>>) src(%arg12 : memref<104x128xf32, #tpu.memory_space<vmem>>) dst(%dma_wait3A_49 : memref<104x128xf32, #tpu.memory_space<vmem_shared>>)
      tpu.yield
    }) : () -> ()
    %add3A_7 = arith.constant 208 : i32
    %add3A_8 = arith.addi %mul3A_2, %add3A_7 : i32
    "tpu.region"() ({
      %run_scoped3A = tpu.sem_alloc : memref<!tpu.dma_semaphore, #tpu.memory_space<semaphore_mem>>
      %dma_start3A = arith.constant 0 : i32
      %dma_start3A_44 = tpu.memref_slice %arg13[%add3A_8, %dma_start3A] : memref<10000x128xf32, #tpu.memory_space<vmem_shared>> -> memref<104x128xf32, #tpu.memory_space<vmem_shared>>
      %dma_start3A_45 = arith.constant 0 : i32
      %dma_start3A_46 = tpu.memref_slice %arg13[%add3A_8, %dma_start3A_45] : memref<10000x128xf32, #tpu.memory_space<vmem_shared>> -> memref<104x128xf32, #tpu.memory_space<vmem_shared>>
      tpu.enqueue_dma source(%arg12 : memref<104x128xf32, #tpu.memory_space<vmem>>) target(%dma_start3A_46 : memref<104x128xf32, #tpu.memory_space<vmem_shared>>) target_semaphore(%run_scoped3A : memref<!tpu.dma_semaphore, #tpu.memory_space<semaphore_mem>>)
      %dma_wait3A = arith.constant 0 : i32
      %dma_wait3A_47 = tpu.memref_slice %arg13[%add3A_8, %dma_wait3A] : memref<10000x128xf32, #tpu.memory_space<vmem_shared>> -> memref<104x128xf32, #tpu.memory_space<vmem_shared>>
      %dma_wait3A_48 = arith.constant 0 : i32
      %dma_wait3A_49 = tpu.memref_slice %arg13[%add3A_8, %dma_wait3A_48] : memref<10000x128xf32, #tpu.memory_space<vmem_shared>> -> memref<104x128xf32, #tpu.memory_space<vmem_shared>>
      tpu.wait_dma2 semaphore(%run_scoped3A : memref<!tpu.dma_semaphore, #tpu.memory_space<semaphore_mem>>) src(%arg12 : memref<104x128xf32, #tpu.memory_space<vmem>>) dst(%dma_wait3A_49 : memref<104x128xf32, #tpu.memory_space<vmem_shared>>)
      tpu.yield
    }) : () -> ()
    %add3A_9 = arith.constant 312 : i32
    %add3A_10 = arith.addi %mul3A_2, %add3A_9 : i32
    "tpu.region"() ({
      %run_scoped3A = tpu.sem_alloc : memref<!tpu.dma_semaphore, #tpu.memory_space<semaphore_mem>>
      %dma_start3A = arith.constant 0 : i32
      %dma_start3A_44 = tpu.memref_slice %arg13[%add3A_10, %dma_start3A] : memref<10000x128xf32, #tpu.memory_space<vmem_shared>> -> memref<104x128xf32, #tpu.memory_space<vmem_shared>>
      %dma_start3A_45 = arith.constant 0 : i32
      %dma_start3A_46 = tpu.memref_slice %arg13[%add3A_10, %dma_start3A_45] : memref<10000x128xf32, #tpu.memory_space<vmem_shared>> -> memref<104x128xf32, #tpu.memory_space<vmem_shared>>
      tpu.enqueue_dma source(%arg12 : memref<104x128xf32, #tpu.memory_space<vmem>>) target(%dma_start3A_46 : memref<104x128xf32, #tpu.memory_space<vmem_shared>>) target_semaphore(%run_scoped3A : memref<!tpu.dma_semaphore, #tpu.memory_space<semaphore_mem>>)
      %dma_wait3A = arith.constant 0 : i32
      %dma_wait3A_47 = tpu.memref_slice %arg13[%add3A_10, %dma_wait3A] : memref<10000x128xf32, #tpu.memory_space<vmem_shared>> -> memref<104x128xf32, #tpu.memory_space<vmem_shared>>
      %dma_wait3A_48 = arith.constant 0 : i32
      %dma_wait3A_49 = tpu.memref_slice %arg13[%add3A_10, %dma_wait3A_48] : memref<10000x128xf32, #tpu.memory_space<vmem_shared>> -> memref<104x128xf32, #tpu.memory_space<vmem_shared>>
      tpu.wait_dma2 semaphore(%run_scoped3A : memref<!tpu.dma_semaphore, #tpu.memory_space<semaphore_mem>>) src(%arg12 : memref<104x128xf32, #tpu.memory_space<vmem>>) dst(%dma_wait3A_49 : memref<104x128xf32, #tpu.memory_space<vmem_shared>>)
      tpu.yield
    }) : () -> ()
    %add3A_11 = arith.constant 416 : i32
    %add3A_12 = arith.addi %mul3A_2, %add3A_11 : i32
    "tpu.region"() ({
      %run_scoped3A = tpu.sem_alloc : memref<!tpu.dma_semaphore, #tpu.memory_space<semaphore_mem>>
      %dma_start3A = arith.constant 0 : i32
      %dma_start3A_44 = tpu.memref_slice %arg13[%add3A_12, %dma_start3A] : memref<10000x128xf32, #tpu.memory_space<vmem_shared>> -> memref<104x128xf32, #tpu.memory_space<vmem_shared>>
      %dma_start3A_45 = arith.constant 0 : i32
      %dma_start3A_46 = tpu.memref_slice %arg13[%add3A_12, %dma_start3A_45] : memref<10000x128xf32, #tpu.memory_space<vmem_shared>> -> memref<104x128xf32, #tpu.memory_space<vmem_shared>>
      tpu.enqueue_dma source(%arg12 : memref<104x128xf32, #tpu.memory_space<vmem>>) target(%dma_start3A_46 : memref<104x128xf32, #tpu.memory_space<vmem_shared>>) target_semaphore(%run_scoped3A : memref<!tpu.dma_semaphore, #tpu.memory_space<semaphore_mem>>)
      %dma_wait3A = arith.constant 0 : i32
      %dma_wait3A_47 = tpu.memref_slice %arg13[%add3A_12, %dma_wait3A] : memref<10000x128xf32, #tpu.memory_space<vmem_shared>> -> memref<104x128xf32, #tpu.memory_space<vmem_shared>>
      %dma_wait3A_48 = arith.constant 0 : i32
      %dma_wait3A_49 = tpu.memref_slice %arg13[%add3A_12, %dma_wait3A_48] : memref<10000x128xf32, #tpu.memory_space<vmem_shared>> -> memref<104x128xf32, #tpu.memory_space<vmem_shared>>
      tpu.wait_dma2 semaphore(%run_scoped3A : memref<!tpu.dma_semaphore, #tpu.memory_space<semaphore_mem>>) src(%arg12 : memref<104x128xf32, #tpu.memory_space<vmem>>) dst(%dma_wait3A_49 : memref<104x128xf32, #tpu.memory_space<vmem_shared>>)
      tpu.yield
    }) : () -> ()
    %add3A_13 = arith.constant 520 : i32
    %add3A_14 = arith.addi %mul3A_2, %add3A_13 : i32
    "tpu.region"() ({
      %run_scoped3A = tpu.sem_alloc : memref<!tpu.dma_semaphore, #tpu.memory_space<semaphore_mem>>
      %dma_start3A = arith.constant 0 : i32
      %dma_start3A_44 = tpu.memref_slice %arg13[%add3A_14, %dma_start3A] : memref<10000x128xf32, #tpu.memory_space<vmem_shared>> -> memref<104x128xf32, #tpu.memory_space<vmem_shared>>
      %dma_start3A_45 = arith.constant 0 : i32
      %dma_start3A_46 = tpu.memref_slice %arg13[%add3A_14, %dma_start3A_45] : memref<10000x128xf32, #tpu.memory_space<vmem_shared>> -> memref<104x128xf32, #tpu.memory_space<vmem_shared>>
      tpu.enqueue_dma source(%arg12 : memref<104x128xf32, #tpu.memory_space<vmem>>) target(%dma_start3A_46 : memref<104x128xf32, #tpu.memory_space<vmem_shared>>) target_semaphore(%run_scoped3A : memref<!tpu.dma_semaphore, #tpu.memory_space<semaphore_mem>>)
      %dma_wait3A = arith.constant 0 : i32
      %dma_wait3A_47 = tpu.memref_slice %arg13[%add3A_14, %dma_wait3A] : memref<10000x128xf32, #tpu.memory_space<vmem_shared>> -> memref<104x128xf32, #tpu.memory_space<vmem_shared>>
      %dma_wait3A_48 = arith.constant 0 : i32
      %dma_wait3A_49 = tpu.memref_slice %arg13[%add3A_14, %dma_wait3A_48] : memref<10000x128xf32, #tpu.memory_space<vmem_shared>> -> memref<104x128xf32, #tpu.memory_space<vmem_shared>>
      tpu.wait_dma2 semaphore(%run_scoped3A : memref<!tpu.dma_semaphore, #tpu.memory_space<semaphore_mem>>) src(%arg12 : memref<104x128xf32, #tpu.memory_space<vmem>>) dst(%dma_wait3A_49 : memref<104x128xf32, #tpu.memory_space<vmem_shared>>)
      tpu.yield
    }) : () -> ()
    %eq3A = arith.constant 15 : i32
    %eq3A_15 = arith.cmpi eq, %arg1, %eq3A : i32
    %convert_element_type3A = arith.extui %eq3A_15 : i1 to i32
    %cond3A = arith.constant 0 : i32
    %cond3A_16 = arith.cmpi ne, %convert_element_type3A, %cond3A : i32
    scf.if %cond3A_16 {
      %add3A_44 = arith.constant 624 : i32
      %add3A_45 = arith.addi %mul3A_2, %add3A_44 : i32
      "tpu.region"() ({
        %run_scoped3A = tpu.sem_alloc : memref<!tpu.dma_semaphore, #tpu.memory_space<semaphore_mem>>
        %dma_start3A = arith.constant 0 : i32
        %dma_start3A_46 = arith.constant 0 : i32
        %dma_start3A_47 = tpu.memref_slice %arg12[%dma_start3A, %dma_start3A_46] : memref<104x128xf32, #tpu.memory_space<vmem>> -> memref<16x128xf32, #tpu.memory_space<vmem>>
        %dma_start3A_48 = arith.constant 0 : i32
        %dma_start3A_49 = tpu.memref_slice %arg13[%add3A_45, %dma_start3A_48] : memref<10000x128xf32, #tpu.memory_space<vmem_shared>> -> memref<16x128xf32, #tpu.memory_space<vmem_shared>>
        %dma_start3A_50 = arith.constant 0 : i32
        %dma_start3A_51 = tpu.memref_slice %arg13[%add3A_45, %dma_start3A_50] : memref<10000x128xf32, #tpu.memory_space<vmem_shared>> -> memref<16x128xf32, #tpu.memory_space<vmem_shared>>
        %dma_start3A_52 = arith.constant 0 : i32
        %dma_start3A_53 = arith.constant 0 : i32
        %dma_start3A_54 = tpu.memref_slice %arg12[%dma_start3A_52, %dma_start3A_53] : memref<104x128xf32, #tpu.memory_space<vmem>> -> memref<16x128xf32, #tpu.memory_space<vmem>>
        tpu.enqueue_dma source(%dma_start3A_54 : memref<16x128xf32, #tpu.memory_space<vmem>>) target(%dma_start3A_51 : memref<16x128xf32, #tpu.memory_space<vmem_shared>>) target_semaphore(%run_scoped3A : memref<!tpu.dma_semaphore, #tpu.memory_space<semaphore_mem>>)
        %dma_wait3A = arith.constant 0 : i32
        %dma_wait3A_55 = arith.constant 0 : i32
        %dma_wait3A_56 = tpu.memref_slice %arg12[%dma_wait3A, %dma_wait3A_55] : memref<104x128xf32, #tpu.memory_space<vmem>> -> memref<16x128xf32, #tpu.memory_space<vmem>>
        %dma_wait3A_57 = arith.constant 0 : i32
        %dma_wait3A_58 = tpu.memref_slice %arg13[%add3A_45, %dma_wait3A_57] : memref<10000x128xf32, #tpu.memory_space<vmem_shared>> -> memref<16x128xf32, #tpu.memory_space<vmem_shared>>
        %dma_wait3A_59 = arith.constant 0 : i32
        %dma_wait3A_60 = tpu.memref_slice %arg13[%add3A_45, %dma_wait3A_59] : memref<10000x128xf32, #tpu.memory_space<vmem_shared>> -> memref<16x128xf32, #tpu.memory_space<vmem_shared>>
        %dma_wait3A_61 = arith.constant 0 : i32
        %dma_wait3A_62 = arith.constant 0 : i32
        %dma_wait3A_63 = tpu.memref_slice %arg12[%dma_wait3A_61, %dma_wait3A_62] : memref<104x128xf32, #tpu.memory_space<vmem>> -> memref<16x128xf32, #tpu.memory_space<vmem>>
        tpu.wait_dma2 semaphore(%run_scoped3A : memref<!tpu.dma_semaphore, #tpu.memory_space<semaphore_mem>>) src(%dma_wait3A_63 : memref<16x128xf32, #tpu.memory_space<vmem>>) dst(%dma_wait3A_60 : memref<16x128xf32, #tpu.memory_space<vmem_shared>>)
        tpu.yield
      }) : () -> ()
    } else {
    }
    %barrier3A = arith.constant 0 : index
    tpu.barrier barrier_id(%barrier3A)
    %lt3A = arith.constant 4 : i32
    %lt3A_17 = arith.cmpi slt, %add3A, %lt3A : i32
    %jit3A = arith.constant 1 : i32
    %jit3A_18 = arith.constant 0 : i32
    %select_n3A = arith.select %lt3A_17, %jit3A, %jit3A_18 : i32
    %add3A_19 = arith.constant 78 : i32
    %add3A_20 = arith.addi %add3A_19, %select_n3A : i32
    %mul3A_21 = arith.constant 9984 : i32
    %mul3A_22 = arith.muli %add3A, %mul3A_21 : i32
    %min3A = arith.constant 4 : i32
    %min3A_23 = arith.minsi %add3A, %min3A : i32
    %mul3A_24 = arith.constant 128 : i32
    %mul3A_25 = arith.muli %min3A_23, %mul3A_24 : i32
    %add3A_26 = arith.addi %mul3A_22, %mul3A_25 : i32
    %while3A = arith.constant 0 : i32
    %while3A_27 = arith.constant 0 : i32
    %while3A_28 = arith.subi %add3A_20, %while3A_27 : i32
    %while3A_29 = arith.addi %while3A_27, %while3A_28 : i32
    %while3A_30 = arith.constant 1 : i32
    %while3A_31 = arith.divsi %while3A_28, %while3A_30 : i32
    %while3A_32 = arith.muli %while3A_31, %while3A_30 : i32
    %while3A_33 = arith.addi %while3A_27, %while3A_32 : i32
    %while3A_34 = arith.constant 1 : i32
    scf.for %while3A_44 = %while3A_27 to %while3A_33 step %while3A_34  : i32 {
      %mul3A_45 = arith.constant 128 : i32
      %mul3A_46 = arith.muli %while3A_44, %mul3A_45 : i32
      %add3A_47 = arith.addi %add3A_26, %mul3A_46 : i32
      %multiple_of3A = tpu.assume_multiple %add3A_47, 8 : i32
      "tpu.region"() ({
        %run_scoped3A = tpu.sem_alloc : memref<!tpu.dma_semaphore, #tpu.memory_space<semaphore_mem>>
        %dma_start3A_52 = tpu.memref_slice %arg4[%multiple_of3A] : memref<320000xi32, #tpu.memory_space<hbm>> -> memref<128xi32, #tpu.memory_space<hbm>>
        %dma_start3A_53 = tpu.memref_slice %arg4[%multiple_of3A] : memref<320000xi32, #tpu.memory_space<hbm>> -> memref<128xi32, #tpu.memory_space<hbm>>
        tpu.enqueue_dma source(%dma_start3A_53 : memref<128xi32, #tpu.memory_space<hbm>>) target(%arg8 : memref<128xi32, #tpu.memory_space<vmem>>) target_semaphore(%run_scoped3A : memref<!tpu.dma_semaphore, #tpu.memory_space<semaphore_mem>>)
        %dma_wait3A_54 = tpu.memref_slice %arg4[%multiple_of3A] : memref<320000xi32, #tpu.memory_space<hbm>> -> memref<128xi32, #tpu.memory_space<hbm>>
        %dma_wait3A_55 = tpu.memref_slice %arg4[%multiple_of3A] : memref<320000xi32, #tpu.memory_space<hbm>> -> memref<128xi32, #tpu.memory_space<hbm>>
        tpu.wait_dma2 semaphore(%run_scoped3A : memref<!tpu.dma_semaphore, #tpu.memory_space<semaphore_mem>>) src(%dma_wait3A_55 : memref<128xi32, #tpu.memory_space<hbm>>) dst(%arg8 : memref<128xi32, #tpu.memory_space<vmem>>)
        tpu.yield
      }) : () -> ()
      "tpu.region"() ({
        %run_scoped3A = tpu.sem_alloc : memref<!tpu.dma_semaphore, #tpu.memory_space<semaphore_mem>>
        %dma_start3A_52 = tpu.memref_slice %arg5[%multiple_of3A] : memref<320000xi32, #tpu.memory_space<hbm>> -> memref<128xi32, #tpu.memory_space<hbm>>
        %dma_start3A_53 = tpu.memref_slice %arg5[%multiple_of3A] : memref<320000xi32, #tpu.memory_space<hbm>> -> memref<128xi32, #tpu.memory_space<hbm>>
        tpu.enqueue_dma source(%dma_start3A_53 : memref<128xi32, #tpu.memory_space<hbm>>) target(%arg9 : memref<128xi32, #tpu.memory_space<vmem>>) target_semaphore(%run_scoped3A : memref<!tpu.dma_semaphore, #tpu.memory_space<semaphore_mem>>)
        %dma_wait3A_54 = tpu.memref_slice %arg5[%multiple_of3A] : memref<320000xi32, #tpu.memory_space<hbm>> -> memref<128xi32, #tpu.memory_space<hbm>>
        %dma_wait3A_55 = tpu.memref_slice %arg5[%multiple_of3A] : memref<320000xi32, #tpu.memory_space<hbm>> -> memref<128xi32, #tpu.memory_space<hbm>>
        tpu.wait_dma2 semaphore(%run_scoped3A : memref<!tpu.dma_semaphore, #tpu.memory_space<semaphore_mem>>) src(%dma_wait3A_55 : memref<128xi32, #tpu.memory_space<hbm>>) dst(%arg9 : memref<128xi32, #tpu.memory_space<vmem>>)
        tpu.yield
      }) : () -> ()
      "tpu.region"() ({
        %run_scoped3A = tpu.sem_alloc : memref<!tpu.dma_semaphore, #tpu.memory_space<semaphore_mem>>
        %dma_start3A_52 = arith.constant 0 : i32
        %dma_start3A_53 = tpu.memref_slice %arg3[%multiple_of3A, %dma_start3A_52] : memref<320000x128xf32, #tpu.memory_space<hbm>> -> memref<128x128xf32, #tpu.memory_space<hbm>>
        %dma_start3A_54 = arith.constant 0 : i32
        %dma_start3A_55 = tpu.memref_slice %arg3[%multiple_of3A, %dma_start3A_54] : memref<320000x128xf32, #tpu.memory_space<hbm>> -> memref<128x128xf32, #tpu.memory_space<hbm>>
        tpu.enqueue_dma source(%dma_start3A_55 : memref<128x128xf32, #tpu.memory_space<hbm>>) target(%arg11 : memref<128x128xf32, #tpu.memory_space<vmem>>) target_semaphore(%run_scoped3A : memref<!tpu.dma_semaphore, #tpu.memory_space<semaphore_mem>>)
        %dma_wait3A_56 = arith.constant 0 : i32
        %dma_wait3A_57 = tpu.memref_slice %arg3[%multiple_of3A, %dma_wait3A_56] : memref<320000x128xf32, #tpu.memory_space<hbm>> -> memref<128x128xf32, #tpu.memory_space<hbm>>
        %dma_wait3A_58 = arith.constant 0 : i32
        %dma_wait3A_59 = tpu.memref_slice %arg3[%multiple_of3A, %dma_wait3A_58] : memref<320000x128xf32, #tpu.memory_space<hbm>> -> memref<128x128xf32, #tpu.memory_space<hbm>>
        tpu.wait_dma2 semaphore(%run_scoped3A : memref<!tpu.dma_semaphore, #tpu.memory_space<semaphore_mem>>) src(%dma_wait3A_59 : memref<128x128xf32, #tpu.memory_space<hbm>>) dst(%arg11 : memref<128x128xf32, #tpu.memory_space<vmem>>)
        tpu.yield
      }) : () -> ()
      %dma_start3A = arith.constant 0 : i32
      %dma_start3A_48 = arith.constant 0 : i32
      %dma_start3A_49 = tpu.memref_slice %arg2[%dma_start3A, %dma_start3A_48] : memref<10000x128xf32, #tpu.memory_space<hbm>> -> memref<10000x128xf32, #tpu.memory_space<hbm>>
      tpu.enqueue_indirect_dma source(%dma_start3A_49 : memref<10000x128xf32, #tpu.memory_space<hbm>>) target(%arg10 : memref<128x128xf32, #tpu.memory_space<vmem>>) offsets(%arg8 : memref<128xi32, #tpu.memory_space<vmem>>) semaphore(%arg14 : memref<!tpu.dma_semaphore, #tpu.memory_space<semaphore_mem>>)
      %dma_wait3A = arith.constant 0 : i32
      %dma_wait3A_50 = arith.constant 0 : i32
      %dma_wait3A_51 = tpu.memref_slice %arg2[%dma_wait3A, %dma_wait3A_50] : memref<10000x128xf32, #tpu.memory_space<hbm>> -> memref<10000x128xf32, #tpu.memory_space<hbm>>
      tpu.wait_indirect_dma semaphore(%arg14 : memref<!tpu.dma_semaphore, #tpu.memory_space<semaphore_mem>>) src(%dma_wait3A_51 : memref<10000x128xf32, #tpu.memory_space<hbm>>) dst(%arg10 : memref<128x128xf32, #tpu.memory_space<vmem>>)
      "tpu.region"() ({
        %run_scoped3A = tpu.sem_alloc : memref<!tpu.dma_semaphore, #tpu.memory_space<semaphore_mem>>
        %dma_start3A_52 = arith.constant 0 : i32
        %dma_start3A_53 = arith.constant 0 : i32
        %dma_start3A_54 = tpu.memref_slice %arg13[%dma_start3A_52, %dma_start3A_53] : memref<10000x128xf32, #tpu.memory_space<vmem_shared>> -> memref<10000x128xf32, #tpu.memory_space<vmem_shared>>
        tpu.enqueue_indirect_dma source(%arg10 : memref<128x128xf32, #tpu.memory_space<vmem>>) target(%dma_start3A_54 : memref<10000x128xf32, #tpu.memory_space<vmem_shared>>) offsets(%arg9 : memref<128xi32, #tpu.memory_space<vmem>>) semaphore(%run_scoped3A : memref<!tpu.dma_semaphore, #tpu.memory_space<semaphore_mem>>) {add = true}
        %dma_wait3A_55 = arith.constant 0 : i32
        %dma_wait3A_56 = arith.constant 0 : i32
        %dma_wait3A_57 = tpu.memref_slice %arg13[%dma_wait3A_55, %dma_wait3A_56] : memref<10000x128xf32, #tpu.memory_space<vmem_shared>> -> memref<10000x128xf32, #tpu.memory_space<vmem_shared>>
        tpu.wait_indirect_dma semaphore(%run_scoped3A : memref<!tpu.dma_semaphore, #tpu.memory_space<semaphore_mem>>) src(%arg10 : memref<128x128xf32, #tpu.memory_space<vmem>>) dst(%dma_wait3A_57 : memref<10000x128xf32, #tpu.memory_space<vmem_shared>>)
        tpu.yield
      }) : () -> ()
      "tpu.region"() ({
        %run_scoped3A = tpu.sem_alloc : memref<!tpu.dma_semaphore, #tpu.memory_space<semaphore_mem>>
        %dma_start3A_52 = arith.constant 0 : i32
        %dma_start3A_53 = arith.constant 0 : i32
        %dma_start3A_54 = tpu.memref_slice %arg13[%dma_start3A_52, %dma_start3A_53] : memref<10000x128xf32, #tpu.memory_space<vmem_shared>> -> memref<10000x128xf32, #tpu.memory_space<vmem_shared>>
        tpu.enqueue_indirect_dma source(%arg11 : memref<128x128xf32, #tpu.memory_space<vmem>>) target(%dma_start3A_54 : memref<10000x128xf32, #tpu.memory_space<vmem_shared>>) offsets(%arg9 : memref<128xi32, #tpu.memory_space<vmem>>) semaphore(%run_scoped3A : memref<!tpu.dma_semaphore, #tpu.memory_space<semaphore_mem>>) {add = true}
        %dma_wait3A_55 = arith.constant 0 : i32
        %dma_wait3A_56 = arith.constant 0 : i32
        %dma_wait3A_57 = tpu.memref_slice %arg13[%dma_wait3A_55, %dma_wait3A_56] : memref<10000x128xf32, #tpu.memory_space<vmem_shared>> -> memref<10000x128xf32, #tpu.memory_space<vmem_shared>>
        tpu.wait_indirect_dma semaphore(%run_scoped3A : memref<!tpu.dma_semaphore, #tpu.memory_space<semaphore_mem>>) src(%arg11 : memref<128x128xf32, #tpu.memory_space<vmem>>) dst(%dma_wait3A_57 : memref<10000x128xf32, #tpu.memory_space<vmem_shared>>)
        tpu.yield
      }) : () -> ()
    }
    %while3A_35 = arith.constant 1 : i32
    scf.for %while3A_44 = %while3A_33 to %while3A_29 step %while3A_35  : i32 {
      %mul3A_45 = arith.constant 128 : i32
      %mul3A_46 = arith.muli %while3A_44, %mul3A_45 : i32
      %add3A_47 = arith.addi %add3A_26, %mul3A_46 : i32
      %multiple_of3A = tpu.assume_multiple %add3A_47, 8 : i32
      "tpu.region"() ({
        %run_scoped3A = tpu.sem_alloc : memref<!tpu.dma_semaphore, #tpu.memory_space<semaphore_mem>>
        %dma_start3A_52 = tpu.memref_slice %arg4[%multiple_of3A] : memref<320000xi32, #tpu.memory_space<hbm>> -> memref<128xi32, #tpu.memory_space<hbm>>
        %dma_start3A_53 = tpu.memref_slice %arg4[%multiple_of3A] : memref<320000xi32, #tpu.memory_space<hbm>> -> memref<128xi32, #tpu.memory_space<hbm>>
        tpu.enqueue_dma source(%dma_start3A_53 : memref<128xi32, #tpu.memory_space<hbm>>) target(%arg8 : memref<128xi32, #tpu.memory_space<vmem>>) target_semaphore(%run_scoped3A : memref<!tpu.dma_semaphore, #tpu.memory_space<semaphore_mem>>)
        %dma_wait3A_54 = tpu.memref_slice %arg4[%multiple_of3A] : memref<320000xi32, #tpu.memory_space<hbm>> -> memref<128xi32, #tpu.memory_space<hbm>>
        %dma_wait3A_55 = tpu.memref_slice %arg4[%multiple_of3A] : memref<320000xi32, #tpu.memory_space<hbm>> -> memref<128xi32, #tpu.memory_space<hbm>>
        tpu.wait_dma2 semaphore(%run_scoped3A : memref<!tpu.dma_semaphore, #tpu.memory_space<semaphore_mem>>) src(%dma_wait3A_55 : memref<128xi32, #tpu.memory_space<hbm>>) dst(%arg8 : memref<128xi32, #tpu.memory_space<vmem>>)
        tpu.yield
      }) : () -> ()
      "tpu.region"() ({
        %run_scoped3A = tpu.sem_alloc : memref<!tpu.dma_semaphore, #tpu.memory_space<semaphore_mem>>
        %dma_start3A_52 = tpu.memref_slice %arg5[%multiple_of3A] : memref<320000xi32, #tpu.memory_space<hbm>> -> memref<128xi32, #tpu.memory_space<hbm>>
        %dma_start3A_53 = tpu.memref_slice %arg5[%multiple_of3A] : memref<320000xi32, #tpu.memory_space<hbm>> -> memref<128xi32, #tpu.memory_space<hbm>>
        tpu.enqueue_dma source(%dma_start3A_53 : memref<128xi32, #tpu.memory_space<hbm>>) target(%arg9 : memref<128xi32, #tpu.memory_space<vmem>>) target_semaphore(%run_scoped3A : memref<!tpu.dma_semaphore, #tpu.memory_space<semaphore_mem>>)
        %dma_wait3A_54 = tpu.memref_slice %arg5[%multiple_of3A] : memref<320000xi32, #tpu.memory_space<hbm>> -> memref<128xi32, #tpu.memory_space<hbm>>
        %dma_wait3A_55 = tpu.memref_slice %arg5[%multiple_of3A] : memref<320000xi32, #tpu.memory_space<hbm>> -> memref<128xi32, #tpu.memory_space<hbm>>
        tpu.wait_dma2 semaphore(%run_scoped3A : memref<!tpu.dma_semaphore, #tpu.memory_space<semaphore_mem>>) src(%dma_wait3A_55 : memref<128xi32, #tpu.memory_space<hbm>>) dst(%arg9 : memref<128xi32, #tpu.memory_space<vmem>>)
        tpu.yield
      }) : () -> ()
      "tpu.region"() ({
        %run_scoped3A = tpu.sem_alloc : memref<!tpu.dma_semaphore, #tpu.memory_space<semaphore_mem>>
        %dma_start3A_52 = arith.constant 0 : i32
        %dma_start3A_53 = tpu.memref_slice %arg3[%multiple_of3A, %dma_start3A_52] : memref<320000x128xf32, #tpu.memory_space<hbm>> -> memref<128x128xf32, #tpu.memory_space<hbm>>
        %dma_start3A_54 = arith.constant 0 : i32
        %dma_start3A_55 = tpu.memref_slice %arg3[%multiple_of3A, %dma_start3A_54] : memref<320000x128xf32, #tpu.memory_space<hbm>> -> memref<128x128xf32, #tpu.memory_space<hbm>>
        tpu.enqueue_dma source(%dma_start3A_55 : memref<128x128xf32, #tpu.memory_space<hbm>>) target(%arg11 : memref<128x128xf32, #tpu.memory_space<vmem>>) target_semaphore(%run_scoped3A : memref<!tpu.dma_semaphore, #tpu.memory_space<semaphore_mem>>)
        %dma_wait3A_56 = arith.constant 0 : i32
        %dma_wait3A_57 = tpu.memref_slice %arg3[%multiple_of3A, %dma_wait3A_56] : memref<320000x128xf32, #tpu.memory_space<hbm>> -> memref<128x128xf32, #tpu.memory_space<hbm>>
        %dma_wait3A_58 = arith.constant 0 : i32
        %dma_wait3A_59 = tpu.memref_slice %arg3[%multiple_of3A, %dma_wait3A_58] : memref<320000x128xf32, #tpu.memory_space<hbm>> -> memref<128x128xf32, #tpu.memory_space<hbm>>
        tpu.wait_dma2 semaphore(%run_scoped3A : memref<!tpu.dma_semaphore, #tpu.memory_space<semaphore_mem>>) src(%dma_wait3A_59 : memref<128x128xf32, #tpu.memory_space<hbm>>) dst(%arg11 : memref<128x128xf32, #tpu.memory_space<vmem>>)
        tpu.yield
      }) : () -> ()
      %dma_start3A = arith.constant 0 : i32
      %dma_start3A_48 = arith.constant 0 : i32
      %dma_start3A_49 = tpu.memref_slice %arg2[%dma_start3A, %dma_start3A_48] : memref<10000x128xf32, #tpu.memory_space<hbm>> -> memref<10000x128xf32, #tpu.memory_space<hbm>>
      tpu.enqueue_indirect_dma source(%dma_start3A_49 : memref<10000x128xf32, #tpu.memory_space<hbm>>) target(%arg10 : memref<128x128xf32, #tpu.memory_space<vmem>>) offsets(%arg8 : memref<128xi32, #tpu.memory_space<vmem>>) semaphore(%arg14 : memref<!tpu.dma_semaphore, #tpu.memory_space<semaphore_mem>>)
      %dma_wait3A = arith.constant 0 : i32
      %dma_wait3A_50 = arith.constant 0 : i32
      %dma_wait3A_51 = tpu.memref_slice %arg2[%dma_wait3A, %dma_wait3A_50] : memref<10000x128xf32, #tpu.memory_space<hbm>> -> memref<10000x128xf32, #tpu.memory_space<hbm>>
      tpu.wait_indirect_dma semaphore(%arg14 : memref<!tpu.dma_semaphore, #tpu.memory_space<semaphore_mem>>) src(%dma_wait3A_51 : memref<10000x128xf32, #tpu.memory_space<hbm>>) dst(%arg10 : memref<128x128xf32, #tpu.memory_space<vmem>>)
      "tpu.region"() ({
        %run_scoped3A = tpu.sem_alloc : memref<!tpu.dma_semaphore, #tpu.memory_space<semaphore_mem>>
        %dma_start3A_52 = arith.constant 0 : i32
        %dma_start3A_53 = arith.constant 0 : i32
        %dma_start3A_54 = tpu.memref_slice %arg13[%dma_start3A_52, %dma_start3A_53] : memref<10000x128xf32, #tpu.memory_space<vmem_shared>> -> memref<10000x128xf32, #tpu.memory_space<vmem_shared>>
        tpu.enqueue_indirect_dma source(%arg10 : memref<128x128xf32, #tpu.memory_space<vmem>>) target(%dma_start3A_54 : memref<10000x128xf32, #tpu.memory_space<vmem_shared>>) offsets(%arg9 : memref<128xi32, #tpu.memory_space<vmem>>) semaphore(%run_scoped3A : memref<!tpu.dma_semaphore, #tpu.memory_space<semaphore_mem>>) {add = true}
        %dma_wait3A_55 = arith.constant 0 : i32
        %dma_wait3A_56 = arith.constant 0 : i32
        %dma_wait3A_57 = tpu.memref_slice %arg13[%dma_wait3A_55, %dma_wait3A_56] : memref<10000x128xf32, #tpu.memory_space<vmem_shared>> -> memref<10000x128xf32, #tpu.memory_space<vmem_shared>>
        tpu.wait_indirect_dma semaphore(%run_scoped3A : memref<!tpu.dma_semaphore, #tpu.memory_space<semaphore_mem>>) src(%arg10 : memref<128x128xf32, #tpu.memory_space<vmem>>) dst(%dma_wait3A_57 : memref<10000x128xf32, #tpu.memory_space<vmem_shared>>)
        tpu.yield
      }) : () -> ()
      "tpu.region"() ({
        %run_scoped3A = tpu.sem_alloc : memref<!tpu.dma_semaphore, #tpu.memory_space<semaphore_mem>>
        %dma_start3A_52 = arith.constant 0 : i32
        %dma_start3A_53 = arith.constant 0 : i32
        %dma_start3A_54 = tpu.memref_slice %arg13[%dma_start3A_52, %dma_start3A_53] : memref<10000x128xf32, #tpu.memory_space<vmem_shared>> -> memref<10000x128xf32, #tpu.memory_space<vmem_shared>>
        tpu.enqueue_indirect_dma source(%arg11 : memref<128x128xf32, #tpu.memory_space<vmem>>) target(%dma_start3A_54 : memref<10000x128xf32, #tpu.memory_space<vmem_shared>>) offsets(%arg9 : memref<128xi32, #tpu.memory_space<vmem>>) semaphore(%run_scoped3A : memref<!tpu.dma_semaphore, #tpu.memory_space<semaphore_mem>>) {add = true}
        %dma_wait3A_55 = arith.constant 0 : i32
        %dma_wait3A_56 = arith.constant 0 : i32
        %dma_wait3A_57 = tpu.memref_slice %arg13[%dma_wait3A_55, %dma_wait3A_56] : memref<10000x128xf32, #tpu.memory_space<vmem_shared>> -> memref<10000x128xf32, #tpu.memory_space<vmem_shared>>
        tpu.wait_indirect_dma semaphore(%run_scoped3A : memref<!tpu.dma_semaphore, #tpu.memory_space<semaphore_mem>>) src(%arg11 : memref<128x128xf32, #tpu.memory_space<vmem>>) dst(%dma_wait3A_57 : memref<10000x128xf32, #tpu.memory_space<vmem_shared>>)
        tpu.yield
      }) : () -> ()
    }
    %barrier3A_36 = arith.constant 0 : index
    tpu.barrier barrier_id(%barrier3A_36)
    %mul3A_37 = arith.constant 624 : i32
    %mul3A_38 = arith.muli %arg1, %mul3A_37 : i32
    "tpu.region"() ({
      %run_scoped3A = tpu.sem_alloc : memref<!tpu.dma_semaphore, #tpu.memory_space<semaphore_mem>>
      %dma_start3A = arith.constant 0 : i32
      %dma_start3A_44 = arith.constant 0 : i32
      %dma_start3A_45 = tpu.memref_slice %arg7[%arg0, %dma_start3A, %dma_start3A_44] : memref<2x10000x128xf32, #tpu.memory_space<hbm>> -> memref<1x10000x128xf32, #tpu.memory_space<hbm>>
      %dma_start3A_46 = tpu.memref_squeeze %dma_start3A_45 : memref<1x10000x128xf32, #tpu.memory_space<hbm>> -> memref<10000x128xf32, #tpu.memory_space<hbm>>
      %dma_start3A_47 = arith.constant 0 : i32
      %dma_start3A_48 = tpu.memref_slice %dma_start3A_46[%mul3A_38, %dma_start3A_47] : memref<10000x128xf32, #tpu.memory_space<hbm>> -> memref<624x128xf32, #tpu.memory_space<hbm>>
      %dma_start3A_49 = arith.constant 0 : i32
      %dma_start3A_50 = tpu.memref_slice %arg13[%mul3A_38, %dma_start3A_49] : memref<10000x128xf32, #tpu.memory_space<vmem_shared>> -> memref<624x128xf32, #tpu.memory_space<vmem_shared>>
      tpu.enqueue_dma source(%dma_start3A_50 : memref<624x128xf32, #tpu.memory_space<vmem_shared>>) target(%dma_start3A_48 : memref<624x128xf32, #tpu.memory_space<hbm>>) target_semaphore(%run_scoped3A : memref<!tpu.dma_semaphore, #tpu.memory_space<semaphore_mem>>)
      %dma_wait3A = arith.constant 0 : i32
      %dma_wait3A_51 = arith.constant 0 : i32
      %dma_wait3A_52 = tpu.memref_slice %arg7[%arg0, %dma_wait3A, %dma_wait3A_51] : memref<2x10000x128xf32, #tpu.memory_space<hbm>> -> memref<1x10000x128xf32, #tpu.memory_space<hbm>>
      %dma_wait3A_53 = tpu.memref_squeeze %dma_wait3A_52 : memref<1x10000x128xf32, #tpu.memory_space<hbm>> -> memref<10000x128xf32, #tpu.memory_space<hbm>>
      %dma_wait3A_54 = arith.constant 0 : i32
      %dma_wait3A_55 = tpu.memref_slice %dma_wait3A_53[%mul3A_38, %dma_wait3A_54] : memref<10000x128xf32, #tpu.memory_space<hbm>> -> memref<624x128xf32, #tpu.memory_space<hbm>>
      %dma_wait3A_56 = arith.constant 0 : i32
      %dma_wait3A_57 = tpu.memref_slice %arg13[%mul3A_38, %dma_wait3A_56] : memref<10000x128xf32, #tpu.memory_space<vmem_shared>> -> memref<624x128xf32, #tpu.memory_space<vmem_shared>>
      tpu.wait_dma2 semaphore(%run_scoped3A : memref<!tpu.dma_semaphore, #tpu.memory_space<semaphore_mem>>) src(%dma_wait3A_57 : memref<624x128xf32, #tpu.memory_space<vmem_shared>>) dst(%dma_wait3A_55 : memref<624x128xf32, #tpu.memory_space<hbm>>)
      tpu.yield
    }) : () -> ()
    %eq3A_39 = arith.constant 15 : i32
    %eq3A_40 = arith.cmpi eq, %arg1, %eq3A_39 : i32
    %convert_element_type3A_41 = arith.extui %eq3A_40 : i1 to i32
    %cond3A_42 = arith.constant 0 : i32
    %cond3A_43 = arith.cmpi ne, %convert_element_type3A_41, %cond3A_42 : i32
    scf.if %cond3A_43 {
      %add3A_44 = arith.constant 624 : i32
      %add3A_45 = arith.addi %mul3A_38, %add3A_44 : i32
      %add3A_46 = arith.constant 624 : i32
      %add3A_47 = arith.addi %mul3A_38, %add3A_46 : i32
      "tpu.region"() ({
        %run_scoped3A = tpu.sem_alloc : memref<!tpu.dma_semaphore, #tpu.memory_space<semaphore_mem>>
        %dma_start3A = arith.constant 0 : i32
        %dma_start3A_48 = arith.constant 0 : i32
        %dma_start3A_49 = tpu.memref_slice %arg7[%arg0, %dma_start3A, %dma_start3A_48] : memref<2x10000x128xf32, #tpu.memory_space<hbm>> -> memref<1x10000x128xf32, #tpu.memory_space<hbm>>
        %dma_start3A_50 = tpu.memref_squeeze %dma_start3A_49 : memref<1x10000x128xf32, #tpu.memory_space<hbm>> -> memref<10000x128xf32, #tpu.memory_space<hbm>>
        %dma_start3A_51 = arith.constant 0 : i32
        %dma_start3A_52 = tpu.memref_slice %dma_start3A_50[%add3A_47, %dma_start3A_51] : memref<10000x128xf32, #tpu.memory_space<hbm>> -> memref<16x128xf32, #tpu.memory_space<hbm>>
        %dma_start3A_53 = arith.constant 0 : i32
        %dma_start3A_54 = tpu.memref_slice %arg13[%add3A_45, %dma_start3A_53] : memref<10000x128xf32, #tpu.memory_space<vmem_shared>> -> memref<16x128xf32, #tpu.memory_space<vmem_shared>>
        tpu.enqueue_dma source(%dma_start3A_54 : memref<16x128xf32, #tpu.memory_space<vmem_shared>>) target(%dma_start3A_52 : memref<16x128xf32, #tpu.memory_space<hbm>>) target_semaphore(%run_scoped3A : memref<!tpu.dma_semaphore, #tpu.memory_space<semaphore_mem>>)
        %dma_wait3A = arith.constant 0 : i32
        %dma_wait3A_55 = arith.constant 0 : i32
        %dma_wait3A_56 = tpu.memref_slice %arg7[%arg0, %dma_wait3A, %dma_wait3A_55] : memref<2x10000x128xf32, #tpu.memory_space<hbm>> -> memref<1x10000x128xf32, #tpu.memory_space<hbm>>
        %dma_wait3A_57 = tpu.memref_squeeze %dma_wait3A_56 : memref<1x10000x128xf32, #tpu.memory_space<hbm>> -> memref<10000x128xf32, #tpu.memory_space<hbm>>
        %dma_wait3A_58 = arith.constant 0 : i32
        %dma_wait3A_59 = tpu.memref_slice %dma_wait3A_57[%add3A_47, %dma_wait3A_58] : memref<10000x128xf32, #tpu.memory_space<hbm>> -> memref<16x128xf32, #tpu.memory_space<hbm>>
        %dma_wait3A_60 = arith.constant 0 : i32
        %dma_wait3A_61 = tpu.memref_slice %arg13[%add3A_45, %dma_wait3A_60] : memref<10000x128xf32, #tpu.memory_space<vmem_shared>> -> memref<16x128xf32, #tpu.memory_space<vmem_shared>>
        tpu.wait_dma2 semaphore(%run_scoped3A : memref<!tpu.dma_semaphore, #tpu.memory_space<semaphore_mem>>) src(%dma_wait3A_61 : memref<16x128xf32, #tpu.memory_space<vmem_shared>>) dst(%dma_wait3A_59 : memref<16x128xf32, #tpu.memory_space<hbm>>)
        tpu.yield
      }) : () -> ()
    } else {
    }
    return
  }
}

#map = affine_map<(d0, d1) -> (0, 0)>
#map1 = affine_map<(d0, d1) -> (0)>
#map2 = affine_map<(d0, d1) -> (0, 0, 0)>
module attributes {stable_mosaic.version = 14 : i64} {
  func.func @_adj_gs(%arg0: i32, %arg1: i32, %arg2: memref<10000x128xf32, #tpu.memory_space<hbm>>, %arg3: memref<320000x128xf32, #tpu.memory_space<hbm>>, %arg4: memref<320000xi32, #tpu.memory_space<hbm>>, %arg5: memref<320000xi32, #tpu.memory_space<hbm>>, %arg6: memref<104x128xf32, #tpu.memory_space<hbm>>, %arg7: memref<2x10000x128xf32, #tpu.memory_space<hbm>>, %arg8: memref<128xi32, #tpu.memory_space<vmem>>, %arg9: memref<128xi32, #tpu.memory_space<vmem>>, %arg10: memref<128x128xf32, #tpu.memory_space<vmem>>, %arg11: memref<128x128xf32, #tpu.memory_space<vmem>>, %arg12: memref<104x128xf32, #tpu.memory_space<vmem>>, %arg13: memref<10000x128xf32, #tpu.memory_space<vmem_shared>>, %arg14: memref<!tpu.dma_semaphore, #tpu.memory_space<semaphore_mem>>) attributes {dimension_semantics = [#tpu.dimension_semantics<core_parallel>, #tpu.dimension_semantics<subcore_parallel>], iteration_bounds = array<i64: 2, 16>, scalar_prefetch = 0 : i64, scratch_operands = 7 : i64, tpu.core_type = #tpu.core_type<sc_vector_subcore>, window_params = [{transform_indices = #map}, {transform_indices = #map}, {transform_indices = #map1}, {transform_indices = #map1}, {transform_indices = #map}, {transform_indices = #map2}]} {
    %mul3A = arith.constant 2 : i32
    %mul3A_0 = arith.muli %arg1, %mul3A : i32
    %add3A = arith.addi %mul3A_0, %arg0 : i32
    "tpu.region"() ({
      %run_scoped3A = tpu.sem_alloc : memref<!tpu.dma_semaphore, #tpu.memory_space<semaphore_mem>>
      tpu.enqueue_dma source(%arg6 : memref<104x128xf32, #tpu.memory_space<hbm>>) target(%arg12 : memref<104x128xf32, #tpu.memory_space<vmem>>) target_semaphore(%run_scoped3A : memref<!tpu.dma_semaphore, #tpu.memory_space<semaphore_mem>>)
      tpu.wait_dma2 semaphore(%run_scoped3A : memref<!tpu.dma_semaphore, #tpu.memory_space<semaphore_mem>>) src(%arg6 : memref<104x128xf32, #tpu.memory_space<hbm>>) dst(%arg12 : memref<104x128xf32, #tpu.memory_space<vmem>>)
      tpu.yield
    }) : () -> ()
    %mul3A_1 = arith.constant 624 : i32
    %mul3A_2 = arith.muli %arg1, %mul3A_1 : i32
    %add3A_3 = arith.constant 0 : i32
    %add3A_4 = arith.addi %mul3A_2, %add3A_3 : i32
    "tpu.region"() ({
      %run_scoped3A = tpu.sem_alloc : memref<!tpu.dma_semaphore, #tpu.memory_space<semaphore_mem>>
      %dma_start3A = arith.constant 0 : i32
      %dma_start3A_44 = tpu.memref_slice %arg13[%add3A_4, %dma_start3A] : memref<10000x128xf32, #tpu.memory_space<vmem_shared>> -> memref<104x128xf32, #tpu.memory_space<vmem_shared>>
      %dma_start3A_45 = arith.constant 0 : i32
      %dma_start3A_46 = tpu.memref_slice %arg13[%add3A_4, %dma_start3A_45] : memref<10000x128xf32, #tpu.memory_space<vmem_shared>> -> memref<104x128xf32, #tpu.memory_space<vmem_shared>>
      tpu.enqueue_dma source(%arg12 : memref<104x128xf32, #tpu.memory_space<vmem>>) target(%dma_start3A_46 : memref<104x128xf32, #tpu.memory_space<vmem_shared>>) target_semaphore(%run_scoped3A : memref<!tpu.dma_semaphore, #tpu.memory_space<semaphore_mem>>)
      %dma_wait3A = arith.constant 0 : i32
      %dma_wait3A_47 = tpu.memref_slice %arg13[%add3A_4, %dma_wait3A] : memref<10000x128xf32, #tpu.memory_space<vmem_shared>> -> memref<104x128xf32, #tpu.memory_space<vmem_shared>>
      %dma_wait3A_48 = arith.constant 0 : i32
      %dma_wait3A_49 = tpu.memref_slice %arg13[%add3A_4, %dma_wait3A_48] : memref<10000x128xf32, #tpu.memory_space<vmem_shared>> -> memref<104x128xf32, #tpu.memory_space<vmem_shared>>
      tpu.wait_dma2 semaphore(%run_scoped3A : memref<!tpu.dma_semaphore, #tpu.memory_space<semaphore_mem>>) src(%arg12 : memref<104x128xf32, #tpu.memory_space<vmem>>) dst(%dma_wait3A_49 : memref<104x128xf32, #tpu.memory_space<vmem_shared>>)
      tpu.yield
    }) : () -> ()
    %add3A_5 = arith.constant 104 : i32
    %add3A_6 = arith.addi %mul3A_2, %add3A_5 : i32
    "tpu.region"() ({
      %run_scoped3A = tpu.sem_alloc : memref<!tpu.dma_semaphore, #tpu.memory_space<semaphore_mem>>
      %dma_start3A = arith.constant 0 : i32
      %dma_start3A_44 = tpu.memref_slice %arg13[%add3A_6, %dma_start3A] : memref<10000x128xf32, #tpu.memory_space<vmem_shared>> -> memref<104x128xf32, #tpu.memory_space<vmem_shared>>
      %dma_start3A_45 = arith.constant 0 : i32
      %dma_start3A_46 = tpu.memref_slice %arg13[%add3A_6, %dma_start3A_45] : memref<10000x128xf32, #tpu.memory_space<vmem_shared>> -> memref<104x128xf32, #tpu.memory_space<vmem_shared>>
      tpu.enqueue_dma source(%arg12 : memref<104x128xf32, #tpu.memory_space<vmem>>) target(%dma_start3A_46 : memref<104x128xf32, #tpu.memory_space<vmem_shared>>) target_semaphore(%run_scoped3A : memref<!tpu.dma_semaphore, #tpu.memory_space<semaphore_mem>>)
      %dma_wait3A = arith.constant 0 : i32
      %dma_wait3A_47 = tpu.memref_slice %arg13[%add3A_6, %dma_wait3A] : memref<10000x128xf32, #tpu.memory_space<vmem_shared>> -> memref<104x128xf32, #tpu.memory_space<vmem_shared>>
      %dma_wait3A_48 = arith.constant 0 : i32
      %dma_wait3A_49 = tpu.memref_slice %arg13[%add3A_6, %dma_wait3A_48] : memref<10000x128xf32, #tpu.memory_space<vmem_shared>> -> memref<104x128xf32, #tpu.memory_space<vmem_shared>>
      tpu.wait_dma2 semaphore(%run_scoped3A : memref<!tpu.dma_semaphore, #tpu.memory_space<semaphore_mem>>) src(%arg12 : memref<104x128xf32, #tpu.memory_space<vmem>>) dst(%dma_wait3A_49 : memref<104x128xf32, #tpu.memory_space<vmem_shared>>)
      tpu.yield
    }) : () -> ()
    %add3A_7 = arith.constant 208 : i32
    %add3A_8 = arith.addi %mul3A_2, %add3A_7 : i32
    "tpu.region"() ({
      %run_scoped3A = tpu.sem_alloc : memref<!tpu.dma_semaphore, #tpu.memory_space<semaphore_mem>>
      %dma_start3A = arith.constant 0 : i32
      %dma_start3A_44 = tpu.memref_slice %arg13[%add3A_8, %dma_start3A] : memref<10000x128xf32, #tpu.memory_space<vmem_shared>> -> memref<104x128xf32, #tpu.memory_space<vmem_shared>>
      %dma_start3A_45 = arith.constant 0 : i32
      %dma_start3A_46 = tpu.memref_slice %arg13[%add3A_8, %dma_start3A_45] : memref<10000x128xf32, #tpu.memory_space<vmem_shared>> -> memref<104x128xf32, #tpu.memory_space<vmem_shared>>
      tpu.enqueue_dma source(%arg12 : memref<104x128xf32, #tpu.memory_space<vmem>>) target(%dma_start3A_46 : memref<104x128xf32, #tpu.memory_space<vmem_shared>>) target_semaphore(%run_scoped3A : memref<!tpu.dma_semaphore, #tpu.memory_space<semaphore_mem>>)
      %dma_wait3A = arith.constant 0 : i32
      %dma_wait3A_47 = tpu.memref_slice %arg13[%add3A_8, %dma_wait3A] : memref<10000x128xf32, #tpu.memory_space<vmem_shared>> -> memref<104x128xf32, #tpu.memory_space<vmem_shared>>
      %dma_wait3A_48 = arith.constant 0 : i32
      %dma_wait3A_49 = tpu.memref_slice %arg13[%add3A_8, %dma_wait3A_48] : memref<10000x128xf32, #tpu.memory_space<vmem_shared>> -> memref<104x128xf32, #tpu.memory_space<vmem_shared>>
      tpu.wait_dma2 semaphore(%run_scoped3A : memref<!tpu.dma_semaphore, #tpu.memory_space<semaphore_mem>>) src(%arg12 : memref<104x128xf32, #tpu.memory_space<vmem>>) dst(%dma_wait3A_49 : memref<104x128xf32, #tpu.memory_space<vmem_shared>>)
      tpu.yield
    }) : () -> ()
    %add3A_9 = arith.constant 312 : i32
    %add3A_10 = arith.addi %mul3A_2, %add3A_9 : i32
    "tpu.region"() ({
      %run_scoped3A = tpu.sem_alloc : memref<!tpu.dma_semaphore, #tpu.memory_space<semaphore_mem>>
      %dma_start3A = arith.constant 0 : i32
      %dma_start3A_44 = tpu.memref_slice %arg13[%add3A_10, %dma_start3A] : memref<10000x128xf32, #tpu.memory_space<vmem_shared>> -> memref<104x128xf32, #tpu.memory_space<vmem_shared>>
      %dma_start3A_45 = arith.constant 0 : i32
      %dma_start3A_46 = tpu.memref_slice %arg13[%add3A_10, %dma_start3A_45] : memref<10000x128xf32, #tpu.memory_space<vmem_shared>> -> memref<104x128xf32, #tpu.memory_space<vmem_shared>>
      tpu.enqueue_dma source(%arg12 : memref<104x128xf32, #tpu.memory_space<vmem>>) target(%dma_start3A_46 : memref<104x128xf32, #tpu.memory_space<vmem_shared>>) target_semaphore(%run_scoped3A : memref<!tpu.dma_semaphore, #tpu.memory_space<semaphore_mem>>)
      %dma_wait3A = arith.constant 0 : i32
      %dma_wait3A_47 = tpu.memref_slice %arg13[%add3A_10, %dma_wait3A] : memref<10000x128xf32, #tpu.memory_space<vmem_shared>> -> memref<104x128xf32, #tpu.memory_space<vmem_shared>>
      %dma_wait3A_48 = arith.constant 0 : i32
      %dma_wait3A_49 = tpu.memref_slice %arg13[%add3A_10, %dma_wait3A_48] : memref<10000x128xf32, #tpu.memory_space<vmem_shared>> -> memref<104x128xf32, #tpu.memory_space<vmem_shared>>
      tpu.wait_dma2 semaphore(%run_scoped3A : memref<!tpu.dma_semaphore, #tpu.memory_space<semaphore_mem>>) src(%arg12 : memref<104x128xf32, #tpu.memory_space<vmem>>) dst(%dma_wait3A_49 : memref<104x128xf32, #tpu.memory_space<vmem_shared>>)
      tpu.yield
    }) : () -> ()
    %add3A_11 = arith.constant 416 : i32
    %add3A_12 = arith.addi %mul3A_2, %add3A_11 : i32
    "tpu.region"() ({
      %run_scoped3A = tpu.sem_alloc : memref<!tpu.dma_semaphore, #tpu.memory_space<semaphore_mem>>
      %dma_start3A = arith.constant 0 : i32
      %dma_start3A_44 = tpu.memref_slice %arg13[%add3A_12, %dma_start3A] : memref<10000x128xf32, #tpu.memory_space<vmem_shared>> -> memref<104x128xf32, #tpu.memory_space<vmem_shared>>
      %dma_start3A_45 = arith.constant 0 : i32
      %dma_start3A_46 = tpu.memref_slice %arg13[%add3A_12, %dma_start3A_45] : memref<10000x128xf32, #tpu.memory_space<vmem_shared>> -> memref<104x128xf32, #tpu.memory_space<vmem_shared>>
      tpu.enqueue_dma source(%arg12 : memref<104x128xf32, #tpu.memory_space<vmem>>) target(%dma_start3A_46 : memref<104x128xf32, #tpu.memory_space<vmem_shared>>) target_semaphore(%run_scoped3A : memref<!tpu.dma_semaphore, #tpu.memory_space<semaphore_mem>>)
      %dma_wait3A = arith.constant 0 : i32
      %dma_wait3A_47 = tpu.memref_slice %arg13[%add3A_12, %dma_wait3A] : memref<10000x128xf32, #tpu.memory_space<vmem_shared>> -> memref<104x128xf32, #tpu.memory_space<vmem_shared>>
      %dma_wait3A_48 = arith.constant 0 : i32
      %dma_wait3A_49 = tpu.memref_slice %arg13[%add3A_12, %dma_wait3A_48] : memref<10000x128xf32, #tpu.memory_space<vmem_shared>> -> memref<104x128xf32, #tpu.memory_space<vmem_shared>>
      tpu.wait_dma2 semaphore(%run_scoped3A : memref<!tpu.dma_semaphore, #tpu.memory_space<semaphore_mem>>) src(%arg12 : memref<104x128xf32, #tpu.memory_space<vmem>>) dst(%dma_wait3A_49 : memref<104x128xf32, #tpu.memory_space<vmem_shared>>)
      tpu.yield
    }) : () -> ()
    %add3A_13 = arith.constant 520 : i32
    %add3A_14 = arith.addi %mul3A_2, %add3A_13 : i32
    "tpu.region"() ({
      %run_scoped3A = tpu.sem_alloc : memref<!tpu.dma_semaphore, #tpu.memory_space<semaphore_mem>>
      %dma_start3A = arith.constant 0 : i32
      %dma_start3A_44 = tpu.memref_slice %arg13[%add3A_14, %dma_start3A] : memref<10000x128xf32, #tpu.memory_space<vmem_shared>> -> memref<104x128xf32, #tpu.memory_space<vmem_shared>>
      %dma_start3A_45 = arith.constant 0 : i32
      %dma_start3A_46 = tpu.memref_slice %arg13[%add3A_14, %dma_start3A_45] : memref<10000x128xf32, #tpu.memory_space<vmem_shared>> -> memref<104x128xf32, #tpu.memory_space<vmem_shared>>
      tpu.enqueue_dma source(%arg12 : memref<104x128xf32, #tpu.memory_space<vmem>>) target(%dma_start3A_46 : memref<104x128xf32, #tpu.memory_space<vmem_shared>>) target_semaphore(%run_scoped3A : memref<!tpu.dma_semaphore, #tpu.memory_space<semaphore_mem>>)
      %dma_wait3A = arith.constant 0 : i32
      %dma_wait3A_47 = tpu.memref_slice %arg13[%add3A_14, %dma_wait3A] : memref<10000x128xf32, #tpu.memory_space<vmem_shared>> -> memref<104x128xf32, #tpu.memory_space<vmem_shared>>
      %dma_wait3A_48 = arith.constant 0 : i32
      %dma_wait3A_49 = tpu.memref_slice %arg13[%add3A_14, %dma_wait3A_48] : memref<10000x128xf32, #tpu.memory_space<vmem_shared>> -> memref<104x128xf32, #tpu.memory_space<vmem_shared>>
      tpu.wait_dma2 semaphore(%run_scoped3A : memref<!tpu.dma_semaphore, #tpu.memory_space<semaphore_mem>>) src(%arg12 : memref<104x128xf32, #tpu.memory_space<vmem>>) dst(%dma_wait3A_49 : memref<104x128xf32, #tpu.memory_space<vmem_shared>>)
      tpu.yield
    }) : () -> ()
    %eq3A = arith.constant 15 : i32
    %eq3A_15 = arith.cmpi eq, %arg1, %eq3A : i32
    %convert_element_type3A = arith.extui %eq3A_15 : i1 to i32
    %cond3A = arith.constant 0 : i32
    %cond3A_16 = arith.cmpi ne, %convert_element_type3A, %cond3A : i32
    scf.if %cond3A_16 {
      %add3A_44 = arith.constant 624 : i32
      %add3A_45 = arith.addi %mul3A_2, %add3A_44 : i32
      "tpu.region"() ({
        %run_scoped3A = tpu.sem_alloc : memref<!tpu.dma_semaphore, #tpu.memory_space<semaphore_mem>>
        %dma_start3A = arith.constant 0 : i32
        %dma_start3A_46 = arith.constant 0 : i32
        %dma_start3A_47 = tpu.memref_slice %arg12[%dma_start3A, %dma_start3A_46] : memref<104x128xf32, #tpu.memory_space<vmem>> -> memref<16x128xf32, #tpu.memory_space<vmem>>
        %dma_start3A_48 = arith.constant 0 : i32
        %dma_start3A_49 = tpu.memref_slice %arg13[%add3A_45, %dma_start3A_48] : memref<10000x128xf32, #tpu.memory_space<vmem_shared>> -> memref<16x128xf32, #tpu.memory_space<vmem_shared>>
        %dma_start3A_50 = arith.constant 0 : i32
        %dma_start3A_51 = tpu.memref_slice %arg13[%add3A_45, %dma_start3A_50] : memref<10000x128xf32, #tpu.memory_space<vmem_shared>> -> memref<16x128xf32, #tpu.memory_space<vmem_shared>>
        %dma_start3A_52 = arith.constant 0 : i32
        %dma_start3A_53 = arith.constant 0 : i32
        %dma_start3A_54 = tpu.memref_slice %arg12[%dma_start3A_52, %dma_start3A_53] : memref<104x128xf32, #tpu.memory_space<vmem>> -> memref<16x128xf32, #tpu.memory_space<vmem>>
        tpu.enqueue_dma source(%dma_start3A_54 : memref<16x128xf32, #tpu.memory_space<vmem>>) target(%dma_start3A_51 : memref<16x128xf32, #tpu.memory_space<vmem_shared>>) target_semaphore(%run_scoped3A : memref<!tpu.dma_semaphore, #tpu.memory_space<semaphore_mem>>)
        %dma_wait3A = arith.constant 0 : i32
        %dma_wait3A_55 = arith.constant 0 : i32
        %dma_wait3A_56 = tpu.memref_slice %arg12[%dma_wait3A, %dma_wait3A_55] : memref<104x128xf32, #tpu.memory_space<vmem>> -> memref<16x128xf32, #tpu.memory_space<vmem>>
        %dma_wait3A_57 = arith.constant 0 : i32
        %dma_wait3A_58 = tpu.memref_slice %arg13[%add3A_45, %dma_wait3A_57] : memref<10000x128xf32, #tpu.memory_space<vmem_shared>> -> memref<16x128xf32, #tpu.memory_space<vmem_shared>>
        %dma_wait3A_59 = arith.constant 0 : i32
        %dma_wait3A_60 = tpu.memref_slice %arg13[%add3A_45, %dma_wait3A_59] : memref<10000x128xf32, #tpu.memory_space<vmem_shared>> -> memref<16x128xf32, #tpu.memory_space<vmem_shared>>
        %dma_wait3A_61 = arith.constant 0 : i32
        %dma_wait3A_62 = arith.constant 0 : i32
        %dma_wait3A_63 = tpu.memref_slice %arg12[%dma_wait3A_61, %dma_wait3A_62] : memref<104x128xf32, #tpu.memory_space<vmem>> -> memref<16x128xf32, #tpu.memory_space<vmem>>
        tpu.wait_dma2 semaphore(%run_scoped3A : memref<!tpu.dma_semaphore, #tpu.memory_space<semaphore_mem>>) src(%dma_wait3A_63 : memref<16x128xf32, #tpu.memory_space<vmem>>) dst(%dma_wait3A_60 : memref<16x128xf32, #tpu.memory_space<vmem_shared>>)
        tpu.yield
      }) : () -> ()
    } else {
    }
    %barrier3A = arith.constant 0 : index
    tpu.barrier barrier_id(%barrier3A)
    %lt3A = arith.constant 4 : i32
    %lt3A_17 = arith.cmpi slt, %add3A, %lt3A : i32
    %jit3A = arith.constant 1 : i32
    %jit3A_18 = arith.constant 0 : i32
    %select_n3A = arith.select %lt3A_17, %jit3A, %jit3A_18 : i32
    %add3A_19 = arith.constant 78 : i32
    %add3A_20 = arith.addi %add3A_19, %select_n3A : i32
    %mul3A_21 = arith.constant 9984 : i32
    %mul3A_22 = arith.muli %add3A, %mul3A_21 : i32
    %min3A = arith.constant 4 : i32
    %min3A_23 = arith.minsi %add3A, %min3A : i32
    %mul3A_24 = arith.constant 128 : i32
    %mul3A_25 = arith.muli %min3A_23, %mul3A_24 : i32
    %add3A_26 = arith.addi %mul3A_22, %mul3A_25 : i32
    %while3A = arith.constant 0 : i32
    %while3A_27 = arith.constant 0 : i32
    %while3A_28 = arith.subi %add3A_20, %while3A_27 : i32
    %while3A_29 = arith.addi %while3A_27, %while3A_28 : i32
    %while3A_30 = arith.constant 1 : i32
    %while3A_31 = arith.divsi %while3A_28, %while3A_30 : i32
    %while3A_32 = arith.muli %while3A_31, %while3A_30 : i32
    %while3A_33 = arith.addi %while3A_27, %while3A_32 : i32
    %while3A_34 = arith.constant 1 : i32
    scf.for %while3A_44 = %while3A_27 to %while3A_33 step %while3A_34  : i32 {
      %mul3A_45 = arith.constant 128 : i32
      %mul3A_46 = arith.muli %while3A_44, %mul3A_45 : i32
      %add3A_47 = arith.addi %add3A_26, %mul3A_46 : i32
      %multiple_of3A = tpu.assume_multiple %add3A_47, 8 : i32
      "tpu.region"() ({
        %run_scoped3A = tpu.sem_alloc : memref<!tpu.dma_semaphore, #tpu.memory_space<semaphore_mem>>
        %dma_start3A_52 = tpu.memref_slice %arg4[%multiple_of3A] : memref<320000xi32, #tpu.memory_space<hbm>> -> memref<128xi32, #tpu.memory_space<hbm>>
        %dma_start3A_53 = tpu.memref_slice %arg4[%multiple_of3A] : memref<320000xi32, #tpu.memory_space<hbm>> -> memref<128xi32, #tpu.memory_space<hbm>>
        tpu.enqueue_dma source(%dma_start3A_53 : memref<128xi32, #tpu.memory_space<hbm>>) target(%arg8 : memref<128xi32, #tpu.memory_space<vmem>>) target_semaphore(%run_scoped3A : memref<!tpu.dma_semaphore, #tpu.memory_space<semaphore_mem>>)
        %dma_wait3A_54 = tpu.memref_slice %arg4[%multiple_of3A] : memref<320000xi32, #tpu.memory_space<hbm>> -> memref<128xi32, #tpu.memory_space<hbm>>
        %dma_wait3A_55 = tpu.memref_slice %arg4[%multiple_of3A] : memref<320000xi32, #tpu.memory_space<hbm>> -> memref<128xi32, #tpu.memory_space<hbm>>
        tpu.wait_dma2 semaphore(%run_scoped3A : memref<!tpu.dma_semaphore, #tpu.memory_space<semaphore_mem>>) src(%dma_wait3A_55 : memref<128xi32, #tpu.memory_space<hbm>>) dst(%arg8 : memref<128xi32, #tpu.memory_space<vmem>>)
        tpu.yield
      }) : () -> ()
      "tpu.region"() ({
        %run_scoped3A = tpu.sem_alloc : memref<!tpu.dma_semaphore, #tpu.memory_space<semaphore_mem>>
        %dma_start3A_52 = tpu.memref_slice %arg5[%multiple_of3A] : memref<320000xi32, #tpu.memory_space<hbm>> -> memref<128xi32, #tpu.memory_space<hbm>>
        %dma_start3A_53 = tpu.memref_slice %arg5[%multiple_of3A] : memref<320000xi32, #tpu.memory_space<hbm>> -> memref<128xi32, #tpu.memory_space<hbm>>
        tpu.enqueue_dma source(%dma_start3A_53 : memref<128xi32, #tpu.memory_space<hbm>>) target(%arg9 : memref<128xi32, #tpu.memory_space<vmem>>) target_semaphore(%run_scoped3A : memref<!tpu.dma_semaphore, #tpu.memory_space<semaphore_mem>>)
        %dma_wait3A_54 = tpu.memref_slice %arg5[%multiple_of3A] : memref<320000xi32, #tpu.memory_space<hbm>> -> memref<128xi32, #tpu.memory_space<hbm>>
        %dma_wait3A_55 = tpu.memref_slice %arg5[%multiple_of3A] : memref<320000xi32, #tpu.memory_space<hbm>> -> memref<128xi32, #tpu.memory_space<hbm>>
        tpu.wait_dma2 semaphore(%run_scoped3A : memref<!tpu.dma_semaphore, #tpu.memory_space<semaphore_mem>>) src(%dma_wait3A_55 : memref<128xi32, #tpu.memory_space<hbm>>) dst(%arg9 : memref<128xi32, #tpu.memory_space<vmem>>)
        tpu.yield
      }) : () -> ()
      "tpu.region"() ({
        %run_scoped3A = tpu.sem_alloc : memref<!tpu.dma_semaphore, #tpu.memory_space<semaphore_mem>>
        %dma_start3A_52 = arith.constant 0 : i32
        %dma_start3A_53 = tpu.memref_slice %arg3[%multiple_of3A, %dma_start3A_52] : memref<320000x128xf32, #tpu.memory_space<hbm>> -> memref<128x128xf32, #tpu.memory_space<hbm>>
        %dma_start3A_54 = arith.constant 0 : i32
        %dma_start3A_55 = tpu.memref_slice %arg3[%multiple_of3A, %dma_start3A_54] : memref<320000x128xf32, #tpu.memory_space<hbm>> -> memref<128x128xf32, #tpu.memory_space<hbm>>
        tpu.enqueue_dma source(%dma_start3A_55 : memref<128x128xf32, #tpu.memory_space<hbm>>) target(%arg11 : memref<128x128xf32, #tpu.memory_space<vmem>>) target_semaphore(%run_scoped3A : memref<!tpu.dma_semaphore, #tpu.memory_space<semaphore_mem>>)
        %dma_wait3A_56 = arith.constant 0 : i32
        %dma_wait3A_57 = tpu.memref_slice %arg3[%multiple_of3A, %dma_wait3A_56] : memref<320000x128xf32, #tpu.memory_space<hbm>> -> memref<128x128xf32, #tpu.memory_space<hbm>>
        %dma_wait3A_58 = arith.constant 0 : i32
        %dma_wait3A_59 = tpu.memref_slice %arg3[%multiple_of3A, %dma_wait3A_58] : memref<320000x128xf32, #tpu.memory_space<hbm>> -> memref<128x128xf32, #tpu.memory_space<hbm>>
        tpu.wait_dma2 semaphore(%run_scoped3A : memref<!tpu.dma_semaphore, #tpu.memory_space<semaphore_mem>>) src(%dma_wait3A_59 : memref<128x128xf32, #tpu.memory_space<hbm>>) dst(%arg11 : memref<128x128xf32, #tpu.memory_space<vmem>>)
        tpu.yield
      }) : () -> ()
      %dma_start3A = arith.constant 0 : i32
      %dma_start3A_48 = arith.constant 0 : i32
      %dma_start3A_49 = tpu.memref_slice %arg2[%dma_start3A, %dma_start3A_48] : memref<10000x128xf32, #tpu.memory_space<hbm>> -> memref<10000x128xf32, #tpu.memory_space<hbm>>
      tpu.enqueue_indirect_dma source(%dma_start3A_49 : memref<10000x128xf32, #tpu.memory_space<hbm>>) target(%arg10 : memref<128x128xf32, #tpu.memory_space<vmem>>) offsets(%arg8 : memref<128xi32, #tpu.memory_space<vmem>>) semaphore(%arg14 : memref<!tpu.dma_semaphore, #tpu.memory_space<semaphore_mem>>)
      %dma_wait3A = arith.constant 0 : i32
      %dma_wait3A_50 = arith.constant 0 : i32
      %dma_wait3A_51 = tpu.memref_slice %arg2[%dma_wait3A, %dma_wait3A_50] : memref<10000x128xf32, #tpu.memory_space<hbm>> -> memref<10000x128xf32, #tpu.memory_space<hbm>>
      tpu.wait_indirect_dma semaphore(%arg14 : memref<!tpu.dma_semaphore, #tpu.memory_space<semaphore_mem>>) src(%dma_wait3A_51 : memref<10000x128xf32, #tpu.memory_space<hbm>>) dst(%arg10 : memref<128x128xf32, #tpu.memory_space<vmem>>)
      "tpu.region"() ({
        %run_scoped3A = tpu.sem_alloc : memref<!tpu.dma_semaphore, #tpu.memory_space<semaphore_mem>>
        %dma_start3A_52 = arith.constant 0 : i32
        %dma_start3A_53 = arith.constant 0 : i32
        %dma_start3A_54 = tpu.memref_slice %arg13[%dma_start3A_52, %dma_start3A_53] : memref<10000x128xf32, #tpu.memory_space<vmem_shared>> -> memref<10000x128xf32, #tpu.memory_space<vmem_shared>>
        tpu.enqueue_indirect_dma source(%arg10 : memref<128x128xf32, #tpu.memory_space<vmem>>) target(%dma_start3A_54 : memref<10000x128xf32, #tpu.memory_space<vmem_shared>>) offsets(%arg9 : memref<128xi32, #tpu.memory_space<vmem>>) semaphore(%run_scoped3A : memref<!tpu.dma_semaphore, #tpu.memory_space<semaphore_mem>>) {add = true}
        %dma_wait3A_55 = arith.constant 0 : i32
        %dma_wait3A_56 = arith.constant 0 : i32
        %dma_wait3A_57 = tpu.memref_slice %arg13[%dma_wait3A_55, %dma_wait3A_56] : memref<10000x128xf32, #tpu.memory_space<vmem_shared>> -> memref<10000x128xf32, #tpu.memory_space<vmem_shared>>
        tpu.wait_indirect_dma semaphore(%run_scoped3A : memref<!tpu.dma_semaphore, #tpu.memory_space<semaphore_mem>>) src(%arg10 : memref<128x128xf32, #tpu.memory_space<vmem>>) dst(%dma_wait3A_57 : memref<10000x128xf32, #tpu.memory_space<vmem_shared>>)
        tpu.yield
      }) : () -> ()
      "tpu.region"() ({
        %run_scoped3A = tpu.sem_alloc : memref<!tpu.dma_semaphore, #tpu.memory_space<semaphore_mem>>
        %dma_start3A_52 = arith.constant 0 : i32
        %dma_start3A_53 = arith.constant 0 : i32
        %dma_start3A_54 = tpu.memref_slice %arg13[%dma_start3A_52, %dma_start3A_53] : memref<10000x128xf32, #tpu.memory_space<vmem_shared>> -> memref<10000x128xf32, #tpu.memory_space<vmem_shared>>
        tpu.enqueue_indirect_dma source(%arg11 : memref<128x128xf32, #tpu.memory_space<vmem>>) target(%dma_start3A_54 : memref<10000x128xf32, #tpu.memory_space<vmem_shared>>) offsets(%arg9 : memref<128xi32, #tpu.memory_space<vmem>>) semaphore(%run_scoped3A : memref<!tpu.dma_semaphore, #tpu.memory_space<semaphore_mem>>) {add = true}
        %dma_wait3A_55 = arith.constant 0 : i32
        %dma_wait3A_56 = arith.constant 0 : i32
        %dma_wait3A_57 = tpu.memref_slice %arg13[%dma_wait3A_55, %dma_wait3A_56] : memref<10000x128xf32, #tpu.memory_space<vmem_shared>> -> memref<10000x128xf32, #tpu.memory_space<vmem_shared>>
        tpu.wait_indirect_dma semaphore(%run_scoped3A : memref<!tpu.dma_semaphore, #tpu.memory_space<semaphore_mem>>) src(%arg11 : memref<128x128xf32, #tpu.memory_space<vmem>>) dst(%dma_wait3A_57 : memref<10000x128xf32, #tpu.memory_space<vmem_shared>>)
        tpu.yield
      }) : () -> ()
    }
    %while3A_35 = arith.constant 1 : i32
    scf.for %while3A_44 = %while3A_33 to %while3A_29 step %while3A_35  : i32 {
      %mul3A_45 = arith.constant 128 : i32
      %mul3A_46 = arith.muli %while3A_44, %mul3A_45 : i32
      %add3A_47 = arith.addi %add3A_26, %mul3A_46 : i32
      %multiple_of3A = tpu.assume_multiple %add3A_47, 8 : i32
      "tpu.region"() ({
        %run_scoped3A = tpu.sem_alloc : memref<!tpu.dma_semaphore, #tpu.memory_space<semaphore_mem>>
        %dma_start3A_52 = tpu.memref_slice %arg4[%multiple_of3A] : memref<320000xi32, #tpu.memory_space<hbm>> -> memref<128xi32, #tpu.memory_space<hbm>>
        %dma_start3A_53 = tpu.memref_slice %arg4[%multiple_of3A] : memref<320000xi32, #tpu.memory_space<hbm>> -> memref<128xi32, #tpu.memory_space<hbm>>
        tpu.enqueue_dma source(%dma_start3A_53 : memref<128xi32, #tpu.memory_space<hbm>>) target(%arg8 : memref<128xi32, #tpu.memory_space<vmem>>) target_semaphore(%run_scoped3A : memref<!tpu.dma_semaphore, #tpu.memory_space<semaphore_mem>>)
        %dma_wait3A_54 = tpu.memref_slice %arg4[%multiple_of3A] : memref<320000xi32, #tpu.memory_space<hbm>> -> memref<128xi32, #tpu.memory_space<hbm>>
        %dma_wait3A_55 = tpu.memref_slice %arg4[%multiple_of3A] : memref<320000xi32, #tpu.memory_space<hbm>> -> memref<128xi32, #tpu.memory_space<hbm>>
        tpu.wait_dma2 semaphore(%run_scoped3A : memref<!tpu.dma_semaphore, #tpu.memory_space<semaphore_mem>>) src(%dma_wait3A_55 : memref<128xi32, #tpu.memory_space<hbm>>) dst(%arg8 : memref<128xi32, #tpu.memory_space<vmem>>)
        tpu.yield
      }) : () -> ()
      "tpu.region"() ({
        %run_scoped3A = tpu.sem_alloc : memref<!tpu.dma_semaphore, #tpu.memory_space<semaphore_mem>>
        %dma_start3A_52 = tpu.memref_slice %arg5[%multiple_of3A] : memref<320000xi32, #tpu.memory_space<hbm>> -> memref<128xi32, #tpu.memory_space<hbm>>
        %dma_start3A_53 = tpu.memref_slice %arg5[%multiple_of3A] : memref<320000xi32, #tpu.memory_space<hbm>> -> memref<128xi32, #tpu.memory_space<hbm>>
        tpu.enqueue_dma source(%dma_start3A_53 : memref<128xi32, #tpu.memory_space<hbm>>) target(%arg9 : memref<128xi32, #tpu.memory_space<vmem>>) target_semaphore(%run_scoped3A : memref<!tpu.dma_semaphore, #tpu.memory_space<semaphore_mem>>)
        %dma_wait3A_54 = tpu.memref_slice %arg5[%multiple_of3A] : memref<320000xi32, #tpu.memory_space<hbm>> -> memref<128xi32, #tpu.memory_space<hbm>>
        %dma_wait3A_55 = tpu.memref_slice %arg5[%multiple_of3A] : memref<320000xi32, #tpu.memory_space<hbm>> -> memref<128xi32, #tpu.memory_space<hbm>>
        tpu.wait_dma2 semaphore(%run_scoped3A : memref<!tpu.dma_semaphore, #tpu.memory_space<semaphore_mem>>) src(%dma_wait3A_55 : memref<128xi32, #tpu.memory_space<hbm>>) dst(%arg9 : memref<128xi32, #tpu.memory_space<vmem>>)
        tpu.yield
      }) : () -> ()
      "tpu.region"() ({
        %run_scoped3A = tpu.sem_alloc : memref<!tpu.dma_semaphore, #tpu.memory_space<semaphore_mem>>
        %dma_start3A_52 = arith.constant 0 : i32
        %dma_start3A_53 = tpu.memref_slice %arg3[%multiple_of3A, %dma_start3A_52] : memref<320000x128xf32, #tpu.memory_space<hbm>> -> memref<128x128xf32, #tpu.memory_space<hbm>>
        %dma_start3A_54 = arith.constant 0 : i32
        %dma_start3A_55 = tpu.memref_slice %arg3[%multiple_of3A, %dma_start3A_54] : memref<320000x128xf32, #tpu.memory_space<hbm>> -> memref<128x128xf32, #tpu.memory_space<hbm>>
        tpu.enqueue_dma source(%dma_start3A_55 : memref<128x128xf32, #tpu.memory_space<hbm>>) target(%arg11 : memref<128x128xf32, #tpu.memory_space<vmem>>) target_semaphore(%run_scoped3A : memref<!tpu.dma_semaphore, #tpu.memory_space<semaphore_mem>>)
        %dma_wait3A_56 = arith.constant 0 : i32
        %dma_wait3A_57 = tpu.memref_slice %arg3[%multiple_of3A, %dma_wait3A_56] : memref<320000x128xf32, #tpu.memory_space<hbm>> -> memref<128x128xf32, #tpu.memory_space<hbm>>
        %dma_wait3A_58 = arith.constant 0 : i32
        %dma_wait3A_59 = tpu.memref_slice %arg3[%multiple_of3A, %dma_wait3A_58] : memref<320000x128xf32, #tpu.memory_space<hbm>> -> memref<128x128xf32, #tpu.memory_space<hbm>>
        tpu.wait_dma2 semaphore(%run_scoped3A : memref<!tpu.dma_semaphore, #tpu.memory_space<semaphore_mem>>) src(%dma_wait3A_59 : memref<128x128xf32, #tpu.memory_space<hbm>>) dst(%arg11 : memref<128x128xf32, #tpu.memory_space<vmem>>)
        tpu.yield
      }) : () -> ()
      %dma_start3A = arith.constant 0 : i32
      %dma_start3A_48 = arith.constant 0 : i32
      %dma_start3A_49 = tpu.memref_slice %arg2[%dma_start3A, %dma_start3A_48] : memref<10000x128xf32, #tpu.memory_space<hbm>> -> memref<10000x128xf32, #tpu.memory_space<hbm>>
      tpu.enqueue_indirect_dma source(%dma_start3A_49 : memref<10000x128xf32, #tpu.memory_space<hbm>>) target(%arg10 : memref<128x128xf32, #tpu.memory_space<vmem>>) offsets(%arg8 : memref<128xi32, #tpu.memory_space<vmem>>) semaphore(%arg14 : memref<!tpu.dma_semaphore, #tpu.memory_space<semaphore_mem>>)
      %dma_wait3A = arith.constant 0 : i32
      %dma_wait3A_50 = arith.constant 0 : i32
      %dma_wait3A_51 = tpu.memref_slice %arg2[%dma_wait3A, %dma_wait3A_50] : memref<10000x128xf32, #tpu.memory_space<hbm>> -> memref<10000x128xf32, #tpu.memory_space<hbm>>
      tpu.wait_indirect_dma semaphore(%arg14 : memref<!tpu.dma_semaphore, #tpu.memory_space<semaphore_mem>>) src(%dma_wait3A_51 : memref<10000x128xf32, #tpu.memory_space<hbm>>) dst(%arg10 : memref<128x128xf32, #tpu.memory_space<vmem>>)
      "tpu.region"() ({
        %run_scoped3A = tpu.sem_alloc : memref<!tpu.dma_semaphore, #tpu.memory_space<semaphore_mem>>
        %dma_start3A_52 = arith.constant 0 : i32
        %dma_start3A_53 = arith.constant 0 : i32
        %dma_start3A_54 = tpu.memref_slice %arg13[%dma_start3A_52, %dma_start3A_53] : memref<10000x128xf32, #tpu.memory_space<vmem_shared>> -> memref<10000x128xf32, #tpu.memory_space<vmem_shared>>
        tpu.enqueue_indirect_dma source(%arg10 : memref<128x128xf32, #tpu.memory_space<vmem>>) target(%dma_start3A_54 : memref<10000x128xf32, #tpu.memory_space<vmem_shared>>) offsets(%arg9 : memref<128xi32, #tpu.memory_space<vmem>>) semaphore(%run_scoped3A : memref<!tpu.dma_semaphore, #tpu.memory_space<semaphore_mem>>) {add = true}
        %dma_wait3A_55 = arith.constant 0 : i32
        %dma_wait3A_56 = arith.constant 0 : i32
        %dma_wait3A_57 = tpu.memref_slice %arg13[%dma_wait3A_55, %dma_wait3A_56] : memref<10000x128xf32, #tpu.memory_space<vmem_shared>> -> memref<10000x128xf32, #tpu.memory_space<vmem_shared>>
        tpu.wait_indirect_dma semaphore(%run_scoped3A : memref<!tpu.dma_semaphore, #tpu.memory_space<semaphore_mem>>) src(%arg10 : memref<128x128xf32, #tpu.memory_space<vmem>>) dst(%dma_wait3A_57 : memref<10000x128xf32, #tpu.memory_space<vmem_shared>>)
        tpu.yield
      }) : () -> ()
      "tpu.region"() ({
        %run_scoped3A = tpu.sem_alloc : memref<!tpu.dma_semaphore, #tpu.memory_space<semaphore_mem>>
        %dma_start3A_52 = arith.constant 0 : i32
        %dma_start3A_53 = arith.constant 0 : i32
        %dma_start3A_54 = tpu.memref_slice %arg13[%dma_start3A_52, %dma_start3A_53] : memref<10000x128xf32, #tpu.memory_space<vmem_shared>> -> memref<10000x128xf32, #tpu.memory_space<vmem_shared>>
        tpu.enqueue_indirect_dma source(%arg11 : memref<128x128xf32, #tpu.memory_space<vmem>>) target(%dma_start3A_54 : memref<10000x128xf32, #tpu.memory_space<vmem_shared>>) offsets(%arg9 : memref<128xi32, #tpu.memory_space<vmem>>) semaphore(%run_scoped3A : memref<!tpu.dma_semaphore, #tpu.memory_space<semaphore_mem>>) {add = true}
        %dma_wait3A_55 = arith.constant 0 : i32
        %dma_wait3A_56 = arith.constant 0 : i32
        %dma_wait3A_57 = tpu.memref_slice %arg13[%dma_wait3A_55, %dma_wait3A_56] : memref<10000x128xf32, #tpu.memory_space<vmem_shared>> -> memref<10000x128xf32, #tpu.memory_space<vmem_shared>>
        tpu.wait_indirect_dma semaphore(%run_scoped3A : memref<!tpu.dma_semaphore, #tpu.memory_space<semaphore_mem>>) src(%arg11 : memref<128x128xf32, #tpu.memory_space<vmem>>) dst(%dma_wait3A_57 : memref<10000x128xf32, #tpu.memory_space<vmem_shared>>)
        tpu.yield
      }) : () -> ()
    }
    %barrier3A_36 = arith.constant 0 : index
    tpu.barrier barrier_id(%barrier3A_36)
    %mul3A_37 = arith.constant 624 : i32
    %mul3A_38 = arith.muli %arg1, %mul3A_37 : i32
    "tpu.region"() ({
      %run_scoped3A = tpu.sem_alloc : memref<!tpu.dma_semaphore, #tpu.memory_space<semaphore_mem>>
      %dma_start3A = arith.constant 0 : i32
      %dma_start3A_44 = arith.constant 0 : i32
      %dma_start3A_45 = tpu.memref_slice %arg7[%arg0, %dma_start3A, %dma_start3A_44] : memref<2x10000x128xf32, #tpu.memory_space<hbm>> -> memref<1x10000x128xf32, #tpu.memory_space<hbm>>
      %dma_start3A_46 = tpu.memref_squeeze %dma_start3A_45 : memref<1x10000x128xf32, #tpu.memory_space<hbm>> -> memref<10000x128xf32, #tpu.memory_space<hbm>>
      %dma_start3A_47 = arith.constant 0 : i32
      %dma_start3A_48 = tpu.memref_slice %dma_start3A_46[%mul3A_38, %dma_start3A_47] : memref<10000x128xf32, #tpu.memory_space<hbm>> -> memref<624x128xf32, #tpu.memory_space<hbm>>
      %dma_start3A_49 = arith.constant 0 : i32
      %dma_start3A_50 = tpu.memref_slice %arg13[%mul3A_38, %dma_start3A_49] : memref<10000x128xf32, #tpu.memory_space<vmem_shared>> -> memref<624x128xf32, #tpu.memory_space<vmem_shared>>
      tpu.enqueue_dma source(%dma_start3A_50 : memref<624x128xf32, #tpu.memory_space<vmem_shared>>) target(%dma_start3A_48 : memref<624x128xf32, #tpu.memory_space<hbm>>) target_semaphore(%run_scoped3A : memref<!tpu.dma_semaphore, #tpu.memory_space<semaphore_mem>>)
      %dma_wait3A = arith.constant 0 : i32
      %dma_wait3A_51 = arith.constant 0 : i32
      %dma_wait3A_52 = tpu.memref_slice %arg7[%arg0, %dma_wait3A, %dma_wait3A_51] : memref<2x10000x128xf32, #tpu.memory_space<hbm>> -> memref<1x10000x128xf32, #tpu.memory_space<hbm>>
      %dma_wait3A_53 = tpu.memref_squeeze %dma_wait3A_52 : memref<1x10000x128xf32, #tpu.memory_space<hbm>> -> memref<10000x128xf32, #tpu.memory_space<hbm>>
      %dma_wait3A_54 = arith.constant 0 : i32
      %dma_wait3A_55 = tpu.memref_slice %dma_wait3A_53[%mul3A_38, %dma_wait3A_54] : memref<10000x128xf32, #tpu.memory_space<hbm>> -> memref<624x128xf32, #tpu.memory_space<hbm>>
      %dma_wait3A_56 = arith.constant 0 : i32
      %dma_wait3A_57 = tpu.memref_slice %arg13[%mul3A_38, %dma_wait3A_56] : memref<10000x128xf32, #tpu.memory_space<vmem_shared>> -> memref<624x128xf32, #tpu.memory_space<vmem_shared>>
      tpu.wait_dma2 semaphore(%run_scoped3A : memref<!tpu.dma_semaphore, #tpu.memory_space<semaphore_mem>>) src(%dma_wait3A_57 : memref<624x128xf32, #tpu.memory_space<vmem_shared>>) dst(%dma_wait3A_55 : memref<624x128xf32, #tpu.memory_space<hbm>>)
      tpu.yield
    }) : () -> ()
    %eq3A_39 = arith.constant 15 : i32
    %eq3A_40 = arith.cmpi eq, %arg1, %eq3A_39 : i32
    %convert_element_type3A_41 = arith.extui %eq3A_40 : i1 to i32
    %cond3A_42 = arith.constant 0 : i32
    %cond3A_43 = arith.cmpi ne, %convert_element_type3A_41, %cond3A_42 : i32
    scf.if %cond3A_43 {
      %add3A_44 = arith.constant 624 : i32
      %add3A_45 = arith.addi %mul3A_38, %add3A_44 : i32
      %add3A_46 = arith.constant 624 : i32
      %add3A_47 = arith.addi %mul3A_38, %add3A_46 : i32
      "tpu.region"() ({
        %run_scoped3A = tpu.sem_alloc : memref<!tpu.dma_semaphore, #tpu.memory_space<semaphore_mem>>
        %dma_start3A = arith.constant 0 : i32
        %dma_start3A_48 = arith.constant 0 : i32
        %dma_start3A_49 = tpu.memref_slice %arg7[%arg0, %dma_start3A, %dma_start3A_48] : memref<2x10000x128xf32, #tpu.memory_space<hbm>> -> memref<1x10000x128xf32, #tpu.memory_space<hbm>>
        %dma_start3A_50 = tpu.memref_squeeze %dma_start3A_49 : memref<1x10000x128xf32, #tpu.memory_space<hbm>> -> memref<10000x128xf32, #tpu.memory_space<hbm>>
        %dma_start3A_51 = arith.constant 0 : i32
        %dma_start3A_52 = tpu.memref_slice %dma_start3A_50[%add3A_47, %dma_start3A_51] : memref<10000x128xf32, #tpu.memory_space<hbm>> -> memref<16x128xf32, #tpu.memory_space<hbm>>
        %dma_start3A_53 = arith.constant 0 : i32
        %dma_start3A_54 = tpu.memref_slice %arg13[%add3A_45, %dma_start3A_53] : memref<10000x128xf32, #tpu.memory_space<vmem_shared>> -> memref<16x128xf32, #tpu.memory_space<vmem_shared>>
        tpu.enqueue_dma source(%dma_start3A_54 : memref<16x128xf32, #tpu.memory_space<vmem_shared>>) target(%dma_start3A_52 : memref<16x128xf32, #tpu.memory_space<hbm>>) target_semaphore(%run_scoped3A : memref<!tpu.dma_semaphore, #tpu.memory_space<semaphore_mem>>)
        %dma_wait3A = arith.constant 0 : i32
        %dma_wait3A_55 = arith.constant 0 : i32
        %dma_wait3A_56 = tpu.memref_slice %arg7[%arg0, %dma_wait3A, %dma_wait3A_55] : memref<2x10000x128xf32, #tpu.memory_space<hbm>> -> memref<1x10000x128xf32, #tpu.memory_space<hbm>>
        %dma_wait3A_57 = tpu.memref_squeeze %dma_wait3A_56 : memref<1x10000x128xf32, #tpu.memory_space<hbm>> -> memref<10000x128xf32, #tpu.memory_space<hbm>>
        %dma_wait3A_58 = arith.constant 0 : i32
        %dma_wait3A_59 = tpu.memref_slice %dma_wait3A_57[%add3A_47, %dma_wait3A_58] : memref<10000x128xf32, #tpu.memory_space<hbm>> -> memref<16x128xf32, #tpu.memory_space<hbm>>
        %dma_wait3A_60 = arith.constant 0 : i32
        %dma_wait3A_61 = tpu.memref_slice %arg13[%add3A_45, %dma_wait3A_60] : memref<10000x128xf32, #tpu.memory_space<vmem_shared>> -> memref<16x128xf32, #tpu.memory_space<vmem_shared>>
        tpu.wait_dma2 semaphore(%run_scoped3A : memref<!tpu.dma_semaphore, #tpu.memory_space<semaphore_mem>>) src(%dma_wait3A_61 : memref<16x128xf32, #tpu.memory_space<vmem_shared>>) dst(%dma_wait3A_59 : memref<16x128xf32, #tpu.memory_space<hbm>>)
        tpu.yield
      }) : () -> ()
    } else {
    }
    return
  }
}

#map = affine_map<(d0, d1) -> (0, 0)>
#map1 = affine_map<(d0, d1) -> (0)>
#map2 = affine_map<(d0, d1) -> (0, 0, 0)>
module attributes {stable_mosaic.version = 14 : i64} {
  func.func @_adj_gs(%arg0: i32, %arg1: i32, %arg2: memref<10000x128xf32, #tpu.memory_space<hbm>>, %arg3: memref<320000x128xf32, #tpu.memory_space<hbm>>, %arg4: memref<320000xi32, #tpu.memory_space<hbm>>, %arg5: memref<320000xi32, #tpu.memory_space<hbm>>, %arg6: memref<104x128xf32, #tpu.memory_space<hbm>>, %arg7: memref<2x10000x128xf32, #tpu.memory_space<hbm>>, %arg8: memref<128xi32, #tpu.memory_space<vmem>>, %arg9: memref<128xi32, #tpu.memory_space<vmem>>, %arg10: memref<128x128xf32, #tpu.memory_space<vmem>>, %arg11: memref<128x128xf32, #tpu.memory_space<vmem>>, %arg12: memref<104x128xf32, #tpu.memory_space<vmem>>, %arg13: memref<10000x128xf32, #tpu.memory_space<vmem_shared>>, %arg14: memref<!tpu.dma_semaphore, #tpu.memory_space<semaphore_mem>>) attributes {dimension_semantics = [#tpu.dimension_semantics<core_parallel>, #tpu.dimension_semantics<subcore_parallel>], iteration_bounds = array<i64: 2, 16>, scalar_prefetch = 0 : i64, scratch_operands = 7 : i64, tpu.core_type = #tpu.core_type<sc_vector_subcore>, window_params = [{transform_indices = #map}, {transform_indices = #map}, {transform_indices = #map1}, {transform_indices = #map1}, {transform_indices = #map}, {transform_indices = #map2}]} {
    %mul3A = arith.constant 2 : i32
    %mul3A_0 = arith.muli %arg1, %mul3A : i32
    %add3A = arith.addi %mul3A_0, %arg0 : i32
    "tpu.region"() ({
      %run_scoped3A = tpu.sem_alloc : memref<!tpu.dma_semaphore, #tpu.memory_space<semaphore_mem>>
      tpu.enqueue_dma source(%arg6 : memref<104x128xf32, #tpu.memory_space<hbm>>) target(%arg12 : memref<104x128xf32, #tpu.memory_space<vmem>>) target_semaphore(%run_scoped3A : memref<!tpu.dma_semaphore, #tpu.memory_space<semaphore_mem>>)
      tpu.wait_dma2 semaphore(%run_scoped3A : memref<!tpu.dma_semaphore, #tpu.memory_space<semaphore_mem>>) src(%arg6 : memref<104x128xf32, #tpu.memory_space<hbm>>) dst(%arg12 : memref<104x128xf32, #tpu.memory_space<vmem>>)
      tpu.yield
    }) : () -> ()
    %mul3A_1 = arith.constant 624 : i32
    %mul3A_2 = arith.muli %arg1, %mul3A_1 : i32
    %add3A_3 = arith.constant 0 : i32
    %add3A_4 = arith.addi %mul3A_2, %add3A_3 : i32
    "tpu.region"() ({
      %run_scoped3A = tpu.sem_alloc : memref<!tpu.dma_semaphore, #tpu.memory_space<semaphore_mem>>
      %dma_start3A = arith.constant 0 : i32
      %dma_start3A_44 = tpu.memref_slice %arg13[%add3A_4, %dma_start3A] : memref<10000x128xf32, #tpu.memory_space<vmem_shared>> -> memref<104x128xf32, #tpu.memory_space<vmem_shared>>
      %dma_start3A_45 = arith.constant 0 : i32
      %dma_start3A_46 = tpu.memref_slice %arg13[%add3A_4, %dma_start3A_45] : memref<10000x128xf32, #tpu.memory_space<vmem_shared>> -> memref<104x128xf32, #tpu.memory_space<vmem_shared>>
      tpu.enqueue_dma source(%arg12 : memref<104x128xf32, #tpu.memory_space<vmem>>) target(%dma_start3A_46 : memref<104x128xf32, #tpu.memory_space<vmem_shared>>) target_semaphore(%run_scoped3A : memref<!tpu.dma_semaphore, #tpu.memory_space<semaphore_mem>>)
      %dma_wait3A = arith.constant 0 : i32
      %dma_wait3A_47 = tpu.memref_slice %arg13[%add3A_4, %dma_wait3A] : memref<10000x128xf32, #tpu.memory_space<vmem_shared>> -> memref<104x128xf32, #tpu.memory_space<vmem_shared>>
      %dma_wait3A_48 = arith.constant 0 : i32
      %dma_wait3A_49 = tpu.memref_slice %arg13[%add3A_4, %dma_wait3A_48] : memref<10000x128xf32, #tpu.memory_space<vmem_shared>> -> memref<104x128xf32, #tpu.memory_space<vmem_shared>>
      tpu.wait_dma2 semaphore(%run_scoped3A : memref<!tpu.dma_semaphore, #tpu.memory_space<semaphore_mem>>) src(%arg12 : memref<104x128xf32, #tpu.memory_space<vmem>>) dst(%dma_wait3A_49 : memref<104x128xf32, #tpu.memory_space<vmem_shared>>)
      tpu.yield
    }) : () -> ()
    %add3A_5 = arith.constant 104 : i32
    %add3A_6 = arith.addi %mul3A_2, %add3A_5 : i32
    "tpu.region"() ({
      %run_scoped3A = tpu.sem_alloc : memref<!tpu.dma_semaphore, #tpu.memory_space<semaphore_mem>>
      %dma_start3A = arith.constant 0 : i32
      %dma_start3A_44 = tpu.memref_slice %arg13[%add3A_6, %dma_start3A] : memref<10000x128xf32, #tpu.memory_space<vmem_shared>> -> memref<104x128xf32, #tpu.memory_space<vmem_shared>>
      %dma_start3A_45 = arith.constant 0 : i32
      %dma_start3A_46 = tpu.memref_slice %arg13[%add3A_6, %dma_start3A_45] : memref<10000x128xf32, #tpu.memory_space<vmem_shared>> -> memref<104x128xf32, #tpu.memory_space<vmem_shared>>
      tpu.enqueue_dma source(%arg12 : memref<104x128xf32, #tpu.memory_space<vmem>>) target(%dma_start3A_46 : memref<104x128xf32, #tpu.memory_space<vmem_shared>>) target_semaphore(%run_scoped3A : memref<!tpu.dma_semaphore, #tpu.memory_space<semaphore_mem>>)
      %dma_wait3A = arith.constant 0 : i32
      %dma_wait3A_47 = tpu.memref_slice %arg13[%add3A_6, %dma_wait3A] : memref<10000x128xf32, #tpu.memory_space<vmem_shared>> -> memref<104x128xf32, #tpu.memory_space<vmem_shared>>
      %dma_wait3A_48 = arith.constant 0 : i32
      %dma_wait3A_49 = tpu.memref_slice %arg13[%add3A_6, %dma_wait3A_48] : memref<10000x128xf32, #tpu.memory_space<vmem_shared>> -> memref<104x128xf32, #tpu.memory_space<vmem_shared>>
      tpu.wait_dma2 semaphore(%run_scoped3A : memref<!tpu.dma_semaphore, #tpu.memory_space<semaphore_mem>>) src(%arg12 : memref<104x128xf32, #tpu.memory_space<vmem>>) dst(%dma_wait3A_49 : memref<104x128xf32, #tpu.memory_space<vmem_shared>>)
      tpu.yield
    }) : () -> ()
    %add3A_7 = arith.constant 208 : i32
    %add3A_8 = arith.addi %mul3A_2, %add3A_7 : i32
    "tpu.region"() ({
      %run_scoped3A = tpu.sem_alloc : memref<!tpu.dma_semaphore, #tpu.memory_space<semaphore_mem>>
      %dma_start3A = arith.constant 0 : i32
      %dma_start3A_44 = tpu.memref_slice %arg13[%add3A_8, %dma_start3A] : memref<10000x128xf32, #tpu.memory_space<vmem_shared>> -> memref<104x128xf32, #tpu.memory_space<vmem_shared>>
      %dma_start3A_45 = arith.constant 0 : i32
      %dma_start3A_46 = tpu.memref_slice %arg13[%add3A_8, %dma_start3A_45] : memref<10000x128xf32, #tpu.memory_space<vmem_shared>> -> memref<104x128xf32, #tpu.memory_space<vmem_shared>>
      tpu.enqueue_dma source(%arg12 : memref<104x128xf32, #tpu.memory_space<vmem>>) target(%dma_start3A_46 : memref<104x128xf32, #tpu.memory_space<vmem_shared>>) target_semaphore(%run_scoped3A : memref<!tpu.dma_semaphore, #tpu.memory_space<semaphore_mem>>)
      %dma_wait3A = arith.constant 0 : i32
      %dma_wait3A_47 = tpu.memref_slice %arg13[%add3A_8, %dma_wait3A] : memref<10000x128xf32, #tpu.memory_space<vmem_shared>> -> memref<104x128xf32, #tpu.memory_space<vmem_shared>>
      %dma_wait3A_48 = arith.constant 0 : i32
      %dma_wait3A_49 = tpu.memref_slice %arg13[%add3A_8, %dma_wait3A_48] : memref<10000x128xf32, #tpu.memory_space<vmem_shared>> -> memref<104x128xf32, #tpu.memory_space<vmem_shared>>
      tpu.wait_dma2 semaphore(%run_scoped3A : memref<!tpu.dma_semaphore, #tpu.memory_space<semaphore_mem>>) src(%arg12 : memref<104x128xf32, #tpu.memory_space<vmem>>) dst(%dma_wait3A_49 : memref<104x128xf32, #tpu.memory_space<vmem_shared>>)
      tpu.yield
    }) : () -> ()
    %add3A_9 = arith.constant 312 : i32
    %add3A_10 = arith.addi %mul3A_2, %add3A_9 : i32
    "tpu.region"() ({
      %run_scoped3A = tpu.sem_alloc : memref<!tpu.dma_semaphore, #tpu.memory_space<semaphore_mem>>
      %dma_start3A = arith.constant 0 : i32
      %dma_start3A_44 = tpu.memref_slice %arg13[%add3A_10, %dma_start3A] : memref<10000x128xf32, #tpu.memory_space<vmem_shared>> -> memref<104x128xf32, #tpu.memory_space<vmem_shared>>
      %dma_start3A_45 = arith.constant 0 : i32
      %dma_start3A_46 = tpu.memref_slice %arg13[%add3A_10, %dma_start3A_45] : memref<10000x128xf32, #tpu.memory_space<vmem_shared>> -> memref<104x128xf32, #tpu.memory_space<vmem_shared>>
      tpu.enqueue_dma source(%arg12 : memref<104x128xf32, #tpu.memory_space<vmem>>) target(%dma_start3A_46 : memref<104x128xf32, #tpu.memory_space<vmem_shared>>) target_semaphore(%run_scoped3A : memref<!tpu.dma_semaphore, #tpu.memory_space<semaphore_mem>>)
      %dma_wait3A = arith.constant 0 : i32
      %dma_wait3A_47 = tpu.memref_slice %arg13[%add3A_10, %dma_wait3A] : memref<10000x128xf32, #tpu.memory_space<vmem_shared>> -> memref<104x128xf32, #tpu.memory_space<vmem_shared>>
      %dma_wait3A_48 = arith.constant 0 : i32
      %dma_wait3A_49 = tpu.memref_slice %arg13[%add3A_10, %dma_wait3A_48] : memref<10000x128xf32, #tpu.memory_space<vmem_shared>> -> memref<104x128xf32, #tpu.memory_space<vmem_shared>>
      tpu.wait_dma2 semaphore(%run_scoped3A : memref<!tpu.dma_semaphore, #tpu.memory_space<semaphore_mem>>) src(%arg12 : memref<104x128xf32, #tpu.memory_space<vmem>>) dst(%dma_wait3A_49 : memref<104x128xf32, #tpu.memory_space<vmem_shared>>)
      tpu.yield
    }) : () -> ()
    %add3A_11 = arith.constant 416 : i32
    %add3A_12 = arith.addi %mul3A_2, %add3A_11 : i32
    "tpu.region"() ({
      %run_scoped3A = tpu.sem_alloc : memref<!tpu.dma_semaphore, #tpu.memory_space<semaphore_mem>>
      %dma_start3A = arith.constant 0 : i32
      %dma_start3A_44 = tpu.memref_slice %arg13[%add3A_12, %dma_start3A] : memref<10000x128xf32, #tpu.memory_space<vmem_shared>> -> memref<104x128xf32, #tpu.memory_space<vmem_shared>>
      %dma_start3A_45 = arith.constant 0 : i32
      %dma_start3A_46 = tpu.memref_slice %arg13[%add3A_12, %dma_start3A_45] : memref<10000x128xf32, #tpu.memory_space<vmem_shared>> -> memref<104x128xf32, #tpu.memory_space<vmem_shared>>
      tpu.enqueue_dma source(%arg12 : memref<104x128xf32, #tpu.memory_space<vmem>>) target(%dma_start3A_46 : memref<104x128xf32, #tpu.memory_space<vmem_shared>>) target_semaphore(%run_scoped3A : memref<!tpu.dma_semaphore, #tpu.memory_space<semaphore_mem>>)
      %dma_wait3A = arith.constant 0 : i32
      %dma_wait3A_47 = tpu.memref_slice %arg13[%add3A_12, %dma_wait3A] : memref<10000x128xf32, #tpu.memory_space<vmem_shared>> -> memref<104x128xf32, #tpu.memory_space<vmem_shared>>
      %dma_wait3A_48 = arith.constant 0 : i32
      %dma_wait3A_49 = tpu.memref_slice %arg13[%add3A_12, %dma_wait3A_48] : memref<10000x128xf32, #tpu.memory_space<vmem_shared>> -> memref<104x128xf32, #tpu.memory_space<vmem_shared>>
      tpu.wait_dma2 semaphore(%run_scoped3A : memref<!tpu.dma_semaphore, #tpu.memory_space<semaphore_mem>>) src(%arg12 : memref<104x128xf32, #tpu.memory_space<vmem>>) dst(%dma_wait3A_49 : memref<104x128xf32, #tpu.memory_space<vmem_shared>>)
      tpu.yield
    }) : () -> ()
    %add3A_13 = arith.constant 520 : i32
    %add3A_14 = arith.addi %mul3A_2, %add3A_13 : i32
    "tpu.region"() ({
      %run_scoped3A = tpu.sem_alloc : memref<!tpu.dma_semaphore, #tpu.memory_space<semaphore_mem>>
      %dma_start3A = arith.constant 0 : i32
      %dma_start3A_44 = tpu.memref_slice %arg13[%add3A_14, %dma_start3A] : memref<10000x128xf32, #tpu.memory_space<vmem_shared>> -> memref<104x128xf32, #tpu.memory_space<vmem_shared>>
      %dma_start3A_45 = arith.constant 0 : i32
      %dma_start3A_46 = tpu.memref_slice %arg13[%add3A_14, %dma_start3A_45] : memref<10000x128xf32, #tpu.memory_space<vmem_shared>> -> memref<104x128xf32, #tpu.memory_space<vmem_shared>>
      tpu.enqueue_dma source(%arg12 : memref<104x128xf32, #tpu.memory_space<vmem>>) target(%dma_start3A_46 : memref<104x128xf32, #tpu.memory_space<vmem_shared>>) target_semaphore(%run_scoped3A : memref<!tpu.dma_semaphore, #tpu.memory_space<semaphore_mem>>)
      %dma_wait3A = arith.constant 0 : i32
      %dma_wait3A_47 = tpu.memref_slice %arg13[%add3A_14, %dma_wait3A] : memref<10000x128xf32, #tpu.memory_space<vmem_shared>> -> memref<104x128xf32, #tpu.memory_space<vmem_shared>>
      %dma_wait3A_48 = arith.constant 0 : i32
      %dma_wait3A_49 = tpu.memref_slice %arg13[%add3A_14, %dma_wait3A_48] : memref<10000x128xf32, #tpu.memory_space<vmem_shared>> -> memref<104x128xf32, #tpu.memory_space<vmem_shared>>
      tpu.wait_dma2 semaphore(%run_scoped3A : memref<!tpu.dma_semaphore, #tpu.memory_space<semaphore_mem>>) src(%arg12 : memref<104x128xf32, #tpu.memory_space<vmem>>) dst(%dma_wait3A_49 : memref<104x128xf32, #tpu.memory_space<vmem_shared>>)
      tpu.yield
    }) : () -> ()
    %eq3A = arith.constant 15 : i32
    %eq3A_15 = arith.cmpi eq, %arg1, %eq3A : i32
    %convert_element_type3A = arith.extui %eq3A_15 : i1 to i32
    %cond3A = arith.constant 0 : i32
    %cond3A_16 = arith.cmpi ne, %convert_element_type3A, %cond3A : i32
    scf.if %cond3A_16 {
      %add3A_44 = arith.constant 624 : i32
      %add3A_45 = arith.addi %mul3A_2, %add3A_44 : i32
      "tpu.region"() ({
        %run_scoped3A = tpu.sem_alloc : memref<!tpu.dma_semaphore, #tpu.memory_space<semaphore_mem>>
        %dma_start3A = arith.constant 0 : i32
        %dma_start3A_46 = arith.constant 0 : i32
        %dma_start3A_47 = tpu.memref_slice %arg12[%dma_start3A, %dma_start3A_46] : memref<104x128xf32, #tpu.memory_space<vmem>> -> memref<16x128xf32, #tpu.memory_space<vmem>>
        %dma_start3A_48 = arith.constant 0 : i32
        %dma_start3A_49 = tpu.memref_slice %arg13[%add3A_45, %dma_start3A_48] : memref<10000x128xf32, #tpu.memory_space<vmem_shared>> -> memref<16x128xf32, #tpu.memory_space<vmem_shared>>
        %dma_start3A_50 = arith.constant 0 : i32
        %dma_start3A_51 = tpu.memref_slice %arg13[%add3A_45, %dma_start3A_50] : memref<10000x128xf32, #tpu.memory_space<vmem_shared>> -> memref<16x128xf32, #tpu.memory_space<vmem_shared>>
        %dma_start3A_52 = arith.constant 0 : i32
        %dma_start3A_53 = arith.constant 0 : i32
        %dma_start3A_54 = tpu.memref_slice %arg12[%dma_start3A_52, %dma_start3A_53] : memref<104x128xf32, #tpu.memory_space<vmem>> -> memref<16x128xf32, #tpu.memory_space<vmem>>
        tpu.enqueue_dma source(%dma_start3A_54 : memref<16x128xf32, #tpu.memory_space<vmem>>) target(%dma_start3A_51 : memref<16x128xf32, #tpu.memory_space<vmem_shared>>) target_semaphore(%run_scoped3A : memref<!tpu.dma_semaphore, #tpu.memory_space<semaphore_mem>>)
        %dma_wait3A = arith.constant 0 : i32
        %dma_wait3A_55 = arith.constant 0 : i32
        %dma_wait3A_56 = tpu.memref_slice %arg12[%dma_wait3A, %dma_wait3A_55] : memref<104x128xf32, #tpu.memory_space<vmem>> -> memref<16x128xf32, #tpu.memory_space<vmem>>
        %dma_wait3A_57 = arith.constant 0 : i32
        %dma_wait3A_58 = tpu.memref_slice %arg13[%add3A_45, %dma_wait3A_57] : memref<10000x128xf32, #tpu.memory_space<vmem_shared>> -> memref<16x128xf32, #tpu.memory_space<vmem_shared>>
        %dma_wait3A_59 = arith.constant 0 : i32
        %dma_wait3A_60 = tpu.memref_slice %arg13[%add3A_45, %dma_wait3A_59] : memref<10000x128xf32, #tpu.memory_space<vmem_shared>> -> memref<16x128xf32, #tpu.memory_space<vmem_shared>>
        %dma_wait3A_61 = arith.constant 0 : i32
        %dma_wait3A_62 = arith.constant 0 : i32
        %dma_wait3A_63 = tpu.memref_slice %arg12[%dma_wait3A_61, %dma_wait3A_62] : memref<104x128xf32, #tpu.memory_space<vmem>> -> memref<16x128xf32, #tpu.memory_space<vmem>>
        tpu.wait_dma2 semaphore(%run_scoped3A : memref<!tpu.dma_semaphore, #tpu.memory_space<semaphore_mem>>) src(%dma_wait3A_63 : memref<16x128xf32, #tpu.memory_space<vmem>>) dst(%dma_wait3A_60 : memref<16x128xf32, #tpu.memory_space<vmem_shared>>)
        tpu.yield
      }) : () -> ()
    } else {
    }
    %barrier3A = arith.constant 0 : index
    tpu.barrier barrier_id(%barrier3A)
    %lt3A = arith.constant 4 : i32
    %lt3A_17 = arith.cmpi slt, %add3A, %lt3A : i32
    %jit3A = arith.constant 1 : i32
    %jit3A_18 = arith.constant 0 : i32
    %select_n3A = arith.select %lt3A_17, %jit3A, %jit3A_18 : i32
    %add3A_19 = arith.constant 78 : i32
    %add3A_20 = arith.addi %add3A_19, %select_n3A : i32
    %mul3A_21 = arith.constant 9984 : i32
    %mul3A_22 = arith.muli %add3A, %mul3A_21 : i32
    %min3A = arith.constant 4 : i32
    %min3A_23 = arith.minsi %add3A, %min3A : i32
    %mul3A_24 = arith.constant 128 : i32
    %mul3A_25 = arith.muli %min3A_23, %mul3A_24 : i32
    %add3A_26 = arith.addi %mul3A_22, %mul3A_25 : i32
    %while3A = arith.constant 0 : i32
    %while3A_27 = arith.constant 0 : i32
    %while3A_28 = arith.subi %add3A_20, %while3A_27 : i32
    %while3A_29 = arith.addi %while3A_27, %while3A_28 : i32
    %while3A_30 = arith.constant 1 : i32
    %while3A_31 = arith.divsi %while3A_28, %while3A_30 : i32
    %while3A_32 = arith.muli %while3A_31, %while3A_30 : i32
    %while3A_33 = arith.addi %while3A_27, %while3A_32 : i32
    %while3A_34 = arith.constant 1 : i32
    scf.for %while3A_44 = %while3A_27 to %while3A_33 step %while3A_34  : i32 {
      %mul3A_45 = arith.constant 128 : i32
      %mul3A_46 = arith.muli %while3A_44, %mul3A_45 : i32
      %add3A_47 = arith.addi %add3A_26, %mul3A_46 : i32
      %multiple_of3A = tpu.assume_multiple %add3A_47, 8 : i32
      "tpu.region"() ({
        %run_scoped3A = tpu.sem_alloc : memref<!tpu.dma_semaphore, #tpu.memory_space<semaphore_mem>>
        %dma_start3A_52 = tpu.memref_slice %arg4[%multiple_of3A] : memref<320000xi32, #tpu.memory_space<hbm>> -> memref<128xi32, #tpu.memory_space<hbm>>
        %dma_start3A_53 = tpu.memref_slice %arg4[%multiple_of3A] : memref<320000xi32, #tpu.memory_space<hbm>> -> memref<128xi32, #tpu.memory_space<hbm>>
        tpu.enqueue_dma source(%dma_start3A_53 : memref<128xi32, #tpu.memory_space<hbm>>) target(%arg8 : memref<128xi32, #tpu.memory_space<vmem>>) target_semaphore(%run_scoped3A : memref<!tpu.dma_semaphore, #tpu.memory_space<semaphore_mem>>)
        %dma_wait3A_54 = tpu.memref_slice %arg4[%multiple_of3A] : memref<320000xi32, #tpu.memory_space<hbm>> -> memref<128xi32, #tpu.memory_space<hbm>>
        %dma_wait3A_55 = tpu.memref_slice %arg4[%multiple_of3A] : memref<320000xi32, #tpu.memory_space<hbm>> -> memref<128xi32, #tpu.memory_space<hbm>>
        tpu.wait_dma2 semaphore(%run_scoped3A : memref<!tpu.dma_semaphore, #tpu.memory_space<semaphore_mem>>) src(%dma_wait3A_55 : memref<128xi32, #tpu.memory_space<hbm>>) dst(%arg8 : memref<128xi32, #tpu.memory_space<vmem>>)
        tpu.yield
      }) : () -> ()
      "tpu.region"() ({
        %run_scoped3A = tpu.sem_alloc : memref<!tpu.dma_semaphore, #tpu.memory_space<semaphore_mem>>
        %dma_start3A_52 = tpu.memref_slice %arg5[%multiple_of3A] : memref<320000xi32, #tpu.memory_space<hbm>> -> memref<128xi32, #tpu.memory_space<hbm>>
        %dma_start3A_53 = tpu.memref_slice %arg5[%multiple_of3A] : memref<320000xi32, #tpu.memory_space<hbm>> -> memref<128xi32, #tpu.memory_space<hbm>>
        tpu.enqueue_dma source(%dma_start3A_53 : memref<128xi32, #tpu.memory_space<hbm>>) target(%arg9 : memref<128xi32, #tpu.memory_space<vmem>>) target_semaphore(%run_scoped3A : memref<!tpu.dma_semaphore, #tpu.memory_space<semaphore_mem>>)
        %dma_wait3A_54 = tpu.memref_slice %arg5[%multiple_of3A] : memref<320000xi32, #tpu.memory_space<hbm>> -> memref<128xi32, #tpu.memory_space<hbm>>
        %dma_wait3A_55 = tpu.memref_slice %arg5[%multiple_of3A] : memref<320000xi32, #tpu.memory_space<hbm>> -> memref<128xi32, #tpu.memory_space<hbm>>
        tpu.wait_dma2 semaphore(%run_scoped3A : memref<!tpu.dma_semaphore, #tpu.memory_space<semaphore_mem>>) src(%dma_wait3A_55 : memref<128xi32, #tpu.memory_space<hbm>>) dst(%arg9 : memref<128xi32, #tpu.memory_space<vmem>>)
        tpu.yield
      }) : () -> ()
      "tpu.region"() ({
        %run_scoped3A = tpu.sem_alloc : memref<!tpu.dma_semaphore, #tpu.memory_space<semaphore_mem>>
        %dma_start3A_52 = arith.constant 0 : i32
        %dma_start3A_53 = tpu.memref_slice %arg3[%multiple_of3A, %dma_start3A_52] : memref<320000x128xf32, #tpu.memory_space<hbm>> -> memref<128x128xf32, #tpu.memory_space<hbm>>
        %dma_start3A_54 = arith.constant 0 : i32
        %dma_start3A_55 = tpu.memref_slice %arg3[%multiple_of3A, %dma_start3A_54] : memref<320000x128xf32, #tpu.memory_space<hbm>> -> memref<128x128xf32, #tpu.memory_space<hbm>>
        tpu.enqueue_dma source(%dma_start3A_55 : memref<128x128xf32, #tpu.memory_space<hbm>>) target(%arg11 : memref<128x128xf32, #tpu.memory_space<vmem>>) target_semaphore(%run_scoped3A : memref<!tpu.dma_semaphore, #tpu.memory_space<semaphore_mem>>)
        %dma_wait3A_56 = arith.constant 0 : i32
        %dma_wait3A_57 = tpu.memref_slice %arg3[%multiple_of3A, %dma_wait3A_56] : memref<320000x128xf32, #tpu.memory_space<hbm>> -> memref<128x128xf32, #tpu.memory_space<hbm>>
        %dma_wait3A_58 = arith.constant 0 : i32
        %dma_wait3A_59 = tpu.memref_slice %arg3[%multiple_of3A, %dma_wait3A_58] : memref<320000x128xf32, #tpu.memory_space<hbm>> -> memref<128x128xf32, #tpu.memory_space<hbm>>
        tpu.wait_dma2 semaphore(%run_scoped3A : memref<!tpu.dma_semaphore, #tpu.memory_space<semaphore_mem>>) src(%dma_wait3A_59 : memref<128x128xf32, #tpu.memory_space<hbm>>) dst(%arg11 : memref<128x128xf32, #tpu.memory_space<vmem>>)
        tpu.yield
      }) : () -> ()
      %dma_start3A = arith.constant 0 : i32
      %dma_start3A_48 = arith.constant 0 : i32
      %dma_start3A_49 = tpu.memref_slice %arg2[%dma_start3A, %dma_start3A_48] : memref<10000x128xf32, #tpu.memory_space<hbm>> -> memref<10000x128xf32, #tpu.memory_space<hbm>>
      tpu.enqueue_indirect_dma source(%dma_start3A_49 : memref<10000x128xf32, #tpu.memory_space<hbm>>) target(%arg10 : memref<128x128xf32, #tpu.memory_space<vmem>>) offsets(%arg8 : memref<128xi32, #tpu.memory_space<vmem>>) semaphore(%arg14 : memref<!tpu.dma_semaphore, #tpu.memory_space<semaphore_mem>>)
      %dma_wait3A = arith.constant 0 : i32
      %dma_wait3A_50 = arith.constant 0 : i32
      %dma_wait3A_51 = tpu.memref_slice %arg2[%dma_wait3A, %dma_wait3A_50] : memref<10000x128xf32, #tpu.memory_space<hbm>> -> memref<10000x128xf32, #tpu.memory_space<hbm>>
      tpu.wait_indirect_dma semaphore(%arg14 : memref<!tpu.dma_semaphore, #tpu.memory_space<semaphore_mem>>) src(%dma_wait3A_51 : memref<10000x128xf32, #tpu.memory_space<hbm>>) dst(%arg10 : memref<128x128xf32, #tpu.memory_space<vmem>>)
      "tpu.region"() ({
        %run_scoped3A = tpu.sem_alloc : memref<!tpu.dma_semaphore, #tpu.memory_space<semaphore_mem>>
        %dma_start3A_52 = arith.constant 0 : i32
        %dma_start3A_53 = arith.constant 0 : i32
        %dma_start3A_54 = tpu.memref_slice %arg13[%dma_start3A_52, %dma_start3A_53] : memref<10000x128xf32, #tpu.memory_space<vmem_shared>> -> memref<10000x128xf32, #tpu.memory_space<vmem_shared>>
        tpu.enqueue_indirect_dma source(%arg10 : memref<128x128xf32, #tpu.memory_space<vmem>>) target(%dma_start3A_54 : memref<10000x128xf32, #tpu.memory_space<vmem_shared>>) offsets(%arg9 : memref<128xi32, #tpu.memory_space<vmem>>) semaphore(%run_scoped3A : memref<!tpu.dma_semaphore, #tpu.memory_space<semaphore_mem>>) {add = true}
        %dma_wait3A_55 = arith.constant 0 : i32
        %dma_wait3A_56 = arith.constant 0 : i32
        %dma_wait3A_57 = tpu.memref_slice %arg13[%dma_wait3A_55, %dma_wait3A_56] : memref<10000x128xf32, #tpu.memory_space<vmem_shared>> -> memref<10000x128xf32, #tpu.memory_space<vmem_shared>>
        tpu.wait_indirect_dma semaphore(%run_scoped3A : memref<!tpu.dma_semaphore, #tpu.memory_space<semaphore_mem>>) src(%arg10 : memref<128x128xf32, #tpu.memory_space<vmem>>) dst(%dma_wait3A_57 : memref<10000x128xf32, #tpu.memory_space<vmem_shared>>)
        tpu.yield
      }) : () -> ()
      "tpu.region"() ({
        %run_scoped3A = tpu.sem_alloc : memref<!tpu.dma_semaphore, #tpu.memory_space<semaphore_mem>>
        %dma_start3A_52 = arith.constant 0 : i32
        %dma_start3A_53 = arith.constant 0 : i32
        %dma_start3A_54 = tpu.memref_slice %arg13[%dma_start3A_52, %dma_start3A_53] : memref<10000x128xf32, #tpu.memory_space<vmem_shared>> -> memref<10000x128xf32, #tpu.memory_space<vmem_shared>>
        tpu.enqueue_indirect_dma source(%arg11 : memref<128x128xf32, #tpu.memory_space<vmem>>) target(%dma_start3A_54 : memref<10000x128xf32, #tpu.memory_space<vmem_shared>>) offsets(%arg9 : memref<128xi32, #tpu.memory_space<vmem>>) semaphore(%run_scoped3A : memref<!tpu.dma_semaphore, #tpu.memory_space<semaphore_mem>>) {add = true}
        %dma_wait3A_55 = arith.constant 0 : i32
        %dma_wait3A_56 = arith.constant 0 : i32
        %dma_wait3A_57 = tpu.memref_slice %arg13[%dma_wait3A_55, %dma_wait3A_56] : memref<10000x128xf32, #tpu.memory_space<vmem_shared>> -> memref<10000x128xf32, #tpu.memory_space<vmem_shared>>
        tpu.wait_indirect_dma semaphore(%run_scoped3A : memref<!tpu.dma_semaphore, #tpu.memory_space<semaphore_mem>>) src(%arg11 : memref<128x128xf32, #tpu.memory_space<vmem>>) dst(%dma_wait3A_57 : memref<10000x128xf32, #tpu.memory_space<vmem_shared>>)
        tpu.yield
      }) : () -> ()
    }
    %while3A_35 = arith.constant 1 : i32
    scf.for %while3A_44 = %while3A_33 to %while3A_29 step %while3A_35  : i32 {
      %mul3A_45 = arith.constant 128 : i32
      %mul3A_46 = arith.muli %while3A_44, %mul3A_45 : i32
      %add3A_47 = arith.addi %add3A_26, %mul3A_46 : i32
      %multiple_of3A = tpu.assume_multiple %add3A_47, 8 : i32
      "tpu.region"() ({
        %run_scoped3A = tpu.sem_alloc : memref<!tpu.dma_semaphore, #tpu.memory_space<semaphore_mem>>
        %dma_start3A_52 = tpu.memref_slice %arg4[%multiple_of3A] : memref<320000xi32, #tpu.memory_space<hbm>> -> memref<128xi32, #tpu.memory_space<hbm>>
        %dma_start3A_53 = tpu.memref_slice %arg4[%multiple_of3A] : memref<320000xi32, #tpu.memory_space<hbm>> -> memref<128xi32, #tpu.memory_space<hbm>>
        tpu.enqueue_dma source(%dma_start3A_53 : memref<128xi32, #tpu.memory_space<hbm>>) target(%arg8 : memref<128xi32, #tpu.memory_space<vmem>>) target_semaphore(%run_scoped3A : memref<!tpu.dma_semaphore, #tpu.memory_space<semaphore_mem>>)
        %dma_wait3A_54 = tpu.memref_slice %arg4[%multiple_of3A] : memref<320000xi32, #tpu.memory_space<hbm>> -> memref<128xi32, #tpu.memory_space<hbm>>
        %dma_wait3A_55 = tpu.memref_slice %arg4[%multiple_of3A] : memref<320000xi32, #tpu.memory_space<hbm>> -> memref<128xi32, #tpu.memory_space<hbm>>
        tpu.wait_dma2 semaphore(%run_scoped3A : memref<!tpu.dma_semaphore, #tpu.memory_space<semaphore_mem>>) src(%dma_wait3A_55 : memref<128xi32, #tpu.memory_space<hbm>>) dst(%arg8 : memref<128xi32, #tpu.memory_space<vmem>>)
        tpu.yield
      }) : () -> ()
      "tpu.region"() ({
        %run_scoped3A = tpu.sem_alloc : memref<!tpu.dma_semaphore, #tpu.memory_space<semaphore_mem>>
        %dma_start3A_52 = tpu.memref_slice %arg5[%multiple_of3A] : memref<320000xi32, #tpu.memory_space<hbm>> -> memref<128xi32, #tpu.memory_space<hbm>>
        %dma_start3A_53 = tpu.memref_slice %arg5[%multiple_of3A] : memref<320000xi32, #tpu.memory_space<hbm>> -> memref<128xi32, #tpu.memory_space<hbm>>
        tpu.enqueue_dma source(%dma_start3A_53 : memref<128xi32, #tpu.memory_space<hbm>>) target(%arg9 : memref<128xi32, #tpu.memory_space<vmem>>) target_semaphore(%run_scoped3A : memref<!tpu.dma_semaphore, #tpu.memory_space<semaphore_mem>>)
        %dma_wait3A_54 = tpu.memref_slice %arg5[%multiple_of3A] : memref<320000xi32, #tpu.memory_space<hbm>> -> memref<128xi32, #tpu.memory_space<hbm>>
        %dma_wait3A_55 = tpu.memref_slice %arg5[%multiple_of3A] : memref<320000xi32, #tpu.memory_space<hbm>> -> memref<128xi32, #tpu.memory_space<hbm>>
        tpu.wait_dma2 semaphore(%run_scoped3A : memref<!tpu.dma_semaphore, #tpu.memory_space<semaphore_mem>>) src(%dma_wait3A_55 : memref<128xi32, #tpu.memory_space<hbm>>) dst(%arg9 : memref<128xi32, #tpu.memory_space<vmem>>)
        tpu.yield
      }) : () -> ()
      "tpu.region"() ({
        %run_scoped3A = tpu.sem_alloc : memref<!tpu.dma_semaphore, #tpu.memory_space<semaphore_mem>>
        %dma_start3A_52 = arith.constant 0 : i32
        %dma_start3A_53 = tpu.memref_slice %arg3[%multiple_of3A, %dma_start3A_52] : memref<320000x128xf32, #tpu.memory_space<hbm>> -> memref<128x128xf32, #tpu.memory_space<hbm>>
        %dma_start3A_54 = arith.constant 0 : i32
        %dma_start3A_55 = tpu.memref_slice %arg3[%multiple_of3A, %dma_start3A_54] : memref<320000x128xf32, #tpu.memory_space<hbm>> -> memref<128x128xf32, #tpu.memory_space<hbm>>
        tpu.enqueue_dma source(%dma_start3A_55 : memref<128x128xf32, #tpu.memory_space<hbm>>) target(%arg11 : memref<128x128xf32, #tpu.memory_space<vmem>>) target_semaphore(%run_scoped3A : memref<!tpu.dma_semaphore, #tpu.memory_space<semaphore_mem>>)
        %dma_wait3A_56 = arith.constant 0 : i32
        %dma_wait3A_57 = tpu.memref_slice %arg3[%multiple_of3A, %dma_wait3A_56] : memref<320000x128xf32, #tpu.memory_space<hbm>> -> memref<128x128xf32, #tpu.memory_space<hbm>>
        %dma_wait3A_58 = arith.constant 0 : i32
        %dma_wait3A_59 = tpu.memref_slice %arg3[%multiple_of3A, %dma_wait3A_58] : memref<320000x128xf32, #tpu.memory_space<hbm>> -> memref<128x128xf32, #tpu.memory_space<hbm>>
        tpu.wait_dma2 semaphore(%run_scoped3A : memref<!tpu.dma_semaphore, #tpu.memory_space<semaphore_mem>>) src(%dma_wait3A_59 : memref<128x128xf32, #tpu.memory_space<hbm>>) dst(%arg11 : memref<128x128xf32, #tpu.memory_space<vmem>>)
        tpu.yield
      }) : () -> ()
      %dma_start3A = arith.constant 0 : i32
      %dma_start3A_48 = arith.constant 0 : i32
      %dma_start3A_49 = tpu.memref_slice %arg2[%dma_start3A, %dma_start3A_48] : memref<10000x128xf32, #tpu.memory_space<hbm>> -> memref<10000x128xf32, #tpu.memory_space<hbm>>
      tpu.enqueue_indirect_dma source(%dma_start3A_49 : memref<10000x128xf32, #tpu.memory_space<hbm>>) target(%arg10 : memref<128x128xf32, #tpu.memory_space<vmem>>) offsets(%arg8 : memref<128xi32, #tpu.memory_space<vmem>>) semaphore(%arg14 : memref<!tpu.dma_semaphore, #tpu.memory_space<semaphore_mem>>)
      %dma_wait3A = arith.constant 0 : i32
      %dma_wait3A_50 = arith.constant 0 : i32
      %dma_wait3A_51 = tpu.memref_slice %arg2[%dma_wait3A, %dma_wait3A_50] : memref<10000x128xf32, #tpu.memory_space<hbm>> -> memref<10000x128xf32, #tpu.memory_space<hbm>>
      tpu.wait_indirect_dma semaphore(%arg14 : memref<!tpu.dma_semaphore, #tpu.memory_space<semaphore_mem>>) src(%dma_wait3A_51 : memref<10000x128xf32, #tpu.memory_space<hbm>>) dst(%arg10 : memref<128x128xf32, #tpu.memory_space<vmem>>)
      "tpu.region"() ({
        %run_scoped3A = tpu.sem_alloc : memref<!tpu.dma_semaphore, #tpu.memory_space<semaphore_mem>>
        %dma_start3A_52 = arith.constant 0 : i32
        %dma_start3A_53 = arith.constant 0 : i32
        %dma_start3A_54 = tpu.memref_slice %arg13[%dma_start3A_52, %dma_start3A_53] : memref<10000x128xf32, #tpu.memory_space<vmem_shared>> -> memref<10000x128xf32, #tpu.memory_space<vmem_shared>>
        tpu.enqueue_indirect_dma source(%arg10 : memref<128x128xf32, #tpu.memory_space<vmem>>) target(%dma_start3A_54 : memref<10000x128xf32, #tpu.memory_space<vmem_shared>>) offsets(%arg9 : memref<128xi32, #tpu.memory_space<vmem>>) semaphore(%run_scoped3A : memref<!tpu.dma_semaphore, #tpu.memory_space<semaphore_mem>>) {add = true}
        %dma_wait3A_55 = arith.constant 0 : i32
        %dma_wait3A_56 = arith.constant 0 : i32
        %dma_wait3A_57 = tpu.memref_slice %arg13[%dma_wait3A_55, %dma_wait3A_56] : memref<10000x128xf32, #tpu.memory_space<vmem_shared>> -> memref<10000x128xf32, #tpu.memory_space<vmem_shared>>
        tpu.wait_indirect_dma semaphore(%run_scoped3A : memref<!tpu.dma_semaphore, #tpu.memory_space<semaphore_mem>>) src(%arg10 : memref<128x128xf32, #tpu.memory_space<vmem>>) dst(%dma_wait3A_57 : memref<10000x128xf32, #tpu.memory_space<vmem_shared>>)
        tpu.yield
      }) : () -> ()
      "tpu.region"() ({
        %run_scoped3A = tpu.sem_alloc : memref<!tpu.dma_semaphore, #tpu.memory_space<semaphore_mem>>
        %dma_start3A_52 = arith.constant 0 : i32
        %dma_start3A_53 = arith.constant 0 : i32
        %dma_start3A_54 = tpu.memref_slice %arg13[%dma_start3A_52, %dma_start3A_53] : memref<10000x128xf32, #tpu.memory_space<vmem_shared>> -> memref<10000x128xf32, #tpu.memory_space<vmem_shared>>
        tpu.enqueue_indirect_dma source(%arg11 : memref<128x128xf32, #tpu.memory_space<vmem>>) target(%dma_start3A_54 : memref<10000x128xf32, #tpu.memory_space<vmem_shared>>) offsets(%arg9 : memref<128xi32, #tpu.memory_space<vmem>>) semaphore(%run_scoped3A : memref<!tpu.dma_semaphore, #tpu.memory_space<semaphore_mem>>) {add = true}
        %dma_wait3A_55 = arith.constant 0 : i32
        %dma_wait3A_56 = arith.constant 0 : i32
        %dma_wait3A_57 = tpu.memref_slice %arg13[%dma_wait3A_55, %dma_wait3A_56] : memref<10000x128xf32, #tpu.memory_space<vmem_shared>> -> memref<10000x128xf32, #tpu.memory_space<vmem_shared>>
        tpu.wait_indirect_dma semaphore(%run_scoped3A : memref<!tpu.dma_semaphore, #tpu.memory_space<semaphore_mem>>) src(%arg11 : memref<128x128xf32, #tpu.memory_space<vmem>>) dst(%dma_wait3A_57 : memref<10000x128xf32, #tpu.memory_space<vmem_shared>>)
        tpu.yield
      }) : () -> ()
    }
    %barrier3A_36 = arith.constant 0 : index
    tpu.barrier barrier_id(%barrier3A_36)
    %mul3A_37 = arith.constant 624 : i32
    %mul3A_38 = arith.muli %arg1, %mul3A_37 : i32
    "tpu.region"() ({
      %run_scoped3A = tpu.sem_alloc : memref<!tpu.dma_semaphore, #tpu.memory_space<semaphore_mem>>
      %dma_start3A = arith.constant 0 : i32
      %dma_start3A_44 = arith.constant 0 : i32
      %dma_start3A_45 = tpu.memref_slice %arg7[%arg0, %dma_start3A, %dma_start3A_44] : memref<2x10000x128xf32, #tpu.memory_space<hbm>> -> memref<1x10000x128xf32, #tpu.memory_space<hbm>>
      %dma_start3A_46 = tpu.memref_squeeze %dma_start3A_45 : memref<1x10000x128xf32, #tpu.memory_space<hbm>> -> memref<10000x128xf32, #tpu.memory_space<hbm>>
      %dma_start3A_47 = arith.constant 0 : i32
      %dma_start3A_48 = tpu.memref_slice %dma_start3A_46[%mul3A_38, %dma_start3A_47] : memref<10000x128xf32, #tpu.memory_space<hbm>> -> memref<624x128xf32, #tpu.memory_space<hbm>>
      %dma_start3A_49 = arith.constant 0 : i32
      %dma_start3A_50 = tpu.memref_slice %arg13[%mul3A_38, %dma_start3A_49] : memref<10000x128xf32, #tpu.memory_space<vmem_shared>> -> memref<624x128xf32, #tpu.memory_space<vmem_shared>>
      tpu.enqueue_dma source(%dma_start3A_50 : memref<624x128xf32, #tpu.memory_space<vmem_shared>>) target(%dma_start3A_48 : memref<624x128xf32, #tpu.memory_space<hbm>>) target_semaphore(%run_scoped3A : memref<!tpu.dma_semaphore, #tpu.memory_space<semaphore_mem>>)
      %dma_wait3A = arith.constant 0 : i32
      %dma_wait3A_51 = arith.constant 0 : i32
      %dma_wait3A_52 = tpu.memref_slice %arg7[%arg0, %dma_wait3A, %dma_wait3A_51] : memref<2x10000x128xf32, #tpu.memory_space<hbm>> -> memref<1x10000x128xf32, #tpu.memory_space<hbm>>
      %dma_wait3A_53 = tpu.memref_squeeze %dma_wait3A_52 : memref<1x10000x128xf32, #tpu.memory_space<hbm>> -> memref<10000x128xf32, #tpu.memory_space<hbm>>
      %dma_wait3A_54 = arith.constant 0 : i32
      %dma_wait3A_55 = tpu.memref_slice %dma_wait3A_53[%mul3A_38, %dma_wait3A_54] : memref<10000x128xf32, #tpu.memory_space<hbm>> -> memref<624x128xf32, #tpu.memory_space<hbm>>
      %dma_wait3A_56 = arith.constant 0 : i32
      %dma_wait3A_57 = tpu.memref_slice %arg13[%mul3A_38, %dma_wait3A_56] : memref<10000x128xf32, #tpu.memory_space<vmem_shared>> -> memref<624x128xf32, #tpu.memory_space<vmem_shared>>
      tpu.wait_dma2 semaphore(%run_scoped3A : memref<!tpu.dma_semaphore, #tpu.memory_space<semaphore_mem>>) src(%dma_wait3A_57 : memref<624x128xf32, #tpu.memory_space<vmem_shared>>) dst(%dma_wait3A_55 : memref<624x128xf32, #tpu.memory_space<hbm>>)
      tpu.yield
    }) : () -> ()
    %eq3A_39 = arith.constant 15 : i32
    %eq3A_40 = arith.cmpi eq, %arg1, %eq3A_39 : i32
    %convert_element_type3A_41 = arith.extui %eq3A_40 : i1 to i32
    %cond3A_42 = arith.constant 0 : i32
    %cond3A_43 = arith.cmpi ne, %convert_element_type3A_41, %cond3A_42 : i32
    scf.if %cond3A_43 {
      %add3A_44 = arith.constant 624 : i32
      %add3A_45 = arith.addi %mul3A_38, %add3A_44 : i32
      %add3A_46 = arith.constant 624 : i32
      %add3A_47 = arith.addi %mul3A_38, %add3A_46 : i32
      "tpu.region"() ({
        %run_scoped3A = tpu.sem_alloc : memref<!tpu.dma_semaphore, #tpu.memory_space<semaphore_mem>>
        %dma_start3A = arith.constant 0 : i32
        %dma_start3A_48 = arith.constant 0 : i32
        %dma_start3A_49 = tpu.memref_slice %arg7[%arg0, %dma_start3A, %dma_start3A_48] : memref<2x10000x128xf32, #tpu.memory_space<hbm>> -> memref<1x10000x128xf32, #tpu.memory_space<hbm>>
        %dma_start3A_50 = tpu.memref_squeeze %dma_start3A_49 : memref<1x10000x128xf32, #tpu.memory_space<hbm>> -> memref<10000x128xf32, #tpu.memory_space<hbm>>
        %dma_start3A_51 = arith.constant 0 : i32
        %dma_start3A_52 = tpu.memref_slice %dma_start3A_50[%add3A_47, %dma_start3A_51] : memref<10000x128xf32, #tpu.memory_space<hbm>> -> memref<16x128xf32, #tpu.memory_space<hbm>>
        %dma_start3A_53 = arith.constant 0 : i32
        %dma_start3A_54 = tpu.memref_slice %arg13[%add3A_45, %dma_start3A_53] : memref<10000x128xf32, #tpu.memory_space<vmem_shared>> -> memref<16x128xf32, #tpu.memory_space<vmem_shared>>
        tpu.enqueue_dma source(%dma_start3A_54 : memref<16x128xf32, #tpu.memory_space<vmem_shared>>) target(%dma_start3A_52 : memref<16x128xf32, #tpu.memory_space<hbm>>) target_semaphore(%run_scoped3A : memref<!tpu.dma_semaphore, #tpu.memory_space<semaphore_mem>>)
        %dma_wait3A = arith.constant 0 : i32
        %dma_wait3A_55 = arith.constant 0 : i32
        %dma_wait3A_56 = tpu.memref_slice %arg7[%arg0, %dma_wait3A, %dma_wait3A_55] : memref<2x10000x128xf32, #tpu.memory_space<hbm>> -> memref<1x10000x128xf32, #tpu.memory_space<hbm>>
        %dma_wait3A_57 = tpu.memref_squeeze %dma_wait3A_56 : memref<1x10000x128xf32, #tpu.memory_space<hbm>> -> memref<10000x128xf32, #tpu.memory_space<hbm>>
        %dma_wait3A_58 = arith.constant 0 : i32
        %dma_wait3A_59 = tpu.memref_slice %dma_wait3A_57[%add3A_47, %dma_wait3A_58] : memref<10000x128xf32, #tpu.memory_space<hbm>> -> memref<16x128xf32, #tpu.memory_space<hbm>>
        %dma_wait3A_60 = arith.constant 0 : i32
        %dma_wait3A_61 = tpu.memref_slice %arg13[%add3A_45, %dma_wait3A_60] : memref<10000x128xf32, #tpu.memory_space<vmem_shared>> -> memref<16x128xf32, #tpu.memory_space<vmem_shared>>
        tpu.wait_dma2 semaphore(%run_scoped3A : memref<!tpu.dma_semaphore, #tpu.memory_space<semaphore_mem>>) src(%dma_wait3A_61 : memref<16x128xf32, #tpu.memory_space<vmem_shared>>) dst(%dma_wait3A_59 : memref<16x128xf32, #tpu.memory_space<hbm>>)
        tpu.yield
      }) : () -> ()
    } else {
    }
    return
  }
}

#map = affine_map<(d0, d1) -> (0, 0)>
#map1 = affine_map<(d0, d1) -> (0)>
#map2 = affine_map<(d0, d1) -> (0, 0, 0)>
module attributes {stable_mosaic.version = 14 : i64} {
  func.func @_adj_gs(%arg0: i32, %arg1: i32, %arg2: memref<10000x128xf32, #tpu.memory_space<hbm>>, %arg3: memref<320000x128xf32, #tpu.memory_space<hbm>>, %arg4: memref<320000xi32, #tpu.memory_space<hbm>>, %arg5: memref<320000xi32, #tpu.memory_space<hbm>>, %arg6: memref<104x128xf32, #tpu.memory_space<hbm>>, %arg7: memref<2x10000x128xf32, #tpu.memory_space<hbm>>, %arg8: memref<128xi32, #tpu.memory_space<vmem>>, %arg9: memref<128xi32, #tpu.memory_space<vmem>>, %arg10: memref<128x128xf32, #tpu.memory_space<vmem>>, %arg11: memref<128x128xf32, #tpu.memory_space<vmem>>, %arg12: memref<104x128xf32, #tpu.memory_space<vmem>>, %arg13: memref<10000x128xf32, #tpu.memory_space<vmem_shared>>, %arg14: memref<!tpu.dma_semaphore, #tpu.memory_space<semaphore_mem>>) attributes {dimension_semantics = [#tpu.dimension_semantics<core_parallel>, #tpu.dimension_semantics<subcore_parallel>], iteration_bounds = array<i64: 2, 16>, scalar_prefetch = 0 : i64, scratch_operands = 7 : i64, tpu.core_type = #tpu.core_type<sc_vector_subcore>, window_params = [{transform_indices = #map}, {transform_indices = #map}, {transform_indices = #map1}, {transform_indices = #map1}, {transform_indices = #map}, {transform_indices = #map2}]} {
    %mul3A = arith.constant 2 : i32
    %mul3A_0 = arith.muli %arg1, %mul3A : i32
    %add3A = arith.addi %mul3A_0, %arg0 : i32
    "tpu.region"() ({
      %run_scoped3A = tpu.sem_alloc : memref<!tpu.dma_semaphore, #tpu.memory_space<semaphore_mem>>
      tpu.enqueue_dma source(%arg6 : memref<104x128xf32, #tpu.memory_space<hbm>>) target(%arg12 : memref<104x128xf32, #tpu.memory_space<vmem>>) target_semaphore(%run_scoped3A : memref<!tpu.dma_semaphore, #tpu.memory_space<semaphore_mem>>)
      tpu.wait_dma2 semaphore(%run_scoped3A : memref<!tpu.dma_semaphore, #tpu.memory_space<semaphore_mem>>) src(%arg6 : memref<104x128xf32, #tpu.memory_space<hbm>>) dst(%arg12 : memref<104x128xf32, #tpu.memory_space<vmem>>)
      tpu.yield
    }) : () -> ()
    %mul3A_1 = arith.constant 624 : i32
    %mul3A_2 = arith.muli %arg1, %mul3A_1 : i32
    %add3A_3 = arith.constant 0 : i32
    %add3A_4 = arith.addi %mul3A_2, %add3A_3 : i32
    "tpu.region"() ({
      %run_scoped3A = tpu.sem_alloc : memref<!tpu.dma_semaphore, #tpu.memory_space<semaphore_mem>>
      %dma_start3A = arith.constant 0 : i32
      %dma_start3A_44 = tpu.memref_slice %arg13[%add3A_4, %dma_start3A] : memref<10000x128xf32, #tpu.memory_space<vmem_shared>> -> memref<104x128xf32, #tpu.memory_space<vmem_shared>>
      %dma_start3A_45 = arith.constant 0 : i32
      %dma_start3A_46 = tpu.memref_slice %arg13[%add3A_4, %dma_start3A_45] : memref<10000x128xf32, #tpu.memory_space<vmem_shared>> -> memref<104x128xf32, #tpu.memory_space<vmem_shared>>
      tpu.enqueue_dma source(%arg12 : memref<104x128xf32, #tpu.memory_space<vmem>>) target(%dma_start3A_46 : memref<104x128xf32, #tpu.memory_space<vmem_shared>>) target_semaphore(%run_scoped3A : memref<!tpu.dma_semaphore, #tpu.memory_space<semaphore_mem>>)
      %dma_wait3A = arith.constant 0 : i32
      %dma_wait3A_47 = tpu.memref_slice %arg13[%add3A_4, %dma_wait3A] : memref<10000x128xf32, #tpu.memory_space<vmem_shared>> -> memref<104x128xf32, #tpu.memory_space<vmem_shared>>
      %dma_wait3A_48 = arith.constant 0 : i32
      %dma_wait3A_49 = tpu.memref_slice %arg13[%add3A_4, %dma_wait3A_48] : memref<10000x128xf32, #tpu.memory_space<vmem_shared>> -> memref<104x128xf32, #tpu.memory_space<vmem_shared>>
      tpu.wait_dma2 semaphore(%run_scoped3A : memref<!tpu.dma_semaphore, #tpu.memory_space<semaphore_mem>>) src(%arg12 : memref<104x128xf32, #tpu.memory_space<vmem>>) dst(%dma_wait3A_49 : memref<104x128xf32, #tpu.memory_space<vmem_shared>>)
      tpu.yield
    }) : () -> ()
    %add3A_5 = arith.constant 104 : i32
    %add3A_6 = arith.addi %mul3A_2, %add3A_5 : i32
    "tpu.region"() ({
      %run_scoped3A = tpu.sem_alloc : memref<!tpu.dma_semaphore, #tpu.memory_space<semaphore_mem>>
      %dma_start3A = arith.constant 0 : i32
      %dma_start3A_44 = tpu.memref_slice %arg13[%add3A_6, %dma_start3A] : memref<10000x128xf32, #tpu.memory_space<vmem_shared>> -> memref<104x128xf32, #tpu.memory_space<vmem_shared>>
      %dma_start3A_45 = arith.constant 0 : i32
      %dma_start3A_46 = tpu.memref_slice %arg13[%add3A_6, %dma_start3A_45] : memref<10000x128xf32, #tpu.memory_space<vmem_shared>> -> memref<104x128xf32, #tpu.memory_space<vmem_shared>>
      tpu.enqueue_dma source(%arg12 : memref<104x128xf32, #tpu.memory_space<vmem>>) target(%dma_start3A_46 : memref<104x128xf32, #tpu.memory_space<vmem_shared>>) target_semaphore(%run_scoped3A : memref<!tpu.dma_semaphore, #tpu.memory_space<semaphore_mem>>)
      %dma_wait3A = arith.constant 0 : i32
      %dma_wait3A_47 = tpu.memref_slice %arg13[%add3A_6, %dma_wait3A] : memref<10000x128xf32, #tpu.memory_space<vmem_shared>> -> memref<104x128xf32, #tpu.memory_space<vmem_shared>>
      %dma_wait3A_48 = arith.constant 0 : i32
      %dma_wait3A_49 = tpu.memref_slice %arg13[%add3A_6, %dma_wait3A_48] : memref<10000x128xf32, #tpu.memory_space<vmem_shared>> -> memref<104x128xf32, #tpu.memory_space<vmem_shared>>
      tpu.wait_dma2 semaphore(%run_scoped3A : memref<!tpu.dma_semaphore, #tpu.memory_space<semaphore_mem>>) src(%arg12 : memref<104x128xf32, #tpu.memory_space<vmem>>) dst(%dma_wait3A_49 : memref<104x128xf32, #tpu.memory_space<vmem_shared>>)
      tpu.yield
    }) : () -> ()
    %add3A_7 = arith.constant 208 : i32
    %add3A_8 = arith.addi %mul3A_2, %add3A_7 : i32
    "tpu.region"() ({
      %run_scoped3A = tpu.sem_alloc : memref<!tpu.dma_semaphore, #tpu.memory_space<semaphore_mem>>
      %dma_start3A = arith.constant 0 : i32
      %dma_start3A_44 = tpu.memref_slice %arg13[%add3A_8, %dma_start3A] : memref<10000x128xf32, #tpu.memory_space<vmem_shared>> -> memref<104x128xf32, #tpu.memory_space<vmem_shared>>
      %dma_start3A_45 = arith.constant 0 : i32
      %dma_start3A_46 = tpu.memref_slice %arg13[%add3A_8, %dma_start3A_45] : memref<10000x128xf32, #tpu.memory_space<vmem_shared>> -> memref<104x128xf32, #tpu.memory_space<vmem_shared>>
      tpu.enqueue_dma source(%arg12 : memref<104x128xf32, #tpu.memory_space<vmem>>) target(%dma_start3A_46 : memref<104x128xf32, #tpu.memory_space<vmem_shared>>) target_semaphore(%run_scoped3A : memref<!tpu.dma_semaphore, #tpu.memory_space<semaphore_mem>>)
      %dma_wait3A = arith.constant 0 : i32
      %dma_wait3A_47 = tpu.memref_slice %arg13[%add3A_8, %dma_wait3A] : memref<10000x128xf32, #tpu.memory_space<vmem_shared>> -> memref<104x128xf32, #tpu.memory_space<vmem_shared>>
      %dma_wait3A_48 = arith.constant 0 : i32
      %dma_wait3A_49 = tpu.memref_slice %arg13[%add3A_8, %dma_wait3A_48] : memref<10000x128xf32, #tpu.memory_space<vmem_shared>> -> memref<104x128xf32, #tpu.memory_space<vmem_shared>>
      tpu.wait_dma2 semaphore(%run_scoped3A : memref<!tpu.dma_semaphore, #tpu.memory_space<semaphore_mem>>) src(%arg12 : memref<104x128xf32, #tpu.memory_space<vmem>>) dst(%dma_wait3A_49 : memref<104x128xf32, #tpu.memory_space<vmem_shared>>)
      tpu.yield
    }) : () -> ()
    %add3A_9 = arith.constant 312 : i32
    %add3A_10 = arith.addi %mul3A_2, %add3A_9 : i32
    "tpu.region"() ({
      %run_scoped3A = tpu.sem_alloc : memref<!tpu.dma_semaphore, #tpu.memory_space<semaphore_mem>>
      %dma_start3A = arith.constant 0 : i32
      %dma_start3A_44 = tpu.memref_slice %arg13[%add3A_10, %dma_start3A] : memref<10000x128xf32, #tpu.memory_space<vmem_shared>> -> memref<104x128xf32, #tpu.memory_space<vmem_shared>>
      %dma_start3A_45 = arith.constant 0 : i32
      %dma_start3A_46 = tpu.memref_slice %arg13[%add3A_10, %dma_start3A_45] : memref<10000x128xf32, #tpu.memory_space<vmem_shared>> -> memref<104x128xf32, #tpu.memory_space<vmem_shared>>
      tpu.enqueue_dma source(%arg12 : memref<104x128xf32, #tpu.memory_space<vmem>>) target(%dma_start3A_46 : memref<104x128xf32, #tpu.memory_space<vmem_shared>>) target_semaphore(%run_scoped3A : memref<!tpu.dma_semaphore, #tpu.memory_space<semaphore_mem>>)
      %dma_wait3A = arith.constant 0 : i32
      %dma_wait3A_47 = tpu.memref_slice %arg13[%add3A_10, %dma_wait3A] : memref<10000x128xf32, #tpu.memory_space<vmem_shared>> -> memref<104x128xf32, #tpu.memory_space<vmem_shared>>
      %dma_wait3A_48 = arith.constant 0 : i32
      %dma_wait3A_49 = tpu.memref_slice %arg13[%add3A_10, %dma_wait3A_48] : memref<10000x128xf32, #tpu.memory_space<vmem_shared>> -> memref<104x128xf32, #tpu.memory_space<vmem_shared>>
      tpu.wait_dma2 semaphore(%run_scoped3A : memref<!tpu.dma_semaphore, #tpu.memory_space<semaphore_mem>>) src(%arg12 : memref<104x128xf32, #tpu.memory_space<vmem>>) dst(%dma_wait3A_49 : memref<104x128xf32, #tpu.memory_space<vmem_shared>>)
      tpu.yield
    }) : () -> ()
    %add3A_11 = arith.constant 416 : i32
    %add3A_12 = arith.addi %mul3A_2, %add3A_11 : i32
    "tpu.region"() ({
      %run_scoped3A = tpu.sem_alloc : memref<!tpu.dma_semaphore, #tpu.memory_space<semaphore_mem>>
      %dma_start3A = arith.constant 0 : i32
      %dma_start3A_44 = tpu.memref_slice %arg13[%add3A_12, %dma_start3A] : memref<10000x128xf32, #tpu.memory_space<vmem_shared>> -> memref<104x128xf32, #tpu.memory_space<vmem_shared>>
      %dma_start3A_45 = arith.constant 0 : i32
      %dma_start3A_46 = tpu.memref_slice %arg13[%add3A_12, %dma_start3A_45] : memref<10000x128xf32, #tpu.memory_space<vmem_shared>> -> memref<104x128xf32, #tpu.memory_space<vmem_shared>>
      tpu.enqueue_dma source(%arg12 : memref<104x128xf32, #tpu.memory_space<vmem>>) target(%dma_start3A_46 : memref<104x128xf32, #tpu.memory_space<vmem_shared>>) target_semaphore(%run_scoped3A : memref<!tpu.dma_semaphore, #tpu.memory_space<semaphore_mem>>)
      %dma_wait3A = arith.constant 0 : i32
      %dma_wait3A_47 = tpu.memref_slice %arg13[%add3A_12, %dma_wait3A] : memref<10000x128xf32, #tpu.memory_space<vmem_shared>> -> memref<104x128xf32, #tpu.memory_space<vmem_shared>>
      %dma_wait3A_48 = arith.constant 0 : i32
      %dma_wait3A_49 = tpu.memref_slice %arg13[%add3A_12, %dma_wait3A_48] : memref<10000x128xf32, #tpu.memory_space<vmem_shared>> -> memref<104x128xf32, #tpu.memory_space<vmem_shared>>
      tpu.wait_dma2 semaphore(%run_scoped3A : memref<!tpu.dma_semaphore, #tpu.memory_space<semaphore_mem>>) src(%arg12 : memref<104x128xf32, #tpu.memory_space<vmem>>) dst(%dma_wait3A_49 : memref<104x128xf32, #tpu.memory_space<vmem_shared>>)
      tpu.yield
    }) : () -> ()
    %add3A_13 = arith.constant 520 : i32
    %add3A_14 = arith.addi %mul3A_2, %add3A_13 : i32
    "tpu.region"() ({
      %run_scoped3A = tpu.sem_alloc : memref<!tpu.dma_semaphore, #tpu.memory_space<semaphore_mem>>
      %dma_start3A = arith.constant 0 : i32
      %dma_start3A_44 = tpu.memref_slice %arg13[%add3A_14, %dma_start3A] : memref<10000x128xf32, #tpu.memory_space<vmem_shared>> -> memref<104x128xf32, #tpu.memory_space<vmem_shared>>
      %dma_start3A_45 = arith.constant 0 : i32
      %dma_start3A_46 = tpu.memref_slice %arg13[%add3A_14, %dma_start3A_45] : memref<10000x128xf32, #tpu.memory_space<vmem_shared>> -> memref<104x128xf32, #tpu.memory_space<vmem_shared>>
      tpu.enqueue_dma source(%arg12 : memref<104x128xf32, #tpu.memory_space<vmem>>) target(%dma_start3A_46 : memref<104x128xf32, #tpu.memory_space<vmem_shared>>) target_semaphore(%run_scoped3A : memref<!tpu.dma_semaphore, #tpu.memory_space<semaphore_mem>>)
      %dma_wait3A = arith.constant 0 : i32
      %dma_wait3A_47 = tpu.memref_slice %arg13[%add3A_14, %dma_wait3A] : memref<10000x128xf32, #tpu.memory_space<vmem_shared>> -> memref<104x128xf32, #tpu.memory_space<vmem_shared>>
      %dma_wait3A_48 = arith.constant 0 : i32
      %dma_wait3A_49 = tpu.memref_slice %arg13[%add3A_14, %dma_wait3A_48] : memref<10000x128xf32, #tpu.memory_space<vmem_shared>> -> memref<104x128xf32, #tpu.memory_space<vmem_shared>>
      tpu.wait_dma2 semaphore(%run_scoped3A : memref<!tpu.dma_semaphore, #tpu.memory_space<semaphore_mem>>) src(%arg12 : memref<104x128xf32, #tpu.memory_space<vmem>>) dst(%dma_wait3A_49 : memref<104x128xf32, #tpu.memory_space<vmem_shared>>)
      tpu.yield
    }) : () -> ()
    %eq3A = arith.constant 15 : i32
    %eq3A_15 = arith.cmpi eq, %arg1, %eq3A : i32
    %convert_element_type3A = arith.extui %eq3A_15 : i1 to i32
    %cond3A = arith.constant 0 : i32
    %cond3A_16 = arith.cmpi ne, %convert_element_type3A, %cond3A : i32
    scf.if %cond3A_16 {
      %add3A_44 = arith.constant 624 : i32
      %add3A_45 = arith.addi %mul3A_2, %add3A_44 : i32
      "tpu.region"() ({
        %run_scoped3A = tpu.sem_alloc : memref<!tpu.dma_semaphore, #tpu.memory_space<semaphore_mem>>
        %dma_start3A = arith.constant 0 : i32
        %dma_start3A_46 = arith.constant 0 : i32
        %dma_start3A_47 = tpu.memref_slice %arg12[%dma_start3A, %dma_start3A_46] : memref<104x128xf32, #tpu.memory_space<vmem>> -> memref<16x128xf32, #tpu.memory_space<vmem>>
        %dma_start3A_48 = arith.constant 0 : i32
        %dma_start3A_49 = tpu.memref_slice %arg13[%add3A_45, %dma_start3A_48] : memref<10000x128xf32, #tpu.memory_space<vmem_shared>> -> memref<16x128xf32, #tpu.memory_space<vmem_shared>>
        %dma_start3A_50 = arith.constant 0 : i32
        %dma_start3A_51 = tpu.memref_slice %arg13[%add3A_45, %dma_start3A_50] : memref<10000x128xf32, #tpu.memory_space<vmem_shared>> -> memref<16x128xf32, #tpu.memory_space<vmem_shared>>
        %dma_start3A_52 = arith.constant 0 : i32
        %dma_start3A_53 = arith.constant 0 : i32
        %dma_start3A_54 = tpu.memref_slice %arg12[%dma_start3A_52, %dma_start3A_53] : memref<104x128xf32, #tpu.memory_space<vmem>> -> memref<16x128xf32, #tpu.memory_space<vmem>>
        tpu.enqueue_dma source(%dma_start3A_54 : memref<16x128xf32, #tpu.memory_space<vmem>>) target(%dma_start3A_51 : memref<16x128xf32, #tpu.memory_space<vmem_shared>>) target_semaphore(%run_scoped3A : memref<!tpu.dma_semaphore, #tpu.memory_space<semaphore_mem>>)
        %dma_wait3A = arith.constant 0 : i32
        %dma_wait3A_55 = arith.constant 0 : i32
        %dma_wait3A_56 = tpu.memref_slice %arg12[%dma_wait3A, %dma_wait3A_55] : memref<104x128xf32, #tpu.memory_space<vmem>> -> memref<16x128xf32, #tpu.memory_space<vmem>>
        %dma_wait3A_57 = arith.constant 0 : i32
        %dma_wait3A_58 = tpu.memref_slice %arg13[%add3A_45, %dma_wait3A_57] : memref<10000x128xf32, #tpu.memory_space<vmem_shared>> -> memref<16x128xf32, #tpu.memory_space<vmem_shared>>
        %dma_wait3A_59 = arith.constant 0 : i32
        %dma_wait3A_60 = tpu.memref_slice %arg13[%add3A_45, %dma_wait3A_59] : memref<10000x128xf32, #tpu.memory_space<vmem_shared>> -> memref<16x128xf32, #tpu.memory_space<vmem_shared>>
        %dma_wait3A_61 = arith.constant 0 : i32
        %dma_wait3A_62 = arith.constant 0 : i32
        %dma_wait3A_63 = tpu.memref_slice %arg12[%dma_wait3A_61, %dma_wait3A_62] : memref<104x128xf32, #tpu.memory_space<vmem>> -> memref<16x128xf32, #tpu.memory_space<vmem>>
        tpu.wait_dma2 semaphore(%run_scoped3A : memref<!tpu.dma_semaphore, #tpu.memory_space<semaphore_mem>>) src(%dma_wait3A_63 : memref<16x128xf32, #tpu.memory_space<vmem>>) dst(%dma_wait3A_60 : memref<16x128xf32, #tpu.memory_space<vmem_shared>>)
        tpu.yield
      }) : () -> ()
    } else {
    }
    %barrier3A = arith.constant 0 : index
    tpu.barrier barrier_id(%barrier3A)
    %lt3A = arith.constant 4 : i32
    %lt3A_17 = arith.cmpi slt, %add3A, %lt3A : i32
    %jit3A = arith.constant 1 : i32
    %jit3A_18 = arith.constant 0 : i32
    %select_n3A = arith.select %lt3A_17, %jit3A, %jit3A_18 : i32
    %add3A_19 = arith.constant 78 : i32
    %add3A_20 = arith.addi %add3A_19, %select_n3A : i32
    %mul3A_21 = arith.constant 9984 : i32
    %mul3A_22 = arith.muli %add3A, %mul3A_21 : i32
    %min3A = arith.constant 4 : i32
    %min3A_23 = arith.minsi %add3A, %min3A : i32
    %mul3A_24 = arith.constant 128 : i32
    %mul3A_25 = arith.muli %min3A_23, %mul3A_24 : i32
    %add3A_26 = arith.addi %mul3A_22, %mul3A_25 : i32
    %while3A = arith.constant 0 : i32
    %while3A_27 = arith.constant 0 : i32
    %while3A_28 = arith.subi %add3A_20, %while3A_27 : i32
    %while3A_29 = arith.addi %while3A_27, %while3A_28 : i32
    %while3A_30 = arith.constant 1 : i32
    %while3A_31 = arith.divsi %while3A_28, %while3A_30 : i32
    %while3A_32 = arith.muli %while3A_31, %while3A_30 : i32
    %while3A_33 = arith.addi %while3A_27, %while3A_32 : i32
    %while3A_34 = arith.constant 1 : i32
    scf.for %while3A_44 = %while3A_27 to %while3A_33 step %while3A_34  : i32 {
      %mul3A_45 = arith.constant 128 : i32
      %mul3A_46 = arith.muli %while3A_44, %mul3A_45 : i32
      %add3A_47 = arith.addi %add3A_26, %mul3A_46 : i32
      %multiple_of3A = tpu.assume_multiple %add3A_47, 8 : i32
      "tpu.region"() ({
        %run_scoped3A = tpu.sem_alloc : memref<!tpu.dma_semaphore, #tpu.memory_space<semaphore_mem>>
        %dma_start3A_52 = tpu.memref_slice %arg4[%multiple_of3A] : memref<320000xi32, #tpu.memory_space<hbm>> -> memref<128xi32, #tpu.memory_space<hbm>>
        %dma_start3A_53 = tpu.memref_slice %arg4[%multiple_of3A] : memref<320000xi32, #tpu.memory_space<hbm>> -> memref<128xi32, #tpu.memory_space<hbm>>
        tpu.enqueue_dma source(%dma_start3A_53 : memref<128xi32, #tpu.memory_space<hbm>>) target(%arg8 : memref<128xi32, #tpu.memory_space<vmem>>) target_semaphore(%run_scoped3A : memref<!tpu.dma_semaphore, #tpu.memory_space<semaphore_mem>>)
        %dma_wait3A_54 = tpu.memref_slice %arg4[%multiple_of3A] : memref<320000xi32, #tpu.memory_space<hbm>> -> memref<128xi32, #tpu.memory_space<hbm>>
        %dma_wait3A_55 = tpu.memref_slice %arg4[%multiple_of3A] : memref<320000xi32, #tpu.memory_space<hbm>> -> memref<128xi32, #tpu.memory_space<hbm>>
        tpu.wait_dma2 semaphore(%run_scoped3A : memref<!tpu.dma_semaphore, #tpu.memory_space<semaphore_mem>>) src(%dma_wait3A_55 : memref<128xi32, #tpu.memory_space<hbm>>) dst(%arg8 : memref<128xi32, #tpu.memory_space<vmem>>)
        tpu.yield
      }) : () -> ()
      "tpu.region"() ({
        %run_scoped3A = tpu.sem_alloc : memref<!tpu.dma_semaphore, #tpu.memory_space<semaphore_mem>>
        %dma_start3A_52 = tpu.memref_slice %arg5[%multiple_of3A] : memref<320000xi32, #tpu.memory_space<hbm>> -> memref<128xi32, #tpu.memory_space<hbm>>
        %dma_start3A_53 = tpu.memref_slice %arg5[%multiple_of3A] : memref<320000xi32, #tpu.memory_space<hbm>> -> memref<128xi32, #tpu.memory_space<hbm>>
        tpu.enqueue_dma source(%dma_start3A_53 : memref<128xi32, #tpu.memory_space<hbm>>) target(%arg9 : memref<128xi32, #tpu.memory_space<vmem>>) target_semaphore(%run_scoped3A : memref<!tpu.dma_semaphore, #tpu.memory_space<semaphore_mem>>)
        %dma_wait3A_54 = tpu.memref_slice %arg5[%multiple_of3A] : memref<320000xi32, #tpu.memory_space<hbm>> -> memref<128xi32, #tpu.memory_space<hbm>>
        %dma_wait3A_55 = tpu.memref_slice %arg5[%multiple_of3A] : memref<320000xi32, #tpu.memory_space<hbm>> -> memref<128xi32, #tpu.memory_space<hbm>>
        tpu.wait_dma2 semaphore(%run_scoped3A : memref<!tpu.dma_semaphore, #tpu.memory_space<semaphore_mem>>) src(%dma_wait3A_55 : memref<128xi32, #tpu.memory_space<hbm>>) dst(%arg9 : memref<128xi32, #tpu.memory_space<vmem>>)
        tpu.yield
      }) : () -> ()
      "tpu.region"() ({
        %run_scoped3A = tpu.sem_alloc : memref<!tpu.dma_semaphore, #tpu.memory_space<semaphore_mem>>
        %dma_start3A_52 = arith.constant 0 : i32
        %dma_start3A_53 = tpu.memref_slice %arg3[%multiple_of3A, %dma_start3A_52] : memref<320000x128xf32, #tpu.memory_space<hbm>> -> memref<128x128xf32, #tpu.memory_space<hbm>>
        %dma_start3A_54 = arith.constant 0 : i32
        %dma_start3A_55 = tpu.memref_slice %arg3[%multiple_of3A, %dma_start3A_54] : memref<320000x128xf32, #tpu.memory_space<hbm>> -> memref<128x128xf32, #tpu.memory_space<hbm>>
        tpu.enqueue_dma source(%dma_start3A_55 : memref<128x128xf32, #tpu.memory_space<hbm>>) target(%arg11 : memref<128x128xf32, #tpu.memory_space<vmem>>) target_semaphore(%run_scoped3A : memref<!tpu.dma_semaphore, #tpu.memory_space<semaphore_mem>>)
        %dma_wait3A_56 = arith.constant 0 : i32
        %dma_wait3A_57 = tpu.memref_slice %arg3[%multiple_of3A, %dma_wait3A_56] : memref<320000x128xf32, #tpu.memory_space<hbm>> -> memref<128x128xf32, #tpu.memory_space<hbm>>
        %dma_wait3A_58 = arith.constant 0 : i32
        %dma_wait3A_59 = tpu.memref_slice %arg3[%multiple_of3A, %dma_wait3A_58] : memref<320000x128xf32, #tpu.memory_space<hbm>> -> memref<128x128xf32, #tpu.memory_space<hbm>>
        tpu.wait_dma2 semaphore(%run_scoped3A : memref<!tpu.dma_semaphore, #tpu.memory_space<semaphore_mem>>) src(%dma_wait3A_59 : memref<128x128xf32, #tpu.memory_space<hbm>>) dst(%arg11 : memref<128x128xf32, #tpu.memory_space<vmem>>)
        tpu.yield
      }) : () -> ()
      %dma_start3A = arith.constant 0 : i32
      %dma_start3A_48 = arith.constant 0 : i32
      %dma_start3A_49 = tpu.memref_slice %arg2[%dma_start3A, %dma_start3A_48] : memref<10000x128xf32, #tpu.memory_space<hbm>> -> memref<10000x128xf32, #tpu.memory_space<hbm>>
      tpu.enqueue_indirect_dma source(%dma_start3A_49 : memref<10000x128xf32, #tpu.memory_space<hbm>>) target(%arg10 : memref<128x128xf32, #tpu.memory_space<vmem>>) offsets(%arg8 : memref<128xi32, #tpu.memory_space<vmem>>) semaphore(%arg14 : memref<!tpu.dma_semaphore, #tpu.memory_space<semaphore_mem>>)
      %dma_wait3A = arith.constant 0 : i32
      %dma_wait3A_50 = arith.constant 0 : i32
      %dma_wait3A_51 = tpu.memref_slice %arg2[%dma_wait3A, %dma_wait3A_50] : memref<10000x128xf32, #tpu.memory_space<hbm>> -> memref<10000x128xf32, #tpu.memory_space<hbm>>
      tpu.wait_indirect_dma semaphore(%arg14 : memref<!tpu.dma_semaphore, #tpu.memory_space<semaphore_mem>>) src(%dma_wait3A_51 : memref<10000x128xf32, #tpu.memory_space<hbm>>) dst(%arg10 : memref<128x128xf32, #tpu.memory_space<vmem>>)
      "tpu.region"() ({
        %run_scoped3A = tpu.sem_alloc : memref<!tpu.dma_semaphore, #tpu.memory_space<semaphore_mem>>
        %dma_start3A_52 = arith.constant 0 : i32
        %dma_start3A_53 = arith.constant 0 : i32
        %dma_start3A_54 = tpu.memref_slice %arg13[%dma_start3A_52, %dma_start3A_53] : memref<10000x128xf32, #tpu.memory_space<vmem_shared>> -> memref<10000x128xf32, #tpu.memory_space<vmem_shared>>
        tpu.enqueue_indirect_dma source(%arg10 : memref<128x128xf32, #tpu.memory_space<vmem>>) target(%dma_start3A_54 : memref<10000x128xf32, #tpu.memory_space<vmem_shared>>) offsets(%arg9 : memref<128xi32, #tpu.memory_space<vmem>>) semaphore(%run_scoped3A : memref<!tpu.dma_semaphore, #tpu.memory_space<semaphore_mem>>) {add = true}
        %dma_wait3A_55 = arith.constant 0 : i32
        %dma_wait3A_56 = arith.constant 0 : i32
        %dma_wait3A_57 = tpu.memref_slice %arg13[%dma_wait3A_55, %dma_wait3A_56] : memref<10000x128xf32, #tpu.memory_space<vmem_shared>> -> memref<10000x128xf32, #tpu.memory_space<vmem_shared>>
        tpu.wait_indirect_dma semaphore(%run_scoped3A : memref<!tpu.dma_semaphore, #tpu.memory_space<semaphore_mem>>) src(%arg10 : memref<128x128xf32, #tpu.memory_space<vmem>>) dst(%dma_wait3A_57 : memref<10000x128xf32, #tpu.memory_space<vmem_shared>>)
        tpu.yield
      }) : () -> ()
      "tpu.region"() ({
        %run_scoped3A = tpu.sem_alloc : memref<!tpu.dma_semaphore, #tpu.memory_space<semaphore_mem>>
        %dma_start3A_52 = arith.constant 0 : i32
        %dma_start3A_53 = arith.constant 0 : i32
        %dma_start3A_54 = tpu.memref_slice %arg13[%dma_start3A_52, %dma_start3A_53] : memref<10000x128xf32, #tpu.memory_space<vmem_shared>> -> memref<10000x128xf32, #tpu.memory_space<vmem_shared>>
        tpu.enqueue_indirect_dma source(%arg11 : memref<128x128xf32, #tpu.memory_space<vmem>>) target(%dma_start3A_54 : memref<10000x128xf32, #tpu.memory_space<vmem_shared>>) offsets(%arg9 : memref<128xi32, #tpu.memory_space<vmem>>) semaphore(%run_scoped3A : memref<!tpu.dma_semaphore, #tpu.memory_space<semaphore_mem>>) {add = true}
        %dma_wait3A_55 = arith.constant 0 : i32
        %dma_wait3A_56 = arith.constant 0 : i32
        %dma_wait3A_57 = tpu.memref_slice %arg13[%dma_wait3A_55, %dma_wait3A_56] : memref<10000x128xf32, #tpu.memory_space<vmem_shared>> -> memref<10000x128xf32, #tpu.memory_space<vmem_shared>>
        tpu.wait_indirect_dma semaphore(%run_scoped3A : memref<!tpu.dma_semaphore, #tpu.memory_space<semaphore_mem>>) src(%arg11 : memref<128x128xf32, #tpu.memory_space<vmem>>) dst(%dma_wait3A_57 : memref<10000x128xf32, #tpu.memory_space<vmem_shared>>)
        tpu.yield
      }) : () -> ()
    }
    %while3A_35 = arith.constant 1 : i32
    scf.for %while3A_44 = %while3A_33 to %while3A_29 step %while3A_35  : i32 {
      %mul3A_45 = arith.constant 128 : i32
      %mul3A_46 = arith.muli %while3A_44, %mul3A_45 : i32
      %add3A_47 = arith.addi %add3A_26, %mul3A_46 : i32
      %multiple_of3A = tpu.assume_multiple %add3A_47, 8 : i32
      "tpu.region"() ({
        %run_scoped3A = tpu.sem_alloc : memref<!tpu.dma_semaphore, #tpu.memory_space<semaphore_mem>>
        %dma_start3A_52 = tpu.memref_slice %arg4[%multiple_of3A] : memref<320000xi32, #tpu.memory_space<hbm>> -> memref<128xi32, #tpu.memory_space<hbm>>
        %dma_start3A_53 = tpu.memref_slice %arg4[%multiple_of3A] : memref<320000xi32, #tpu.memory_space<hbm>> -> memref<128xi32, #tpu.memory_space<hbm>>
        tpu.enqueue_dma source(%dma_start3A_53 : memref<128xi32, #tpu.memory_space<hbm>>) target(%arg8 : memref<128xi32, #tpu.memory_space<vmem>>) target_semaphore(%run_scoped3A : memref<!tpu.dma_semaphore, #tpu.memory_space<semaphore_mem>>)
        %dma_wait3A_54 = tpu.memref_slice %arg4[%multiple_of3A] : memref<320000xi32, #tpu.memory_space<hbm>> -> memref<128xi32, #tpu.memory_space<hbm>>
        %dma_wait3A_55 = tpu.memref_slice %arg4[%multiple_of3A] : memref<320000xi32, #tpu.memory_space<hbm>> -> memref<128xi32, #tpu.memory_space<hbm>>
        tpu.wait_dma2 semaphore(%run_scoped3A : memref<!tpu.dma_semaphore, #tpu.memory_space<semaphore_mem>>) src(%dma_wait3A_55 : memref<128xi32, #tpu.memory_space<hbm>>) dst(%arg8 : memref<128xi32, #tpu.memory_space<vmem>>)
        tpu.yield
      }) : () -> ()
      "tpu.region"() ({
        %run_scoped3A = tpu.sem_alloc : memref<!tpu.dma_semaphore, #tpu.memory_space<semaphore_mem>>
        %dma_start3A_52 = tpu.memref_slice %arg5[%multiple_of3A] : memref<320000xi32, #tpu.memory_space<hbm>> -> memref<128xi32, #tpu.memory_space<hbm>>
        %dma_start3A_53 = tpu.memref_slice %arg5[%multiple_of3A] : memref<320000xi32, #tpu.memory_space<hbm>> -> memref<128xi32, #tpu.memory_space<hbm>>
        tpu.enqueue_dma source(%dma_start3A_53 : memref<128xi32, #tpu.memory_space<hbm>>) target(%arg9 : memref<128xi32, #tpu.memory_space<vmem>>) target_semaphore(%run_scoped3A : memref<!tpu.dma_semaphore, #tpu.memory_space<semaphore_mem>>)
        %dma_wait3A_54 = tpu.memref_slice %arg5[%multiple_of3A] : memref<320000xi32, #tpu.memory_space<hbm>> -> memref<128xi32, #tpu.memory_space<hbm>>
        %dma_wait3A_55 = tpu.memref_slice %arg5[%multiple_of3A] : memref<320000xi32, #tpu.memory_space<hbm>> -> memref<128xi32, #tpu.memory_space<hbm>>
        tpu.wait_dma2 semaphore(%run_scoped3A : memref<!tpu.dma_semaphore, #tpu.memory_space<semaphore_mem>>) src(%dma_wait3A_55 : memref<128xi32, #tpu.memory_space<hbm>>) dst(%arg9 : memref<128xi32, #tpu.memory_space<vmem>>)
        tpu.yield
      }) : () -> ()
      "tpu.region"() ({
        %run_scoped3A = tpu.sem_alloc : memref<!tpu.dma_semaphore, #tpu.memory_space<semaphore_mem>>
        %dma_start3A_52 = arith.constant 0 : i32
        %dma_start3A_53 = tpu.memref_slice %arg3[%multiple_of3A, %dma_start3A_52] : memref<320000x128xf32, #tpu.memory_space<hbm>> -> memref<128x128xf32, #tpu.memory_space<hbm>>
        %dma_start3A_54 = arith.constant 0 : i32
        %dma_start3A_55 = tpu.memref_slice %arg3[%multiple_of3A, %dma_start3A_54] : memref<320000x128xf32, #tpu.memory_space<hbm>> -> memref<128x128xf32, #tpu.memory_space<hbm>>
        tpu.enqueue_dma source(%dma_start3A_55 : memref<128x128xf32, #tpu.memory_space<hbm>>) target(%arg11 : memref<128x128xf32, #tpu.memory_space<vmem>>) target_semaphore(%run_scoped3A : memref<!tpu.dma_semaphore, #tpu.memory_space<semaphore_mem>>)
        %dma_wait3A_56 = arith.constant 0 : i32
        %dma_wait3A_57 = tpu.memref_slice %arg3[%multiple_of3A, %dma_wait3A_56] : memref<320000x128xf32, #tpu.memory_space<hbm>> -> memref<128x128xf32, #tpu.memory_space<hbm>>
        %dma_wait3A_58 = arith.constant 0 : i32
        %dma_wait3A_59 = tpu.memref_slice %arg3[%multiple_of3A, %dma_wait3A_58] : memref<320000x128xf32, #tpu.memory_space<hbm>> -> memref<128x128xf32, #tpu.memory_space<hbm>>
        tpu.wait_dma2 semaphore(%run_scoped3A : memref<!tpu.dma_semaphore, #tpu.memory_space<semaphore_mem>>) src(%dma_wait3A_59 : memref<128x128xf32, #tpu.memory_space<hbm>>) dst(%arg11 : memref<128x128xf32, #tpu.memory_space<vmem>>)
        tpu.yield
      }) : () -> ()
      %dma_start3A = arith.constant 0 : i32
      %dma_start3A_48 = arith.constant 0 : i32
      %dma_start3A_49 = tpu.memref_slice %arg2[%dma_start3A, %dma_start3A_48] : memref<10000x128xf32, #tpu.memory_space<hbm>> -> memref<10000x128xf32, #tpu.memory_space<hbm>>
      tpu.enqueue_indirect_dma source(%dma_start3A_49 : memref<10000x128xf32, #tpu.memory_space<hbm>>) target(%arg10 : memref<128x128xf32, #tpu.memory_space<vmem>>) offsets(%arg8 : memref<128xi32, #tpu.memory_space<vmem>>) semaphore(%arg14 : memref<!tpu.dma_semaphore, #tpu.memory_space<semaphore_mem>>)
      %dma_wait3A = arith.constant 0 : i32
      %dma_wait3A_50 = arith.constant 0 : i32
      %dma_wait3A_51 = tpu.memref_slice %arg2[%dma_wait3A, %dma_wait3A_50] : memref<10000x128xf32, #tpu.memory_space<hbm>> -> memref<10000x128xf32, #tpu.memory_space<hbm>>
      tpu.wait_indirect_dma semaphore(%arg14 : memref<!tpu.dma_semaphore, #tpu.memory_space<semaphore_mem>>) src(%dma_wait3A_51 : memref<10000x128xf32, #tpu.memory_space<hbm>>) dst(%arg10 : memref<128x128xf32, #tpu.memory_space<vmem>>)
      "tpu.region"() ({
        %run_scoped3A = tpu.sem_alloc : memref<!tpu.dma_semaphore, #tpu.memory_space<semaphore_mem>>
        %dma_start3A_52 = arith.constant 0 : i32
        %dma_start3A_53 = arith.constant 0 : i32
        %dma_start3A_54 = tpu.memref_slice %arg13[%dma_start3A_52, %dma_start3A_53] : memref<10000x128xf32, #tpu.memory_space<vmem_shared>> -> memref<10000x128xf32, #tpu.memory_space<vmem_shared>>
        tpu.enqueue_indirect_dma source(%arg10 : memref<128x128xf32, #tpu.memory_space<vmem>>) target(%dma_start3A_54 : memref<10000x128xf32, #tpu.memory_space<vmem_shared>>) offsets(%arg9 : memref<128xi32, #tpu.memory_space<vmem>>) semaphore(%run_scoped3A : memref<!tpu.dma_semaphore, #tpu.memory_space<semaphore_mem>>) {add = true}
        %dma_wait3A_55 = arith.constant 0 : i32
        %dma_wait3A_56 = arith.constant 0 : i32
        %dma_wait3A_57 = tpu.memref_slice %arg13[%dma_wait3A_55, %dma_wait3A_56] : memref<10000x128xf32, #tpu.memory_space<vmem_shared>> -> memref<10000x128xf32, #tpu.memory_space<vmem_shared>>
        tpu.wait_indirect_dma semaphore(%run_scoped3A : memref<!tpu.dma_semaphore, #tpu.memory_space<semaphore_mem>>) src(%arg10 : memref<128x128xf32, #tpu.memory_space<vmem>>) dst(%dma_wait3A_57 : memref<10000x128xf32, #tpu.memory_space<vmem_shared>>)
        tpu.yield
      }) : () -> ()
      "tpu.region"() ({
        %run_scoped3A = tpu.sem_alloc : memref<!tpu.dma_semaphore, #tpu.memory_space<semaphore_mem>>
        %dma_start3A_52 = arith.constant 0 : i32
        %dma_start3A_53 = arith.constant 0 : i32
        %dma_start3A_54 = tpu.memref_slice %arg13[%dma_start3A_52, %dma_start3A_53] : memref<10000x128xf32, #tpu.memory_space<vmem_shared>> -> memref<10000x128xf32, #tpu.memory_space<vmem_shared>>
        tpu.enqueue_indirect_dma source(%arg11 : memref<128x128xf32, #tpu.memory_space<vmem>>) target(%dma_start3A_54 : memref<10000x128xf32, #tpu.memory_space<vmem_shared>>) offsets(%arg9 : memref<128xi32, #tpu.memory_space<vmem>>) semaphore(%run_scoped3A : memref<!tpu.dma_semaphore, #tpu.memory_space<semaphore_mem>>) {add = true}
        %dma_wait3A_55 = arith.constant 0 : i32
        %dma_wait3A_56 = arith.constant 0 : i32
        %dma_wait3A_57 = tpu.memref_slice %arg13[%dma_wait3A_55, %dma_wait3A_56] : memref<10000x128xf32, #tpu.memory_space<vmem_shared>> -> memref<10000x128xf32, #tpu.memory_space<vmem_shared>>
        tpu.wait_indirect_dma semaphore(%run_scoped3A : memref<!tpu.dma_semaphore, #tpu.memory_space<semaphore_mem>>) src(%arg11 : memref<128x128xf32, #tpu.memory_space<vmem>>) dst(%dma_wait3A_57 : memref<10000x128xf32, #tpu.memory_space<vmem_shared>>)
        tpu.yield
      }) : () -> ()
    }
    %barrier3A_36 = arith.constant 0 : index
    tpu.barrier barrier_id(%barrier3A_36)
    %mul3A_37 = arith.constant 624 : i32
    %mul3A_38 = arith.muli %arg1, %mul3A_37 : i32
    "tpu.region"() ({
      %run_scoped3A = tpu.sem_alloc : memref<!tpu.dma_semaphore, #tpu.memory_space<semaphore_mem>>
      %dma_start3A = arith.constant 0 : i32
      %dma_start3A_44 = arith.constant 0 : i32
      %dma_start3A_45 = tpu.memref_slice %arg7[%arg0, %dma_start3A, %dma_start3A_44] : memref<2x10000x128xf32, #tpu.memory_space<hbm>> -> memref<1x10000x128xf32, #tpu.memory_space<hbm>>
      %dma_start3A_46 = tpu.memref_squeeze %dma_start3A_45 : memref<1x10000x128xf32, #tpu.memory_space<hbm>> -> memref<10000x128xf32, #tpu.memory_space<hbm>>
      %dma_start3A_47 = arith.constant 0 : i32
      %dma_start3A_48 = tpu.memref_slice %dma_start3A_46[%mul3A_38, %dma_start3A_47] : memref<10000x128xf32, #tpu.memory_space<hbm>> -> memref<624x128xf32, #tpu.memory_space<hbm>>
      %dma_start3A_49 = arith.constant 0 : i32
      %dma_start3A_50 = tpu.memref_slice %arg13[%mul3A_38, %dma_start3A_49] : memref<10000x128xf32, #tpu.memory_space<vmem_shared>> -> memref<624x128xf32, #tpu.memory_space<vmem_shared>>
      tpu.enqueue_dma source(%dma_start3A_50 : memref<624x128xf32, #tpu.memory_space<vmem_shared>>) target(%dma_start3A_48 : memref<624x128xf32, #tpu.memory_space<hbm>>) target_semaphore(%run_scoped3A : memref<!tpu.dma_semaphore, #tpu.memory_space<semaphore_mem>>)
      %dma_wait3A = arith.constant 0 : i32
      %dma_wait3A_51 = arith.constant 0 : i32
      %dma_wait3A_52 = tpu.memref_slice %arg7[%arg0, %dma_wait3A, %dma_wait3A_51] : memref<2x10000x128xf32, #tpu.memory_space<hbm>> -> memref<1x10000x128xf32, #tpu.memory_space<hbm>>
      %dma_wait3A_53 = tpu.memref_squeeze %dma_wait3A_52 : memref<1x10000x128xf32, #tpu.memory_space<hbm>> -> memref<10000x128xf32, #tpu.memory_space<hbm>>
      %dma_wait3A_54 = arith.constant 0 : i32
      %dma_wait3A_55 = tpu.memref_slice %dma_wait3A_53[%mul3A_38, %dma_wait3A_54] : memref<10000x128xf32, #tpu.memory_space<hbm>> -> memref<624x128xf32, #tpu.memory_space<hbm>>
      %dma_wait3A_56 = arith.constant 0 : i32
      %dma_wait3A_57 = tpu.memref_slice %arg13[%mul3A_38, %dma_wait3A_56] : memref<10000x128xf32, #tpu.memory_space<vmem_shared>> -> memref<624x128xf32, #tpu.memory_space<vmem_shared>>
      tpu.wait_dma2 semaphore(%run_scoped3A : memref<!tpu.dma_semaphore, #tpu.memory_space<semaphore_mem>>) src(%dma_wait3A_57 : memref<624x128xf32, #tpu.memory_space<vmem_shared>>) dst(%dma_wait3A_55 : memref<624x128xf32, #tpu.memory_space<hbm>>)
      tpu.yield
    }) : () -> ()
    %eq3A_39 = arith.constant 15 : i32
    %eq3A_40 = arith.cmpi eq, %arg1, %eq3A_39 : i32
    %convert_element_type3A_41 = arith.extui %eq3A_40 : i1 to i32
    %cond3A_42 = arith.constant 0 : i32
    %cond3A_43 = arith.cmpi ne, %convert_element_type3A_41, %cond3A_42 : i32
    scf.if %cond3A_43 {
      %add3A_44 = arith.constant 624 : i32
      %add3A_45 = arith.addi %mul3A_38, %add3A_44 : i32
      %add3A_46 = arith.constant 624 : i32
      %add3A_47 = arith.addi %mul3A_38, %add3A_46 : i32
      "tpu.region"() ({
        %run_scoped3A = tpu.sem_alloc : memref<!tpu.dma_semaphore, #tpu.memory_space<semaphore_mem>>
        %dma_start3A = arith.constant 0 : i32
        %dma_start3A_48 = arith.constant 0 : i32
        %dma_start3A_49 = tpu.memref_slice %arg7[%arg0, %dma_start3A, %dma_start3A_48] : memref<2x10000x128xf32, #tpu.memory_space<hbm>> -> memref<1x10000x128xf32, #tpu.memory_space<hbm>>
        %dma_start3A_50 = tpu.memref_squeeze %dma_start3A_49 : memref<1x10000x128xf32, #tpu.memory_space<hbm>> -> memref<10000x128xf32, #tpu.memory_space<hbm>>
        %dma_start3A_51 = arith.constant 0 : i32
        %dma_start3A_52 = tpu.memref_slice %dma_start3A_50[%add3A_47, %dma_start3A_51] : memref<10000x128xf32, #tpu.memory_space<hbm>> -> memref<16x128xf32, #tpu.memory_space<hbm>>
        %dma_start3A_53 = arith.constant 0 : i32
        %dma_start3A_54 = tpu.memref_slice %arg13[%add3A_45, %dma_start3A_53] : memref<10000x128xf32, #tpu.memory_space<vmem_shared>> -> memref<16x128xf32, #tpu.memory_space<vmem_shared>>
        tpu.enqueue_dma source(%dma_start3A_54 : memref<16x128xf32, #tpu.memory_space<vmem_shared>>) target(%dma_start3A_52 : memref<16x128xf32, #tpu.memory_space<hbm>>) target_semaphore(%run_scoped3A : memref<!tpu.dma_semaphore, #tpu.memory_space<semaphore_mem>>)
        %dma_wait3A = arith.constant 0 : i32
        %dma_wait3A_55 = arith.constant 0 : i32
        %dma_wait3A_56 = tpu.memref_slice %arg7[%arg0, %dma_wait3A, %dma_wait3A_55] : memref<2x10000x128xf32, #tpu.memory_space<hbm>> -> memref<1x10000x128xf32, #tpu.memory_space<hbm>>
        %dma_wait3A_57 = tpu.memref_squeeze %dma_wait3A_56 : memref<1x10000x128xf32, #tpu.memory_space<hbm>> -> memref<10000x128xf32, #tpu.memory_space<hbm>>
        %dma_wait3A_58 = arith.constant 0 : i32
        %dma_wait3A_59 = tpu.memref_slice %dma_wait3A_57[%add3A_47, %dma_wait3A_58] : memref<10000x128xf32, #tpu.memory_space<hbm>> -> memref<16x128xf32, #tpu.memory_space<hbm>>
        %dma_wait3A_60 = arith.constant 0 : i32
        %dma_wait3A_61 = tpu.memref_slice %arg13[%add3A_45, %dma_wait3A_60] : memref<10000x128xf32, #tpu.memory_space<vmem_shared>> -> memref<16x128xf32, #tpu.memory_space<vmem_shared>>
        tpu.wait_dma2 semaphore(%run_scoped3A : memref<!tpu.dma_semaphore, #tpu.memory_space<semaphore_mem>>) src(%dma_wait3A_61 : memref<16x128xf32, #tpu.memory_space<vmem_shared>>) dst(%dma_wait3A_59 : memref<16x128xf32, #tpu.memory_space<hbm>>)
        tpu.yield
      }) : () -> ()
    } else {
    }
    return
  }
}

#map = affine_map<(d0, d1) -> (0, 0)>
#map1 = affine_map<(d0, d1) -> (0)>
#map2 = affine_map<(d0, d1) -> (0, 0, 0)>
module attributes {stable_mosaic.version = 14 : i64} {
  func.func @_adj_gs(%arg0: i32, %arg1: i32, %arg2: memref<10000x128xf32, #tpu.memory_space<hbm>>, %arg3: memref<320000x128xf32, #tpu.memory_space<hbm>>, %arg4: memref<320000xi32, #tpu.memory_space<hbm>>, %arg5: memref<320000xi32, #tpu.memory_space<hbm>>, %arg6: memref<104x128xf32, #tpu.memory_space<hbm>>, %arg7: memref<2x10000x128xf32, #tpu.memory_space<hbm>>, %arg8: memref<128xi32, #tpu.memory_space<vmem>>, %arg9: memref<128xi32, #tpu.memory_space<vmem>>, %arg10: memref<128x128xf32, #tpu.memory_space<vmem>>, %arg11: memref<128x128xf32, #tpu.memory_space<vmem>>, %arg12: memref<104x128xf32, #tpu.memory_space<vmem>>, %arg13: memref<10000x128xf32, #tpu.memory_space<vmem_shared>>, %arg14: memref<!tpu.dma_semaphore, #tpu.memory_space<semaphore_mem>>) attributes {dimension_semantics = [#tpu.dimension_semantics<core_parallel>, #tpu.dimension_semantics<subcore_parallel>], iteration_bounds = array<i64: 2, 16>, scalar_prefetch = 0 : i64, scratch_operands = 7 : i64, tpu.core_type = #tpu.core_type<sc_vector_subcore>, window_params = [{transform_indices = #map}, {transform_indices = #map}, {transform_indices = #map1}, {transform_indices = #map1}, {transform_indices = #map}, {transform_indices = #map2}]} {
    %mul3A = arith.constant 2 : i32
    %mul3A_0 = arith.muli %arg1, %mul3A : i32
    %add3A = arith.addi %mul3A_0, %arg0 : i32
    "tpu.region"() ({
      %run_scoped3A = tpu.sem_alloc : memref<!tpu.dma_semaphore, #tpu.memory_space<semaphore_mem>>
      tpu.enqueue_dma source(%arg6 : memref<104x128xf32, #tpu.memory_space<hbm>>) target(%arg12 : memref<104x128xf32, #tpu.memory_space<vmem>>) target_semaphore(%run_scoped3A : memref<!tpu.dma_semaphore, #tpu.memory_space<semaphore_mem>>)
      tpu.wait_dma2 semaphore(%run_scoped3A : memref<!tpu.dma_semaphore, #tpu.memory_space<semaphore_mem>>) src(%arg6 : memref<104x128xf32, #tpu.memory_space<hbm>>) dst(%arg12 : memref<104x128xf32, #tpu.memory_space<vmem>>)
      tpu.yield
    }) : () -> ()
    %mul3A_1 = arith.constant 624 : i32
    %mul3A_2 = arith.muli %arg1, %mul3A_1 : i32
    %add3A_3 = arith.constant 0 : i32
    %add3A_4 = arith.addi %mul3A_2, %add3A_3 : i32
    "tpu.region"() ({
      %run_scoped3A = tpu.sem_alloc : memref<!tpu.dma_semaphore, #tpu.memory_space<semaphore_mem>>
      %dma_start3A = arith.constant 0 : i32
      %dma_start3A_44 = tpu.memref_slice %arg13[%add3A_4, %dma_start3A] : memref<10000x128xf32, #tpu.memory_space<vmem_shared>> -> memref<104x128xf32, #tpu.memory_space<vmem_shared>>
      %dma_start3A_45 = arith.constant 0 : i32
      %dma_start3A_46 = tpu.memref_slice %arg13[%add3A_4, %dma_start3A_45] : memref<10000x128xf32, #tpu.memory_space<vmem_shared>> -> memref<104x128xf32, #tpu.memory_space<vmem_shared>>
      tpu.enqueue_dma source(%arg12 : memref<104x128xf32, #tpu.memory_space<vmem>>) target(%dma_start3A_46 : memref<104x128xf32, #tpu.memory_space<vmem_shared>>) target_semaphore(%run_scoped3A : memref<!tpu.dma_semaphore, #tpu.memory_space<semaphore_mem>>)
      %dma_wait3A = arith.constant 0 : i32
      %dma_wait3A_47 = tpu.memref_slice %arg13[%add3A_4, %dma_wait3A] : memref<10000x128xf32, #tpu.memory_space<vmem_shared>> -> memref<104x128xf32, #tpu.memory_space<vmem_shared>>
      %dma_wait3A_48 = arith.constant 0 : i32
      %dma_wait3A_49 = tpu.memref_slice %arg13[%add3A_4, %dma_wait3A_48] : memref<10000x128xf32, #tpu.memory_space<vmem_shared>> -> memref<104x128xf32, #tpu.memory_space<vmem_shared>>
      tpu.wait_dma2 semaphore(%run_scoped3A : memref<!tpu.dma_semaphore, #tpu.memory_space<semaphore_mem>>) src(%arg12 : memref<104x128xf32, #tpu.memory_space<vmem>>) dst(%dma_wait3A_49 : memref<104x128xf32, #tpu.memory_space<vmem_shared>>)
      tpu.yield
    }) : () -> ()
    %add3A_5 = arith.constant 104 : i32
    %add3A_6 = arith.addi %mul3A_2, %add3A_5 : i32
    "tpu.region"() ({
      %run_scoped3A = tpu.sem_alloc : memref<!tpu.dma_semaphore, #tpu.memory_space<semaphore_mem>>
      %dma_start3A = arith.constant 0 : i32
      %dma_start3A_44 = tpu.memref_slice %arg13[%add3A_6, %dma_start3A] : memref<10000x128xf32, #tpu.memory_space<vmem_shared>> -> memref<104x128xf32, #tpu.memory_space<vmem_shared>>
      %dma_start3A_45 = arith.constant 0 : i32
      %dma_start3A_46 = tpu.memref_slice %arg13[%add3A_6, %dma_start3A_45] : memref<10000x128xf32, #tpu.memory_space<vmem_shared>> -> memref<104x128xf32, #tpu.memory_space<vmem_shared>>
      tpu.enqueue_dma source(%arg12 : memref<104x128xf32, #tpu.memory_space<vmem>>) target(%dma_start3A_46 : memref<104x128xf32, #tpu.memory_space<vmem_shared>>) target_semaphore(%run_scoped3A : memref<!tpu.dma_semaphore, #tpu.memory_space<semaphore_mem>>)
      %dma_wait3A = arith.constant 0 : i32
      %dma_wait3A_47 = tpu.memref_slice %arg13[%add3A_6, %dma_wait3A] : memref<10000x128xf32, #tpu.memory_space<vmem_shared>> -> memref<104x128xf32, #tpu.memory_space<vmem_shared>>
      %dma_wait3A_48 = arith.constant 0 : i32
      %dma_wait3A_49 = tpu.memref_slice %arg13[%add3A_6, %dma_wait3A_48] : memref<10000x128xf32, #tpu.memory_space<vmem_shared>> -> memref<104x128xf32, #tpu.memory_space<vmem_shared>>
      tpu.wait_dma2 semaphore(%run_scoped3A : memref<!tpu.dma_semaphore, #tpu.memory_space<semaphore_mem>>) src(%arg12 : memref<104x128xf32, #tpu.memory_space<vmem>>) dst(%dma_wait3A_49 : memref<104x128xf32, #tpu.memory_space<vmem_shared>>)
      tpu.yield
    }) : () -> ()
    %add3A_7 = arith.constant 208 : i32
    %add3A_8 = arith.addi %mul3A_2, %add3A_7 : i32
    "tpu.region"() ({
      %run_scoped3A = tpu.sem_alloc : memref<!tpu.dma_semaphore, #tpu.memory_space<semaphore_mem>>
      %dma_start3A = arith.constant 0 : i32
      %dma_start3A_44 = tpu.memref_slice %arg13[%add3A_8, %dma_start3A] : memref<10000x128xf32, #tpu.memory_space<vmem_shared>> -> memref<104x128xf32, #tpu.memory_space<vmem_shared>>
      %dma_start3A_45 = arith.constant 0 : i32
      %dma_start3A_46 = tpu.memref_slice %arg13[%add3A_8, %dma_start3A_45] : memref<10000x128xf32, #tpu.memory_space<vmem_shared>> -> memref<104x128xf32, #tpu.memory_space<vmem_shared>>
      tpu.enqueue_dma source(%arg12 : memref<104x128xf32, #tpu.memory_space<vmem>>) target(%dma_start3A_46 : memref<104x128xf32, #tpu.memory_space<vmem_shared>>) target_semaphore(%run_scoped3A : memref<!tpu.dma_semaphore, #tpu.memory_space<semaphore_mem>>)
      %dma_wait3A = arith.constant 0 : i32
      %dma_wait3A_47 = tpu.memref_slice %arg13[%add3A_8, %dma_wait3A] : memref<10000x128xf32, #tpu.memory_space<vmem_shared>> -> memref<104x128xf32, #tpu.memory_space<vmem_shared>>
      %dma_wait3A_48 = arith.constant 0 : i32
      %dma_wait3A_49 = tpu.memref_slice %arg13[%add3A_8, %dma_wait3A_48] : memref<10000x128xf32, #tpu.memory_space<vmem_shared>> -> memref<104x128xf32, #tpu.memory_space<vmem_shared>>
      tpu.wait_dma2 semaphore(%run_scoped3A : memref<!tpu.dma_semaphore, #tpu.memory_space<semaphore_mem>>) src(%arg12 : memref<104x128xf32, #tpu.memory_space<vmem>>) dst(%dma_wait3A_49 : memref<104x128xf32, #tpu.memory_space<vmem_shared>>)
      tpu.yield
    }) : () -> ()
    %add3A_9 = arith.constant 312 : i32
    %add3A_10 = arith.addi %mul3A_2, %add3A_9 : i32
    "tpu.region"() ({
      %run_scoped3A = tpu.sem_alloc : memref<!tpu.dma_semaphore, #tpu.memory_space<semaphore_mem>>
      %dma_start3A = arith.constant 0 : i32
      %dma_start3A_44 = tpu.memref_slice %arg13[%add3A_10, %dma_start3A] : memref<10000x128xf32, #tpu.memory_space<vmem_shared>> -> memref<104x128xf32, #tpu.memory_space<vmem_shared>>
      %dma_start3A_45 = arith.constant 0 : i32
      %dma_start3A_46 = tpu.memref_slice %arg13[%add3A_10, %dma_start3A_45] : memref<10000x128xf32, #tpu.memory_space<vmem_shared>> -> memref<104x128xf32, #tpu.memory_space<vmem_shared>>
      tpu.enqueue_dma source(%arg12 : memref<104x128xf32, #tpu.memory_space<vmem>>) target(%dma_start3A_46 : memref<104x128xf32, #tpu.memory_space<vmem_shared>>) target_semaphore(%run_scoped3A : memref<!tpu.dma_semaphore, #tpu.memory_space<semaphore_mem>>)
      %dma_wait3A = arith.constant 0 : i32
      %dma_wait3A_47 = tpu.memref_slice %arg13[%add3A_10, %dma_wait3A] : memref<10000x128xf32, #tpu.memory_space<vmem_shared>> -> memref<104x128xf32, #tpu.memory_space<vmem_shared>>
      %dma_wait3A_48 = arith.constant 0 : i32
      %dma_wait3A_49 = tpu.memref_slice %arg13[%add3A_10, %dma_wait3A_48] : memref<10000x128xf32, #tpu.memory_space<vmem_shared>> -> memref<104x128xf32, #tpu.memory_space<vmem_shared>>
      tpu.wait_dma2 semaphore(%run_scoped3A : memref<!tpu.dma_semaphore, #tpu.memory_space<semaphore_mem>>) src(%arg12 : memref<104x128xf32, #tpu.memory_space<vmem>>) dst(%dma_wait3A_49 : memref<104x128xf32, #tpu.memory_space<vmem_shared>>)
      tpu.yield
    }) : () -> ()
    %add3A_11 = arith.constant 416 : i32
    %add3A_12 = arith.addi %mul3A_2, %add3A_11 : i32
    "tpu.region"() ({
      %run_scoped3A = tpu.sem_alloc : memref<!tpu.dma_semaphore, #tpu.memory_space<semaphore_mem>>
      %dma_start3A = arith.constant 0 : i32
      %dma_start3A_44 = tpu.memref_slice %arg13[%add3A_12, %dma_start3A] : memref<10000x128xf32, #tpu.memory_space<vmem_shared>> -> memref<104x128xf32, #tpu.memory_space<vmem_shared>>
      %dma_start3A_45 = arith.constant 0 : i32
      %dma_start3A_46 = tpu.memref_slice %arg13[%add3A_12, %dma_start3A_45] : memref<10000x128xf32, #tpu.memory_space<vmem_shared>> -> memref<104x128xf32, #tpu.memory_space<vmem_shared>>
      tpu.enqueue_dma source(%arg12 : memref<104x128xf32, #tpu.memory_space<vmem>>) target(%dma_start3A_46 : memref<104x128xf32, #tpu.memory_space<vmem_shared>>) target_semaphore(%run_scoped3A : memref<!tpu.dma_semaphore, #tpu.memory_space<semaphore_mem>>)
      %dma_wait3A = arith.constant 0 : i32
      %dma_wait3A_47 = tpu.memref_slice %arg13[%add3A_12, %dma_wait3A] : memref<10000x128xf32, #tpu.memory_space<vmem_shared>> -> memref<104x128xf32, #tpu.memory_space<vmem_shared>>
      %dma_wait3A_48 = arith.constant 0 : i32
      %dma_wait3A_49 = tpu.memref_slice %arg13[%add3A_12, %dma_wait3A_48] : memref<10000x128xf32, #tpu.memory_space<vmem_shared>> -> memref<104x128xf32, #tpu.memory_space<vmem_shared>>
      tpu.wait_dma2 semaphore(%run_scoped3A : memref<!tpu.dma_semaphore, #tpu.memory_space<semaphore_mem>>) src(%arg12 : memref<104x128xf32, #tpu.memory_space<vmem>>) dst(%dma_wait3A_49 : memref<104x128xf32, #tpu.memory_space<vmem_shared>>)
      tpu.yield
    }) : () -> ()
    %add3A_13 = arith.constant 520 : i32
    %add3A_14 = arith.addi %mul3A_2, %add3A_13 : i32
    "tpu.region"() ({
      %run_scoped3A = tpu.sem_alloc : memref<!tpu.dma_semaphore, #tpu.memory_space<semaphore_mem>>
      %dma_start3A = arith.constant 0 : i32
      %dma_start3A_44 = tpu.memref_slice %arg13[%add3A_14, %dma_start3A] : memref<10000x128xf32, #tpu.memory_space<vmem_shared>> -> memref<104x128xf32, #tpu.memory_space<vmem_shared>>
      %dma_start3A_45 = arith.constant 0 : i32
      %dma_start3A_46 = tpu.memref_slice %arg13[%add3A_14, %dma_start3A_45] : memref<10000x128xf32, #tpu.memory_space<vmem_shared>> -> memref<104x128xf32, #tpu.memory_space<vmem_shared>>
      tpu.enqueue_dma source(%arg12 : memref<104x128xf32, #tpu.memory_space<vmem>>) target(%dma_start3A_46 : memref<104x128xf32, #tpu.memory_space<vmem_shared>>) target_semaphore(%run_scoped3A : memref<!tpu.dma_semaphore, #tpu.memory_space<semaphore_mem>>)
      %dma_wait3A = arith.constant 0 : i32
      %dma_wait3A_47 = tpu.memref_slice %arg13[%add3A_14, %dma_wait3A] : memref<10000x128xf32, #tpu.memory_space<vmem_shared>> -> memref<104x128xf32, #tpu.memory_space<vmem_shared>>
      %dma_wait3A_48 = arith.constant 0 : i32
      %dma_wait3A_49 = tpu.memref_slice %arg13[%add3A_14, %dma_wait3A_48] : memref<10000x128xf32, #tpu.memory_space<vmem_shared>> -> memref<104x128xf32, #tpu.memory_space<vmem_shared>>
      tpu.wait_dma2 semaphore(%run_scoped3A : memref<!tpu.dma_semaphore, #tpu.memory_space<semaphore_mem>>) src(%arg12 : memref<104x128xf32, #tpu.memory_space<vmem>>) dst(%dma_wait3A_49 : memref<104x128xf32, #tpu.memory_space<vmem_shared>>)
      tpu.yield
    }) : () -> ()
    %eq3A = arith.constant 15 : i32
    %eq3A_15 = arith.cmpi eq, %arg1, %eq3A : i32
    %convert_element_type3A = arith.extui %eq3A_15 : i1 to i32
    %cond3A = arith.constant 0 : i32
    %cond3A_16 = arith.cmpi ne, %convert_element_type3A, %cond3A : i32
    scf.if %cond3A_16 {
      %add3A_44 = arith.constant 624 : i32
      %add3A_45 = arith.addi %mul3A_2, %add3A_44 : i32
      "tpu.region"() ({
        %run_scoped3A = tpu.sem_alloc : memref<!tpu.dma_semaphore, #tpu.memory_space<semaphore_mem>>
        %dma_start3A = arith.constant 0 : i32
        %dma_start3A_46 = arith.constant 0 : i32
        %dma_start3A_47 = tpu.memref_slice %arg12[%dma_start3A, %dma_start3A_46] : memref<104x128xf32, #tpu.memory_space<vmem>> -> memref<16x128xf32, #tpu.memory_space<vmem>>
        %dma_start3A_48 = arith.constant 0 : i32
        %dma_start3A_49 = tpu.memref_slice %arg13[%add3A_45, %dma_start3A_48] : memref<10000x128xf32, #tpu.memory_space<vmem_shared>> -> memref<16x128xf32, #tpu.memory_space<vmem_shared>>
        %dma_start3A_50 = arith.constant 0 : i32
        %dma_start3A_51 = tpu.memref_slice %arg13[%add3A_45, %dma_start3A_50] : memref<10000x128xf32, #tpu.memory_space<vmem_shared>> -> memref<16x128xf32, #tpu.memory_space<vmem_shared>>
        %dma_start3A_52 = arith.constant 0 : i32
        %dma_start3A_53 = arith.constant 0 : i32
        %dma_start3A_54 = tpu.memref_slice %arg12[%dma_start3A_52, %dma_start3A_53] : memref<104x128xf32, #tpu.memory_space<vmem>> -> memref<16x128xf32, #tpu.memory_space<vmem>>
        tpu.enqueue_dma source(%dma_start3A_54 : memref<16x128xf32, #tpu.memory_space<vmem>>) target(%dma_start3A_51 : memref<16x128xf32, #tpu.memory_space<vmem_shared>>) target_semaphore(%run_scoped3A : memref<!tpu.dma_semaphore, #tpu.memory_space<semaphore_mem>>)
        %dma_wait3A = arith.constant 0 : i32
        %dma_wait3A_55 = arith.constant 0 : i32
        %dma_wait3A_56 = tpu.memref_slice %arg12[%dma_wait3A, %dma_wait3A_55] : memref<104x128xf32, #tpu.memory_space<vmem>> -> memref<16x128xf32, #tpu.memory_space<vmem>>
        %dma_wait3A_57 = arith.constant 0 : i32
        %dma_wait3A_58 = tpu.memref_slice %arg13[%add3A_45, %dma_wait3A_57] : memref<10000x128xf32, #tpu.memory_space<vmem_shared>> -> memref<16x128xf32, #tpu.memory_space<vmem_shared>>
        %dma_wait3A_59 = arith.constant 0 : i32
        %dma_wait3A_60 = tpu.memref_slice %arg13[%add3A_45, %dma_wait3A_59] : memref<10000x128xf32, #tpu.memory_space<vmem_shared>> -> memref<16x128xf32, #tpu.memory_space<vmem_shared>>
        %dma_wait3A_61 = arith.constant 0 : i32
        %dma_wait3A_62 = arith.constant 0 : i32
        %dma_wait3A_63 = tpu.memref_slice %arg12[%dma_wait3A_61, %dma_wait3A_62] : memref<104x128xf32, #tpu.memory_space<vmem>> -> memref<16x128xf32, #tpu.memory_space<vmem>>
        tpu.wait_dma2 semaphore(%run_scoped3A : memref<!tpu.dma_semaphore, #tpu.memory_space<semaphore_mem>>) src(%dma_wait3A_63 : memref<16x128xf32, #tpu.memory_space<vmem>>) dst(%dma_wait3A_60 : memref<16x128xf32, #tpu.memory_space<vmem_shared>>)
        tpu.yield
      }) : () -> ()
    } else {
    }
    %barrier3A = arith.constant 0 : index
    tpu.barrier barrier_id(%barrier3A)
    %lt3A = arith.constant 4 : i32
    %lt3A_17 = arith.cmpi slt, %add3A, %lt3A : i32
    %jit3A = arith.constant 1 : i32
    %jit3A_18 = arith.constant 0 : i32
    %select_n3A = arith.select %lt3A_17, %jit3A, %jit3A_18 : i32
    %add3A_19 = arith.constant 78 : i32
    %add3A_20 = arith.addi %add3A_19, %select_n3A : i32
    %mul3A_21 = arith.constant 9984 : i32
    %mul3A_22 = arith.muli %add3A, %mul3A_21 : i32
    %min3A = arith.constant 4 : i32
    %min3A_23 = arith.minsi %add3A, %min3A : i32
    %mul3A_24 = arith.constant 128 : i32
    %mul3A_25 = arith.muli %min3A_23, %mul3A_24 : i32
    %add3A_26 = arith.addi %mul3A_22, %mul3A_25 : i32
    %while3A = arith.constant 0 : i32
    %while3A_27 = arith.constant 0 : i32
    %while3A_28 = arith.subi %add3A_20, %while3A_27 : i32
    %while3A_29 = arith.addi %while3A_27, %while3A_28 : i32
    %while3A_30 = arith.constant 1 : i32
    %while3A_31 = arith.divsi %while3A_28, %while3A_30 : i32
    %while3A_32 = arith.muli %while3A_31, %while3A_30 : i32
    %while3A_33 = arith.addi %while3A_27, %while3A_32 : i32
    %while3A_34 = arith.constant 1 : i32
    scf.for %while3A_44 = %while3A_27 to %while3A_33 step %while3A_34  : i32 {
      %mul3A_45 = arith.constant 128 : i32
      %mul3A_46 = arith.muli %while3A_44, %mul3A_45 : i32
      %add3A_47 = arith.addi %add3A_26, %mul3A_46 : i32
      %multiple_of3A = tpu.assume_multiple %add3A_47, 8 : i32
      "tpu.region"() ({
        %run_scoped3A = tpu.sem_alloc : memref<!tpu.dma_semaphore, #tpu.memory_space<semaphore_mem>>
        %dma_start3A_52 = tpu.memref_slice %arg4[%multiple_of3A] : memref<320000xi32, #tpu.memory_space<hbm>> -> memref<128xi32, #tpu.memory_space<hbm>>
        %dma_start3A_53 = tpu.memref_slice %arg4[%multiple_of3A] : memref<320000xi32, #tpu.memory_space<hbm>> -> memref<128xi32, #tpu.memory_space<hbm>>
        tpu.enqueue_dma source(%dma_start3A_53 : memref<128xi32, #tpu.memory_space<hbm>>) target(%arg8 : memref<128xi32, #tpu.memory_space<vmem>>) target_semaphore(%run_scoped3A : memref<!tpu.dma_semaphore, #tpu.memory_space<semaphore_mem>>)
        %dma_wait3A_54 = tpu.memref_slice %arg4[%multiple_of3A] : memref<320000xi32, #tpu.memory_space<hbm>> -> memref<128xi32, #tpu.memory_space<hbm>>
        %dma_wait3A_55 = tpu.memref_slice %arg4[%multiple_of3A] : memref<320000xi32, #tpu.memory_space<hbm>> -> memref<128xi32, #tpu.memory_space<hbm>>
        tpu.wait_dma2 semaphore(%run_scoped3A : memref<!tpu.dma_semaphore, #tpu.memory_space<semaphore_mem>>) src(%dma_wait3A_55 : memref<128xi32, #tpu.memory_space<hbm>>) dst(%arg8 : memref<128xi32, #tpu.memory_space<vmem>>)
        tpu.yield
      }) : () -> ()
      "tpu.region"() ({
        %run_scoped3A = tpu.sem_alloc : memref<!tpu.dma_semaphore, #tpu.memory_space<semaphore_mem>>
        %dma_start3A_52 = tpu.memref_slice %arg5[%multiple_of3A] : memref<320000xi32, #tpu.memory_space<hbm>> -> memref<128xi32, #tpu.memory_space<hbm>>
        %dma_start3A_53 = tpu.memref_slice %arg5[%multiple_of3A] : memref<320000xi32, #tpu.memory_space<hbm>> -> memref<128xi32, #tpu.memory_space<hbm>>
        tpu.enqueue_dma source(%dma_start3A_53 : memref<128xi32, #tpu.memory_space<hbm>>) target(%arg9 : memref<128xi32, #tpu.memory_space<vmem>>) target_semaphore(%run_scoped3A : memref<!tpu.dma_semaphore, #tpu.memory_space<semaphore_mem>>)
        %dma_wait3A_54 = tpu.memref_slice %arg5[%multiple_of3A] : memref<320000xi32, #tpu.memory_space<hbm>> -> memref<128xi32, #tpu.memory_space<hbm>>
        %dma_wait3A_55 = tpu.memref_slice %arg5[%multiple_of3A] : memref<320000xi32, #tpu.memory_space<hbm>> -> memref<128xi32, #tpu.memory_space<hbm>>
        tpu.wait_dma2 semaphore(%run_scoped3A : memref<!tpu.dma_semaphore, #tpu.memory_space<semaphore_mem>>) src(%dma_wait3A_55 : memref<128xi32, #tpu.memory_space<hbm>>) dst(%arg9 : memref<128xi32, #tpu.memory_space<vmem>>)
        tpu.yield
      }) : () -> ()
      "tpu.region"() ({
        %run_scoped3A = tpu.sem_alloc : memref<!tpu.dma_semaphore, #tpu.memory_space<semaphore_mem>>
        %dma_start3A_52 = arith.constant 0 : i32
        %dma_start3A_53 = tpu.memref_slice %arg3[%multiple_of3A, %dma_start3A_52] : memref<320000x128xf32, #tpu.memory_space<hbm>> -> memref<128x128xf32, #tpu.memory_space<hbm>>
        %dma_start3A_54 = arith.constant 0 : i32
        %dma_start3A_55 = tpu.memref_slice %arg3[%multiple_of3A, %dma_start3A_54] : memref<320000x128xf32, #tpu.memory_space<hbm>> -> memref<128x128xf32, #tpu.memory_space<hbm>>
        tpu.enqueue_dma source(%dma_start3A_55 : memref<128x128xf32, #tpu.memory_space<hbm>>) target(%arg11 : memref<128x128xf32, #tpu.memory_space<vmem>>) target_semaphore(%run_scoped3A : memref<!tpu.dma_semaphore, #tpu.memory_space<semaphore_mem>>)
        %dma_wait3A_56 = arith.constant 0 : i32
        %dma_wait3A_57 = tpu.memref_slice %arg3[%multiple_of3A, %dma_wait3A_56] : memref<320000x128xf32, #tpu.memory_space<hbm>> -> memref<128x128xf32, #tpu.memory_space<hbm>>
        %dma_wait3A_58 = arith.constant 0 : i32
        %dma_wait3A_59 = tpu.memref_slice %arg3[%multiple_of3A, %dma_wait3A_58] : memref<320000x128xf32, #tpu.memory_space<hbm>> -> memref<128x128xf32, #tpu.memory_space<hbm>>
        tpu.wait_dma2 semaphore(%run_scoped3A : memref<!tpu.dma_semaphore, #tpu.memory_space<semaphore_mem>>) src(%dma_wait3A_59 : memref<128x128xf32, #tpu.memory_space<hbm>>) dst(%arg11 : memref<128x128xf32, #tpu.memory_space<vmem>>)
        tpu.yield
      }) : () -> ()
      %dma_start3A = arith.constant 0 : i32
      %dma_start3A_48 = arith.constant 0 : i32
      %dma_start3A_49 = tpu.memref_slice %arg2[%dma_start3A, %dma_start3A_48] : memref<10000x128xf32, #tpu.memory_space<hbm>> -> memref<10000x128xf32, #tpu.memory_space<hbm>>
      tpu.enqueue_indirect_dma source(%dma_start3A_49 : memref<10000x128xf32, #tpu.memory_space<hbm>>) target(%arg10 : memref<128x128xf32, #tpu.memory_space<vmem>>) offsets(%arg8 : memref<128xi32, #tpu.memory_space<vmem>>) semaphore(%arg14 : memref<!tpu.dma_semaphore, #tpu.memory_space<semaphore_mem>>)
      %dma_wait3A = arith.constant 0 : i32
      %dma_wait3A_50 = arith.constant 0 : i32
      %dma_wait3A_51 = tpu.memref_slice %arg2[%dma_wait3A, %dma_wait3A_50] : memref<10000x128xf32, #tpu.memory_space<hbm>> -> memref<10000x128xf32, #tpu.memory_space<hbm>>
      tpu.wait_indirect_dma semaphore(%arg14 : memref<!tpu.dma_semaphore, #tpu.memory_space<semaphore_mem>>) src(%dma_wait3A_51 : memref<10000x128xf32, #tpu.memory_space<hbm>>) dst(%arg10 : memref<128x128xf32, #tpu.memory_space<vmem>>)
      "tpu.region"() ({
        %run_scoped3A = tpu.sem_alloc : memref<!tpu.dma_semaphore, #tpu.memory_space<semaphore_mem>>
        %dma_start3A_52 = arith.constant 0 : i32
        %dma_start3A_53 = arith.constant 0 : i32
        %dma_start3A_54 = tpu.memref_slice %arg13[%dma_start3A_52, %dma_start3A_53] : memref<10000x128xf32, #tpu.memory_space<vmem_shared>> -> memref<10000x128xf32, #tpu.memory_space<vmem_shared>>
        tpu.enqueue_indirect_dma source(%arg10 : memref<128x128xf32, #tpu.memory_space<vmem>>) target(%dma_start3A_54 : memref<10000x128xf32, #tpu.memory_space<vmem_shared>>) offsets(%arg9 : memref<128xi32, #tpu.memory_space<vmem>>) semaphore(%run_scoped3A : memref<!tpu.dma_semaphore, #tpu.memory_space<semaphore_mem>>) {add = true}
        %dma_wait3A_55 = arith.constant 0 : i32
        %dma_wait3A_56 = arith.constant 0 : i32
        %dma_wait3A_57 = tpu.memref_slice %arg13[%dma_wait3A_55, %dma_wait3A_56] : memref<10000x128xf32, #tpu.memory_space<vmem_shared>> -> memref<10000x128xf32, #tpu.memory_space<vmem_shared>>
        tpu.wait_indirect_dma semaphore(%run_scoped3A : memref<!tpu.dma_semaphore, #tpu.memory_space<semaphore_mem>>) src(%arg10 : memref<128x128xf32, #tpu.memory_space<vmem>>) dst(%dma_wait3A_57 : memref<10000x128xf32, #tpu.memory_space<vmem_shared>>)
        tpu.yield
      }) : () -> ()
      "tpu.region"() ({
        %run_scoped3A = tpu.sem_alloc : memref<!tpu.dma_semaphore, #tpu.memory_space<semaphore_mem>>
        %dma_start3A_52 = arith.constant 0 : i32
        %dma_start3A_53 = arith.constant 0 : i32
        %dma_start3A_54 = tpu.memref_slice %arg13[%dma_start3A_52, %dma_start3A_53] : memref<10000x128xf32, #tpu.memory_space<vmem_shared>> -> memref<10000x128xf32, #tpu.memory_space<vmem_shared>>
        tpu.enqueue_indirect_dma source(%arg11 : memref<128x128xf32, #tpu.memory_space<vmem>>) target(%dma_start3A_54 : memref<10000x128xf32, #tpu.memory_space<vmem_shared>>) offsets(%arg9 : memref<128xi32, #tpu.memory_space<vmem>>) semaphore(%run_scoped3A : memref<!tpu.dma_semaphore, #tpu.memory_space<semaphore_mem>>) {add = true}
        %dma_wait3A_55 = arith.constant 0 : i32
        %dma_wait3A_56 = arith.constant 0 : i32
        %dma_wait3A_57 = tpu.memref_slice %arg13[%dma_wait3A_55, %dma_wait3A_56] : memref<10000x128xf32, #tpu.memory_space<vmem_shared>> -> memref<10000x128xf32, #tpu.memory_space<vmem_shared>>
        tpu.wait_indirect_dma semaphore(%run_scoped3A : memref<!tpu.dma_semaphore, #tpu.memory_space<semaphore_mem>>) src(%arg11 : memref<128x128xf32, #tpu.memory_space<vmem>>) dst(%dma_wait3A_57 : memref<10000x128xf32, #tpu.memory_space<vmem_shared>>)
        tpu.yield
      }) : () -> ()
    }
    %while3A_35 = arith.constant 1 : i32
    scf.for %while3A_44 = %while3A_33 to %while3A_29 step %while3A_35  : i32 {
      %mul3A_45 = arith.constant 128 : i32
      %mul3A_46 = arith.muli %while3A_44, %mul3A_45 : i32
      %add3A_47 = arith.addi %add3A_26, %mul3A_46 : i32
      %multiple_of3A = tpu.assume_multiple %add3A_47, 8 : i32
      "tpu.region"() ({
        %run_scoped3A = tpu.sem_alloc : memref<!tpu.dma_semaphore, #tpu.memory_space<semaphore_mem>>
        %dma_start3A_52 = tpu.memref_slice %arg4[%multiple_of3A] : memref<320000xi32, #tpu.memory_space<hbm>> -> memref<128xi32, #tpu.memory_space<hbm>>
        %dma_start3A_53 = tpu.memref_slice %arg4[%multiple_of3A] : memref<320000xi32, #tpu.memory_space<hbm>> -> memref<128xi32, #tpu.memory_space<hbm>>
        tpu.enqueue_dma source(%dma_start3A_53 : memref<128xi32, #tpu.memory_space<hbm>>) target(%arg8 : memref<128xi32, #tpu.memory_space<vmem>>) target_semaphore(%run_scoped3A : memref<!tpu.dma_semaphore, #tpu.memory_space<semaphore_mem>>)
        %dma_wait3A_54 = tpu.memref_slice %arg4[%multiple_of3A] : memref<320000xi32, #tpu.memory_space<hbm>> -> memref<128xi32, #tpu.memory_space<hbm>>
        %dma_wait3A_55 = tpu.memref_slice %arg4[%multiple_of3A] : memref<320000xi32, #tpu.memory_space<hbm>> -> memref<128xi32, #tpu.memory_space<hbm>>
        tpu.wait_dma2 semaphore(%run_scoped3A : memref<!tpu.dma_semaphore, #tpu.memory_space<semaphore_mem>>) src(%dma_wait3A_55 : memref<128xi32, #tpu.memory_space<hbm>>) dst(%arg8 : memref<128xi32, #tpu.memory_space<vmem>>)
        tpu.yield
      }) : () -> ()
      "tpu.region"() ({
        %run_scoped3A = tpu.sem_alloc : memref<!tpu.dma_semaphore, #tpu.memory_space<semaphore_mem>>
        %dma_start3A_52 = tpu.memref_slice %arg5[%multiple_of3A] : memref<320000xi32, #tpu.memory_space<hbm>> -> memref<128xi32, #tpu.memory_space<hbm>>
        %dma_start3A_53 = tpu.memref_slice %arg5[%multiple_of3A] : memref<320000xi32, #tpu.memory_space<hbm>> -> memref<128xi32, #tpu.memory_space<hbm>>
        tpu.enqueue_dma source(%dma_start3A_53 : memref<128xi32, #tpu.memory_space<hbm>>) target(%arg9 : memref<128xi32, #tpu.memory_space<vmem>>) target_semaphore(%run_scoped3A : memref<!tpu.dma_semaphore, #tpu.memory_space<semaphore_mem>>)
        %dma_wait3A_54 = tpu.memref_slice %arg5[%multiple_of3A] : memref<320000xi32, #tpu.memory_space<hbm>> -> memref<128xi32, #tpu.memory_space<hbm>>
        %dma_wait3A_55 = tpu.memref_slice %arg5[%multiple_of3A] : memref<320000xi32, #tpu.memory_space<hbm>> -> memref<128xi32, #tpu.memory_space<hbm>>
        tpu.wait_dma2 semaphore(%run_scoped3A : memref<!tpu.dma_semaphore, #tpu.memory_space<semaphore_mem>>) src(%dma_wait3A_55 : memref<128xi32, #tpu.memory_space<hbm>>) dst(%arg9 : memref<128xi32, #tpu.memory_space<vmem>>)
        tpu.yield
      }) : () -> ()
      "tpu.region"() ({
        %run_scoped3A = tpu.sem_alloc : memref<!tpu.dma_semaphore, #tpu.memory_space<semaphore_mem>>
        %dma_start3A_52 = arith.constant 0 : i32
        %dma_start3A_53 = tpu.memref_slice %arg3[%multiple_of3A, %dma_start3A_52] : memref<320000x128xf32, #tpu.memory_space<hbm>> -> memref<128x128xf32, #tpu.memory_space<hbm>>
        %dma_start3A_54 = arith.constant 0 : i32
        %dma_start3A_55 = tpu.memref_slice %arg3[%multiple_of3A, %dma_start3A_54] : memref<320000x128xf32, #tpu.memory_space<hbm>> -> memref<128x128xf32, #tpu.memory_space<hbm>>
        tpu.enqueue_dma source(%dma_start3A_55 : memref<128x128xf32, #tpu.memory_space<hbm>>) target(%arg11 : memref<128x128xf32, #tpu.memory_space<vmem>>) target_semaphore(%run_scoped3A : memref<!tpu.dma_semaphore, #tpu.memory_space<semaphore_mem>>)
        %dma_wait3A_56 = arith.constant 0 : i32
        %dma_wait3A_57 = tpu.memref_slice %arg3[%multiple_of3A, %dma_wait3A_56] : memref<320000x128xf32, #tpu.memory_space<hbm>> -> memref<128x128xf32, #tpu.memory_space<hbm>>
        %dma_wait3A_58 = arith.constant 0 : i32
        %dma_wait3A_59 = tpu.memref_slice %arg3[%multiple_of3A, %dma_wait3A_58] : memref<320000x128xf32, #tpu.memory_space<hbm>> -> memref<128x128xf32, #tpu.memory_space<hbm>>
        tpu.wait_dma2 semaphore(%run_scoped3A : memref<!tpu.dma_semaphore, #tpu.memory_space<semaphore_mem>>) src(%dma_wait3A_59 : memref<128x128xf32, #tpu.memory_space<hbm>>) dst(%arg11 : memref<128x128xf32, #tpu.memory_space<vmem>>)
        tpu.yield
      }) : () -> ()
      %dma_start3A = arith.constant 0 : i32
      %dma_start3A_48 = arith.constant 0 : i32
      %dma_start3A_49 = tpu.memref_slice %arg2[%dma_start3A, %dma_start3A_48] : memref<10000x128xf32, #tpu.memory_space<hbm>> -> memref<10000x128xf32, #tpu.memory_space<hbm>>
      tpu.enqueue_indirect_dma source(%dma_start3A_49 : memref<10000x128xf32, #tpu.memory_space<hbm>>) target(%arg10 : memref<128x128xf32, #tpu.memory_space<vmem>>) offsets(%arg8 : memref<128xi32, #tpu.memory_space<vmem>>) semaphore(%arg14 : memref<!tpu.dma_semaphore, #tpu.memory_space<semaphore_mem>>)
      %dma_wait3A = arith.constant 0 : i32
      %dma_wait3A_50 = arith.constant 0 : i32
      %dma_wait3A_51 = tpu.memref_slice %arg2[%dma_wait3A, %dma_wait3A_50] : memref<10000x128xf32, #tpu.memory_space<hbm>> -> memref<10000x128xf32, #tpu.memory_space<hbm>>
      tpu.wait_indirect_dma semaphore(%arg14 : memref<!tpu.dma_semaphore, #tpu.memory_space<semaphore_mem>>) src(%dma_wait3A_51 : memref<10000x128xf32, #tpu.memory_space<hbm>>) dst(%arg10 : memref<128x128xf32, #tpu.memory_space<vmem>>)
      "tpu.region"() ({
        %run_scoped3A = tpu.sem_alloc : memref<!tpu.dma_semaphore, #tpu.memory_space<semaphore_mem>>
        %dma_start3A_52 = arith.constant 0 : i32
        %dma_start3A_53 = arith.constant 0 : i32
        %dma_start3A_54 = tpu.memref_slice %arg13[%dma_start3A_52, %dma_start3A_53] : memref<10000x128xf32, #tpu.memory_space<vmem_shared>> -> memref<10000x128xf32, #tpu.memory_space<vmem_shared>>
        tpu.enqueue_indirect_dma source(%arg10 : memref<128x128xf32, #tpu.memory_space<vmem>>) target(%dma_start3A_54 : memref<10000x128xf32, #tpu.memory_space<vmem_shared>>) offsets(%arg9 : memref<128xi32, #tpu.memory_space<vmem>>) semaphore(%run_scoped3A : memref<!tpu.dma_semaphore, #tpu.memory_space<semaphore_mem>>) {add = true}
        %dma_wait3A_55 = arith.constant 0 : i32
        %dma_wait3A_56 = arith.constant 0 : i32
        %dma_wait3A_57 = tpu.memref_slice %arg13[%dma_wait3A_55, %dma_wait3A_56] : memref<10000x128xf32, #tpu.memory_space<vmem_shared>> -> memref<10000x128xf32, #tpu.memory_space<vmem_shared>>
        tpu.wait_indirect_dma semaphore(%run_scoped3A : memref<!tpu.dma_semaphore, #tpu.memory_space<semaphore_mem>>) src(%arg10 : memref<128x128xf32, #tpu.memory_space<vmem>>) dst(%dma_wait3A_57 : memref<10000x128xf32, #tpu.memory_space<vmem_shared>>)
        tpu.yield
      }) : () -> ()
      "tpu.region"() ({
        %run_scoped3A = tpu.sem_alloc : memref<!tpu.dma_semaphore, #tpu.memory_space<semaphore_mem>>
        %dma_start3A_52 = arith.constant 0 : i32
        %dma_start3A_53 = arith.constant 0 : i32
        %dma_start3A_54 = tpu.memref_slice %arg13[%dma_start3A_52, %dma_start3A_53] : memref<10000x128xf32, #tpu.memory_space<vmem_shared>> -> memref<10000x128xf32, #tpu.memory_space<vmem_shared>>
        tpu.enqueue_indirect_dma source(%arg11 : memref<128x128xf32, #tpu.memory_space<vmem>>) target(%dma_start3A_54 : memref<10000x128xf32, #tpu.memory_space<vmem_shared>>) offsets(%arg9 : memref<128xi32, #tpu.memory_space<vmem>>) semaphore(%run_scoped3A : memref<!tpu.dma_semaphore, #tpu.memory_space<semaphore_mem>>) {add = true}
        %dma_wait3A_55 = arith.constant 0 : i32
        %dma_wait3A_56 = arith.constant 0 : i32
        %dma_wait3A_57 = tpu.memref_slice %arg13[%dma_wait3A_55, %dma_wait3A_56] : memref<10000x128xf32, #tpu.memory_space<vmem_shared>> -> memref<10000x128xf32, #tpu.memory_space<vmem_shared>>
        tpu.wait_indirect_dma semaphore(%run_scoped3A : memref<!tpu.dma_semaphore, #tpu.memory_space<semaphore_mem>>) src(%arg11 : memref<128x128xf32, #tpu.memory_space<vmem>>) dst(%dma_wait3A_57 : memref<10000x128xf32, #tpu.memory_space<vmem_shared>>)
        tpu.yield
      }) : () -> ()
    }
    %barrier3A_36 = arith.constant 0 : index
    tpu.barrier barrier_id(%barrier3A_36)
    %mul3A_37 = arith.constant 624 : i32
    %mul3A_38 = arith.muli %arg1, %mul3A_37 : i32
    "tpu.region"() ({
      %run_scoped3A = tpu.sem_alloc : memref<!tpu.dma_semaphore, #tpu.memory_space<semaphore_mem>>
      %dma_start3A = arith.constant 0 : i32
      %dma_start3A_44 = arith.constant 0 : i32
      %dma_start3A_45 = tpu.memref_slice %arg7[%arg0, %dma_start3A, %dma_start3A_44] : memref<2x10000x128xf32, #tpu.memory_space<hbm>> -> memref<1x10000x128xf32, #tpu.memory_space<hbm>>
      %dma_start3A_46 = tpu.memref_squeeze %dma_start3A_45 : memref<1x10000x128xf32, #tpu.memory_space<hbm>> -> memref<10000x128xf32, #tpu.memory_space<hbm>>
      %dma_start3A_47 = arith.constant 0 : i32
      %dma_start3A_48 = tpu.memref_slice %dma_start3A_46[%mul3A_38, %dma_start3A_47] : memref<10000x128xf32, #tpu.memory_space<hbm>> -> memref<624x128xf32, #tpu.memory_space<hbm>>
      %dma_start3A_49 = arith.constant 0 : i32
      %dma_start3A_50 = tpu.memref_slice %arg13[%mul3A_38, %dma_start3A_49] : memref<10000x128xf32, #tpu.memory_space<vmem_shared>> -> memref<624x128xf32, #tpu.memory_space<vmem_shared>>
      tpu.enqueue_dma source(%dma_start3A_50 : memref<624x128xf32, #tpu.memory_space<vmem_shared>>) target(%dma_start3A_48 : memref<624x128xf32, #tpu.memory_space<hbm>>) target_semaphore(%run_scoped3A : memref<!tpu.dma_semaphore, #tpu.memory_space<semaphore_mem>>)
      %dma_wait3A = arith.constant 0 : i32
      %dma_wait3A_51 = arith.constant 0 : i32
      %dma_wait3A_52 = tpu.memref_slice %arg7[%arg0, %dma_wait3A, %dma_wait3A_51] : memref<2x10000x128xf32, #tpu.memory_space<hbm>> -> memref<1x10000x128xf32, #tpu.memory_space<hbm>>
      %dma_wait3A_53 = tpu.memref_squeeze %dma_wait3A_52 : memref<1x10000x128xf32, #tpu.memory_space<hbm>> -> memref<10000x128xf32, #tpu.memory_space<hbm>>
      %dma_wait3A_54 = arith.constant 0 : i32
      %dma_wait3A_55 = tpu.memref_slice %dma_wait3A_53[%mul3A_38, %dma_wait3A_54] : memref<10000x128xf32, #tpu.memory_space<hbm>> -> memref<624x128xf32, #tpu.memory_space<hbm>>
      %dma_wait3A_56 = arith.constant 0 : i32
      %dma_wait3A_57 = tpu.memref_slice %arg13[%mul3A_38, %dma_wait3A_56] : memref<10000x128xf32, #tpu.memory_space<vmem_shared>> -> memref<624x128xf32, #tpu.memory_space<vmem_shared>>
      tpu.wait_dma2 semaphore(%run_scoped3A : memref<!tpu.dma_semaphore, #tpu.memory_space<semaphore_mem>>) src(%dma_wait3A_57 : memref<624x128xf32, #tpu.memory_space<vmem_shared>>) dst(%dma_wait3A_55 : memref<624x128xf32, #tpu.memory_space<hbm>>)
      tpu.yield
    }) : () -> ()
    %eq3A_39 = arith.constant 15 : i32
    %eq3A_40 = arith.cmpi eq, %arg1, %eq3A_39 : i32
    %convert_element_type3A_41 = arith.extui %eq3A_40 : i1 to i32
    %cond3A_42 = arith.constant 0 : i32
    %cond3A_43 = arith.cmpi ne, %convert_element_type3A_41, %cond3A_42 : i32
    scf.if %cond3A_43 {
      %add3A_44 = arith.constant 624 : i32
      %add3A_45 = arith.addi %mul3A_38, %add3A_44 : i32
      %add3A_46 = arith.constant 624 : i32
      %add3A_47 = arith.addi %mul3A_38, %add3A_46 : i32
      "tpu.region"() ({
        %run_scoped3A = tpu.sem_alloc : memref<!tpu.dma_semaphore, #tpu.memory_space<semaphore_mem>>
        %dma_start3A = arith.constant 0 : i32
        %dma_start3A_48 = arith.constant 0 : i32
        %dma_start3A_49 = tpu.memref_slice %arg7[%arg0, %dma_start3A, %dma_start3A_48] : memref<2x10000x128xf32, #tpu.memory_space<hbm>> -> memref<1x10000x128xf32, #tpu.memory_space<hbm>>
        %dma_start3A_50 = tpu.memref_squeeze %dma_start3A_49 : memref<1x10000x128xf32, #tpu.memory_space<hbm>> -> memref<10000x128xf32, #tpu.memory_space<hbm>>
        %dma_start3A_51 = arith.constant 0 : i32
        %dma_start3A_52 = tpu.memref_slice %dma_start3A_50[%add3A_47, %dma_start3A_51] : memref<10000x128xf32, #tpu.memory_space<hbm>> -> memref<16x128xf32, #tpu.memory_space<hbm>>
        %dma_start3A_53 = arith.constant 0 : i32
        %dma_start3A_54 = tpu.memref_slice %arg13[%add3A_45, %dma_start3A_53] : memref<10000x128xf32, #tpu.memory_space<vmem_shared>> -> memref<16x128xf32, #tpu.memory_space<vmem_shared>>
        tpu.enqueue_dma source(%dma_start3A_54 : memref<16x128xf32, #tpu.memory_space<vmem_shared>>) target(%dma_start3A_52 : memref<16x128xf32, #tpu.memory_space<hbm>>) target_semaphore(%run_scoped3A : memref<!tpu.dma_semaphore, #tpu.memory_space<semaphore_mem>>)
        %dma_wait3A = arith.constant 0 : i32
        %dma_wait3A_55 = arith.constant 0 : i32
        %dma_wait3A_56 = tpu.memref_slice %arg7[%arg0, %dma_wait3A, %dma_wait3A_55] : memref<2x10000x128xf32, #tpu.memory_space<hbm>> -> memref<1x10000x128xf32, #tpu.memory_space<hbm>>
        %dma_wait3A_57 = tpu.memref_squeeze %dma_wait3A_56 : memref<1x10000x128xf32, #tpu.memory_space<hbm>> -> memref<10000x128xf32, #tpu.memory_space<hbm>>
        %dma_wait3A_58 = arith.constant 0 : i32
        %dma_wait3A_59 = tpu.memref_slice %dma_wait3A_57[%add3A_47, %dma_wait3A_58] : memref<10000x128xf32, #tpu.memory_space<hbm>> -> memref<16x128xf32, #tpu.memory_space<hbm>>
        %dma_wait3A_60 = arith.constant 0 : i32
        %dma_wait3A_61 = tpu.memref_slice %arg13[%add3A_45, %dma_wait3A_60] : memref<10000x128xf32, #tpu.memory_space<vmem_shared>> -> memref<16x128xf32, #tpu.memory_space<vmem_shared>>
        tpu.wait_dma2 semaphore(%run_scoped3A : memref<!tpu.dma_semaphore, #tpu.memory_space<semaphore_mem>>) src(%dma_wait3A_61 : memref<16x128xf32, #tpu.memory_space<vmem_shared>>) dst(%dma_wait3A_59 : memref<16x128xf32, #tpu.memory_space<hbm>>)
        tpu.yield
      }) : () -> ()
    } else {
    }
    return
  }
}

#map = affine_map<(d0, d1) -> (0, 0)>
#map1 = affine_map<(d0, d1) -> (0)>
#map2 = affine_map<(d0, d1) -> (0, 0, 0)>
module attributes {stable_mosaic.version = 14 : i64} {
  func.func @_adj_gs(%arg0: i32, %arg1: i32, %arg2: memref<10000x128xf32, #tpu.memory_space<hbm>>, %arg3: memref<320000x128xf32, #tpu.memory_space<hbm>>, %arg4: memref<320000xi32, #tpu.memory_space<hbm>>, %arg5: memref<320000xi32, #tpu.memory_space<hbm>>, %arg6: memref<104x128xf32, #tpu.memory_space<hbm>>, %arg7: memref<2x10000x128xf32, #tpu.memory_space<hbm>>, %arg8: memref<128xi32, #tpu.memory_space<vmem>>, %arg9: memref<128xi32, #tpu.memory_space<vmem>>, %arg10: memref<128x128xf32, #tpu.memory_space<vmem>>, %arg11: memref<128x128xf32, #tpu.memory_space<vmem>>, %arg12: memref<104x128xf32, #tpu.memory_space<vmem>>, %arg13: memref<10000x128xf32, #tpu.memory_space<vmem_shared>>, %arg14: memref<!tpu.dma_semaphore, #tpu.memory_space<semaphore_mem>>) attributes {dimension_semantics = [#tpu.dimension_semantics<core_parallel>, #tpu.dimension_semantics<subcore_parallel>], iteration_bounds = array<i64: 2, 16>, scalar_prefetch = 0 : i64, scratch_operands = 7 : i64, tpu.core_type = #tpu.core_type<sc_vector_subcore>, window_params = [{transform_indices = #map}, {transform_indices = #map}, {transform_indices = #map1}, {transform_indices = #map1}, {transform_indices = #map}, {transform_indices = #map2}]} {
    %mul3A = arith.constant 2 : i32
    %mul3A_0 = arith.muli %arg1, %mul3A : i32
    %add3A = arith.addi %mul3A_0, %arg0 : i32
    "tpu.region"() ({
      %run_scoped3A = tpu.sem_alloc : memref<!tpu.dma_semaphore, #tpu.memory_space<semaphore_mem>>
      tpu.enqueue_dma source(%arg6 : memref<104x128xf32, #tpu.memory_space<hbm>>) target(%arg12 : memref<104x128xf32, #tpu.memory_space<vmem>>) target_semaphore(%run_scoped3A : memref<!tpu.dma_semaphore, #tpu.memory_space<semaphore_mem>>)
      tpu.wait_dma2 semaphore(%run_scoped3A : memref<!tpu.dma_semaphore, #tpu.memory_space<semaphore_mem>>) src(%arg6 : memref<104x128xf32, #tpu.memory_space<hbm>>) dst(%arg12 : memref<104x128xf32, #tpu.memory_space<vmem>>)
      tpu.yield
    }) : () -> ()
    %mul3A_1 = arith.constant 624 : i32
    %mul3A_2 = arith.muli %arg1, %mul3A_1 : i32
    %add3A_3 = arith.constant 0 : i32
    %add3A_4 = arith.addi %mul3A_2, %add3A_3 : i32
    "tpu.region"() ({
      %run_scoped3A = tpu.sem_alloc : memref<!tpu.dma_semaphore, #tpu.memory_space<semaphore_mem>>
      %dma_start3A = arith.constant 0 : i32
      %dma_start3A_44 = tpu.memref_slice %arg13[%add3A_4, %dma_start3A] : memref<10000x128xf32, #tpu.memory_space<vmem_shared>> -> memref<104x128xf32, #tpu.memory_space<vmem_shared>>
      %dma_start3A_45 = arith.constant 0 : i32
      %dma_start3A_46 = tpu.memref_slice %arg13[%add3A_4, %dma_start3A_45] : memref<10000x128xf32, #tpu.memory_space<vmem_shared>> -> memref<104x128xf32, #tpu.memory_space<vmem_shared>>
      tpu.enqueue_dma source(%arg12 : memref<104x128xf32, #tpu.memory_space<vmem>>) target(%dma_start3A_46 : memref<104x128xf32, #tpu.memory_space<vmem_shared>>) target_semaphore(%run_scoped3A : memref<!tpu.dma_semaphore, #tpu.memory_space<semaphore_mem>>)
      %dma_wait3A = arith.constant 0 : i32
      %dma_wait3A_47 = tpu.memref_slice %arg13[%add3A_4, %dma_wait3A] : memref<10000x128xf32, #tpu.memory_space<vmem_shared>> -> memref<104x128xf32, #tpu.memory_space<vmem_shared>>
      %dma_wait3A_48 = arith.constant 0 : i32
      %dma_wait3A_49 = tpu.memref_slice %arg13[%add3A_4, %dma_wait3A_48] : memref<10000x128xf32, #tpu.memory_space<vmem_shared>> -> memref<104x128xf32, #tpu.memory_space<vmem_shared>>
      tpu.wait_dma2 semaphore(%run_scoped3A : memref<!tpu.dma_semaphore, #tpu.memory_space<semaphore_mem>>) src(%arg12 : memref<104x128xf32, #tpu.memory_space<vmem>>) dst(%dma_wait3A_49 : memref<104x128xf32, #tpu.memory_space<vmem_shared>>)
      tpu.yield
    }) : () -> ()
    %add3A_5 = arith.constant 104 : i32
    %add3A_6 = arith.addi %mul3A_2, %add3A_5 : i32
    "tpu.region"() ({
      %run_scoped3A = tpu.sem_alloc : memref<!tpu.dma_semaphore, #tpu.memory_space<semaphore_mem>>
      %dma_start3A = arith.constant 0 : i32
      %dma_start3A_44 = tpu.memref_slice %arg13[%add3A_6, %dma_start3A] : memref<10000x128xf32, #tpu.memory_space<vmem_shared>> -> memref<104x128xf32, #tpu.memory_space<vmem_shared>>
      %dma_start3A_45 = arith.constant 0 : i32
      %dma_start3A_46 = tpu.memref_slice %arg13[%add3A_6, %dma_start3A_45] : memref<10000x128xf32, #tpu.memory_space<vmem_shared>> -> memref<104x128xf32, #tpu.memory_space<vmem_shared>>
      tpu.enqueue_dma source(%arg12 : memref<104x128xf32, #tpu.memory_space<vmem>>) target(%dma_start3A_46 : memref<104x128xf32, #tpu.memory_space<vmem_shared>>) target_semaphore(%run_scoped3A : memref<!tpu.dma_semaphore, #tpu.memory_space<semaphore_mem>>)
      %dma_wait3A = arith.constant 0 : i32
      %dma_wait3A_47 = tpu.memref_slice %arg13[%add3A_6, %dma_wait3A] : memref<10000x128xf32, #tpu.memory_space<vmem_shared>> -> memref<104x128xf32, #tpu.memory_space<vmem_shared>>
      %dma_wait3A_48 = arith.constant 0 : i32
      %dma_wait3A_49 = tpu.memref_slice %arg13[%add3A_6, %dma_wait3A_48] : memref<10000x128xf32, #tpu.memory_space<vmem_shared>> -> memref<104x128xf32, #tpu.memory_space<vmem_shared>>
      tpu.wait_dma2 semaphore(%run_scoped3A : memref<!tpu.dma_semaphore, #tpu.memory_space<semaphore_mem>>) src(%arg12 : memref<104x128xf32, #tpu.memory_space<vmem>>) dst(%dma_wait3A_49 : memref<104x128xf32, #tpu.memory_space<vmem_shared>>)
      tpu.yield
    }) : () -> ()
    %add3A_7 = arith.constant 208 : i32
    %add3A_8 = arith.addi %mul3A_2, %add3A_7 : i32
    "tpu.region"() ({
      %run_scoped3A = tpu.sem_alloc : memref<!tpu.dma_semaphore, #tpu.memory_space<semaphore_mem>>
      %dma_start3A = arith.constant 0 : i32
      %dma_start3A_44 = tpu.memref_slice %arg13[%add3A_8, %dma_start3A] : memref<10000x128xf32, #tpu.memory_space<vmem_shared>> -> memref<104x128xf32, #tpu.memory_space<vmem_shared>>
      %dma_start3A_45 = arith.constant 0 : i32
      %dma_start3A_46 = tpu.memref_slice %arg13[%add3A_8, %dma_start3A_45] : memref<10000x128xf32, #tpu.memory_space<vmem_shared>> -> memref<104x128xf32, #tpu.memory_space<vmem_shared>>
      tpu.enqueue_dma source(%arg12 : memref<104x128xf32, #tpu.memory_space<vmem>>) target(%dma_start3A_46 : memref<104x128xf32, #tpu.memory_space<vmem_shared>>) target_semaphore(%run_scoped3A : memref<!tpu.dma_semaphore, #tpu.memory_space<semaphore_mem>>)
      %dma_wait3A = arith.constant 0 : i32
      %dma_wait3A_47 = tpu.memref_slice %arg13[%add3A_8, %dma_wait3A] : memref<10000x128xf32, #tpu.memory_space<vmem_shared>> -> memref<104x128xf32, #tpu.memory_space<vmem_shared>>
      %dma_wait3A_48 = arith.constant 0 : i32
      %dma_wait3A_49 = tpu.memref_slice %arg13[%add3A_8, %dma_wait3A_48] : memref<10000x128xf32, #tpu.memory_space<vmem_shared>> -> memref<104x128xf32, #tpu.memory_space<vmem_shared>>
      tpu.wait_dma2 semaphore(%run_scoped3A : memref<!tpu.dma_semaphore, #tpu.memory_space<semaphore_mem>>) src(%arg12 : memref<104x128xf32, #tpu.memory_space<vmem>>) dst(%dma_wait3A_49 : memref<104x128xf32, #tpu.memory_space<vmem_shared>>)
      tpu.yield
    }) : () -> ()
    %add3A_9 = arith.constant 312 : i32
    %add3A_10 = arith.addi %mul3A_2, %add3A_9 : i32
    "tpu.region"() ({
      %run_scoped3A = tpu.sem_alloc : memref<!tpu.dma_semaphore, #tpu.memory_space<semaphore_mem>>
      %dma_start3A = arith.constant 0 : i32
      %dma_start3A_44 = tpu.memref_slice %arg13[%add3A_10, %dma_start3A] : memref<10000x128xf32, #tpu.memory_space<vmem_shared>> -> memref<104x128xf32, #tpu.memory_space<vmem_shared>>
      %dma_start3A_45 = arith.constant 0 : i32
      %dma_start3A_46 = tpu.memref_slice %arg13[%add3A_10, %dma_start3A_45] : memref<10000x128xf32, #tpu.memory_space<vmem_shared>> -> memref<104x128xf32, #tpu.memory_space<vmem_shared>>
      tpu.enqueue_dma source(%arg12 : memref<104x128xf32, #tpu.memory_space<vmem>>) target(%dma_start3A_46 : memref<104x128xf32, #tpu.memory_space<vmem_shared>>) target_semaphore(%run_scoped3A : memref<!tpu.dma_semaphore, #tpu.memory_space<semaphore_mem>>)
      %dma_wait3A = arith.constant 0 : i32
      %dma_wait3A_47 = tpu.memref_slice %arg13[%add3A_10, %dma_wait3A] : memref<10000x128xf32, #tpu.memory_space<vmem_shared>> -> memref<104x128xf32, #tpu.memory_space<vmem_shared>>
      %dma_wait3A_48 = arith.constant 0 : i32
      %dma_wait3A_49 = tpu.memref_slice %arg13[%add3A_10, %dma_wait3A_48] : memref<10000x128xf32, #tpu.memory_space<vmem_shared>> -> memref<104x128xf32, #tpu.memory_space<vmem_shared>>
      tpu.wait_dma2 semaphore(%run_scoped3A : memref<!tpu.dma_semaphore, #tpu.memory_space<semaphore_mem>>) src(%arg12 : memref<104x128xf32, #tpu.memory_space<vmem>>) dst(%dma_wait3A_49 : memref<104x128xf32, #tpu.memory_space<vmem_shared>>)
      tpu.yield
    }) : () -> ()
    %add3A_11 = arith.constant 416 : i32
    %add3A_12 = arith.addi %mul3A_2, %add3A_11 : i32
    "tpu.region"() ({
      %run_scoped3A = tpu.sem_alloc : memref<!tpu.dma_semaphore, #tpu.memory_space<semaphore_mem>>
      %dma_start3A = arith.constant 0 : i32
      %dma_start3A_44 = tpu.memref_slice %arg13[%add3A_12, %dma_start3A] : memref<10000x128xf32, #tpu.memory_space<vmem_shared>> -> memref<104x128xf32, #tpu.memory_space<vmem_shared>>
      %dma_start3A_45 = arith.constant 0 : i32
      %dma_start3A_46 = tpu.memref_slice %arg13[%add3A_12, %dma_start3A_45] : memref<10000x128xf32, #tpu.memory_space<vmem_shared>> -> memref<104x128xf32, #tpu.memory_space<vmem_shared>>
      tpu.enqueue_dma source(%arg12 : memref<104x128xf32, #tpu.memory_space<vmem>>) target(%dma_start3A_46 : memref<104x128xf32, #tpu.memory_space<vmem_shared>>) target_semaphore(%run_scoped3A : memref<!tpu.dma_semaphore, #tpu.memory_space<semaphore_mem>>)
      %dma_wait3A = arith.constant 0 : i32
      %dma_wait3A_47 = tpu.memref_slice %arg13[%add3A_12, %dma_wait3A] : memref<10000x128xf32, #tpu.memory_space<vmem_shared>> -> memref<104x128xf32, #tpu.memory_space<vmem_shared>>
      %dma_wait3A_48 = arith.constant 0 : i32
      %dma_wait3A_49 = tpu.memref_slice %arg13[%add3A_12, %dma_wait3A_48] : memref<10000x128xf32, #tpu.memory_space<vmem_shared>> -> memref<104x128xf32, #tpu.memory_space<vmem_shared>>
      tpu.wait_dma2 semaphore(%run_scoped3A : memref<!tpu.dma_semaphore, #tpu.memory_space<semaphore_mem>>) src(%arg12 : memref<104x128xf32, #tpu.memory_space<vmem>>) dst(%dma_wait3A_49 : memref<104x128xf32, #tpu.memory_space<vmem_shared>>)
      tpu.yield
    }) : () -> ()
    %add3A_13 = arith.constant 520 : i32
    %add3A_14 = arith.addi %mul3A_2, %add3A_13 : i32
    "tpu.region"() ({
      %run_scoped3A = tpu.sem_alloc : memref<!tpu.dma_semaphore, #tpu.memory_space<semaphore_mem>>
      %dma_start3A = arith.constant 0 : i32
      %dma_start3A_44 = tpu.memref_slice %arg13[%add3A_14, %dma_start3A] : memref<10000x128xf32, #tpu.memory_space<vmem_shared>> -> memref<104x128xf32, #tpu.memory_space<vmem_shared>>
      %dma_start3A_45 = arith.constant 0 : i32
      %dma_start3A_46 = tpu.memref_slice %arg13[%add3A_14, %dma_start3A_45] : memref<10000x128xf32, #tpu.memory_space<vmem_shared>> -> memref<104x128xf32, #tpu.memory_space<vmem_shared>>
      tpu.enqueue_dma source(%arg12 : memref<104x128xf32, #tpu.memory_space<vmem>>) target(%dma_start3A_46 : memref<104x128xf32, #tpu.memory_space<vmem_shared>>) target_semaphore(%run_scoped3A : memref<!tpu.dma_semaphore, #tpu.memory_space<semaphore_mem>>)
      %dma_wait3A = arith.constant 0 : i32
      %dma_wait3A_47 = tpu.memref_slice %arg13[%add3A_14, %dma_wait3A] : memref<10000x128xf32, #tpu.memory_space<vmem_shared>> -> memref<104x128xf32, #tpu.memory_space<vmem_shared>>
      %dma_wait3A_48 = arith.constant 0 : i32
      %dma_wait3A_49 = tpu.memref_slice %arg13[%add3A_14, %dma_wait3A_48] : memref<10000x128xf32, #tpu.memory_space<vmem_shared>> -> memref<104x128xf32, #tpu.memory_space<vmem_shared>>
      tpu.wait_dma2 semaphore(%run_scoped3A : memref<!tpu.dma_semaphore, #tpu.memory_space<semaphore_mem>>) src(%arg12 : memref<104x128xf32, #tpu.memory_space<vmem>>) dst(%dma_wait3A_49 : memref<104x128xf32, #tpu.memory_space<vmem_shared>>)
      tpu.yield
    }) : () -> ()
    %eq3A = arith.constant 15 : i32
    %eq3A_15 = arith.cmpi eq, %arg1, %eq3A : i32
    %convert_element_type3A = arith.extui %eq3A_15 : i1 to i32
    %cond3A = arith.constant 0 : i32
    %cond3A_16 = arith.cmpi ne, %convert_element_type3A, %cond3A : i32
    scf.if %cond3A_16 {
      %add3A_44 = arith.constant 624 : i32
      %add3A_45 = arith.addi %mul3A_2, %add3A_44 : i32
      "tpu.region"() ({
        %run_scoped3A = tpu.sem_alloc : memref<!tpu.dma_semaphore, #tpu.memory_space<semaphore_mem>>
        %dma_start3A = arith.constant 0 : i32
        %dma_start3A_46 = arith.constant 0 : i32
        %dma_start3A_47 = tpu.memref_slice %arg12[%dma_start3A, %dma_start3A_46] : memref<104x128xf32, #tpu.memory_space<vmem>> -> memref<16x128xf32, #tpu.memory_space<vmem>>
        %dma_start3A_48 = arith.constant 0 : i32
        %dma_start3A_49 = tpu.memref_slice %arg13[%add3A_45, %dma_start3A_48] : memref<10000x128xf32, #tpu.memory_space<vmem_shared>> -> memref<16x128xf32, #tpu.memory_space<vmem_shared>>
        %dma_start3A_50 = arith.constant 0 : i32
        %dma_start3A_51 = tpu.memref_slice %arg13[%add3A_45, %dma_start3A_50] : memref<10000x128xf32, #tpu.memory_space<vmem_shared>> -> memref<16x128xf32, #tpu.memory_space<vmem_shared>>
        %dma_start3A_52 = arith.constant 0 : i32
        %dma_start3A_53 = arith.constant 0 : i32
        %dma_start3A_54 = tpu.memref_slice %arg12[%dma_start3A_52, %dma_start3A_53] : memref<104x128xf32, #tpu.memory_space<vmem>> -> memref<16x128xf32, #tpu.memory_space<vmem>>
        tpu.enqueue_dma source(%dma_start3A_54 : memref<16x128xf32, #tpu.memory_space<vmem>>) target(%dma_start3A_51 : memref<16x128xf32, #tpu.memory_space<vmem_shared>>) target_semaphore(%run_scoped3A : memref<!tpu.dma_semaphore, #tpu.memory_space<semaphore_mem>>)
        %dma_wait3A = arith.constant 0 : i32
        %dma_wait3A_55 = arith.constant 0 : i32
        %dma_wait3A_56 = tpu.memref_slice %arg12[%dma_wait3A, %dma_wait3A_55] : memref<104x128xf32, #tpu.memory_space<vmem>> -> memref<16x128xf32, #tpu.memory_space<vmem>>
        %dma_wait3A_57 = arith.constant 0 : i32
        %dma_wait3A_58 = tpu.memref_slice %arg13[%add3A_45, %dma_wait3A_57] : memref<10000x128xf32, #tpu.memory_space<vmem_shared>> -> memref<16x128xf32, #tpu.memory_space<vmem_shared>>
        %dma_wait3A_59 = arith.constant 0 : i32
        %dma_wait3A_60 = tpu.memref_slice %arg13[%add3A_45, %dma_wait3A_59] : memref<10000x128xf32, #tpu.memory_space<vmem_shared>> -> memref<16x128xf32, #tpu.memory_space<vmem_shared>>
        %dma_wait3A_61 = arith.constant 0 : i32
        %dma_wait3A_62 = arith.constant 0 : i32
        %dma_wait3A_63 = tpu.memref_slice %arg12[%dma_wait3A_61, %dma_wait3A_62] : memref<104x128xf32, #tpu.memory_space<vmem>> -> memref<16x128xf32, #tpu.memory_space<vmem>>
        tpu.wait_dma2 semaphore(%run_scoped3A : memref<!tpu.dma_semaphore, #tpu.memory_space<semaphore_mem>>) src(%dma_wait3A_63 : memref<16x128xf32, #tpu.memory_space<vmem>>) dst(%dma_wait3A_60 : memref<16x128xf32, #tpu.memory_space<vmem_shared>>)
        tpu.yield
      }) : () -> ()
    } else {
    }
    %barrier3A = arith.constant 0 : index
    tpu.barrier barrier_id(%barrier3A)
    %lt3A = arith.constant 4 : i32
    %lt3A_17 = arith.cmpi slt, %add3A, %lt3A : i32
    %jit3A = arith.constant 1 : i32
    %jit3A_18 = arith.constant 0 : i32
    %select_n3A = arith.select %lt3A_17, %jit3A, %jit3A_18 : i32
    %add3A_19 = arith.constant 78 : i32
    %add3A_20 = arith.addi %add3A_19, %select_n3A : i32
    %mul3A_21 = arith.constant 9984 : i32
    %mul3A_22 = arith.muli %add3A, %mul3A_21 : i32
    %min3A = arith.constant 4 : i32
    %min3A_23 = arith.minsi %add3A, %min3A : i32
    %mul3A_24 = arith.constant 128 : i32
    %mul3A_25 = arith.muli %min3A_23, %mul3A_24 : i32
    %add3A_26 = arith.addi %mul3A_22, %mul3A_25 : i32
    %while3A = arith.constant 0 : i32
    %while3A_27 = arith.constant 0 : i32
    %while3A_28 = arith.subi %add3A_20, %while3A_27 : i32
    %while3A_29 = arith.addi %while3A_27, %while3A_28 : i32
    %while3A_30 = arith.constant 1 : i32
    %while3A_31 = arith.divsi %while3A_28, %while3A_30 : i32
    %while3A_32 = arith.muli %while3A_31, %while3A_30 : i32
    %while3A_33 = arith.addi %while3A_27, %while3A_32 : i32
    %while3A_34 = arith.constant 1 : i32
    scf.for %while3A_44 = %while3A_27 to %while3A_33 step %while3A_34  : i32 {
      %mul3A_45 = arith.constant 128 : i32
      %mul3A_46 = arith.muli %while3A_44, %mul3A_45 : i32
      %add3A_47 = arith.addi %add3A_26, %mul3A_46 : i32
      %multiple_of3A = tpu.assume_multiple %add3A_47, 8 : i32
      "tpu.region"() ({
        %run_scoped3A = tpu.sem_alloc : memref<!tpu.dma_semaphore, #tpu.memory_space<semaphore_mem>>
        %dma_start3A_52 = tpu.memref_slice %arg4[%multiple_of3A] : memref<320000xi32, #tpu.memory_space<hbm>> -> memref<128xi32, #tpu.memory_space<hbm>>
        %dma_start3A_53 = tpu.memref_slice %arg4[%multiple_of3A] : memref<320000xi32, #tpu.memory_space<hbm>> -> memref<128xi32, #tpu.memory_space<hbm>>
        tpu.enqueue_dma source(%dma_start3A_53 : memref<128xi32, #tpu.memory_space<hbm>>) target(%arg8 : memref<128xi32, #tpu.memory_space<vmem>>) target_semaphore(%run_scoped3A : memref<!tpu.dma_semaphore, #tpu.memory_space<semaphore_mem>>)
        %dma_wait3A_54 = tpu.memref_slice %arg4[%multiple_of3A] : memref<320000xi32, #tpu.memory_space<hbm>> -> memref<128xi32, #tpu.memory_space<hbm>>
        %dma_wait3A_55 = tpu.memref_slice %arg4[%multiple_of3A] : memref<320000xi32, #tpu.memory_space<hbm>> -> memref<128xi32, #tpu.memory_space<hbm>>
        tpu.wait_dma2 semaphore(%run_scoped3A : memref<!tpu.dma_semaphore, #tpu.memory_space<semaphore_mem>>) src(%dma_wait3A_55 : memref<128xi32, #tpu.memory_space<hbm>>) dst(%arg8 : memref<128xi32, #tpu.memory_space<vmem>>)
        tpu.yield
      }) : () -> ()
      "tpu.region"() ({
        %run_scoped3A = tpu.sem_alloc : memref<!tpu.dma_semaphore, #tpu.memory_space<semaphore_mem>>
        %dma_start3A_52 = tpu.memref_slice %arg5[%multiple_of3A] : memref<320000xi32, #tpu.memory_space<hbm>> -> memref<128xi32, #tpu.memory_space<hbm>>
        %dma_start3A_53 = tpu.memref_slice %arg5[%multiple_of3A] : memref<320000xi32, #tpu.memory_space<hbm>> -> memref<128xi32, #tpu.memory_space<hbm>>
        tpu.enqueue_dma source(%dma_start3A_53 : memref<128xi32, #tpu.memory_space<hbm>>) target(%arg9 : memref<128xi32, #tpu.memory_space<vmem>>) target_semaphore(%run_scoped3A : memref<!tpu.dma_semaphore, #tpu.memory_space<semaphore_mem>>)
        %dma_wait3A_54 = tpu.memref_slice %arg5[%multiple_of3A] : memref<320000xi32, #tpu.memory_space<hbm>> -> memref<128xi32, #tpu.memory_space<hbm>>
        %dma_wait3A_55 = tpu.memref_slice %arg5[%multiple_of3A] : memref<320000xi32, #tpu.memory_space<hbm>> -> memref<128xi32, #tpu.memory_space<hbm>>
        tpu.wait_dma2 semaphore(%run_scoped3A : memref<!tpu.dma_semaphore, #tpu.memory_space<semaphore_mem>>) src(%dma_wait3A_55 : memref<128xi32, #tpu.memory_space<hbm>>) dst(%arg9 : memref<128xi32, #tpu.memory_space<vmem>>)
        tpu.yield
      }) : () -> ()
      "tpu.region"() ({
        %run_scoped3A = tpu.sem_alloc : memref<!tpu.dma_semaphore, #tpu.memory_space<semaphore_mem>>
        %dma_start3A_52 = arith.constant 0 : i32
        %dma_start3A_53 = tpu.memref_slice %arg3[%multiple_of3A, %dma_start3A_52] : memref<320000x128xf32, #tpu.memory_space<hbm>> -> memref<128x128xf32, #tpu.memory_space<hbm>>
        %dma_start3A_54 = arith.constant 0 : i32
        %dma_start3A_55 = tpu.memref_slice %arg3[%multiple_of3A, %dma_start3A_54] : memref<320000x128xf32, #tpu.memory_space<hbm>> -> memref<128x128xf32, #tpu.memory_space<hbm>>
        tpu.enqueue_dma source(%dma_start3A_55 : memref<128x128xf32, #tpu.memory_space<hbm>>) target(%arg11 : memref<128x128xf32, #tpu.memory_space<vmem>>) target_semaphore(%run_scoped3A : memref<!tpu.dma_semaphore, #tpu.memory_space<semaphore_mem>>)
        %dma_wait3A_56 = arith.constant 0 : i32
        %dma_wait3A_57 = tpu.memref_slice %arg3[%multiple_of3A, %dma_wait3A_56] : memref<320000x128xf32, #tpu.memory_space<hbm>> -> memref<128x128xf32, #tpu.memory_space<hbm>>
        %dma_wait3A_58 = arith.constant 0 : i32
        %dma_wait3A_59 = tpu.memref_slice %arg3[%multiple_of3A, %dma_wait3A_58] : memref<320000x128xf32, #tpu.memory_space<hbm>> -> memref<128x128xf32, #tpu.memory_space<hbm>>
        tpu.wait_dma2 semaphore(%run_scoped3A : memref<!tpu.dma_semaphore, #tpu.memory_space<semaphore_mem>>) src(%dma_wait3A_59 : memref<128x128xf32, #tpu.memory_space<hbm>>) dst(%arg11 : memref<128x128xf32, #tpu.memory_space<vmem>>)
        tpu.yield
      }) : () -> ()
      %dma_start3A = arith.constant 0 : i32
      %dma_start3A_48 = arith.constant 0 : i32
      %dma_start3A_49 = tpu.memref_slice %arg2[%dma_start3A, %dma_start3A_48] : memref<10000x128xf32, #tpu.memory_space<hbm>> -> memref<10000x128xf32, #tpu.memory_space<hbm>>
      tpu.enqueue_indirect_dma source(%dma_start3A_49 : memref<10000x128xf32, #tpu.memory_space<hbm>>) target(%arg10 : memref<128x128xf32, #tpu.memory_space<vmem>>) offsets(%arg8 : memref<128xi32, #tpu.memory_space<vmem>>) semaphore(%arg14 : memref<!tpu.dma_semaphore, #tpu.memory_space<semaphore_mem>>)
      %dma_wait3A = arith.constant 0 : i32
      %dma_wait3A_50 = arith.constant 0 : i32
      %dma_wait3A_51 = tpu.memref_slice %arg2[%dma_wait3A, %dma_wait3A_50] : memref<10000x128xf32, #tpu.memory_space<hbm>> -> memref<10000x128xf32, #tpu.memory_space<hbm>>
      tpu.wait_indirect_dma semaphore(%arg14 : memref<!tpu.dma_semaphore, #tpu.memory_space<semaphore_mem>>) src(%dma_wait3A_51 : memref<10000x128xf32, #tpu.memory_space<hbm>>) dst(%arg10 : memref<128x128xf32, #tpu.memory_space<vmem>>)
      "tpu.region"() ({
        %run_scoped3A = tpu.sem_alloc : memref<!tpu.dma_semaphore, #tpu.memory_space<semaphore_mem>>
        %dma_start3A_52 = arith.constant 0 : i32
        %dma_start3A_53 = arith.constant 0 : i32
        %dma_start3A_54 = tpu.memref_slice %arg13[%dma_start3A_52, %dma_start3A_53] : memref<10000x128xf32, #tpu.memory_space<vmem_shared>> -> memref<10000x128xf32, #tpu.memory_space<vmem_shared>>
        tpu.enqueue_indirect_dma source(%arg10 : memref<128x128xf32, #tpu.memory_space<vmem>>) target(%dma_start3A_54 : memref<10000x128xf32, #tpu.memory_space<vmem_shared>>) offsets(%arg9 : memref<128xi32, #tpu.memory_space<vmem>>) semaphore(%run_scoped3A : memref<!tpu.dma_semaphore, #tpu.memory_space<semaphore_mem>>) {add = true}
        %dma_wait3A_55 = arith.constant 0 : i32
        %dma_wait3A_56 = arith.constant 0 : i32
        %dma_wait3A_57 = tpu.memref_slice %arg13[%dma_wait3A_55, %dma_wait3A_56] : memref<10000x128xf32, #tpu.memory_space<vmem_shared>> -> memref<10000x128xf32, #tpu.memory_space<vmem_shared>>
        tpu.wait_indirect_dma semaphore(%run_scoped3A : memref<!tpu.dma_semaphore, #tpu.memory_space<semaphore_mem>>) src(%arg10 : memref<128x128xf32, #tpu.memory_space<vmem>>) dst(%dma_wait3A_57 : memref<10000x128xf32, #tpu.memory_space<vmem_shared>>)
        tpu.yield
      }) : () -> ()
      "tpu.region"() ({
        %run_scoped3A = tpu.sem_alloc : memref<!tpu.dma_semaphore, #tpu.memory_space<semaphore_mem>>
        %dma_start3A_52 = arith.constant 0 : i32
        %dma_start3A_53 = arith.constant 0 : i32
        %dma_start3A_54 = tpu.memref_slice %arg13[%dma_start3A_52, %dma_start3A_53] : memref<10000x128xf32, #tpu.memory_space<vmem_shared>> -> memref<10000x128xf32, #tpu.memory_space<vmem_shared>>
        tpu.enqueue_indirect_dma source(%arg11 : memref<128x128xf32, #tpu.memory_space<vmem>>) target(%dma_start3A_54 : memref<10000x128xf32, #tpu.memory_space<vmem_shared>>) offsets(%arg9 : memref<128xi32, #tpu.memory_space<vmem>>) semaphore(%run_scoped3A : memref<!tpu.dma_semaphore, #tpu.memory_space<semaphore_mem>>) {add = true}
        %dma_wait3A_55 = arith.constant 0 : i32
        %dma_wait3A_56 = arith.constant 0 : i32
        %dma_wait3A_57 = tpu.memref_slice %arg13[%dma_wait3A_55, %dma_wait3A_56] : memref<10000x128xf32, #tpu.memory_space<vmem_shared>> -> memref<10000x128xf32, #tpu.memory_space<vmem_shared>>
        tpu.wait_indirect_dma semaphore(%run_scoped3A : memref<!tpu.dma_semaphore, #tpu.memory_space<semaphore_mem>>) src(%arg11 : memref<128x128xf32, #tpu.memory_space<vmem>>) dst(%dma_wait3A_57 : memref<10000x128xf32, #tpu.memory_space<vmem_shared>>)
        tpu.yield
      }) : () -> ()
    }
    %while3A_35 = arith.constant 1 : i32
    scf.for %while3A_44 = %while3A_33 to %while3A_29 step %while3A_35  : i32 {
      %mul3A_45 = arith.constant 128 : i32
      %mul3A_46 = arith.muli %while3A_44, %mul3A_45 : i32
      %add3A_47 = arith.addi %add3A_26, %mul3A_46 : i32
      %multiple_of3A = tpu.assume_multiple %add3A_47, 8 : i32
      "tpu.region"() ({
        %run_scoped3A = tpu.sem_alloc : memref<!tpu.dma_semaphore, #tpu.memory_space<semaphore_mem>>
        %dma_start3A_52 = tpu.memref_slice %arg4[%multiple_of3A] : memref<320000xi32, #tpu.memory_space<hbm>> -> memref<128xi32, #tpu.memory_space<hbm>>
        %dma_start3A_53 = tpu.memref_slice %arg4[%multiple_of3A] : memref<320000xi32, #tpu.memory_space<hbm>> -> memref<128xi32, #tpu.memory_space<hbm>>
        tpu.enqueue_dma source(%dma_start3A_53 : memref<128xi32, #tpu.memory_space<hbm>>) target(%arg8 : memref<128xi32, #tpu.memory_space<vmem>>) target_semaphore(%run_scoped3A : memref<!tpu.dma_semaphore, #tpu.memory_space<semaphore_mem>>)
        %dma_wait3A_54 = tpu.memref_slice %arg4[%multiple_of3A] : memref<320000xi32, #tpu.memory_space<hbm>> -> memref<128xi32, #tpu.memory_space<hbm>>
        %dma_wait3A_55 = tpu.memref_slice %arg4[%multiple_of3A] : memref<320000xi32, #tpu.memory_space<hbm>> -> memref<128xi32, #tpu.memory_space<hbm>>
        tpu.wait_dma2 semaphore(%run_scoped3A : memref<!tpu.dma_semaphore, #tpu.memory_space<semaphore_mem>>) src(%dma_wait3A_55 : memref<128xi32, #tpu.memory_space<hbm>>) dst(%arg8 : memref<128xi32, #tpu.memory_space<vmem>>)
        tpu.yield
      }) : () -> ()
      "tpu.region"() ({
        %run_scoped3A = tpu.sem_alloc : memref<!tpu.dma_semaphore, #tpu.memory_space<semaphore_mem>>
        %dma_start3A_52 = tpu.memref_slice %arg5[%multiple_of3A] : memref<320000xi32, #tpu.memory_space<hbm>> -> memref<128xi32, #tpu.memory_space<hbm>>
        %dma_start3A_53 = tpu.memref_slice %arg5[%multiple_of3A] : memref<320000xi32, #tpu.memory_space<hbm>> -> memref<128xi32, #tpu.memory_space<hbm>>
        tpu.enqueue_dma source(%dma_start3A_53 : memref<128xi32, #tpu.memory_space<hbm>>) target(%arg9 : memref<128xi32, #tpu.memory_space<vmem>>) target_semaphore(%run_scoped3A : memref<!tpu.dma_semaphore, #tpu.memory_space<semaphore_mem>>)
        %dma_wait3A_54 = tpu.memref_slice %arg5[%multiple_of3A] : memref<320000xi32, #tpu.memory_space<hbm>> -> memref<128xi32, #tpu.memory_space<hbm>>
        %dma_wait3A_55 = tpu.memref_slice %arg5[%multiple_of3A] : memref<320000xi32, #tpu.memory_space<hbm>> -> memref<128xi32, #tpu.memory_space<hbm>>
        tpu.wait_dma2 semaphore(%run_scoped3A : memref<!tpu.dma_semaphore, #tpu.memory_space<semaphore_mem>>) src(%dma_wait3A_55 : memref<128xi32, #tpu.memory_space<hbm>>) dst(%arg9 : memref<128xi32, #tpu.memory_space<vmem>>)
        tpu.yield
      }) : () -> ()
      "tpu.region"() ({
        %run_scoped3A = tpu.sem_alloc : memref<!tpu.dma_semaphore, #tpu.memory_space<semaphore_mem>>
        %dma_start3A_52 = arith.constant 0 : i32
        %dma_start3A_53 = tpu.memref_slice %arg3[%multiple_of3A, %dma_start3A_52] : memref<320000x128xf32, #tpu.memory_space<hbm>> -> memref<128x128xf32, #tpu.memory_space<hbm>>
        %dma_start3A_54 = arith.constant 0 : i32
        %dma_start3A_55 = tpu.memref_slice %arg3[%multiple_of3A, %dma_start3A_54] : memref<320000x128xf32, #tpu.memory_space<hbm>> -> memref<128x128xf32, #tpu.memory_space<hbm>>
        tpu.enqueue_dma source(%dma_start3A_55 : memref<128x128xf32, #tpu.memory_space<hbm>>) target(%arg11 : memref<128x128xf32, #tpu.memory_space<vmem>>) target_semaphore(%run_scoped3A : memref<!tpu.dma_semaphore, #tpu.memory_space<semaphore_mem>>)
        %dma_wait3A_56 = arith.constant 0 : i32
        %dma_wait3A_57 = tpu.memref_slice %arg3[%multiple_of3A, %dma_wait3A_56] : memref<320000x128xf32, #tpu.memory_space<hbm>> -> memref<128x128xf32, #tpu.memory_space<hbm>>
        %dma_wait3A_58 = arith.constant 0 : i32
        %dma_wait3A_59 = tpu.memref_slice %arg3[%multiple_of3A, %dma_wait3A_58] : memref<320000x128xf32, #tpu.memory_space<hbm>> -> memref<128x128xf32, #tpu.memory_space<hbm>>
        tpu.wait_dma2 semaphore(%run_scoped3A : memref<!tpu.dma_semaphore, #tpu.memory_space<semaphore_mem>>) src(%dma_wait3A_59 : memref<128x128xf32, #tpu.memory_space<hbm>>) dst(%arg11 : memref<128x128xf32, #tpu.memory_space<vmem>>)
        tpu.yield
      }) : () -> ()
      %dma_start3A = arith.constant 0 : i32
      %dma_start3A_48 = arith.constant 0 : i32
      %dma_start3A_49 = tpu.memref_slice %arg2[%dma_start3A, %dma_start3A_48] : memref<10000x128xf32, #tpu.memory_space<hbm>> -> memref<10000x128xf32, #tpu.memory_space<hbm>>
      tpu.enqueue_indirect_dma source(%dma_start3A_49 : memref<10000x128xf32, #tpu.memory_space<hbm>>) target(%arg10 : memref<128x128xf32, #tpu.memory_space<vmem>>) offsets(%arg8 : memref<128xi32, #tpu.memory_space<vmem>>) semaphore(%arg14 : memref<!tpu.dma_semaphore, #tpu.memory_space<semaphore_mem>>)
      %dma_wait3A = arith.constant 0 : i32
      %dma_wait3A_50 = arith.constant 0 : i32
      %dma_wait3A_51 = tpu.memref_slice %arg2[%dma_wait3A, %dma_wait3A_50] : memref<10000x128xf32, #tpu.memory_space<hbm>> -> memref<10000x128xf32, #tpu.memory_space<hbm>>
      tpu.wait_indirect_dma semaphore(%arg14 : memref<!tpu.dma_semaphore, #tpu.memory_space<semaphore_mem>>) src(%dma_wait3A_51 : memref<10000x128xf32, #tpu.memory_space<hbm>>) dst(%arg10 : memref<128x128xf32, #tpu.memory_space<vmem>>)
      "tpu.region"() ({
        %run_scoped3A = tpu.sem_alloc : memref<!tpu.dma_semaphore, #tpu.memory_space<semaphore_mem>>
        %dma_start3A_52 = arith.constant 0 : i32
        %dma_start3A_53 = arith.constant 0 : i32
        %dma_start3A_54 = tpu.memref_slice %arg13[%dma_start3A_52, %dma_start3A_53] : memref<10000x128xf32, #tpu.memory_space<vmem_shared>> -> memref<10000x128xf32, #tpu.memory_space<vmem_shared>>
        tpu.enqueue_indirect_dma source(%arg10 : memref<128x128xf32, #tpu.memory_space<vmem>>) target(%dma_start3A_54 : memref<10000x128xf32, #tpu.memory_space<vmem_shared>>) offsets(%arg9 : memref<128xi32, #tpu.memory_space<vmem>>) semaphore(%run_scoped3A : memref<!tpu.dma_semaphore, #tpu.memory_space<semaphore_mem>>) {add = true}
        %dma_wait3A_55 = arith.constant 0 : i32
        %dma_wait3A_56 = arith.constant 0 : i32
        %dma_wait3A_57 = tpu.memref_slice %arg13[%dma_wait3A_55, %dma_wait3A_56] : memref<10000x128xf32, #tpu.memory_space<vmem_shared>> -> memref<10000x128xf32, #tpu.memory_space<vmem_shared>>
        tpu.wait_indirect_dma semaphore(%run_scoped3A : memref<!tpu.dma_semaphore, #tpu.memory_space<semaphore_mem>>) src(%arg10 : memref<128x128xf32, #tpu.memory_space<vmem>>) dst(%dma_wait3A_57 : memref<10000x128xf32, #tpu.memory_space<vmem_shared>>)
        tpu.yield
      }) : () -> ()
      "tpu.region"() ({
        %run_scoped3A = tpu.sem_alloc : memref<!tpu.dma_semaphore, #tpu.memory_space<semaphore_mem>>
        %dma_start3A_52 = arith.constant 0 : i32
        %dma_start3A_53 = arith.constant 0 : i32
        %dma_start3A_54 = tpu.memref_slice %arg13[%dma_start3A_52, %dma_start3A_53] : memref<10000x128xf32, #tpu.memory_space<vmem_shared>> -> memref<10000x128xf32, #tpu.memory_space<vmem_shared>>
        tpu.enqueue_indirect_dma source(%arg11 : memref<128x128xf32, #tpu.memory_space<vmem>>) target(%dma_start3A_54 : memref<10000x128xf32, #tpu.memory_space<vmem_shared>>) offsets(%arg9 : memref<128xi32, #tpu.memory_space<vmem>>) semaphore(%run_scoped3A : memref<!tpu.dma_semaphore, #tpu.memory_space<semaphore_mem>>) {add = true}
        %dma_wait3A_55 = arith.constant 0 : i32
        %dma_wait3A_56 = arith.constant 0 : i32
        %dma_wait3A_57 = tpu.memref_slice %arg13[%dma_wait3A_55, %dma_wait3A_56] : memref<10000x128xf32, #tpu.memory_space<vmem_shared>> -> memref<10000x128xf32, #tpu.memory_space<vmem_shared>>
        tpu.wait_indirect_dma semaphore(%run_scoped3A : memref<!tpu.dma_semaphore, #tpu.memory_space<semaphore_mem>>) src(%arg11 : memref<128x128xf32, #tpu.memory_space<vmem>>) dst(%dma_wait3A_57 : memref<10000x128xf32, #tpu.memory_space<vmem_shared>>)
        tpu.yield
      }) : () -> ()
    }
    %barrier3A_36 = arith.constant 0 : index
    tpu.barrier barrier_id(%barrier3A_36)
    %mul3A_37 = arith.constant 624 : i32
    %mul3A_38 = arith.muli %arg1, %mul3A_37 : i32
    "tpu.region"() ({
      %run_scoped3A = tpu.sem_alloc : memref<!tpu.dma_semaphore, #tpu.memory_space<semaphore_mem>>
      %dma_start3A = arith.constant 0 : i32
      %dma_start3A_44 = arith.constant 0 : i32
      %dma_start3A_45 = tpu.memref_slice %arg7[%arg0, %dma_start3A, %dma_start3A_44] : memref<2x10000x128xf32, #tpu.memory_space<hbm>> -> memref<1x10000x128xf32, #tpu.memory_space<hbm>>
      %dma_start3A_46 = tpu.memref_squeeze %dma_start3A_45 : memref<1x10000x128xf32, #tpu.memory_space<hbm>> -> memref<10000x128xf32, #tpu.memory_space<hbm>>
      %dma_start3A_47 = arith.constant 0 : i32
      %dma_start3A_48 = tpu.memref_slice %dma_start3A_46[%mul3A_38, %dma_start3A_47] : memref<10000x128xf32, #tpu.memory_space<hbm>> -> memref<624x128xf32, #tpu.memory_space<hbm>>
      %dma_start3A_49 = arith.constant 0 : i32
      %dma_start3A_50 = tpu.memref_slice %arg13[%mul3A_38, %dma_start3A_49] : memref<10000x128xf32, #tpu.memory_space<vmem_shared>> -> memref<624x128xf32, #tpu.memory_space<vmem_shared>>
      tpu.enqueue_dma source(%dma_start3A_50 : memref<624x128xf32, #tpu.memory_space<vmem_shared>>) target(%dma_start3A_48 : memref<624x128xf32, #tpu.memory_space<hbm>>) target_semaphore(%run_scoped3A : memref<!tpu.dma_semaphore, #tpu.memory_space<semaphore_mem>>)
      %dma_wait3A = arith.constant 0 : i32
      %dma_wait3A_51 = arith.constant 0 : i32
      %dma_wait3A_52 = tpu.memref_slice %arg7[%arg0, %dma_wait3A, %dma_wait3A_51] : memref<2x10000x128xf32, #tpu.memory_space<hbm>> -> memref<1x10000x128xf32, #tpu.memory_space<hbm>>
      %dma_wait3A_53 = tpu.memref_squeeze %dma_wait3A_52 : memref<1x10000x128xf32, #tpu.memory_space<hbm>> -> memref<10000x128xf32, #tpu.memory_space<hbm>>
      %dma_wait3A_54 = arith.constant 0 : i32
      %dma_wait3A_55 = tpu.memref_slice %dma_wait3A_53[%mul3A_38, %dma_wait3A_54] : memref<10000x128xf32, #tpu.memory_space<hbm>> -> memref<624x128xf32, #tpu.memory_space<hbm>>
      %dma_wait3A_56 = arith.constant 0 : i32
      %dma_wait3A_57 = tpu.memref_slice %arg13[%mul3A_38, %dma_wait3A_56] : memref<10000x128xf32, #tpu.memory_space<vmem_shared>> -> memref<624x128xf32, #tpu.memory_space<vmem_shared>>
      tpu.wait_dma2 semaphore(%run_scoped3A : memref<!tpu.dma_semaphore, #tpu.memory_space<semaphore_mem>>) src(%dma_wait3A_57 : memref<624x128xf32, #tpu.memory_space<vmem_shared>>) dst(%dma_wait3A_55 : memref<624x128xf32, #tpu.memory_space<hbm>>)
      tpu.yield
    }) : () -> ()
    %eq3A_39 = arith.constant 15 : i32
    %eq3A_40 = arith.cmpi eq, %arg1, %eq3A_39 : i32
    %convert_element_type3A_41 = arith.extui %eq3A_40 : i1 to i32
    %cond3A_42 = arith.constant 0 : i32
    %cond3A_43 = arith.cmpi ne, %convert_element_type3A_41, %cond3A_42 : i32
    scf.if %cond3A_43 {
      %add3A_44 = arith.constant 624 : i32
      %add3A_45 = arith.addi %mul3A_38, %add3A_44 : i32
      %add3A_46 = arith.constant 624 : i32
      %add3A_47 = arith.addi %mul3A_38, %add3A_46 : i32
      "tpu.region"() ({
        %run_scoped3A = tpu.sem_alloc : memref<!tpu.dma_semaphore, #tpu.memory_space<semaphore_mem>>
        %dma_start3A = arith.constant 0 : i32
        %dma_start3A_48 = arith.constant 0 : i32
        %dma_start3A_49 = tpu.memref_slice %arg7[%arg0, %dma_start3A, %dma_start3A_48] : memref<2x10000x128xf32, #tpu.memory_space<hbm>> -> memref<1x10000x128xf32, #tpu.memory_space<hbm>>
        %dma_start3A_50 = tpu.memref_squeeze %dma_start3A_49 : memref<1x10000x128xf32, #tpu.memory_space<hbm>> -> memref<10000x128xf32, #tpu.memory_space<hbm>>
        %dma_start3A_51 = arith.constant 0 : i32
        %dma_start3A_52 = tpu.memref_slice %dma_start3A_50[%add3A_47, %dma_start3A_51] : memref<10000x128xf32, #tpu.memory_space<hbm>> -> memref<16x128xf32, #tpu.memory_space<hbm>>
        %dma_start3A_53 = arith.constant 0 : i32
        %dma_start3A_54 = tpu.memref_slice %arg13[%add3A_45, %dma_start3A_53] : memref<10000x128xf32, #tpu.memory_space<vmem_shared>> -> memref<16x128xf32, #tpu.memory_space<vmem_shared>>
        tpu.enqueue_dma source(%dma_start3A_54 : memref<16x128xf32, #tpu.memory_space<vmem_shared>>) target(%dma_start3A_52 : memref<16x128xf32, #tpu.memory_space<hbm>>) target_semaphore(%run_scoped3A : memref<!tpu.dma_semaphore, #tpu.memory_space<semaphore_mem>>)
        %dma_wait3A = arith.constant 0 : i32
        %dma_wait3A_55 = arith.constant 0 : i32
        %dma_wait3A_56 = tpu.memref_slice %arg7[%arg0, %dma_wait3A, %dma_wait3A_55] : memref<2x10000x128xf32, #tpu.memory_space<hbm>> -> memref<1x10000x128xf32, #tpu.memory_space<hbm>>
        %dma_wait3A_57 = tpu.memref_squeeze %dma_wait3A_56 : memref<1x10000x128xf32, #tpu.memory_space<hbm>> -> memref<10000x128xf32, #tpu.memory_space<hbm>>
        %dma_wait3A_58 = arith.constant 0 : i32
        %dma_wait3A_59 = tpu.memref_slice %dma_wait3A_57[%add3A_47, %dma_wait3A_58] : memref<10000x128xf32, #tpu.memory_space<hbm>> -> memref<16x128xf32, #tpu.memory_space<hbm>>
        %dma_wait3A_60 = arith.constant 0 : i32
        %dma_wait3A_61 = tpu.memref_slice %arg13[%add3A_45, %dma_wait3A_60] : memref<10000x128xf32, #tpu.memory_space<vmem_shared>> -> memref<16x128xf32, #tpu.memory_space<vmem_shared>>
        tpu.wait_dma2 semaphore(%run_scoped3A : memref<!tpu.dma_semaphore, #tpu.memory_space<semaphore_mem>>) src(%dma_wait3A_61 : memref<16x128xf32, #tpu.memory_space<vmem_shared>>) dst(%dma_wait3A_59 : memref<16x128xf32, #tpu.memory_space<hbm>>)
        tpu.yield
      }) : () -> ()
    } else {
    }
    return
  }
}

module attributes {stable_mosaic.version = 14 : i64} {
  func.func @_edge_e_body(%arg0: i32, %arg1: memref<2000x16xf32, #tpu.memory_space<vmem>>, %arg2: memref<16x128xf32, #tpu.memory_space<vmem>>, %arg3: memref<1x128xf32, #tpu.memory_space<vmem>>, %arg4: memref<2000x128xf32, #tpu.memory_space<vmem>>) attributes {dimension_semantics = [#tpu.dimension_semantics<arbitrary>], iteration_bounds = array<i64: 160>, scalar_prefetch = 0 : i64, scratch_operands = 0 : i64, tpu.core_type = #tpu.core_type<tc>, window_params = [{transform_indices = @transform_0, window_bounds = array<i64: 2000, 16>}, {pipeline_mode = #tpu.pipeline_mode<synchronous>, transform_indices = @transform_1, window_bounds = array<i64: 16, 128>}, {pipeline_mode = #tpu.pipeline_mode<synchronous>, transform_indices = @transform_2, window_bounds = array<i64: 1, 128>}, {transform_indices = @transform_3, window_bounds = array<i64: 2000, 128>}]} {
    %get3A = arith.constant 0 : index
    %get3A_0 = arith.constant 0 : index
    %get3A_1 = vector.load %arg1[%get3A, %get3A_0] : memref<2000x16xf32, #tpu.memory_space<vmem>>, vector<2000x16xf32>
    %get3A_2 = arith.constant 0 : index
    %get3A_3 = arith.constant 0 : index
    %get3A_4 = vector.load %arg2[%get3A_2, %get3A_3] : memref<16x128xf32, #tpu.memory_space<vmem>>, vector<16x128xf32>
    %dot_general3A = arith.constant dense<0.000000e+00> : vector<2000x128xf32>
    %dot_general3A_5 = tpu.matmul %get3A_1, %get3A_4, %dot_general3A {dimension_numbers = #tpu.dot_dimension_numbers<[1], [0], [0], [1], [0, 0, 1, 1], [], []>, transpose_lhs_hint = false} : vector<2000x16xf32>, vector<16x128xf32>, vector<2000x128xf32> -> vector<2000x128xf32>
    %get3A_6 = arith.constant 0 : index
    %get3A_7 = arith.constant 0 : index
    %get3A_8 = vector.load %arg3[%get3A_6, %get3A_7] : memref<1x128xf32, #tpu.memory_space<vmem>>, vector<1x128xf32>
    %add3A = vector.broadcast %get3A_8 : vector<1x128xf32> to vector<2000x128xf32>
    %add3A_9 = arith.addf %dot_general3A_5, %add3A : vector<2000x128xf32>
    %swap3A = arith.constant 0 : index
    %swap3A_10 = arith.constant 0 : index
    %swap3A_11 = vector.load %arg4[%swap3A, %swap3A_10] : memref<2000x128xf32, #tpu.memory_space<vmem>>, vector<2000x128xf32>
    tpu.vector_store %arg4[%swap3A, %swap3A_10], %add3A_9 {strides = array<i32>} : memref<2000x128xf32, #tpu.memory_space<vmem>>, vector<2000x128xf32>,
    return
  }
  func.func @transform_0(%arg0: i32) -> (i32, i32) {
    %c0_i32 = arith.constant 0 : i32
    %c0_i32_0 = arith.constant 0 : i32
    return %arg0, %c0_i32 : i32, i32
  }
  func.func @transform_1(%arg0: i32) -> (i32, i32) {
    %c0_i32 = arith.constant 0 : i32
    %c0_i32_0 = arith.constant 0 : i32
    %c0_i32_1 = arith.constant 0 : i32
    return %c0_i32, %c0_i32_0 : i32, i32
  }
  func.func @transform_2(%arg0: i32) -> (i32, i32) {
    %c0_i32 = arith.constant 0 : i32
    %c0_i32_0 = arith.constant 0 : i32
    %c0_i32_1 = arith.constant 0 : i32
    return %c0_i32, %c0_i32_0 : i32, i32
  }
  func.func @transform_3(%arg0: i32) -> (i32, i32) {
    %c0_i32 = arith.constant 0 : i32
    %c0_i32_0 = arith.constant 0 : i32
    return %arg0, %c0_i32 : i32, i32
  }
}

module attributes {stable_mosaic.version = 14 : i64} {
  func.func @_layer_body(%arg0: memref<10000x128xf32, #tpu.memory_space<vmem>>, %arg1: memref<10000x128xf32, #tpu.memory_space<vmem>>, %arg2: memref<128x128xf32, #tpu.memory_space<vmem>>, %arg3: memref<1x128xf32, #tpu.memory_space<vmem>>, %arg4: memref<128x128xf32, #tpu.memory_space<vmem>>, %arg5: memref<1x128xf32, #tpu.memory_space<vmem>>, %arg6: memref<1x128xf32, #tpu.memory_space<vmem>>, %arg7: memref<1x128xf32, #tpu.memory_space<vmem>>, %arg8: memref<10000x128xf32, #tpu.memory_space<vmem>>) attributes {dimension_semantics = [], scalar_prefetch = 0 : i64, scratch_operands = 0 : i64, tpu.core_type = #tpu.core_type<tc>} {
    %get3A = arith.constant 0 : index
    %get3A_0 = arith.constant 0 : index
    %get3A_1 = vector.load %arg1[%get3A, %get3A_0] : memref<10000x128xf32, #tpu.memory_space<vmem>>, vector<10000x128xf32>
    %get3A_2 = arith.constant 0 : index
    %get3A_3 = arith.constant 0 : index
    %get3A_4 = vector.load %arg0[%get3A_2, %get3A_3] : memref<10000x128xf32, #tpu.memory_space<vmem>>, vector<10000x128xf32>
    %add3A = arith.addf %get3A_1, %get3A_4 : vector<10000x128xf32>
    %get3A_5 = arith.constant 0 : index
    %get3A_6 = arith.constant 0 : index
    %get3A_7 = vector.load %arg2[%get3A_5, %get3A_6] : memref<128x128xf32, #tpu.memory_space<vmem>>, vector<128x128xf32>
    %dot_general3A = arith.constant dense<0.000000e+00> : vector<10000x128xf32>
    %dot_general3A_8 = tpu.matmul %add3A, %get3A_7, %dot_general3A {dimension_numbers = #tpu.dot_dimension_numbers<[1], [0], [0], [1], [0, 0, 1, 1], [], []>, transpose_lhs_hint = false} : vector<10000x128xf32>, vector<128x128xf32>, vector<10000x128xf32> -> vector<10000x128xf32>
    %get3A_9 = arith.constant 0 : index
    %get3A_10 = arith.constant 0 : index
    %get3A_11 = vector.load %arg3[%get3A_9, %get3A_10] : memref<1x128xf32, #tpu.memory_space<vmem>>, vector<1x128xf32>
    %add3A_12 = vector.broadcast %get3A_11 : vector<1x128xf32> to vector<10000x128xf32>
    %add3A_13 = arith.addf %dot_general3A_8, %add3A_12 : vector<10000x128xf32>
    %max3A = arith.constant 0.000000e+00 : f32
    %max3A_14 = vector.broadcast %max3A : f32 to vector<10000x128xf32>
    %max3A_15 = arith.maximumf %add3A_13, %max3A_14 : vector<10000x128xf32>
    %get3A_16 = arith.constant 0 : index
    %get3A_17 = arith.constant 0 : index
    %get3A_18 = vector.load %arg4[%get3A_16, %get3A_17] : memref<128x128xf32, #tpu.memory_space<vmem>>, vector<128x128xf32>
    %dot_general3A_19 = arith.constant dense<0.000000e+00> : vector<10000x128xf32>
    %dot_general3A_20 = tpu.matmul %max3A_15, %get3A_18, %dot_general3A_19 {dimension_numbers = #tpu.dot_dimension_numbers<[1], [0], [0], [1], [0, 0, 1, 1], [], []>, transpose_lhs_hint = false} : vector<10000x128xf32>, vector<128x128xf32>, vector<10000x128xf32> -> vector<10000x128xf32>
    %get3A_21 = arith.constant 0 : index
    %get3A_22 = arith.constant 0 : index
    %get3A_23 = vector.load %arg5[%get3A_21, %get3A_22] : memref<1x128xf32, #tpu.memory_space<vmem>>, vector<1x128xf32>
    %add3A_24 = vector.broadcast %get3A_23 : vector<1x128xf32> to vector<10000x128xf32>
    %add3A_25 = arith.addf %dot_general3A_20, %add3A_24 : vector<10000x128xf32>
    %reduce_sum3A = arith.constant dense<0.000000e+00> : vector<128xf32>
    %reduce_sum3A_26 = vector.multi_reduction <add>, %add3A_25, %reduce_sum3A [0] : vector<10000x128xf32> to vector<128xf32>
    %broadcast_in_dim3A = vector.shape_cast %reduce_sum3A_26 : vector<128xf32> to vector<1x128xf32>
    %div3A = arith.constant 1.000000e+04 : f32
    %div3A_27 = vector.broadcast %div3A : f32 to vector<1x128xf32>
    %div3A_28 = arith.divf %broadcast_in_dim3A, %div3A_27 : vector<1x128xf32>
    %sub3A = vector.broadcast %div3A_28 : vector<1x128xf32> to vector<10000x128xf32>
    %sub3A_29 = arith.subf %add3A_25, %sub3A : vector<10000x128xf32>
    %integer_pow3A = arith.mulf %sub3A_29, %sub3A_29 : vector<10000x128xf32>
    %reduce_sum3A_30 = arith.constant dense<0.000000e+00> : vector<128xf32>
    %reduce_sum3A_31 = vector.multi_reduction <add>, %integer_pow3A, %reduce_sum3A_30 [0] : vector<10000x128xf32> to vector<128xf32>
    %broadcast_in_dim3A_32 = vector.shape_cast %reduce_sum3A_31 : vector<128xf32> to vector<1x128xf32>
    %div3A_33 = arith.constant 1.000000e+04 : f32
    %div3A_34 = vector.broadcast %div3A_33 : f32 to vector<1x128xf32>
    %div3A_35 = arith.divf %broadcast_in_dim3A_32, %div3A_34 : vector<1x128xf32>
    %sub3A_36 = vector.broadcast %div3A_28 : vector<1x128xf32> to vector<10000x128xf32>
    %sub3A_37 = arith.subf %add3A_25, %sub3A_36 : vector<10000x128xf32>
    %add3A_38 = arith.constant 9.99999974E-6 : f32
    %add3A_39 = vector.broadcast %add3A_38 : f32 to vector<1x128xf32>
    %add3A_40 = arith.addf %div3A_35, %add3A_39 : vector<1x128xf32>
    %sqrt3A = math.sqrt %add3A_40 : vector<1x128xf32>
    %div3A_41 = vector.broadcast %sqrt3A : vector<1x128xf32> to vector<10000x128xf32>
    %div3A_42 = arith.divf %sub3A_37, %div3A_41 : vector<10000x128xf32>
    %get3A_43 = arith.constant 0 : index
    %get3A_44 = arith.constant 0 : index
    %get3A_45 = vector.load %arg6[%get3A_43, %get3A_44] : memref<1x128xf32, #tpu.memory_space<vmem>>, vector<1x128xf32>
    %mul3A = vector.broadcast %get3A_45 : vector<1x128xf32> to vector<10000x128xf32>
    %mul3A_46 = arith.mulf %div3A_42, %mul3A : vector<10000x128xf32>
    %get3A_47 = arith.constant 0 : index
    %get3A_48 = arith.constant 0 : index
    %get3A_49 = vector.load %arg7[%get3A_47, %get3A_48] : memref<1x128xf32, #tpu.memory_space<vmem>>, vector<1x128xf32>
    %add3A_50 = vector.broadcast %get3A_49 : vector<1x128xf32> to vector<10000x128xf32>
    %add3A_51 = arith.addf %mul3A_46, %add3A_50 : vector<10000x128xf32>
    %max3A_52 = arith.constant 0.000000e+00 : f32
    %max3A_53 = vector.broadcast %max3A_52 : f32 to vector<10000x128xf32>
    %max3A_54 = arith.maximumf %add3A_51, %max3A_53 : vector<10000x128xf32>
    %swap3A = arith.constant 0 : index
    %swap3A_55 = arith.constant 0 : index
    %swap3A_56 = vector.load %arg8[%swap3A, %swap3A_55] : memref<10000x128xf32, #tpu.memory_space<vmem>>, vector<10000x128xf32>
    tpu.vector_store %arg8[%swap3A, %swap3A_55], %max3A_54 {strides = array<i32>} : memref<10000x128xf32, #tpu.memory_space<vmem>>, vector<10000x128xf32>,
    return
  }
}

module attributes {stable_mosaic.version = 14 : i64} {
  func.func @_pool_layer_body(%arg0: memref<10000x128xf32, #tpu.memory_space<vmem>>, %arg1: memref<10000x128xf32, #tpu.memory_space<vmem>>, %arg2: memref<128x128xf32, #tpu.memory_space<vmem>>, %arg3: memref<1x128xf32, #tpu.memory_space<vmem>>, %arg4: memref<128x128xf32, #tpu.memory_space<vmem>>, %arg5: memref<1x128xf32, #tpu.memory_space<vmem>>, %arg6: memref<1x128xf32, #tpu.memory_space<vmem>>, %arg7: memref<1x128xf32, #tpu.memory_space<vmem>>, %arg8: memref<10000x1xi32, #tpu.memory_space<vmem>>, %arg9: memref<32x128xf32, #tpu.memory_space<vmem>>) attributes {dimension_semantics = [], scalar_prefetch = 0 : i64, scratch_operands = 0 : i64, tpu.core_type = #tpu.core_type<tc>} {
    %get3A = arith.constant 0 : index
    %get3A_0 = arith.constant 0 : index
    %get3A_1 = vector.load %arg1[%get3A, %get3A_0] : memref<10000x128xf32, #tpu.memory_space<vmem>>, vector<10000x128xf32>
    %get3A_2 = arith.constant 0 : index
    %get3A_3 = arith.constant 0 : index
    %get3A_4 = vector.load %arg0[%get3A_2, %get3A_3] : memref<10000x128xf32, #tpu.memory_space<vmem>>, vector<10000x128xf32>
    %add3A = arith.addf %get3A_1, %get3A_4 : vector<10000x128xf32>
    %get3A_5 = arith.constant 0 : index
    %get3A_6 = arith.constant 0 : index
    %get3A_7 = vector.load %arg2[%get3A_5, %get3A_6] : memref<128x128xf32, #tpu.memory_space<vmem>>, vector<128x128xf32>
    %dot_general3A = arith.constant dense<0.000000e+00> : vector<10000x128xf32>
    %dot_general3A_8 = tpu.matmul %add3A, %get3A_7, %dot_general3A {dimension_numbers = #tpu.dot_dimension_numbers<[1], [0], [0], [1], [0, 0, 1, 1], [], []>, transpose_lhs_hint = false} : vector<10000x128xf32>, vector<128x128xf32>, vector<10000x128xf32> -> vector<10000x128xf32>
    %get3A_9 = arith.constant 0 : index
    %get3A_10 = arith.constant 0 : index
    %get3A_11 = vector.load %arg3[%get3A_9, %get3A_10] : memref<1x128xf32, #tpu.memory_space<vmem>>, vector<1x128xf32>
    %add3A_12 = vector.broadcast %get3A_11 : vector<1x128xf32> to vector<10000x128xf32>
    %add3A_13 = arith.addf %dot_general3A_8, %add3A_12 : vector<10000x128xf32>
    %max3A = arith.constant 0.000000e+00 : f32
    %max3A_14 = vector.broadcast %max3A : f32 to vector<10000x128xf32>
    %max3A_15 = arith.maximumf %add3A_13, %max3A_14 : vector<10000x128xf32>
    %get3A_16 = arith.constant 0 : index
    %get3A_17 = arith.constant 0 : index
    %get3A_18 = vector.load %arg4[%get3A_16, %get3A_17] : memref<128x128xf32, #tpu.memory_space<vmem>>, vector<128x128xf32>
    %dot_general3A_19 = arith.constant dense<0.000000e+00> : vector<10000x128xf32>
    %dot_general3A_20 = tpu.matmul %max3A_15, %get3A_18, %dot_general3A_19 {dimension_numbers = #tpu.dot_dimension_numbers<[1], [0], [0], [1], [0, 0, 1, 1], [], []>, transpose_lhs_hint = false} : vector<10000x128xf32>, vector<128x128xf32>, vector<10000x128xf32> -> vector<10000x128xf32>
    %get3A_21 = arith.constant 0 : index
    %get3A_22 = arith.constant 0 : index
    %get3A_23 = vector.load %arg5[%get3A_21, %get3A_22] : memref<1x128xf32, #tpu.memory_space<vmem>>, vector<1x128xf32>
    %add3A_24 = vector.broadcast %get3A_23 : vector<1x128xf32> to vector<10000x128xf32>
    %add3A_25 = arith.addf %dot_general3A_20, %add3A_24 : vector<10000x128xf32>
    %reduce_sum3A = arith.constant dense<0.000000e+00> : vector<128xf32>
    %reduce_sum3A_26 = vector.multi_reduction <add>, %add3A_25, %reduce_sum3A [0] : vector<10000x128xf32> to vector<128xf32>
    %broadcast_in_dim3A = vector.shape_cast %reduce_sum3A_26 : vector<128xf32> to vector<1x128xf32>
    %div3A = arith.constant 1.000000e+04 : f32
    %div3A_27 = vector.broadcast %div3A : f32 to vector<1x128xf32>
    %div3A_28 = arith.divf %broadcast_in_dim3A, %div3A_27 : vector<1x128xf32>
    %sub3A = vector.broadcast %div3A_28 : vector<1x128xf32> to vector<10000x128xf32>
    %sub3A_29 = arith.subf %add3A_25, %sub3A : vector<10000x128xf32>
    %integer_pow3A = arith.mulf %sub3A_29, %sub3A_29 : vector<10000x128xf32>
    %reduce_sum3A_30 = arith.constant dense<0.000000e+00> : vector<128xf32>
    %reduce_sum3A_31 = vector.multi_reduction <add>, %integer_pow3A, %reduce_sum3A_30 [0] : vector<10000x128xf32> to vector<128xf32>
    %broadcast_in_dim3A_32 = vector.shape_cast %reduce_sum3A_31 : vector<128xf32> to vector<1x128xf32>
    %div3A_33 = arith.constant 1.000000e+04 : f32
    %div3A_34 = vector.broadcast %div3A_33 : f32 to vector<1x128xf32>
    %div3A_35 = arith.divf %broadcast_in_dim3A_32, %div3A_34 : vector<1x128xf32>
    %sub3A_36 = vector.broadcast %div3A_28 : vector<1x128xf32> to vector<10000x128xf32>
    %sub3A_37 = arith.subf %add3A_25, %sub3A_36 : vector<10000x128xf32>
    %add3A_38 = arith.constant 9.99999974E-6 : f32
    %add3A_39 = vector.broadcast %add3A_38 : f32 to vector<1x128xf32>
    %add3A_40 = arith.addf %div3A_35, %add3A_39 : vector<1x128xf32>
    %sqrt3A = math.sqrt %add3A_40 : vector<1x128xf32>
    %div3A_41 = vector.broadcast %sqrt3A : vector<1x128xf32> to vector<10000x128xf32>
    %div3A_42 = arith.divf %sub3A_37, %div3A_41 : vector<10000x128xf32>
    %get3A_43 = arith.constant 0 : index
    %get3A_44 = arith.constant 0 : index
    %get3A_45 = vector.load %arg6[%get3A_43, %get3A_44] : memref<1x128xf32, #tpu.memory_space<vmem>>, vector<1x128xf32>
    %mul3A = vector.broadcast %get3A_45 : vector<1x128xf32> to vector<10000x128xf32>
    %mul3A_46 = arith.mulf %div3A_42, %mul3A : vector<10000x128xf32>
    %get3A_47 = arith.constant 0 : index
    %get3A_48 = arith.constant 0 : index
    %get3A_49 = vector.load %arg7[%get3A_47, %get3A_48] : memref<1x128xf32, #tpu.memory_space<vmem>>, vector<1x128xf32>
    %add3A_50 = vector.broadcast %get3A_49 : vector<1x128xf32> to vector<10000x128xf32>
    %add3A_51 = arith.addf %mul3A_46, %add3A_50 : vector<10000x128xf32>
    %iota3A = tpu.iota {dimensions = array<i32: 1>} : vector<1x32xi32>
    %get3A_52 = arith.constant 0 : index
    %get3A_53 = arith.constant 0 : index
    %get3A_54 = vector.load %arg8[%get3A_52, %get3A_53] : memref<10000x1xi32, #tpu.memory_space<vmem>>, vector<10000x1xi32>
    %eq3A = vector.broadcast %get3A_54 : vector<10000x1xi32> to vector<10000x32xi32>
    %eq3A_55 = vector.broadcast %iota3A : vector<1x32xi32> to vector<10000x32xi32>
    %eq3A_56 = arith.cmpi eq, %eq3A, %eq3A_55 : vector<10000x32xi32>
    %convert_element_type3A = arith.extui %eq3A_56 : vector<10000x32xi1> to vector<10000x32xi32>
    %convert_element_type3A_57 = arith.sitofp %convert_element_type3A : vector<10000x32xi32> to vector<10000x32xf32>
    %dot_general3A_58 = arith.constant dense<0.000000e+00> : vector<32x128xf32>
    %dot_general3A_59 = tpu.matmul %convert_element_type3A_57, %add3A_51, %dot_general3A_58 {dimension_numbers = #tpu.dot_dimension_numbers<[0], [0], [1], [1], [0, 1, 1, 1], [], []>, precision = #tpu.contract_precision<fp32>, transpose_lhs_hint = false} : vector<10000x32xf32>, vector<10000x128xf32>, vector<32x128xf32> -> vector<32x128xf32>
    %broadcast_in_dim3A_60 = arith.constant 1.000000e+00 : f32
    %broadcast_in_dim3A_61 = vector.broadcast %broadcast_in_dim3A_60 : f32 to vector<10000x1xf32>
    %dot_general3A_62 = arith.constant dense<0.000000e+00> : vector<32x1xf32>
    %dot_general3A_63 = tpu.matmul %convert_element_type3A_57, %broadcast_in_dim3A_61, %dot_general3A_62 {dimension_numbers = #tpu.dot_dimension_numbers<[0], [0], [1], [1], [0, 1, 1, 1], [], []>, precision = #tpu.contract_precision<fp32>, transpose_lhs_hint = false} : vector<10000x32xf32>, vector<10000x1xf32>, vector<32x1xf32> -> vector<32x1xf32>
    %max3A_64 = arith.constant 1.000000e+00 : f32
    %max3A_65 = vector.broadcast %max3A_64 : f32 to vector<32x1xf32>
    %max3A_66 = arith.maximumf %dot_general3A_63, %max3A_65 : vector<32x1xf32>
    %div3A_67 = vector.broadcast %max3A_66 : vector<32x1xf32> to vector<32x128xf32>
    %div3A_68 = arith.divf %dot_general3A_59, %div3A_67 : vector<32x128xf32>
    %swap3A = arith.constant 0 : index
    %swap3A_69 = arith.constant 0 : index
    %swap3A_70 = vector.load %arg9[%swap3A, %swap3A_69] : memref<32x128xf32, #tpu.memory_space<vmem>>, vector<32x128xf32>
    tpu.vector_store %arg9[%swap3A, %swap3A_69], %div3A_68 {strides = array<i32>} : memref<32x128xf32, #tpu.memory_space<vmem>>, vector<32x128xf32>,
    return
  }
}

</mosaic_0001>

<sc_bundles>
// kernel: kernel.20.cloned.1.call-start
scs
__scs_entry_jumppad:
0x0: {  	(pc) =	sbr.rel $0x88, $3  }
0x1: {  	(tag) =	ssettag $0x0;
	lr =	simm.s32 $0x1  }
0x2: {  	[smem:$0x3F95] =	sst lr;
	_ =	strace $0xD0000000  }
0x3: {  	_ = 	snop  }
0x4: {  	_ = 	snop  }
0x5: {  	_ = 	snop  }
0x6: {  	_ = 	snop  }
0x7: {  	_ = 	snop  }
__scs_overlays_trampoline_lowered:
0x8: {  	[smem:$0x3FA4] =	sst s0  }
0x9: {  	[smem:$0x3FA5] =	sst s1  }
0xa: {  	[smem:$0x3FA6] =	sst s2  }
0xb: {  	[smem:$0x3FA7] =	sst s3  }
0xc: {  	[smem:$0x3FA8] =	sst s4  }
0xd: {  	[smem:$0x3FA9] =	sst s5  }
0xe: {  	[smem:$0x3FAA] =	sst s6  }
0xf: {  	[smem:$0x3FAB] =	sst s7  }
0x10: {  	[smem:$0x3FAC] =	sst s8  }
0x11: {  	[smem:$0x3FAD] =	sst s9;
	s0 =	simm.s32 @!p0 $0x0  }
0x12: {  	s1 =	sld [smem:$0x3F93];
	s0 =	simm.s32 @p0 $0x1  }
0x13: {  	[smem:$0x3FAE] =	sst s0;
	s0 =	simm.s32 @!p1 $0x0  }
0x14: {  	s2 =	sld [smem:$0x3F92];
	s0 =	simm.s32 @p1 $0x1  }
0x15: {  	[smem:$0x3FAF] =	sst s0;
	s0 =	simm.s32 @!p2 $0x0  }
0x16: {  	s3 =	sld [smem:$0x3FDB];
	s0 =	simm.s32 @p2 $0x1  }
0x17: {  	s4 =	simm.s32 $0x1BF5;
	[smem:$0x3FB1] =	sst s0  }
0x18: {  	s0 =	sld [smem:$0x3F94];
	_ =	swait.ge [sflag:s4], $0x0  }
0x19: {  	s7 =	sld [smem:$0x3F95]  }
0x1a: {  	s8 =	sadd.s32 $0xFFFFE003, lr  }
0x1b: {  	s9 =	sadd.s32 $0xFFFFFEF7, lr;
	s5 =	simm.s32 $0xFFFFFFFF;
	p2 =	slt.u32 s8, $0xFFFFF086  }
0x1c: {  	p1 =	slt.u32 s9, $0xF7A;
	s5 =	simm.s32 @!p2 $0x0  }
0x1d: {  	s5 =	simm.s32 @p1 $0x1;
	p0 =	seq.s32 s7, s2  }
0x1e: {  	s7 =	smul.u32 @!p0 $0xF7A, s2;
	p2 =	seq.s32 @!p0 s5, $0x0  }
0x1f: {  	s9 =	smul.u32 $0xF7A, s1;
	s8 =	simm.s32 @!p0 $0x1BF5;
	p2 =	por !p2, p0  }
0x20: {  	[sflag:s8] =	ssyncset.s32 @!p0 $0xFFFFF086;
	s6 =	sadd.s32 @!p0 s3, s7;
	s7 =	simm.s32 @!p0 $0x108  }
0x21: {  	s3 =	sadd.s32 s3, s9;
	s6 =	sadd.s32 @!p0 $0x88, s6;
	s7 =	simm.s32 @p2 $0x1082  }
0x22: {  	[simem:s7], [sflag:s8] =	dma.local @!p0 [hbm:s6], $0xF7A  }
0x23: {  	s9 =	sor.u32 $0xD0000000, s2;
	s6 =	simm.s32 $0x108;
	_ =	swait.ge @!p0 [sflag:s8], $0x0  }
0x24: {  	s3 =	sadd.s32 $0x88, s3;
	s6 =	simm.s32 @!p1 $0x1082;
	[sflag:s4] =	ssyncset.s32 $0xFFFFF086  }
0x25: {  	[simem:s6], [sflag:s4] =	dma.local [hbm:s3], $0xF7A  }
0x26: {  	[smem:$0x3F95] =	sst s1;
	(tag) =	ssettag s2;
	_ =	strace s9  }
0x27: {  	s1 =	sld [smem:$0x3FA5]  }
0x28: {  	s2 =	sld [smem:$0x3FA6]  }
0x29: {  	s4 =	sld [smem:$0x3FA8]  }
0x2a: {  	p0 =	seq.s32 s5, $0x0;
	s5 =	sld [smem:$0x3FA9]  }
0x2b: {  	s6 =	sld [smem:$0x3FAA]  }
0x2c: {  	s7 =	sld [smem:$0x3FAB]  }
0x2d: {  	s3 =	simm.s32 $0x108;
	s8 =	sld [smem:$0x3FAC]  }
0x2e: {  	s3 =	simm.s32 @!p0 $0x1082;
	s9 =	sld [smem:$0x3FAD]  }
0x2f: {  	lr =	sadd.s32 s0, s3;
	s0 =	sld [smem:$0x3FA4]  }
0x30: {  	s3 =	sld [smem:$0x3FA7]  }
0x31: {  	[smem:$0x3FB0] =	sst s10  }
0x32: {  	s10 =	sld [smem:$0x3FAE];
	_ =	sdelay $0x3  }
0x33: {  	p0 =	seq.s32 s10, $0x1;
	s10 =	sld [smem:$0x3FB0];
	_ =	sdelay $0x3  }
0x34: {  	[smem:$0x3FB0] =	sst s10  }
0x35: {  	s10 =	sld [smem:$0x3FAF];
	_ =	sdelay $0x3  }
0x36: {  	p1 =	seq.s32 s10, $0x1;
	s10 =	sld [smem:$0x3FB0];
	_ =	sdelay $0x3  }
0x37: {  	[smem:$0x3FB0] =	sst s10  }
0x38: {  	s10 =	sld [smem:$0x3FB1]  }
0x39: {  	_ = 	snop;
	(pc) =	sbr.ind lr, $3  }
0x3a: {  	_ = 	snop  }
0x3b: {  	_ = 	snop  }
0x3c: {  	p2 =	seq.s32 s10, $0x1;
	s10 =	sld [smem:$0x3FB0]  }
0x3d: {  	_ =	shalt  }
0x3e: {  	_ =	shalt  }
0x3f: {  	_ =	shalt  }
0x40: {  	_ =	shalt  }
0x41: {  	_ =	shalt  }
0x42: {  	_ =	shalt  }
0x43: {  	_ =	shalt  }
0x44: {  	_ =	shalt  }
0x45: {  	_ =	shalt  }
0x46: {  	_ =	shalt  }
0x47: {  	_ =	shalt  }
0x48: {  	_ =	shalt  }
0x49: {  	_ =	shalt  }
0x4a: {  	_ =	shalt  }
0x4b: {  	_ =	shalt  }
0x4c: {  	_ =	shalt  }
0x4d: {  	_ =	shalt  }
0x4e: {  	_ =	shalt  }
0x4f: {  	_ =	shalt  }
0x50: {  	_ =	shalt  }
0x51: {  	_ =	shalt  }
0x52: {  	_ =	shalt  }
0x53: {  	_ =	shalt  }
0x54: {  	_ =	shalt  }
0x55: {  	_ =	shalt  }
0x56: {  	_ =	shalt  }
0x57: {  	_ =	shalt  }
0x58: {  	_ =	shalt  }
0x59: {  	_ =	shalt  }
0x5a: {  	_ =	shalt  }
0x5b: {  	_ =	shalt  }
0x5c: {  	_ =	shalt  }
0x5d: {  	_ =	shalt  }
0x5e: {  	_ =	shalt  }
0x5f: {  	_ =	shalt  }
0x60: {  	_ =	shalt  }
0x61: {  	_ =	shalt  }
0x62: {  	_ =	shalt  }
0x63: {  	_ =	shalt  }
0x64: {  	_ =	shalt  }
0x65: {  	_ =	shalt  }
0x66: {  	_ =	shalt  }
0x67: {  	_ =	shalt  }
0x68: {  	_ =	shalt  }
0x69: {  	_ =	shalt  }
0x6a: {  	_ =	shalt  }
0x6b: {  	_ =	shalt  }
0x6c: {  	_ =	shalt  }
0x6d: {  	_ =	shalt  }
0x6e: {  	_ =	shalt  }
0x6f: {  	_ =	shalt  }
0x70: {  	_ =	shalt  }
0x71: {  	_ =	shalt  }
0x72: {  	_ =	shalt  }
0x73: {  	_ =	shalt  }
0x74: {  	_ =	shalt  }
0x75: {  	_ =	shalt  }
0x76: {  	_ =	shalt  }
0x77: {  	_ =	shalt  }
0x78: {  	_ =	shalt  }
0x79: {  	_ =	shalt  }
0x7a: {  	_ =	shalt  }
0x7b: {  	_ =	shalt  }
0x7c: {  	_ =	shalt  }
0x7d: {  	_ =	shalt  }
0x7e: {  	_ =	shalt  }
0x7f: {  	_ =	shalt  }
0x80: {  	_ =	shalt  }
0x81: {  	_ =	shalt  }
0x82: {  	_ =	shalt  }
0x83: {  	_ =	shalt  }
0x84: {  	_ =	shalt  }
0x85: {  	_ =	shalt  }
0x86: {  	_ =	shalt  }
0x87: {  	_ =	shalt  }
.Lfunc_end0:
.L_simem_size_0:
called_computation_lowered:
.L_overlay_start_0:
0x88: {  	s2 =	sld [smem:$0x3FD9]  }
0x89: {  	s3 =	sld [smem:$0x3FFE];
	_ =	sdelay $0x1  }
0x8a: {  	s1 =	srdreg.scid  }
0x8b: {  	s0 =	sand.u32 $0x1, s1  }
0x8c: {  	s17 =	sshll.u32 s0, $0xA;
	s2 =	sadd.s32 s3, s2  }
0x8d: {  	s2 =	sadd.s32 s2, s17  }
0x8e: {  	[smem:$0x3FBC] =	sst s2  }
0x8f: {  	_ = 	snop  }
0x90: {  	s18 =	sld [smem:$0x3FC9];
	(tm) =	ssettm $0x1  }
0x91: {  	s19 =	sld [smem:$0x3FFB];
	_ =	sdelay $0x3  }
0x92: {  	_ =	strace s19  }
0x93: {  	s2 =	sld [smem:$0x3FFC];
	_ =	sdelay $0x3  }
0x94: {  	_ =	strace s2  }
0x95: {  	s2 =	sld [smem:$0x3FFD];
	_ =	sdelay $0x3  }
0x96: {  	_ =	strace s2  }
0x97: {  	_ =	strace $0x8FFFFFFF  }
0x98: {  	s20 =	sld [smem:$0x3FDB];
	_ =	sdelay $0x1  }
0x99: {  	s4 =	simm.s32 $_scs_section_size  }
0x9a: {  	s5 =	simm.s32 $_size__tile_overlayer_lowered;
	s6 =	simm.s32 $_tile_overlayer_lowered  }
0x9b: {  	s7 =	simm.s32 $0x1BFF;
	s21 =	sshll.u32 s6, $0x1;
	s4 =	sadd.s32 s4, s20  }
0x9c: {  	s22 =	simm.s32 $0x0;
	s5 =	sshll.u32 s5, $0x1;
	s6 =	sadd.s32 s21, s4  }
0x9d: {  	[timem:s22], [sflag:s7] =	dma.local [hbm:s6], s5  }
0x9e: {  	_ =	swait.ge [sflag:s7], s5  }
0x9f: {  	s5 =	ssub.s32 $0x0, s5;
	[sflag:s7] =	ssyncset.done $0x0  }
0xa0: {  	[sflag:s7] =	ssyncadd.s32 s5;
	_ =	sdelay $0x1  }
0xa1: {  	s23 =	simm.s32 $0x1B8B  }
0xa2: {  	_ =	swait.ge [sflag:s23], $0x1  }
0xa3: {  	[sflag:s23] =	ssyncset.done $0x0  }
0xa4: {  	[sflag:s23] =	ssyncadd.s32 $0xFFFFFFFF  }
0xa5: {  	s5 =	sld [smem:$0x0]  }
0xa6: {  	s6 =	sand.u32 $0xFFFFFFFE, s1  }
0xa7: {  	p0 =	sne.s32 s1, s6  }
0xa8: {  	s6 =	sshll.u32 @p0 s6, $0xE  }
0xa9: {  	s6 =	sadd.s32 @p0 $0x11B8D, s6;
	s7 =	sshll.u32 @p0 s5, $0x11  }
0xaa: {  	s6 =	sor.u32 @p0 s7, s6  }
0xab: {  	[sflag:s6] =	ssyncadd.remote.s32 @p0 $0x1;
	_ =	sdelay $0x1  }
0xac: {  	s6 =	simm.s32 @p0 $0x1B8D  }
0xad: {  	_ =	swait.eq @p0 [sflag:s6], $0x1  }
0xae: {  	[sflag:s6] =	ssyncadd.s32 @p0 $0xFFFFFFFF  }
0xaf: {  	s7 =	sshll.u32 @!p0 s1, $0xE  }
0xb0: {  	s7 =	sor.u32 @!p0 $0x4000, s7;
	s6 =	simm.s32 @!p0 $0x1B8D  }
0xb1: {  	s5 =	sshll.u32 @!p0 s5, $0x11;
	s7 =	sadd.s32 @!p0 $0x11B8D, s7;
	_ =	swait.eq @!p0 [sflag:s6], $0x1  }
0xb2: {  	s5 =	sor.u32 @!p0 s5, s7;
	[sflag:s6] =	ssyncadd.s32 @!p0 $0xFFFFFFFF  }
0xb3: {  	s25 =	simm.s32 $0x1B8E;
	s24 =	sld [smem:$0x3FFE];
	[sflag:s5] =	ssyncadd.remote.s32 @!p0 $0x1  }
0xb4: {  	s26 =	simm.s32 $execute0_lowered;
	[smem:$0x3FD2] =	sst s25  }
0xb5: {  	s6 =	sshll.u32 s26, $0x1;
	_ =	strace $0x80000049;
	[dreg:$0x1] =	wrdreg $0xFFFFFFFF  }
0xb6: {  	s28 =	simm.s32 $_size_execute0_lowered;
	s4 =	sadd.s32 s4, s6;
	[dreg:$0x0] =	wrdreg $0x0  }
0xb7: {  	s6 =	sshll.u32 s28, $0x1;
	[dreg:$0x2] =	wrdreg s4  }
0xb8: {  	[dreg:$0x3] =	wrdreg s6  }
0xb9: {  	[dreg:$0x4] =	wrdreg $0xC0  }
0xba: {  	_ =	task [dreg:s22], $0x5FFFF  }
0xbb: {  	[dreg:$0x1] =	wrdreg $0xFFFFFFFF  }
0xbc: {  	[dreg:$0x0] =	wrdreg $0x60  }
0xbd: {  	[dreg:$0x2] =	wrdreg s18  }
0xbe: {  	[dreg:$0x3] =	wrdreg s24  }
0xbf: {  	[dreg:$0x4] =	wrdreg $0xB5000  }
0xc0: {  	[dreg:$0x5] =	wrdreg $0x9  }
0xc1: {  	_ =	task.clear_ibuf [dreg:s22], $0x6FFFF;
	_ =	strace $0x90000049  }
0xc2: {  	s29 =	simm.s32 $0x9;
	_ =	strace $0x8000004B  }
0xc3: {  	_ =	swait.ge [sflag:s29], $0x1  }
0xc4: {  	[sflag:s29] =	ssyncadd.s32 $0xFFFFFFFF  }
0xc5: {  	_ =	strace $0x9000004B  }
0xc6: {  	_ =	sfence  }
0xc7: {  	s30 =	sld [smem:$0x0];
	_ =	sdelay $0x2  }
0xc8: {  	s31 =	sshll.u32 s1, $0xD;
	s1 =	sshrl.u32 s1, $0x2  }
0xc9: {  	s4 =	sand.u32 $0x4000, s31;
	s1 =	sadd.s32 s1, s30  }
0xca: {  	s0 =	sor.u32 s4, s0;
	s1 =	sshll.u32 s1, $0x11  }
0xcb: {  	s0 =	sor.u32 s1, s0  }
0xcc: {  	s0 =	sadd.s32 $0x8F2B, s0  }
0xcd: {  	[sflag:s0] =	ssyncadd.remote.s32 $0x1  }
0xce: {  	_ =	sfence.sel $0xFFFF  }
0xcf: {  	[dreg:$0x0] =	wrdreg $0xFFFFFFFF;
	(pc) =	sbr.abs _section_cstart, $3  }
0xd0: {  	[dreg:$0x1] =	wrdreg $0xFFFFFFFF  }
0xd1: {  	_ =	task.clear_ibuf [dreg:s22], $0x2FFFF;
	_ =	strace $0x9FFFFFFF  }
0xd2: {  	(tm) =	ssettm $0x7FFFFFFF  }
0xd3: {  	_ =	shalt  }
tec
execute0_lowered:
.L_overlay_start_1:
0x0: {  	(tag) =	ssettag $0x1  }
0x1: {  	s1 =	rddreg [dreg:$0x0]  }
0x2: {  	s2 =	rddreg [dreg:$0x1];
	s3 =	srdreg.scid  }
0x3: {  	s0 =	stileid.u32;
	s13 =	simm.s32 $0x4F;
	s19 =	simm.s32 $0x8100  }
0x4: {  	s20 =	simm.s32 $0x2;
	s21 =	simm.s32 $0x80;
	s22 =	simm.s32 $0x4100  }
0x5: {  	s23 =	simm.s32 $0x100;
	s24 =	simm.s32 $0x1;
	s6 =	smul.u32 $0x4E00, s0  }
0x6: {  	s26 =	simm.s32 $0x0;
	s5 =	sand.u32 $0x1, s3;
	s29 =	smul.u32 $0x4E000, s0  }
0x7: {  	s4 =	sshll.u32 s0, $0x1;
	s3 =	rddreg [dreg:$0x2];
	s25 =	smul.u32 $0x2700, s0  }
0x8: {  	p0 =	slt.u32 s0, $0x2;
	s7 =	smul.u32 $0x2700, s5;
	s4 =	sor.u32 s5, s4  }
0x9: {  	s30 =	smul.u32 $0x27100, s5;
	s31 =	ssub.s32 $0x2, s5;
	s5 =	sadd.s32 $0x9E3000, s2  }
0xa: {  	s12 =	sadd.s32 $0x138000, s3;
	s13 =	simm.s32 @!p0 $0x4E;
	p0 =	sne.s32 s0, $0xF  }
0xb: {  	s8 =	smin.u32 s4, $0x4;
	s4 =	simm.s32 $0x0;
	s9 =	sshrl.u32 s31, $0x1  }
0xc: {  	s6 =	sadd.s32 s7, s6;
	s28 =	sshll.u32 s8, $0x7;
	[smem:$0x7FF] =	sst s4  }
0xd: {  	s16 =	ssub.s32 s31, s9;
	s6 =	sadd.s32 s28, s6;
	_ =	strace $0x8000004A  }
0xe: {  	s16 =	smax.u32 s16, $0x1;
	s7 =	sshll.u32 s6, $0x4;
	s6 =	sshrl.u32 s6, $0x3  }
0xf: {  	s15 =	sadd.s32 s7, s2;
	s17 =	sadd.s32 s6, s2;
	s2 =	sadd.s32 s30, s2  }
0x10: {  	s7 =	sshrl.u32 s29, $0x2;
	s14 =	sadd.s32 $0xF13A00, s2;
	s15 =	sadd.s32 $0xA31A00, s15  }
0x11: {  	s6 =	sadd.s32 s7, s3;
	s2 =	sadd.s32 $0x4ED400, s17;
	s18 =	sadd.s32 $0x4F7200, s17  }
0x12: {  	s7 =	sadd.s32 $0x3400, s6;
	s8 =	sadd.s32 $0x6800, s6;
	s9 =	sadd.s32 $0x9C00, s6  }
0x13: {  	s10 =	sadd.s32 $0xD000, s6;
	s11 =	sadd.s32 $0x10400, s6;
	s25 =	sadd.s32 s25, s14  }
.LBB2_1:
0x14: {  	[tilespmem:s19], [sflag:$0x2] =	stream.linear.gather [hbm4b:s5+s4], $0x3400, $0x38;
	[tilespmem:$0x1ED80] =	vst v63  }
0x15: {  	_ =	swait.ge [sflag:s20], $0x3400  }
0x16: {  	[sflag:s20] =	ssyncset.done $0x0  }
0x17: {  	[sflag:s20] =	ssyncadd.s32 $0xFFFFCC00  }
0x18: {  	[spmem:s6] =	stream.linear.scatter [tilespmem:s19], [sflag:$0x2], $0x3400, $0x38;
	[tilespmem:$0x1ED80] =	vst v63  }
0x19: {  	_ =	swait.ge [sflag:s20], $0x3400  }
0x1a: {  	[sflag:s20] =	ssyncset.done $0x0  }
0x1b: {  	[sflag:s20] =	ssyncadd.s32 $0xFFFFCC00  }
0x1c: {  	[spmem:s7] =	stream.linear.scatter [tilespmem:s19], [sflag:$0x2], $0x3400, $0x38;
	[tilespmem:$0x1ED80] =	vst v63  }
0x1d: {  	_ =	swait.ge [sflag:s20], $0x3400  }
0x1e: {  	[sflag:s20] =	ssyncset.done $0x0  }
0x1f: {  	[sflag:s20] =	ssyncadd.s32 $0xFFFFCC00  }
0x20: {  	[spmem:s8] =	stream.linear.scatter [tilespmem:s19], [sflag:$0x2], $0x3400, $0x38;
	[tilespmem:$0x1ED80] =	vst v63  }
0x21: {  	_ =	swait.ge [sflag:s20], $0x3400  }
0x22: {  	[sflag:s20] =	ssyncset.done $0x0  }
0x23: {  	[sflag:s20] =	ssyncadd.s32 $0xFFFFCC00  }
0x24: {  	[spmem:s9] =	stream.linear.scatter [tilespmem:s19], [sflag:$0x2], $0x3400, $0x38;
	[tilespmem:$0x1ED80] =	vst v63  }
0x25: {  	_ =	swait.ge [sflag:s20], $0x3400  }
0x26: {  	[sflag:s20] =	ssyncset.done $0x0  }
0x27: {  	[sflag:s20] =	ssyncadd.s32 $0xFFFFCC00  }
0x28: {  	[spmem:s10] =	stream.linear.scatter [tilespmem:s19], [sflag:$0x2], $0x3400, $0x38;
	[tilespmem:$0x1ED80] =	vst v63  }
0x29: {  	_ =	swait.ge [sflag:s20], $0x3400  }
0x2a: {  	[sflag:s20] =	ssyncset.done $0x0  }
0x2b: {  	[sflag:s20] =	ssyncadd.s32 $0xFFFFCC00  }
0x2c: {  	[spmem:s11] =	stream.linear.scatter [tilespmem:s19], [sflag:$0x2], $0x3400, $0x38;
	[tilespmem:$0x1ED80] =	vst v63  }
0x2d: {  	_ =	swait.ge [sflag:s20], $0x3400  }
0x2e: {  	[sflag:s20] =	ssyncset.done $0x0  }
0x2f: {  	s17 =	simm.s32 @!p0 $0x8100;
	s28 =	simm.s32 @!p0 $0x2;
	[sflag:s20] =	ssyncadd.s32 $0xFFFFCC00  }
0x30: {  	[spmem:s12] =	stream.linear.scatter @!p0 [tilespmem:s17], [sflag:$0x2], $0x800, $0x38;
	[tilespmem:$0x1ED80] =	vst v63  }
0x31: {  	_ =	swait.ge @!p0 [sflag:s28], $0x800  }
0x32: {  	[sflag:s28] =	ssyncset.done @!p0 $0x0  }
0x33: {  	[sflag:s28] =	ssyncadd.s32 @!p0 $0xFFFFF800  }
0x34: {  	[bflag:$0x0] =	sbarrier.arrive $0xFFFF  }
0x35: {  	[tilespmem:s4], [sflag:$0x2] =	stream.linear.gather [hbm4b:s18+s4], $0x80, $0x38;
	[tilespmem:$0x1ED80] =	vst v63  }
0x36: {  	_ =	swait.ge [sflag:s20], $0x80  }
0x37: {  	[sflag:s20] =	ssyncset.done $0x0  }
0x38: {  	[sflag:s20] =	ssyncadd.s32 $0xFFFFFF80  }
0x39: {  	[tilespmem:s21], [sflag:$0x2] =	stream.linear.gather [hbm4b:s2+s4], $0x80, $0x38;
	[tilespmem:$0x1ED80] =	vst v63  }
0x3a: {  	_ =	swait.ge [sflag:s20], $0x80  }
0x3b: {  	[sflag:s20] =	ssyncset.done $0x0  }
0x3c: {  	[sflag:s20] =	ssyncadd.s32 $0xFFFFFF80  }
0x3d: {  	[tilespmem:s22], [sflag:$0x2] =	stream.linear.gather [hbm4b:s15+s4], $0x4000, $0x38;
	[tilespmem:$0x1ED80] =	vst v63  }
0x3e: {  	_ =	swait.ge [sflag:s20], $0x4000  }
0x3f: {  	[sflag:s20] =	ssyncset.done $0x0  }
0x40: {  	[sflag:s20] =	ssyncadd.s32 $0xFFFFC000  }
0x41: {  	[tilespmem:s23], [sflag:$0x1] =	stream.indirect.gather [hbm4b:s1+s21], $0x80, s4, s21, $0xb8;
	[tilespmem:$0x1ED80] =	vst v63  }
0x42: {  	_ =	swait.ge [sflag:s24], $0x4000  }
0x43: {  	[sflag:s24] =	ssyncset.done $0x0  }
0x44: {  	[sflag:s24] =	ssyncadd.s32 $0xFFFFC000  }
0x45: {  	[spmem:s3] =	stream.indirect.scatter.add.f32 [tilespmem:s23], [sflag:$0x2], $0x80, s21, s21, $0xb8;
	[tilespmem:$0x1ED80] =	vst v63  }
0x46: {  	p1 =	sne.s32 s13, $0x1;
	_ =	swait.ge [sflag:s20], $0x4000  }
.Ltmp0:
0x47: {  	[sflag:s20] =	ssyncset.done $0x0;
	(pc) =	sbr.rel @!p1 .LBB2_3-.Ltmp0, $4  }
0x48: {  	[sflag:s20] =	ssyncadd.s32 $0xFFFFC000  }
0x49: {  	[spmem:s3] =	stream.indirect.scatter.add.f32 [tilespmem:s22], [sflag:$0x2], $0x80, s21, s21, $0xb8;
	[tilespmem:$0x1ED80] =	vst v63  }
0x4a: {  	s29 =	sadd.s32 $0xFFFFFFFF, s13;
	s30 =	sadd.s32 $0x10, s18;
	_ =	swait.ge [sflag:s20], $0x4000  }
0x4b: {  	s31 =	smov.u32 s15;
	s17 =	smov.u32 s2;
	[sflag:s20] =	ssyncset.done $0x0  }
.LBB2_2:
0x4c: {  	[sflag:s20] =	ssyncadd.s32 $0xFFFFC000;
	s31 =	sadd.s32 $0x800, s31;
	s17 =	sadd.s32 $0x10, s17  }
0x4d: {  	[tilespmem:s4], [sflag:$0x2] =	stream.linear.gather [hbm4b:s30+s4], $0x80, $0x38;
	[tilespmem:$0x1ED80] =	vst v63  }
0x4e: {  	p1 =	sne.s32 s29, $0x1;
	s29 =	sadd.s32 $0xFFFFFFFF, s29;
	_ =	swait.ge [sflag:s20], $0x80  }
0x4f: {  	[sflag:s20] =	ssyncset.done $0x0  }
0x50: {  	[sflag:s20] =	ssyncadd.s32 $0xFFFFFF80  }
0x51: {  	[tilespmem:s21], [sflag:$0x2] =	stream.linear.gather [hbm4b:s17+s4], $0x80, $0x38;
	[tilespmem:$0x1ED80] =	vst v63  }
0x52: {  	_ =	swait.ge [sflag:s20], $0x80  }
0x53: {  	[sflag:s20] =	ssyncset.done $0x0  }
0x54: {  	[sflag:s20] =	ssyncadd.s32 $0xFFFFFF80  }
0x55: {  	[tilespmem:s22], [sflag:$0x2] =	stream.linear.gather [hbm4b:s31+s4], $0x4000, $0x38;
	[tilespmem:$0x1ED80] =	vst v63  }
0x56: {  	_ =	swait.ge [sflag:s20], $0x4000  }
0x57: {  	[sflag:s20] =	ssyncset.done $0x0  }
0x58: {  	[sflag:s20] =	ssyncadd.s32 $0xFFFFC000  }
0x59: {  	[tilespmem:s23], [sflag:$0x1] =	stream.indirect.gather [hbm4b:s1+s21], $0x80, s4, s21, $0xb8;
	[tilespmem:$0x1ED80] =	vst v63  }
0x5a: {  	_ =	swait.ge [sflag:s24], $0x4000  }
0x5b: {  	[sflag:s24] =	ssyncset.done $0x0  }
0x5c: {  	[sflag:s24] =	ssyncadd.s32 $0xFFFFC000  }
0x5d: {  	[spmem:s3] =	stream.indirect.scatter.add.f32 [tilespmem:s23], [sflag:$0x2], $0x80, s21, s21, $0xb8;
	[tilespmem:$0x1ED80] =	vst v63  }
0x5e: {  	_ =	swait.ge [sflag:s20], $0x4000  }
.Ltmp1:
0x5f: {  	[sflag:s20] =	ssyncset.done $0x0;
	(pc) =	sbr.rel @p1 .LBB2_2-.Ltmp1, $4  }
0x60: {  	[sflag:s20] =	ssyncadd.s32 $0xFFFFC000  }
0x61: {  	[spmem:s3] =	stream.indirect.scatter.add.f32 [tilespmem:s22], [sflag:$0x2], $0x80, s21, s21, $0xb8;
	[tilespmem:$0x1ED80] =	vst v63  }
0x62: {  	_ =	swait.ge [sflag:s20], $0x4000  }
0x63: {  	s30 =	sadd.s32 $0x10, s30;
	[sflag:s20] =	ssyncset.done $0x0  }
.LBB2_3:
0x64: {  	[sflag:s20] =	ssyncadd.s32 $0xFFFFC000;
	s17 =	sshll.u32 s0, $0x6  }
0x65: {  	s29 =	sshrl.u32 s6, $0x3;
	[bflag:$0x0] =	sbarrier.arrive $0xFFFF;
	s17 =	sor.u32 $0x1C02, s17  }
0x66: {  	[hbm:s25], [sflag:s17] =	dma.local [spmem:s29], $0x2700  }
0x67: {  	s26 =	sadd.s32 $0x1, s26;
	_ =	swait.ge [sflag:s20], $0x2700  }
0x68: {  	s30 =	sshrl.u32 @!p0 s12, $0x3;
	p1 =	sne.s32 s26, s16;
	[sflag:s20] =	ssyncset.done $0x0  }
.Ltmp2:
0x69: {  	s29 =	sadd.s32 @!p0 $0x27000, s14;
	[sflag:s20] =	ssyncadd.s32 $0xFFFFD900;
	(pc) =	sbr.rel @p1 .LBB2_1-.Ltmp2, $4  }
0x6a: {  	[hbm:s29], [sflag:s17] =	dma.local @!p0 [spmem:s30], $0x100  }
0x6b: {  	_ =	swait.ge @!p0 [sflag:s28], $0x100  }
0x6c: {  	[sflag:s28] =	ssyncset.done @!p0 $0x0  }
0x6d: {  	[sflag:s28] =	ssyncadd.s32 @!p0 $0xFFFFFF00  }
0x6e: {  	_ =	sfence.sel $0x180000  }
0x6f: {  	[bflag:$0x0] =	sbarrier.arrive $0xFFFF  }
0x70: {  	_ =	strace $0x9000004A  }
0x71: {  	[bflag:$0x2] =	sbarrier.arrive $0xFFFF  }
0x72: {  	p0 =	sne.s32 s0, $0x0;
	s0 =	rddreg [dreg:$0x3]  }
0x73: {  	s0 =	sadd.s32 @!p0 $0x100000, s0  }
0x74: {  	[sflag:s0] =	ssyncadd.tile.s32 @!p0 $0x1;
	_ =	shalt  }
.Lfunc_end2:
_tile_overlayer_lowered:
.L_overlay_start_2:
0x75: {  	(tag) =	ssettag $0x2  }
0x76: {  	s0 =	rddreg [dreg:$0x0];
	s2 =	stileid.u32  }
0x77: {  	s1 =	rddreg [dreg:$0x1];
	p0 =	sne.s32 s2, $0x0  }
0x78: {  	s3 =	rddreg [dreg:$0x2];
	[bflag:$0x3] =	sbarrier.arrive $0xFFFF;
	s2 =	simm.s32 @!p0 $0x1C02  }
0x79: {  	[timem:s3], [sflag:s2] =	dma.local @!p0 [hbm:s0], s1  }
0x7a: {  	s0 =	simm.s32 @!p0 $0x2  }
0x7b: {  	_ =	swait.ge @!p0 [sflag:s0], s1  }
0x7c: {  	s1 =	ssub.s32 @!p0 $0x0, s1;
	[sflag:s0] =	ssyncset.done @!p0 $0x0  }
0x7d: {  	[sflag:s0] =	ssyncadd.s32 @!p0 s1  }
0x7e: {  	[bflag:$0x3] =	sbarrier.arrive $0xFFFF  }
0x7f: {  	_ =	shalt  }

// kernel: kernel.23.cloned.1.call-start
scs
__scs_entry_jumppad:
0x0: {  	(pc) =	sbr.rel $0x88, $3  }
0x1: {  	(tag) =	ssettag $0x0;
	lr =	simm.s32 $0x1  }
0x2: {  	[smem:$0x3F95] =	sst lr;
	_ =	strace $0xD0000000  }
0x3: {  	_ = 	snop  }
0x4: {  	_ = 	snop  }
0x5: {  	_ = 	snop  }
0x6: {  	_ = 	snop  }
0x7: {  	_ = 	snop  }
__scs_overlays_trampoline_lowered:
0x8: {  	[smem:$0x3FA4] =	sst s0  }
0x9: {  	[smem:$0x3FA5] =	sst s1  }
0xa: {  	[smem:$0x3FA6] =	sst s2  }
0xb: {  	[smem:$0x3FA7] =	sst s3  }
0xc: {  	[smem:$0x3FA8] =	sst s4  }
0xd: {  	[smem:$0x3FA9] =	sst s5  }
0xe: {  	[smem:$0x3FAA] =	sst s6  }
0xf: {  	[smem:$0x3FAB] =	sst s7  }
0x10: {  	[smem:$0x3FAC] =	sst s8  }
0x11: {  	[smem:$0x3FAD] =	sst s9;
	s0 =	simm.s32 @!p0 $0x0  }
0x12: {  	s1 =	sld [smem:$0x3F93];
	s0 =	simm.s32 @p0 $0x1  }
0x13: {  	[smem:$0x3FAE] =	sst s0;
	s0 =	simm.s32 @!p1 $0x0  }
0x14: {  	s2 =	sld [smem:$0x3F92];
	s0 =	simm.s32 @p1 $0x1  }
0x15: {  	[smem:$0x3FAF] =	sst s0;
	s0 =	simm.s32 @!p2 $0x0  }
0x16: {  	s3 =	sld [smem:$0x3FDB];
	s0 =	simm.s32 @p2 $0x1  }
0x17: {  	s4 =	simm.s32 $0x1BF5;
	[smem:$0x3FB1] =	sst s0  }
0x18: {  	s0 =	sld [smem:$0x3F94];
	_ =	swait.ge [sflag:s4], $0x0  }
0x19: {  	s7 =	sld [smem:$0x3F95]  }
0x1a: {  	s8 =	sadd.s32 $0xFFFFE003, lr  }
0x1b: {  	s9 =	sadd.s32 $0xFFFFFEF7, lr;
	s5 =	simm.s32 $0xFFFFFFFF;
	p2 =	slt.u32 s8, $0xFFFFF086  }
0x1c: {  	p1 =	slt.u32 s9, $0xF7A;
	s5 =	simm.s32 @!p2 $0x0  }
0x1d: {  	s5 =	simm.s32 @p1 $0x1;
	p0 =	seq.s32 s7, s2  }
0x1e: {  	s7 =	smul.u32 @!p0 $0xF7A, s2;
	p2 =	seq.s32 @!p0 s5, $0x0  }
0x1f: {  	s9 =	smul.u32 $0xF7A, s1;
	s8 =	simm.s32 @!p0 $0x1BF5;
	p2 =	por !p2, p0  }
0x20: {  	[sflag:s8] =	ssyncset.s32 @!p0 $0xFFFFF086;
	s6 =	sadd.s32 @!p0 s3, s7;
	s7 =	simm.s32 @!p0 $0x108  }
0x21: {  	s3 =	sadd.s32 s3, s9;
	s6 =	sadd.s32 @!p0 $0x88, s6;
	s7 =	simm.s32 @p2 $0x1082  }
0x22: {  	[simem:s7], [sflag:s8] =	dma.local @!p0 [hbm:s6], $0xF7A  }
0x23: {  	s9 =	sor.u32 $0xD0000000, s2;
	s6 =	simm.s32 $0x108;
	_ =	swait.ge @!p0 [sflag:s8], $0x0  }
0x24: {  	s3 =	sadd.s32 $0x88, s3;
	s6 =	simm.s32 @!p1 $0x1082;
	[sflag:s4] =	ssyncset.s32 $0xFFFFF086  }
0x25: {  	[simem:s6], [sflag:s4] =	dma.local [hbm:s3], $0xF7A  }
0x26: {  	[smem:$0x3F95] =	sst s1;
	(tag) =	ssettag s2;
	_ =	strace s9  }
0x27: {  	s1 =	sld [smem:$0x3FA5]  }
0x28: {  	s2 =	sld [smem:$0x3FA6]  }
0x29: {  	s4 =	sld [smem:$0x3FA8]  }
0x2a: {  	p0 =	seq.s32 s5, $0x0;
	s5 =	sld [smem:$0x3FA9]  }
0x2b: {  	s6 =	sld [smem:$0x3FAA]  }
0x2c: {  	s7 =	sld [smem:$0x3FAB]  }
0x2d: {  	s3 =	simm.s32 $0x108;
	s8 =	sld [smem:$0x3FAC]  }
0x2e: {  	s3 =	simm.s32 @!p0 $0x1082;
	s9 =	sld [smem:$0x3FAD]  }
0x2f: {  	lr =	sadd.s32 s0, s3;
	s0 =	sld [smem:$0x3FA4]  }
0x30: {  	s3 =	sld [smem:$0x3FA7]  }
0x31: {  	[smem:$0x3FB0] =	sst s10  }
0x32: {  	s10 =	sld [smem:$0x3FAE];
	_ =	sdelay $0x3  }
0x33: {  	p0 =	seq.s32 s10, $0x1;
	s10 =	sld [smem:$0x3FB0];
	_ =	sdelay $0x3  }
0x34: {  	[smem:$0x3FB0] =	sst s10  }
0x35: {  	s10 =	sld [smem:$0x3FAF];
	_ =	sdelay $0x3  }
0x36: {  	p1 =	seq.s32 s10, $0x1;
	s10 =	sld [smem:$0x3FB0];
	_ =	sdelay $0x3  }
0x37: {  	[smem:$0x3FB0] =	sst s10  }
0x38: {  	s10 =	sld [smem:$0x3FB1]  }
0x39: {  	_ = 	snop;
	(pc) =	sbr.ind lr, $3  }
0x3a: {  	_ = 	snop  }
0x3b: {  	_ = 	snop  }
0x3c: {  	p2 =	seq.s32 s10, $0x1;
	s10 =	sld [smem:$0x3FB0]  }
0x3d: {  	_ =	shalt  }
0x3e: {  	_ =	shalt  }
0x3f: {  	_ =	shalt  }
0x40: {  	_ =	shalt  }
0x41: {  	_ =	shalt  }
0x42: {  	_ =	shalt  }
0x43: {  	_ =	shalt  }
0x44: {  	_ =	shalt  }
0x45: {  	_ =	shalt  }
0x46: {  	_ =	shalt  }
0x47: {  	_ =	shalt  }
0x48: {  	_ =	shalt  }
0x49: {  	_ =	shalt  }
0x4a: {  	_ =	shalt  }
0x4b: {  	_ =	shalt  }
0x4c: {  	_ =	shalt  }
0x4d: {  	_ =	shalt  }
0x4e: {  	_ =	shalt  }
0x4f: {  	_ =	shalt  }
0x50: {  	_ =	shalt  }
0x51: {  	_ =	shalt  }
0x52: {  	_ =	shalt  }
0x53: {  	_ =	shalt  }
0x54: {  	_ =	shalt  }
0x55: {  	_ =	shalt  }
0x56: {  	_ =	shalt  }
0x57: {  	_ =	shalt  }
0x58: {  	_ =	shalt  }
0x59: {  	_ =	shalt  }
0x5a: {  	_ =	shalt  }
0x5b: {  	_ =	shalt  }
0x5c: {  	_ =	shalt  }
0x5d: {  	_ =	shalt  }
0x5e: {  	_ =	shalt  }
0x5f: {  	_ =	shalt  }
0x60: {  	_ =	shalt  }
0x61: {  	_ =	shalt  }
0x62: {  	_ =	shalt  }
0x63: {  	_ =	shalt  }
0x64: {  	_ =	shalt  }
0x65: {  	_ =	shalt  }
0x66: {  	_ =	shalt  }
0x67: {  	_ =	shalt  }
0x68: {  	_ =	shalt  }
0x69: {  	_ =	shalt  }
0x6a: {  	_ =	shalt  }
0x6b: {  	_ =	shalt  }
0x6c: {  	_ =	shalt  }
0x6d: {  	_ =	shalt  }
0x6e: {  	_ =	shalt  }
0x6f: {  	_ =	shalt  }
0x70: {  	_ =	shalt  }
0x71: {  	_ =	shalt  }
0x72: {  	_ =	shalt  }
0x73: {  	_ =	shalt  }
0x74: {  	_ =	shalt  }
0x75: {  	_ =	shalt  }
0x76: {  	_ =	shalt  }
0x77: {  	_ =	shalt  }
0x78: {  	_ =	shalt  }
0x79: {  	_ =	shalt  }
0x7a: {  	_ =	shalt  }
0x7b: {  	_ =	shalt  }
0x7c: {  	_ =	shalt  }
0x7d: {  	_ =	shalt  }
0x7e: {  	_ =	shalt  }
0x7f: {  	_ =	shalt  }
0x80: {  	_ =	shalt  }
0x81: {  	_ =	shalt  }
0x82: {  	_ =	shalt  }
0x83: {  	_ =	shalt  }
0x84: {  	_ =	shalt  }
0x85: {  	_ =	shalt  }
0x86: {  	_ =	shalt  }
0x87: {  	_ =	shalt  }
.Lfunc_end0:
.L_simem_size_0:
called_computation.1_lowered:
.L_overlay_start_0:
0x88: {  	s2 =	sld [smem:$0x3FD9]  }
0x89: {  	s3 =	sld [smem:$0x3FFE];
	_ =	sdelay $0x1  }
0x8a: {  	s1 =	srdreg.scid  }
0x8b: {  	s0 =	sand.u32 $0x1, s1  }
0x8c: {  	s17 =	sshll.u32 s0, $0xA;
	s2 =	sadd.s32 s3, s2  }
0x8d: {  	s2 =	sadd.s32 s2, s17  }
0x8e: {  	[smem:$0x3FBC] =	sst s2  }
0x8f: {  	_ = 	snop  }
0x90: {  	(tm) =	ssettm $0x1  }
0x91: {  	s18 =	sld [smem:$0x3FFB];
	_ =	sdelay $0x3  }
0x92: {  	_ =	strace s18  }
0x93: {  	s2 =	sld [smem:$0x3FFC];
	_ =	sdelay $0x3  }
0x94: {  	_ =	strace s2  }
0x95: {  	s2 =	sld [smem:$0x3FFD];
	_ =	sdelay $0x3  }
0x96: {  	_ =	strace s2  }
0x97: {  	_ =	strace $0x8FFFFFFF  }
0x98: {  	s19 =	sld [smem:$0x3FDB];
	_ =	sdelay $0x1  }
0x99: {  	s20 =	simm.s32 $_scs_section_size  }
0x9a: {  	s4 =	simm.s32 $_size__tile_overlayer_lowered;
	s5 =	simm.s32 $_tile_overlayer_lowered  }
0x9b: {  	s6 =	simm.s32 $0x1BFF;
	s21 =	sshll.u32 s5, $0x1;
	s3 =	sadd.s32 s20, s19  }
0x9c: {  	s22 =	simm.s32 $0x0;
	s4 =	sshll.u32 s4, $0x1;
	s5 =	sadd.s32 s21, s3  }
0x9d: {  	[timem:s22], [sflag:s6] =	dma.local [hbm:s5], s4  }
0x9e: {  	_ =	swait.ge [sflag:s6], s4  }
0x9f: {  	s4 =	ssub.s32 $0x0, s4;
	[sflag:s6] =	ssyncset.done $0x0  }
0xa0: {  	[sflag:s6] =	ssyncadd.s32 s4;
	_ =	sdelay $0x1  }
0xa1: {  	s23 =	simm.s32 $0x1B8B  }
0xa2: {  	_ =	swait.ge [sflag:s23], $0x1  }
0xa3: {  	[sflag:s23] =	ssyncset.done $0x0  }
0xa4: {  	[sflag:s23] =	ssyncadd.s32 $0xFFFFFFFF  }
0xa5: {  	s4 =	sld [smem:$0x0]  }
0xa6: {  	s5 =	sand.u32 $0xFFFFFFFE, s1  }
0xa7: {  	p0 =	sne.s32 s1, s5  }
0xa8: {  	s5 =	sshll.u32 @p0 s5, $0xE  }
0xa9: {  	s5 =	sadd.s32 @p0 $0x11B8D, s5;
	s6 =	sshll.u32 @p0 s4, $0x11  }
0xaa: {  	s5 =	sor.u32 @p0 s6, s5  }
0xab: {  	[sflag:s5] =	ssyncadd.remote.s32 @p0 $0x1;
	_ =	sdelay $0x1  }
0xac: {  	s5 =	simm.s32 @p0 $0x1B8D  }
0xad: {  	_ =	swait.eq @p0 [sflag:s5], $0x1  }
0xae: {  	[sflag:s5] =	ssyncadd.s32 @p0 $0xFFFFFFFF  }
0xaf: {  	s6 =	sshll.u32 @!p0 s1, $0xE  }
0xb0: {  	s6 =	sor.u32 @!p0 $0x4000, s6;
	s5 =	simm.s32 @!p0 $0x1B8D  }
0xb1: {  	s4 =	sshll.u32 @!p0 s4, $0x11;
	s6 =	sadd.s32 @!p0 $0x11B8D, s6;
	_ =	swait.eq @!p0 [sflag:s5], $0x1  }
0xb2: {  	s4 =	sor.u32 @!p0 s4, s6;
	[sflag:s5] =	ssyncadd.s32 @!p0 $0xFFFFFFFF  }
0xb3: {  	s25 =	simm.s32 $0x1B8E;
	s24 =	sld [smem:$0x3FFE];
	[sflag:s4] =	ssyncadd.remote.s32 @!p0 $0x1  }
0xb4: {  	s26 =	simm.s32 $execute0_lowered;
	[smem:$0x3FD2] =	sst s25  }
0xb5: {  	s5 =	sshll.u32 s26, $0x1;
	_ =	strace $0x8000004F;
	[dreg:$0x1] =	wrdreg $0xFFFFFFFF  }
0xb6: {  	s28 =	simm.s32 $_size_execute0_lowered;
	s3 =	sadd.s32 s3, s5;
	[dreg:$0x0] =	wrdreg $0x0  }
0xb7: {  	s5 =	sshll.u32 s28, $0x1;
	[dreg:$0x2] =	wrdreg s3  }
0xb8: {  	[dreg:$0x3] =	wrdreg s5  }
0xb9: {  	[dreg:$0x4] =	wrdreg $0xC0  }
0xba: {  	_ =	task [dreg:s22], $0x5FFFF  }
0xbb: {  	[dreg:$0x1] =	wrdreg $0xFFFFFFFF  }
0xbc: {  	[dreg:$0x0] =	wrdreg $0x60  }
0xbd: {  	[dreg:$0x2] =	wrdreg s24  }
0xbe: {  	[dreg:$0x3] =	wrdreg $0xB5000  }
0xbf: {  	[dreg:$0x4] =	wrdreg $0x9  }
0xc0: {  	_ =	task.clear_ibuf [dreg:s22], $0x5FFFF;
	_ =	strace $0x9000004F  }
0xc1: {  	s29 =	simm.s32 $0x9;
	_ =	strace $0x80000051  }
0xc2: {  	_ =	swait.ge [sflag:s29], $0x1  }
0xc3: {  	[sflag:s29] =	ssyncadd.s32 $0xFFFFFFFF  }
0xc4: {  	_ =	strace $0x90000051  }
0xc5: {  	_ =	sfence  }
0xc6: {  	s30 =	sld [smem:$0x0];
	_ =	sdelay $0x2  }
0xc7: {  	s31 =	sshll.u32 s1, $0xD;
	s1 =	sshrl.u32 s1, $0x2  }
0xc8: {  	s4 =	sand.u32 $0x4000, s31;
	s1 =	sadd.s32 s1, s30  }
0xc9: {  	s0 =	sor.u32 s4, s0;
	s1 =	sshll.u32 s1, $0x11  }
0xca: {  	s0 =	sor.u32 s1, s0  }
0xcb: {  	s0 =	sadd.s32 $0x8F2B, s0  }
0xcc: {  	[sflag:s0] =	ssyncadd.remote.s32 $0x1  }
0xcd: {  	_ =	sfence.sel $0xFFFF  }
0xce: {  	[dreg:$0x0] =	wrdreg $0xFFFFFFFF;
	(pc) =	sbr.abs _section_cstart, $3  }
0xcf: {  	[dreg:$0x1] =	wrdreg $0xFFFFFFFF  }
0xd0: {  	_ =	task.clear_ibuf [dreg:s22], $0x2FFFF;
	_ =	strace $0x9FFFFFFF  }
0xd1: {  	(tm) =	ssettm $0x7FFFFFFF  }
tec
execute0_lowered:
.L_overlay_start_1:
0x0: {  	(tag) =	ssettag $0x1  }
0x1: {  	s1 =	rddreg [dreg:$0x0]  }
0x2: {  	s2 =	srdreg.scid;
	s0 =	stileid.u32  }
0x3: {  	s13 =	simm.s32 $0x4F;
	s19 =	simm.s32 $0x8100;
	s20 =	simm.s32 $0x2  }
0x4: {  	s21 =	simm.s32 $0x80;
	s22 =	simm.s32 $0x4100;
	s4 =	smul.u32 $0x4E00, s0  }
0x5: {  	s23 =	simm.s32 $0x100;
	s24 =	simm.s32 $0x1;
	s30 =	smul.u32 $0x4E000, s0  }
0x6: {  	s26 =	simm.s32 $0x0;
	s5 =	sand.u32 $0x1, s2;
	s25 =	smul.u32 $0x2700, s0  }
0x7: {  	s3 =	sshll.u32 s0, $0x1;
	s2 =	rddreg [dreg:$0x1];
	s6 =	smul.u32 $0x2700, s5  }
0x8: {  	p0 =	slt.u32 s0, $0x2;
	s3 =	sor.u32 s5, s3;
	s31 =	smul.u32 $0x27100, s5  }
0x9: {  	s8 =	ssub.s32 $0x2, s5;
	s5 =	sadd.s32 $0x9E3000, s1;
	s12 =	sadd.s32 $0x138000, s2  }
0xa: {  	s13 =	simm.s32 @!p0 $0x4E;
	p0 =	sne.s32 s0, $0xF;
	s7 =	smin.u32 s3, $0x4  }
0xb: {  	s3 =	simm.s32 $0x0;
	s9 =	sshrl.u32 s8, $0x1;
	s4 =	sadd.s32 s6, s4  }
0xc: {  	s28 =	sshll.u32 s7, $0x7;
	[smem:$0x7FF] =	sst s3;
	s7 =	sshrl.u32 s30, $0x2  }
0xd: {  	s16 =	ssub.s32 s8, s9;
	s6 =	sadd.s32 s28, s4;
	_ =	strace $0x80000050  }
0xe: {  	s4 =	sadd.s32 $0x54F200, s1;
	s29 =	sshll.u32 s6, $0x4;
	s6 =	sshrl.u32 s6, $0x3  }
0xf: {  	s15 =	sadd.s32 s29, s1;
	s17 =	sadd.s32 s6, s1;
	s6 =	sadd.s32 s7, s2  }
0x10: {  	s1 =	sadd.s32 s31, s1;
	s7 =	sadd.s32 $0x3400, s6;
	s8 =	sadd.s32 $0x6800, s6  }
0x11: {  	s9 =	sadd.s32 $0x9C00, s6;
	s10 =	sadd.s32 $0xD000, s6;
	s11 =	sadd.s32 $0x10400, s6  }
0x12: {  	s16 =	smax.u32 s16, $0x1;
	s14 =	sadd.s32 $0x576400, s1;
	s15 =	sadd.s32 $0x144AC00, s15  }
0x13: {  	s1 =	sadd.s32 $0x4ED400, s17;
	s18 =	sadd.s32 $0x4F7200, s17;
	s25 =	sadd.s32 s25, s14  }
.LBB2_1:
0x14: {  	[tilespmem:s19], [sflag:$0x2] =	stream.linear.gather [hbm4b:s5+s3], $0x3400, $0x38;
	[tilespmem:$0x1ED80] =	vst v63  }
0x15: {  	_ =	swait.ge [sflag:s20], $0x3400  }
0x16: {  	[sflag:s20] =	ssyncset.done $0x0  }
0x17: {  	[sflag:s20] =	ssyncadd.s32 $0xFFFFCC00  }
0x18: {  	[spmem:s6] =	stream.linear.scatter [tilespmem:s19], [sflag:$0x2], $0x3400, $0x38;
	[tilespmem:$0x1ED80] =	vst v63  }
0x19: {  	_ =	swait.ge [sflag:s20], $0x3400  }
0x1a: {  	[sflag:s20] =	ssyncset.done $0x0  }
0x1b: {  	[sflag:s20] =	ssyncadd.s32 $0xFFFFCC00  }
0x1c: {  	[spmem:s7] =	stream.linear.scatter [tilespmem:s19], [sflag:$0x2], $0x3400, $0x38;
	[tilespmem:$0x1ED80] =	vst v63  }
0x1d: {  	_ =	swait.ge [sflag:s20], $0x3400  }
0x1e: {  	[sflag:s20] =	ssyncset.done $0x0  }
0x1f: {  	[sflag:s20] =	ssyncadd.s32 $0xFFFFCC00  }
0x20: {  	[spmem:s8] =	stream.linear.scatter [tilespmem:s19], [sflag:$0x2], $0x3400, $0x38;
	[tilespmem:$0x1ED80] =	vst v63  }
0x21: {  	_ =	swait.ge [sflag:s20], $0x3400  }
0x22: {  	[sflag:s20] =	ssyncset.done $0x0  }
0x23: {  	[sflag:s20] =	ssyncadd.s32 $0xFFFFCC00  }
0x24: {  	[spmem:s9] =	stream.linear.scatter [tilespmem:s19], [sflag:$0x2], $0x3400, $0x38;
	[tilespmem:$0x1ED80] =	vst v63  }
0x25: {  	_ =	swait.ge [sflag:s20], $0x3400  }
0x26: {  	[sflag:s20] =	ssyncset.done $0x0  }
0x27: {  	[sflag:s20] =	ssyncadd.s32 $0xFFFFCC00  }
0x28: {  	[spmem:s10] =	stream.linear.scatter [tilespmem:s19], [sflag:$0x2], $0x3400, $0x38;
	[tilespmem:$0x1ED80] =	vst v63  }
0x29: {  	_ =	swait.ge [sflag:s20], $0x3400  }
0x2a: {  	[sflag:s20] =	ssyncset.done $0x0  }
0x2b: {  	[sflag:s20] =	ssyncadd.s32 $0xFFFFCC00  }
0x2c: {  	[spmem:s11] =	stream.linear.scatter [tilespmem:s19], [sflag:$0x2], $0x3400, $0x38;
	[tilespmem:$0x1ED80] =	vst v63  }
0x2d: {  	_ =	swait.ge [sflag:s20], $0x3400  }
0x2e: {  	[sflag:s20] =	ssyncset.done $0x0  }
0x2f: {  	s17 =	simm.s32 @!p0 $0x8100;
	s28 =	simm.s32 @!p0 $0x2;
	[sflag:s20] =	ssyncadd.s32 $0xFFFFCC00  }
0x30: {  	[spmem:s12] =	stream.linear.scatter @!p0 [tilespmem:s17], [sflag:$0x2], $0x800, $0x38;
	[tilespmem:$0x1ED80] =	vst v63  }
0x31: {  	_ =	swait.ge @!p0 [sflag:s28], $0x800  }
0x32: {  	[sflag:s28] =	ssyncset.done @!p0 $0x0  }
0x33: {  	[sflag:s28] =	ssyncadd.s32 @!p0 $0xFFFFF800  }
0x34: {  	[bflag:$0x0] =	sbarrier.arrive $0xFFFF  }
0x35: {  	[tilespmem:s3], [sflag:$0x2] =	stream.linear.gather [hbm4b:s18+s3], $0x80, $0x38;
	[tilespmem:$0x1ED80] =	vst v63  }
0x36: {  	_ =	swait.ge [sflag:s20], $0x80  }
0x37: {  	[sflag:s20] =	ssyncset.done $0x0  }
0x38: {  	[sflag:s20] =	ssyncadd.s32 $0xFFFFFF80  }
0x39: {  	[tilespmem:s21], [sflag:$0x2] =	stream.linear.gather [hbm4b:s1+s3], $0x80, $0x38;
	[tilespmem:$0x1ED80] =	vst v63  }
0x3a: {  	_ =	swait.ge [sflag:s20], $0x80  }
0x3b: {  	[sflag:s20] =	ssyncset.done $0x0  }
0x3c: {  	[sflag:s20] =	ssyncadd.s32 $0xFFFFFF80  }
0x3d: {  	[tilespmem:s22], [sflag:$0x2] =	stream.linear.gather [hbm4b:s15+s3], $0x4000, $0x38;
	[tilespmem:$0x1ED80] =	vst v63  }
0x3e: {  	_ =	swait.ge [sflag:s20], $0x4000  }
0x3f: {  	[sflag:s20] =	ssyncset.done $0x0  }
0x40: {  	[sflag:s20] =	ssyncadd.s32 $0xFFFFC000  }
0x41: {  	[tilespmem:s23], [sflag:$0x1] =	stream.indirect.gather [hbm4b:s4+s21], $0x80, s3, s21, $0xb8;
	[tilespmem:$0x1ED80] =	vst v63  }
0x42: {  	_ =	swait.ge [sflag:s24], $0x4000  }
0x43: {  	[sflag:s24] =	ssyncset.done $0x0  }
0x44: {  	[sflag:s24] =	ssyncadd.s32 $0xFFFFC000  }
0x45: {  	[spmem:s2] =	stream.indirect.scatter.add.f32 [tilespmem:s23], [sflag:$0x2], $0x80, s21, s21, $0xb8;
	[tilespmem:$0x1ED80] =	vst v63  }
0x46: {  	p1 =	sne.s32 s13, $0x1;
	_ =	swait.ge [sflag:s20], $0x4000  }
.Ltmp0:
0x47: {  	[sflag:s20] =	ssyncset.done $0x0;
	(pc) =	sbr.rel @!p1 .LBB2_3-.Ltmp0, $4  }
0x48: {  	[sflag:s20] =	ssyncadd.s32 $0xFFFFC000  }
0x49: {  	[spmem:s2] =	stream.indirect.scatter.add.f32 [tilespmem:s22], [sflag:$0x2], $0x80, s21, s21, $0xb8;
	[tilespmem:$0x1ED80] =	vst v63  }
0x4a: {  	s29 =	sadd.s32 $0xFFFFFFFF, s13;
	s30 =	sadd.s32 $0x10, s18;
	_ =	swait.ge [sflag:s20], $0x4000  }
0x4b: {  	s31 =	smov.u32 s15;
	s17 =	smov.u32 s1;
	[sflag:s20] =	ssyncset.done $0x0  }
.LBB2_2:
0x4c: {  	[sflag:s20] =	ssyncadd.s32 $0xFFFFC000;
	s31 =	sadd.s32 $0x800, s31;
	s17 =	sadd.s32 $0x10, s17  }
0x4d: {  	[tilespmem:s3], [sflag:$0x2] =	stream.linear.gather [hbm4b:s30+s3], $0x80, $0x38;
	[tilespmem:$0x1ED80] =	vst v63  }
0x4e: {  	p1 =	sne.s32 s29, $0x1;
	s29 =	sadd.s32 $0xFFFFFFFF, s29;
	_ =	swait.ge [sflag:s20], $0x80  }
0x4f: {  	[sflag:s20] =	ssyncset.done $0x0  }
0x50: {  	[sflag:s20] =	ssyncadd.s32 $0xFFFFFF80  }
0x51: {  	[tilespmem:s21], [sflag:$0x2] =	stream.linear.gather [hbm4b:s17+s3], $0x80, $0x38;
	[tilespmem:$0x1ED80] =	vst v63  }
0x52: {  	_ =	swait.ge [sflag:s20], $0x80  }
0x53: {  	[sflag:s20] =	ssyncset.done $0x0  }
0x54: {  	[sflag:s20] =	ssyncadd.s32 $0xFFFFFF80  }
0x55: {  	[tilespmem:s22], [sflag:$0x2] =	stream.linear.gather [hbm4b:s31+s3], $0x4000, $0x38;
	[tilespmem:$0x1ED80] =	vst v63  }
0x56: {  	_ =	swait.ge [sflag:s20], $0x4000  }
0x57: {  	[sflag:s20] =	ssyncset.done $0x0  }
0x58: {  	[sflag:s20] =	ssyncadd.s32 $0xFFFFC000  }
0x59: {  	[tilespmem:s23], [sflag:$0x1] =	stream.indirect.gather [hbm4b:s4+s21], $0x80, s3, s21, $0xb8;
	[tilespmem:$0x1ED80] =	vst v63  }
0x5a: {  	_ =	swait.ge [sflag:s24], $0x4000  }
0x5b: {  	[sflag:s24] =	ssyncset.done $0x0  }
0x5c: {  	[sflag:s24] =	ssyncadd.s32 $0xFFFFC000  }
0x5d: {  	[spmem:s2] =	stream.indirect.scatter.add.f32 [tilespmem:s23], [sflag:$0x2], $0x80, s21, s21, $0xb8;
	[tilespmem:$0x1ED80] =	vst v63  }
0x5e: {  	_ =	swait.ge [sflag:s20], $0x4000  }
.Ltmp1:
0x5f: {  	[sflag:s20] =	ssyncset.done $0x0;
	(pc) =	sbr.rel @p1 .LBB2_2-.Ltmp1, $4  }
0x60: {  	[sflag:s20] =	ssyncadd.s32 $0xFFFFC000  }
0x61: {  	[spmem:s2] =	stream.indirect.scatter.add.f32 [tilespmem:s22], [sflag:$0x2], $0x80, s21, s21, $0xb8;
	[tilespmem:$0x1ED80] =	vst v63  }
0x62: {  	_ =	swait.ge [sflag:s20], $0x4000  }
0x63: {  	s30 =	sadd.s32 $0x10, s30;
	[sflag:s20] =	ssyncset.done $0x0  }
.LBB2_3:
0x64: {  	[sflag:s20] =	ssyncadd.s32 $0xFFFFC000;
	s17 =	sshll.u32 s0, $0x6  }
0x65: {  	s29 =	sshrl.u32 s6, $0x3;
	[bflag:$0x0] =	sbarrier.arrive $0xFFFF;
	s17 =	sor.u32 $0x1C02, s17  }
0x66: {  	[hbm:s25], [sflag:s17] =	dma.local [spmem:s29], $0x2700  }
0x67: {  	s26 =	sadd.s32 $0x1, s26;
	_ =	swait.ge [sflag:s20], $0x2700  }
0x68: {  	s30 =	sshrl.u32 @!p0 s12, $0x3;
	p1 =	sne.s32 s26, s16;
	[sflag:s20] =	ssyncset.done $0x0  }
.Ltmp2:
0x69: {  	s29 =	sadd.s32 @!p0 $0x27000, s14;
	[sflag:s20] =	ssyncadd.s32 $0xFFFFD900;
	(pc) =	sbr.rel @p1 .LBB2_1-.Ltmp2, $4  }
0x6a: {  	[hbm:s29], [sflag:s17] =	dma.local @!p0 [spmem:s30], $0x100  }
0x6b: {  	_ =	swait.ge @!p0 [sflag:s28], $0x100  }
0x6c: {  	[sflag:s28] =	ssyncset.done @!p0 $0x0  }
0x6d: {  	[sflag:s28] =	ssyncadd.s32 @!p0 $0xFFFFFF00  }
0x6e: {  	_ =	sfence.sel $0x180000  }
0x6f: {  	[bflag:$0x0] =	sbarrier.arrive $0xFFFF  }
0x70: {  	_ =	strace $0x90000050  }
0x71: {  	[bflag:$0x2] =	sbarrier.arrive $0xFFFF  }
0x72: {  	p0 =	sne.s32 s0, $0x0;
	s0 =	rddreg [dreg:$0x2]  }
0x73: {  	s0 =	sadd.s32 @!p0 $0x100000, s0  }
0x74: {  	[sflag:s0] =	ssyncadd.tile.s32 @!p0 $0x1;
	_ =	shalt  }
.Lfunc_end2:
_tile_overlayer_lowered:
.L_overlay_start_2:
0x75: {  	(tag) =	ssettag $0x2  }
0x76: {  	s0 =	rddreg [dreg:$0x0];
	s2 =	stileid.u32  }
0x77: {  	s1 =	rddreg [dreg:$0x1];
	p0 =	sne.s32 s2, $0x0  }
0x78: {  	s3 =	rddreg [dreg:$0x2];
	[bflag:$0x3] =	sbarrier.arrive $0xFFFF;
	s2 =	simm.s32 @!p0 $0x1C02  }
0x79: {  	[timem:s3], [sflag:s2] =	dma.local @!p0 [hbm:s0], s1  }
0x7a: {  	s0 =	simm.s32 @!p0 $0x2  }
0x7b: {  	_ =	swait.ge @!p0 [sflag:s0], s1  }
0x7c: {  	s1 =	ssub.s32 @!p0 $0x0, s1;
	[sflag:s0] =	ssyncset.done @!p0 $0x0  }
0x7d: {  	[sflag:s0] =	ssyncadd.s32 @!p0 s1  }
0x7e: {  	[bflag:$0x3] =	sbarrier.arrive $0xFFFF  }
0x7f: {  	_ =	shalt  }

// kernel: kernel.26.cloned.1.call-start
scs
__scs_entry_jumppad:
0x0: {  	(pc) =	sbr.rel $0x88, $3  }
0x1: {  	(tag) =	ssettag $0x0;
	lr =	simm.s32 $0x1  }
0x2: {  	[smem:$0x3F95] =	sst lr;
	_ =	strace $0xD0000000  }
0x3: {  	_ = 	snop  }
0x4: {  	_ = 	snop  }
0x5: {  	_ = 	snop  }
0x6: {  	_ = 	snop  }
0x7: {  	_ = 	snop  }
__scs_overlays_trampoline_lowered:
0x8: {  	[smem:$0x3FA4] =	sst s0  }
0x9: {  	[smem:$0x3FA5] =	sst s1  }
0xa: {  	[smem:$0x3FA6] =	sst s2  }
0xb: {  	[smem:$0x3FA7] =	sst s3  }
0xc: {  	[smem:$0x3FA8] =	sst s4  }
0xd: {  	[smem:$0x3FA9] =	sst s5  }
0xe: {  	[smem:$0x3FAA] =	sst s6  }
0xf: {  	[smem:$0x3FAB] =	sst s7  }
0x10: {  	[smem:$0x3FAC] =	sst s8  }
0x11: {  	[smem:$0x3FAD] =	sst s9;
	s0 =	simm.s32 @!p0 $0x0  }
0x12: {  	s1 =	sld [smem:$0x3F93];
	s0 =	simm.s32 @p0 $0x1  }
0x13: {  	[smem:$0x3FAE] =	sst s0;
	s0 =	simm.s32 @!p1 $0x0  }
0x14: {  	s2 =	sld [smem:$0x3F92];
	s0 =	simm.s32 @p1 $0x1  }
0x15: {  	[smem:$0x3FAF] =	sst s0;
	s0 =	simm.s32 @!p2 $0x0  }
0x16: {  	s3 =	sld [smem:$0x3FDB];
	s0 =	simm.s32 @p2 $0x1  }
0x17: {  	s4 =	simm.s32 $0x1BF5;
	[smem:$0x3FB1] =	sst s0  }
0x18: {  	s0 =	sld [smem:$0x3F94];
	_ =	swait.ge [sflag:s4], $0x0  }
0x19: {  	s7 =	sld [smem:$0x3F95]  }
0x1a: {  	s8 =	sadd.s32 $0xFFFFE003, lr  }
0x1b: {  	s9 =	sadd.s32 $0xFFFFFEF7, lr;
	s5 =	simm.s32 $0xFFFFFFFF;
	p2 =	slt.u32 s8, $0xFFFFF086  }
0x1c: {  	p1 =	slt.u32 s9, $0xF7A;
	s5 =	simm.s32 @!p2 $0x0  }
0x1d: {  	s5 =	simm.s32 @p1 $0x1;
	p0 =	seq.s32 s7, s2  }
0x1e: {  	s7 =	smul.u32 @!p0 $0xF7A, s2;
	p2 =	seq.s32 @!p0 s5, $0x0  }
0x1f: {  	s9 =	smul.u32 $0xF7A, s1;
	s8 =	simm.s32 @!p0 $0x1BF5;
	p2 =	por !p2, p0  }
0x20: {  	[sflag:s8] =	ssyncset.s32 @!p0 $0xFFFFF086;
	s6 =	sadd.s32 @!p0 s3, s7;
	s7 =	simm.s32 @!p0 $0x108  }
0x21: {  	s3 =	sadd.s32 s3, s9;
	s6 =	sadd.s32 @!p0 $0x88, s6;
	s7 =	simm.s32 @p2 $0x1082  }
0x22: {  	[simem:s7], [sflag:s8] =	dma.local @!p0 [hbm:s6], $0xF7A  }
0x23: {  	s9 =	sor.u32 $0xD0000000, s2;
	s6 =	simm.s32 $0x108;
	_ =	swait.ge @!p0 [sflag:s8], $0x0  }
0x24: {  	s3 =	sadd.s32 $0x88, s3;
	s6 =	simm.s32 @!p1 $0x1082;
	[sflag:s4] =	ssyncset.s32 $0xFFFFF086  }
0x25: {  	[simem:s6], [sflag:s4] =	dma.local [hbm:s3], $0xF7A  }
0x26: {  	[smem:$0x3F95] =	sst s1;
	(tag) =	ssettag s2;
	_ =	strace s9  }
0x27: {  	s1 =	sld [smem:$0x3FA5]  }
0x28: {  	s2 =	sld [smem:$0x3FA6]  }
0x29: {  	s4 =	sld [smem:$0x3FA8]  }
0x2a: {  	p0 =	seq.s32 s5, $0x0;
	s5 =	sld [smem:$0x3FA9]  }
0x2b: {  	s6 =	sld [smem:$0x3FAA]  }
0x2c: {  	s7 =	sld [smem:$0x3FAB]  }
0x2d: {  	s3 =	simm.s32 $0x108;
	s8 =	sld [smem:$0x3FAC]  }
0x2e: {  	s3 =	simm.s32 @!p0 $0x1082;
	s9 =	sld [smem:$0x3FAD]  }
0x2f: {  	lr =	sadd.s32 s0, s3;
	s0 =	sld [smem:$0x3FA4]  }
0x30: {  	s3 =	sld [smem:$0x3FA7]  }
0x31: {  	[smem:$0x3FB0] =	sst s10  }
0x32: {  	s10 =	sld [smem:$0x3FAE];
	_ =	sdelay $0x3  }
0x33: {  	p0 =	seq.s32 s10, $0x1;
	s10 =	sld [smem:$0x3FB0];
	_ =	sdelay $0x3  }
0x34: {  	[smem:$0x3FB0] =	sst s10  }
0x35: {  	s10 =	sld [smem:$0x3FAF];
	_ =	sdelay $0x3  }
0x36: {  	p1 =	seq.s32 s10, $0x1;
	s10 =	sld [smem:$0x3FB0];
	_ =	sdelay $0x3  }
0x37: {  	[smem:$0x3FB0] =	sst s10  }
0x38: {  	s10 =	sld [smem:$0x3FB1]  }
0x39: {  	_ = 	snop;
	(pc) =	sbr.ind lr, $3  }
0x3a: {  	_ = 	snop  }
0x3b: {  	_ = 	snop  }
0x3c: {  	p2 =	seq.s32 s10, $0x1;
	s10 =	sld [smem:$0x3FB0]  }
0x3d: {  	_ =	shalt  }
0x3e: {  	_ =	shalt  }
0x3f: {  	_ =	shalt  }
0x40: {  	_ =	shalt  }
0x41: {  	_ =	shalt  }
0x42: {  	_ =	shalt  }
0x43: {  	_ =	shalt  }
0x44: {  	_ =	shalt  }
0x45: {  	_ =	shalt  }
0x46: {  	_ =	shalt  }
0x47: {  	_ =	shalt  }
0x48: {  	_ =	shalt  }
0x49: {  	_ =	shalt  }
0x4a: {  	_ =	shalt  }
0x4b: {  	_ =	shalt  }
0x4c: {  	_ =	shalt  }
0x4d: {  	_ =	shalt  }
0x4e: {  	_ =	shalt  }
0x4f: {  	_ =	shalt  }
0x50: {  	_ =	shalt  }
0x51: {  	_ =	shalt  }
0x52: {  	_ =	shalt  }
0x53: {  	_ =	shalt  }
0x54: {  	_ =	shalt  }
0x55: {  	_ =	shalt  }
0x56: {  	_ =	shalt  }
0x57: {  	_ =	shalt  }
0x58: {  	_ =	shalt  }
0x59: {  	_ =	shalt  }
0x5a: {  	_ =	shalt  }
0x5b: {  	_ =	shalt  }
0x5c: {  	_ =	shalt  }
0x5d: {  	_ =	shalt  }
0x5e: {  	_ =	shalt  }
0x5f: {  	_ =	shalt  }
0x60: {  	_ =	shalt  }
0x61: {  	_ =	shalt  }
0x62: {  	_ =	shalt  }
0x63: {  	_ =	shalt  }
0x64: {  	_ =	shalt  }
0x65: {  	_ =	shalt  }
0x66: {  	_ =	shalt  }
0x67: {  	_ =	shalt  }
0x68: {  	_ =	shalt  }
0x69: {  	_ =	shalt  }
0x6a: {  	_ =	shalt  }
0x6b: {  	_ =	shalt  }
0x6c: {  	_ =	shalt  }
0x6d: {  	_ =	shalt  }
0x6e: {  	_ =	shalt  }
0x6f: {  	_ =	shalt  }
0x70: {  	_ =	shalt  }
0x71: {  	_ =	shalt  }
0x72: {  	_ =	shalt  }
0x73: {  	_ =	shalt  }
0x74: {  	_ =	shalt  }
0x75: {  	_ =	shalt  }
0x76: {  	_ =	shalt  }
0x77: {  	_ =	shalt  }
0x78: {  	_ =	shalt  }
0x79: {  	_ =	shalt  }
0x7a: {  	_ =	shalt  }
0x7b: {  	_ =	shalt  }
0x7c: {  	_ =	shalt  }
0x7d: {  	_ =	shalt  }
0x7e: {  	_ =	shalt  }
0x7f: {  	_ =	shalt  }
0x80: {  	_ =	shalt  }
0x81: {  	_ =	shalt  }
0x82: {  	_ =	shalt  }
0x83: {  	_ =	shalt  }
0x84: {  	_ =	shalt  }
0x85: {  	_ =	shalt  }
0x86: {  	_ =	shalt  }
0x87: {  	_ =	shalt  }
.Lfunc_end0:
.L_simem_size_0:
called_computation.2_lowered:
.L_overlay_start_0:
0x88: {  	s2 =	sld [smem:$0x3FD9]  }
0x89: {  	s3 =	sld [smem:$0x3FFE];
	_ =	sdelay $0x1  }
0x8a: {  	s1 =	srdreg.scid  }
0x8b: {  	s0 =	sand.u32 $0x1, s1  }
0x8c: {  	s17 =	sshll.u32 s0, $0xA;
	s2 =	sadd.s32 s3, s2  }
0x8d: {  	s2 =	sadd.s32 s2, s17  }
0x8e: {  	[smem:$0x3FBC] =	sst s2  }
0x8f: {  	_ = 	snop  }
0x90: {  	(tm) =	ssettm $0x1  }
0x91: {  	s18 =	sld [smem:$0x3FFB];
	_ =	sdelay $0x3  }
0x92: {  	_ =	strace s18  }
0x93: {  	s2 =	sld [smem:$0x3FFC];
	_ =	sdelay $0x3  }
0x94: {  	_ =	strace s2  }
0x95: {  	s2 =	sld [smem:$0x3FFD];
	_ =	sdelay $0x3  }
0x96: {  	_ =	strace s2  }
0x97: {  	_ =	strace $0x8FFFFFFF  }
0x98: {  	s19 =	sld [smem:$0x3FDB];
	_ =	sdelay $0x1  }
0x99: {  	s20 =	simm.s32 $_scs_section_size  }
0x9a: {  	s4 =	simm.s32 $_size__tile_overlayer_lowered;
	s5 =	simm.s32 $_tile_overlayer_lowered  }
0x9b: {  	s6 =	simm.s32 $0x1BFF;
	s21 =	sshll.u32 s5, $0x1;
	s3 =	sadd.s32 s20, s19  }
0x9c: {  	s22 =	simm.s32 $0x0;
	s4 =	sshll.u32 s4, $0x1;
	s5 =	sadd.s32 s21, s3  }
0x9d: {  	[timem:s22], [sflag:s6] =	dma.local [hbm:s5], s4  }
0x9e: {  	_ =	swait.ge [sflag:s6], s4  }
0x9f: {  	s4 =	ssub.s32 $0x0, s4;
	[sflag:s6] =	ssyncset.done $0x0  }
0xa0: {  	[sflag:s6] =	ssyncadd.s32 s4;
	_ =	sdelay $0x1  }
0xa1: {  	s23 =	simm.s32 $0x1B8B  }
0xa2: {  	_ =	swait.ge [sflag:s23], $0x1  }
0xa3: {  	[sflag:s23] =	ssyncset.done $0x0  }
0xa4: {  	[sflag:s23] =	ssyncadd.s32 $0xFFFFFFFF  }
0xa5: {  	s4 =	sld [smem:$0x0]  }
0xa6: {  	s5 =	sand.u32 $0xFFFFFFFE, s1  }
0xa7: {  	p0 =	sne.s32 s1, s5  }
0xa8: {  	s5 =	sshll.u32 @p0 s5, $0xE  }
0xa9: {  	s5 =	sadd.s32 @p0 $0x11B8D, s5;
	s6 =	sshll.u32 @p0 s4, $0x11  }
0xaa: {  	s5 =	sor.u32 @p0 s6, s5  }
0xab: {  	[sflag:s5] =	ssyncadd.remote.s32 @p0 $0x1;
	_ =	sdelay $0x1  }
0xac: {  	s5 =	simm.s32 @p0 $0x1B8D  }
0xad: {  	_ =	swait.eq @p0 [sflag:s5], $0x1  }
0xae: {  	[sflag:s5] =	ssyncadd.s32 @p0 $0xFFFFFFFF  }
0xaf: {  	s6 =	sshll.u32 @!p0 s1, $0xE  }
0xb0: {  	s6 =	sor.u32 @!p0 $0x4000, s6;
	s5 =	simm.s32 @!p0 $0x1B8D  }
0xb1: {  	s4 =	sshll.u32 @!p0 s4, $0x11;
	s6 =	sadd.s32 @!p0 $0x11B8D, s6;
	_ =	swait.eq @!p0 [sflag:s5], $0x1  }
0xb2: {  	s4 =	sor.u32 @!p0 s4, s6;
	[sflag:s5] =	ssyncadd.s32 @!p0 $0xFFFFFFFF  }
0xb3: {  	s25 =	simm.s32 $0x1B8E;
	s24 =	sld [smem:$0x3FFE];
	[sflag:s4] =	ssyncadd.remote.s32 @!p0 $0x1  }
0xb4: {  	s26 =	simm.s32 $execute0_lowered;
	[smem:$0x3FD2] =	sst s25  }
0xb5: {  	s5 =	sshll.u32 s26, $0x1;
	_ =	strace $0x80000055;
	[dreg:$0x1] =	wrdreg $0xFFFFFFFF  }
0xb6: {  	s28 =	simm.s32 $_size_execute0_lowered;
	s3 =	sadd.s32 s3, s5;
	[dreg:$0x0] =	wrdreg $0x0  }
0xb7: {  	s5 =	sshll.u32 s28, $0x1;
	[dreg:$0x2] =	wrdreg s3  }
0xb8: {  	[dreg:$0x3] =	wrdreg s5  }
0xb9: {  	[dreg:$0x4] =	wrdreg $0xC0  }
0xba: {  	_ =	task [dreg:s22], $0x5FFFF  }
0xbb: {  	[dreg:$0x1] =	wrdreg $0xFFFFFFFF  }
0xbc: {  	[dreg:$0x0] =	wrdreg $0x60  }
0xbd: {  	[dreg:$0x2] =	wrdreg s24  }
0xbe: {  	[dreg:$0x3] =	wrdreg $0xB5000  }
0xbf: {  	[dreg:$0x4] =	wrdreg $0x9  }
0xc0: {  	_ =	task.clear_ibuf [dreg:s22], $0x5FFFF;
	_ =	strace $0x90000055  }
0xc1: {  	s29 =	simm.s32 $0x9;
	_ =	strace $0x80000057  }
0xc2: {  	_ =	swait.ge [sflag:s29], $0x1  }
0xc3: {  	[sflag:s29] =	ssyncadd.s32 $0xFFFFFFFF  }
0xc4: {  	_ =	strace $0x90000057  }
0xc5: {  	_ =	sfence  }
0xc6: {  	s30 =	sld [smem:$0x0];
	_ =	sdelay $0x2  }
0xc7: {  	s31 =	sshll.u32 s1, $0xD;
	s1 =	sshrl.u32 s1, $0x2  }
0xc8: {  	s4 =	sand.u32 $0x4000, s31;
	s1 =	sadd.s32 s1, s30  }
0xc9: {  	s0 =	sor.u32 s4, s0;
	s1 =	sshll.u32 s1, $0x11  }
0xca: {  	s0 =	sor.u32 s1, s0  }
0xcb: {  	s0 =	sadd.s32 $0x8F2B, s0  }
0xcc: {  	[sflag:s0] =	ssyncadd.remote.s32 $0x1  }
0xcd: {  	_ =	sfence.sel $0xFFFF  }
0xce: {  	[dreg:$0x0] =	wrdreg $0xFFFFFFFF;
	(pc) =	sbr.abs _section_cstart, $3  }
0xcf: {  	[dreg:$0x1] =	wrdreg $0xFFFFFFFF  }
0xd0: {  	_ =	task.clear_ibuf [dreg:s22], $0x2FFFF;
	_ =	strace $0x9FFFFFFF  }
0xd1: {  	(tm) =	ssettm $0x7FFFFFFF  }
tec
execute0_lowered:
.L_overlay_start_1:
0x0: {  	(tag) =	ssettag $0x1  }
0x1: {  	s1 =	rddreg [dreg:$0x0]  }
0x2: {  	s2 =	srdreg.scid;
	s0 =	stileid.u32  }
0x3: {  	s13 =	simm.s32 $0x4F;
	s19 =	simm.s32 $0x8100;
	s20 =	simm.s32 $0x2  }
0x4: {  	s21 =	simm.s32 $0x80;
	s22 =	simm.s32 $0x4100;
	s4 =	smul.u32 $0x4E00, s0  }
0x5: {  	s23 =	simm.s32 $0x100;
	s24 =	simm.s32 $0x1;
	s30 =	smul.u32 $0x4E000, s0  }
0x6: {  	s26 =	simm.s32 $0x0;
	s5 =	sand.u32 $0x1, s2;
	s25 =	smul.u32 $0x2700, s0  }
0x7: {  	s3 =	sshll.u32 s0, $0x1;
	s2 =	rddreg [dreg:$0x1];
	s6 =	smul.u32 $0x2700, s5  }
0x8: {  	p0 =	slt.u32 s0, $0x2;
	s3 =	sor.u32 s5, s3;
	s31 =	smul.u32 $0x27100, s5  }
0x9: {  	s8 =	ssub.s32 $0x2, s5;
	s5 =	sadd.s32 $0x9E3000, s1;
	s12 =	sadd.s32 $0x138000, s2  }
0xa: {  	s13 =	simm.s32 @!p0 $0x4E;
	p0 =	sne.s32 s0, $0xF;
	s7 =	smin.u32 s3, $0x4  }
0xb: {  	s3 =	simm.s32 $0x0;
	s9 =	sshrl.u32 s8, $0x1;
	s4 =	sadd.s32 s6, s4  }
0xc: {  	s28 =	sshll.u32 s7, $0x7;
	[smem:$0x7FF] =	sst s3;
	s7 =	sshrl.u32 s30, $0x2  }
0xd: {  	s16 =	ssub.s32 s8, s9;
	s6 =	sadd.s32 s28, s4;
	_ =	strace $0x80000056  }
0xe: {  	s4 =	sadd.s32 $0x13CEA00, s1;
	s29 =	sshll.u32 s6, $0x4;
	s6 =	sshrl.u32 s6, $0x3  }
0xf: {  	s15 =	sadd.s32 s29, s1;
	s17 =	sadd.s32 s6, s1;
	s6 =	sadd.s32 s7, s2  }
0x10: {  	s1 =	sadd.s32 s31, s1;
	s7 =	sadd.s32 $0x3400, s6;
	s8 =	sadd.s32 $0x6800, s6  }
0x11: {  	s9 =	sadd.s32 $0x9C00, s6;
	s10 =	sadd.s32 $0xD000, s6;
	s11 =	sadd.s32 $0x10400, s6  }
0x12: {  	s16 =	smax.u32 s16, $0x1;
	s14 =	sadd.s32 $0x13F5C00, s1;
	s15 =	sadd.s32 $0xEECA00, s15  }
0x13: {  	s1 =	sadd.s32 $0x4ED400, s17;
	s18 =	sadd.s32 $0x4F7200, s17;
	s25 =	sadd.s32 s25, s14  }
.LBB2_1:
0x14: {  	[tilespmem:s19], [sflag:$0x2] =	stream.linear.gather [hbm4b:s5+s3], $0x3400, $0x38;
	[tilespmem:$0x1ED80] =	vst v63  }
0x15: {  	_ =	swait.ge [sflag:s20], $0x3400  }
0x16: {  	[sflag:s20] =	ssyncset.done $0x0  }
0x17: {  	[sflag:s20] =	ssyncadd.s32 $0xFFFFCC00  }
0x18: {  	[spmem:s6] =	stream.linear.scatter [tilespmem:s19], [sflag:$0x2], $0x3400, $0x38;
	[tilespmem:$0x1ED80] =	vst v63  }
0x19: {  	_ =	swait.ge [sflag:s20], $0x3400  }
0x1a: {  	[sflag:s20] =	ssyncset.done $0x0  }
0x1b: {  	[sflag:s20] =	ssyncadd.s32 $0xFFFFCC00  }
0x1c: {  	[spmem:s7] =	stream.linear.scatter [tilespmem:s19], [sflag:$0x2], $0x3400, $0x38;
	[tilespmem:$0x1ED80] =	vst v63  }
0x1d: {  	_ =	swait.ge [sflag:s20], $0x3400  }
0x1e: {  	[sflag:s20] =	ssyncset.done $0x0  }
0x1f: {  	[sflag:s20] =	ssyncadd.s32 $0xFFFFCC00  }
0x20: {  	[spmem:s8] =	stream.linear.scatter [tilespmem:s19], [sflag:$0x2], $0x3400, $0x38;
	[tilespmem:$0x1ED80] =	vst v63  }
0x21: {  	_ =	swait.ge [sflag:s20], $0x3400  }
0x22: {  	[sflag:s20] =	ssyncset.done $0x0  }
0x23: {  	[sflag:s20] =	ssyncadd.s32 $0xFFFFCC00  }
0x24: {  	[spmem:s9] =	stream.linear.scatter [tilespmem:s19], [sflag:$0x2], $0x3400, $0x38;
	[tilespmem:$0x1ED80] =	vst v63  }
0x25: {  	_ =	swait.ge [sflag:s20], $0x3400  }
0x26: {  	[sflag:s20] =	ssyncset.done $0x0  }
0x27: {  	[sflag:s20] =	ssyncadd.s32 $0xFFFFCC00  }
0x28: {  	[spmem:s10] =	stream.linear.scatter [tilespmem:s19], [sflag:$0x2], $0x3400, $0x38;
	[tilespmem:$0x1ED80] =	vst v63  }
0x29: {  	_ =	swait.ge [sflag:s20], $0x3400  }
0x2a: {  	[sflag:s20] =	ssyncset.done $0x0  }
0x2b: {  	[sflag:s20] =	ssyncadd.s32 $0xFFFFCC00  }
0x2c: {  	[spmem:s11] =	stream.linear.scatter [tilespmem:s19], [sflag:$0x2], $0x3400, $0x38;
	[tilespmem:$0x1ED80] =	vst v63  }
0x2d: {  	_ =	swait.ge [sflag:s20], $0x3400  }
0x2e: {  	[sflag:s20] =	ssyncset.done $0x0  }
0x2f: {  	s17 =	simm.s32 @!p0 $0x8100;
	s28 =	simm.s32 @!p0 $0x2;
	[sflag:s20] =	ssyncadd.s32 $0xFFFFCC00  }
0x30: {  	[spmem:s12] =	stream.linear.scatter @!p0 [tilespmem:s17], [sflag:$0x2], $0x800, $0x38;
	[tilespmem:$0x1ED80] =	vst v63  }
0x31: {  	_ =	swait.ge @!p0 [sflag:s28], $0x800  }
0x32: {  	[sflag:s28] =	ssyncset.done @!p0 $0x0  }
0x33: {  	[sflag:s28] =	ssyncadd.s32 @!p0 $0xFFFFF800  }
0x34: {  	[bflag:$0x0] =	sbarrier.arrive $0xFFFF  }
0x35: {  	[tilespmem:s3], [sflag:$0x2] =	stream.linear.gather [hbm4b:s18+s3], $0x80, $0x38;
	[tilespmem:$0x1ED80] =	vst v63  }
0x36: {  	_ =	swait.ge [sflag:s20], $0x80  }
0x37: {  	[sflag:s20] =	ssyncset.done $0x0  }
0x38: {  	[sflag:s20] =	ssyncadd.s32 $0xFFFFFF80  }
0x39: {  	[tilespmem:s21], [sflag:$0x2] =	stream.linear.gather [hbm4b:s1+s3], $0x80, $0x38;
	[tilespmem:$0x1ED80] =	vst v63  }
0x3a: {  	_ =	swait.ge [sflag:s20], $0x80  }
0x3b: {  	[sflag:s20] =	ssyncset.done $0x0  }
0x3c: {  	[sflag:s20] =	ssyncadd.s32 $0xFFFFFF80  }
0x3d: {  	[tilespmem:s22], [sflag:$0x2] =	stream.linear.gather [hbm4b:s15+s3], $0x4000, $0x38;
	[tilespmem:$0x1ED80] =	vst v63  }
0x3e: {  	_ =	swait.ge [sflag:s20], $0x4000  }
0x3f: {  	[sflag:s20] =	ssyncset.done $0x0  }
0x40: {  	[sflag:s20] =	ssyncadd.s32 $0xFFFFC000  }
0x41: {  	[tilespmem:s23], [sflag:$0x1] =	stream.indirect.gather [hbm4b:s4+s21], $0x80, s3, s21, $0xb8;
	[tilespmem:$0x1ED80] =	vst v63  }
0x42: {  	_ =	swait.ge [sflag:s24], $0x4000  }
0x43: {  	[sflag:s24] =	ssyncset.done $0x0  }
0x44: {  	[sflag:s24] =	ssyncadd.s32 $0xFFFFC000  }
0x45: {  	[spmem:s2] =	stream.indirect.scatter.add.f32 [tilespmem:s23], [sflag:$0x2], $0x80, s21, s21, $0xb8;
	[tilespmem:$0x1ED80] =	vst v63  }
0x46: {  	p1 =	sne.s32 s13, $0x1;
	_ =	swait.ge [sflag:s20], $0x4000  }
.Ltmp0:
0x47: {  	[sflag:s20] =	ssyncset.done $0x0;
	(pc) =	sbr.rel @!p1 .LBB2_3-.Ltmp0, $4  }
0x48: {  	[sflag:s20] =	ssyncadd.s32 $0xFFFFC000  }
0x49: {  	[spmem:s2] =	stream.indirect.scatter.add.f32 [tilespmem:s22], [sflag:$0x2], $0x80, s21, s21, $0xb8;
	[tilespmem:$0x1ED80] =	vst v63  }
0x4a: {  	s29 =	sadd.s32 $0xFFFFFFFF, s13;
	s30 =	sadd.s32 $0x10, s18;
	_ =	swait.ge [sflag:s20], $0x4000  }
0x4b: {  	s31 =	smov.u32 s15;
	s17 =	smov.u32 s1;
	[sflag:s20] =	ssyncset.done $0x0  }
.LBB2_2:
0x4c: {  	[sflag:s20] =	ssyncadd.s32 $0xFFFFC000;
	s31 =	sadd.s32 $0x800, s31;
	s17 =	sadd.s32 $0x10, s17  }
0x4d: {  	[tilespmem:s3], [sflag:$0x2] =	stream.linear.gather [hbm4b:s30+s3], $0x80, $0x38;
	[tilespmem:$0x1ED80] =	vst v63  }
0x4e: {  	p1 =	sne.s32 s29, $0x1;
	s29 =	sadd.s32 $0xFFFFFFFF, s29;
	_ =	swait.ge [sflag:s20], $0x80  }
0x4f: {  	[sflag:s20] =	ssyncset.done $0x0  }
0x50: {  	[sflag:s20] =	ssyncadd.s32 $0xFFFFFF80  }
0x51: {  	[tilespmem:s21], [sflag:$0x2] =	stream.linear.gather [hbm4b:s17+s3], $0x80, $0x38;
	[tilespmem:$0x1ED80] =	vst v63  }
0x52: {  	_ =	swait.ge [sflag:s20], $0x80  }
0x53: {  	[sflag:s20] =	ssyncset.done $0x0  }
0x54: {  	[sflag:s20] =	ssyncadd.s32 $0xFFFFFF80  }
0x55: {  	[tilespmem:s22], [sflag:$0x2] =	stream.linear.gather [hbm4b:s31+s3], $0x4000, $0x38;
	[tilespmem:$0x1ED80] =	vst v63  }
0x56: {  	_ =	swait.ge [sflag:s20], $0x4000  }
0x57: {  	[sflag:s20] =	ssyncset.done $0x0  }
0x58: {  	[sflag:s20] =	ssyncadd.s32 $0xFFFFC000  }
0x59: {  	[tilespmem:s23], [sflag:$0x1] =	stream.indirect.gather [hbm4b:s4+s21], $0x80, s3, s21, $0xb8;
	[tilespmem:$0x1ED80] =	vst v63  }
0x5a: {  	_ =	swait.ge [sflag:s24], $0x4000  }
0x5b: {  	[sflag:s24] =	ssyncset.done $0x0  }
0x5c: {  	[sflag:s24] =	ssyncadd.s32 $0xFFFFC000  }
0x5d: {  	[spmem:s2] =	stream.indirect.scatter.add.f32 [tilespmem:s23], [sflag:$0x2], $0x80, s21, s21, $0xb8;
	[tilespmem:$0x1ED80] =	vst v63  }
0x5e: {  	_ =	swait.ge [sflag:s20], $0x4000  }
.Ltmp1:
0x5f: {  	[sflag:s20] =	ssyncset.done $0x0;
	(pc) =	sbr.rel @p1 .LBB2_2-.Ltmp1, $4  }
0x60: {  	[sflag:s20] =	ssyncadd.s32 $0xFFFFC000  }
0x61: {  	[spmem:s2] =	stream.indirect.scatter.add.f32 [tilespmem:s22], [sflag:$0x2], $0x80, s21, s21, $0xb8;
	[tilespmem:$0x1ED80] =	vst v63  }
0x62: {  	_ =	swait.ge [sflag:s20], $0x4000  }
0x63: {  	s30 =	sadd.s32 $0x10, s30;
	[sflag:s20] =	ssyncset.done $0x0  }
.LBB2_3:
0x64: {  	[sflag:s20] =	ssyncadd.s32 $0xFFFFC000;
	s17 =	sshll.u32 s0, $0x6  }
0x65: {  	s29 =	sshrl.u32 s6, $0x3;
	[bflag:$0x0] =	sbarrier.arrive $0xFFFF;
	s17 =	sor.u32 $0x1C02, s17  }
0x66: {  	[hbm:s25], [sflag:s17] =	dma.local [spmem:s29], $0x2700  }
0x67: {  	s26 =	sadd.s32 $0x1, s26;
	_ =	swait.ge [sflag:s20], $0x2700  }
0x68: {  	s30 =	sshrl.u32 @!p0 s12, $0x3;
	p1 =	sne.s32 s26, s16;
	[sflag:s20] =	ssyncset.done $0x0  }
.Ltmp2:
0x69: {  	s29 =	sadd.s32 @!p0 $0x27000, s14;
	[sflag:s20] =	ssyncadd.s32 $0xFFFFD900;
	(pc) =	sbr.rel @p1 .LBB2_1-.Ltmp2, $4  }
0x6a: {  	[hbm:s29], [sflag:s17] =	dma.local @!p0 [spmem:s30], $0x100  }
0x6b: {  	_ =	swait.ge @!p0 [sflag:s28], $0x100  }
0x6c: {  	[sflag:s28] =	ssyncset.done @!p0 $0x0  }
0x6d: {  	[sflag:s28] =	ssyncadd.s32 @!p0 $0xFFFFFF00  }
0x6e: {  	_ =	sfence.sel $0x180000  }
0x6f: {  	[bflag:$0x0] =	sbarrier.arrive $0xFFFF  }
0x70: {  	_ =	strace $0x90000056  }
0x71: {  	[bflag:$0x2] =	sbarrier.arrive $0xFFFF  }
0x72: {  	p0 =	sne.s32 s0, $0x0;
	s0 =	rddreg [dreg:$0x2]  }
0x73: {  	s0 =	sadd.s32 @!p0 $0x100000, s0  }
0x74: {  	[sflag:s0] =	ssyncadd.tile.s32 @!p0 $0x1;
	_ =	shalt  }
.Lfunc_end2:
_tile_overlayer_lowered:
.L_overlay_start_2:
0x75: {  	(tag) =	ssettag $0x2  }
0x76: {  	s0 =	rddreg [dreg:$0x0];
	s2 =	stileid.u32  }
0x77: {  	s1 =	rddreg [dreg:$0x1];
	p0 =	sne.s32 s2, $0x0  }
0x78: {  	s3 =	rddreg [dreg:$0x2];
	[bflag:$0x3] =	sbarrier.arrive $0xFFFF;
	s2 =	simm.s32 @!p0 $0x1C02  }
0x79: {  	[timem:s3], [sflag:s2] =	dma.local @!p0 [hbm:s0], s1  }
0x7a: {  	s0 =	simm.s32 @!p0 $0x2  }
0x7b: {  	_ =	swait.ge @!p0 [sflag:s0], s1  }
0x7c: {  	s1 =	ssub.s32 @!p0 $0x0, s1;
	[sflag:s0] =	ssyncset.done @!p0 $0x0  }
0x7d: {  	[sflag:s0] =	ssyncadd.s32 @!p0 s1  }
0x7e: {  	[bflag:$0x3] =	sbarrier.arrive $0xFFFF  }
0x7f: {  	_ =	shalt  }

// kernel: kernel.29.cloned.1.call-start
scs
__scs_entry_jumppad:
0x0: {  	(pc) =	sbr.rel $0x88, $3  }
0x1: {  	(tag) =	ssettag $0x0;
	lr =	simm.s32 $0x1  }
0x2: {  	[smem:$0x3F95] =	sst lr;
	_ =	strace $0xD0000000  }
0x3: {  	_ = 	snop  }
0x4: {  	_ = 	snop  }
0x5: {  	_ = 	snop  }
0x6: {  	_ = 	snop  }
0x7: {  	_ = 	snop  }
__scs_overlays_trampoline_lowered:
0x8: {  	[smem:$0x3FA4] =	sst s0  }
0x9: {  	[smem:$0x3FA5] =	sst s1  }
0xa: {  	[smem:$0x3FA6] =	sst s2  }
0xb: {  	[smem:$0x3FA7] =	sst s3  }
0xc: {  	[smem:$0x3FA8] =	sst s4  }
0xd: {  	[smem:$0x3FA9] =	sst s5  }
0xe: {  	[smem:$0x3FAA] =	sst s6  }
0xf: {  	[smem:$0x3FAB] =	sst s7  }
0x10: {  	[smem:$0x3FAC] =	sst s8  }
0x11: {  	[smem:$0x3FAD] =	sst s9;
	s0 =	simm.s32 @!p0 $0x0  }
0x12: {  	s1 =	sld [smem:$0x3F93];
	s0 =	simm.s32 @p0 $0x1  }
0x13: {  	[smem:$0x3FAE] =	sst s0;
	s0 =	simm.s32 @!p1 $0x0  }
0x14: {  	s2 =	sld [smem:$0x3F92];
	s0 =	simm.s32 @p1 $0x1  }
0x15: {  	[smem:$0x3FAF] =	sst s0;
	s0 =	simm.s32 @!p2 $0x0  }
0x16: {  	s3 =	sld [smem:$0x3FDB];
	s0 =	simm.s32 @p2 $0x1  }
0x17: {  	s4 =	simm.s32 $0x1BF5;
	[smem:$0x3FB1] =	sst s0  }
0x18: {  	s0 =	sld [smem:$0x3F94];
	_ =	swait.ge [sflag:s4], $0x0  }
0x19: {  	s7 =	sld [smem:$0x3F95]  }
0x1a: {  	s8 =	sadd.s32 $0xFFFFE003, lr  }
0x1b: {  	s9 =	sadd.s32 $0xFFFFFEF7, lr;
	s5 =	simm.s32 $0xFFFFFFFF;
	p2 =	slt.u32 s8, $0xFFFFF086  }
0x1c: {  	p1 =	slt.u32 s9, $0xF7A;
	s5 =	simm.s32 @!p2 $0x0  }
0x1d: {  	s5 =	simm.s32 @p1 $0x1;
	p0 =	seq.s32 s7, s2  }
0x1e: {  	s7 =	smul.u32 @!p0 $0xF7A, s2;
	p2 =	seq.s32 @!p0 s5, $0x0  }
0x1f: {  	s9 =	smul.u32 $0xF7A, s1;
	s8 =	simm.s32 @!p0 $0x1BF5;
	p2 =	por !p2, p0  }
0x20: {  	[sflag:s8] =	ssyncset.s32 @!p0 $0xFFFFF086;
	s6 =	sadd.s32 @!p0 s3, s7;
	s7 =	simm.s32 @!p0 $0x108  }
0x21: {  	s3 =	sadd.s32 s3, s9;
	s6 =	sadd.s32 @!p0 $0x88, s6;
	s7 =	simm.s32 @p2 $0x1082  }
0x22: {  	[simem:s7], [sflag:s8] =	dma.local @!p0 [hbm:s6], $0xF7A  }
0x23: {  	s9 =	sor.u32 $0xD0000000, s2;
	s6 =	simm.s32 $0x108;
	_ =	swait.ge @!p0 [sflag:s8], $0x0  }
0x24: {  	s3 =	sadd.s32 $0x88, s3;
	s6 =	simm.s32 @!p1 $0x1082;
	[sflag:s4] =	ssyncset.s32 $0xFFFFF086  }
0x25: {  	[simem:s6], [sflag:s4] =	dma.local [hbm:s3], $0xF7A  }
0x26: {  	[smem:$0x3F95] =	sst s1;
	(tag) =	ssettag s2;
	_ =	strace s9  }
0x27: {  	s1 =	sld [smem:$0x3FA5]  }
0x28: {  	s2 =	sld [smem:$0x3FA6]  }
0x29: {  	s4 =	sld [smem:$0x3FA8]  }
0x2a: {  	p0 =	seq.s32 s5, $0x0;
	s5 =	sld [smem:$0x3FA9]  }
0x2b: {  	s6 =	sld [smem:$0x3FAA]  }
0x2c: {  	s7 =	sld [smem:$0x3FAB]  }
0x2d: {  	s3 =	simm.s32 $0x108;
	s8 =	sld [smem:$0x3FAC]  }
0x2e: {  	s3 =	simm.s32 @!p0 $0x1082;
	s9 =	sld [smem:$0x3FAD]  }
0x2f: {  	lr =	sadd.s32 s0, s3;
	s0 =	sld [smem:$0x3FA4]  }
0x30: {  	s3 =	sld [smem:$0x3FA7]  }
0x31: {  	[smem:$0x3FB0] =	sst s10  }
0x32: {  	s10 =	sld [smem:$0x3FAE];
	_ =	sdelay $0x3  }
0x33: {  	p0 =	seq.s32 s10, $0x1;
	s10 =	sld [smem:$0x3FB0];
	_ =	sdelay $0x3  }
0x34: {  	[smem:$0x3FB0] =	sst s10  }
0x35: {  	s10 =	sld [smem:$0x3FAF];
	_ =	sdelay $0x3  }
0x36: {  	p1 =	seq.s32 s10, $0x1;
	s10 =	sld [smem:$0x3FB0];
	_ =	sdelay $0x3  }
0x37: {  	[smem:$0x3FB0] =	sst s10  }
0x38: {  	s10 =	sld [smem:$0x3FB1]  }
0x39: {  	_ = 	snop;
	(pc) =	sbr.ind lr, $3  }
0x3a: {  	_ = 	snop  }
0x3b: {  	_ = 	snop  }
0x3c: {  	p2 =	seq.s32 s10, $0x1;
	s10 =	sld [smem:$0x3FB0]  }
0x3d: {  	_ =	shalt  }
0x3e: {  	_ =	shalt  }
0x3f: {  	_ =	shalt  }
0x40: {  	_ =	shalt  }
0x41: {  	_ =	shalt  }
0x42: {  	_ =	shalt  }
0x43: {  	_ =	shalt  }
0x44: {  	_ =	shalt  }
0x45: {  	_ =	shalt  }
0x46: {  	_ =	shalt  }
0x47: {  	_ =	shalt  }
0x48: {  	_ =	shalt  }
0x49: {  	_ =	shalt  }
0x4a: {  	_ =	shalt  }
0x4b: {  	_ =	shalt  }
0x4c: {  	_ =	shalt  }
0x4d: {  	_ =	shalt  }
0x4e: {  	_ =	shalt  }
0x4f: {  	_ =	shalt  }
0x50: {  	_ =	shalt  }
0x51: {  	_ =	shalt  }
0x52: {  	_ =	shalt  }
0x53: {  	_ =	shalt  }
0x54: {  	_ =	shalt  }
0x55: {  	_ =	shalt  }
0x56: {  	_ =	shalt  }
0x57: {  	_ =	shalt  }
0x58: {  	_ =	shalt  }
0x59: {  	_ =	shalt  }
0x5a: {  	_ =	shalt  }
0x5b: {  	_ =	shalt  }
0x5c: {  	_ =	shalt  }
0x5d: {  	_ =	shalt  }
0x5e: {  	_ =	shalt  }
0x5f: {  	_ =	shalt  }
0x60: {  	_ =	shalt  }
0x61: {  	_ =	shalt  }
0x62: {  	_ =	shalt  }
0x63: {  	_ =	shalt  }
0x64: {  	_ =	shalt  }
0x65: {  	_ =	shalt  }
0x66: {  	_ =	shalt  }
0x67: {  	_ =	shalt  }
0x68: {  	_ =	shalt  }
0x69: {  	_ =	shalt  }
0x6a: {  	_ =	shalt  }
0x6b: {  	_ =	shalt  }
0x6c: {  	_ =	shalt  }
0x6d: {  	_ =	shalt  }
0x6e: {  	_ =	shalt  }
0x6f: {  	_ =	shalt  }
0x70: {  	_ =	shalt  }
0x71: {  	_ =	shalt  }
0x72: {  	_ =	shalt  }
0x73: {  	_ =	shalt  }
0x74: {  	_ =	shalt  }
0x75: {  	_ =	shalt  }
0x76: {  	_ =	shalt  }
0x77: {  	_ =	shalt  }
0x78: {  	_ =	shalt  }
0x79: {  	_ =	shalt  }
0x7a: {  	_ =	shalt  }
0x7b: {  	_ =	shalt  }
0x7c: {  	_ =	shalt  }
0x7d: {  	_ =	shalt  }
0x7e: {  	_ =	shalt  }
0x7f: {  	_ =	shalt  }
0x80: {  	_ =	shalt  }
0x81: {  	_ =	shalt  }
0x82: {  	_ =	shalt  }
0x83: {  	_ =	shalt  }
0x84: {  	_ =	shalt  }
0x85: {  	_ =	shalt  }
0x86: {  	_ =	shalt  }
0x87: {  	_ =	shalt  }
.Lfunc_end0:
.L_simem_size_0:
called_computation.3_lowered:
.L_overlay_start_0:
0x88: {  	s2 =	sld [smem:$0x3FD9]  }
0x89: {  	s3 =	sld [smem:$0x3FFE];
	_ =	sdelay $0x1  }
0x8a: {  	s1 =	srdreg.scid  }
0x8b: {  	s0 =	sand.u32 $0x1, s1  }
0x8c: {  	s17 =	sshll.u32 s0, $0xA;
	s2 =	sadd.s32 s3, s2  }
0x8d: {  	s2 =	sadd.s32 s2, s17  }
0x8e: {  	[smem:$0x3FBC] =	sst s2  }
0x8f: {  	_ = 	snop  }
0x90: {  	s2 =	sld [smem:$0x3FC9];
	(tm) =	ssettm $0x1  }
0x91: {  	s18 =	sld [smem:$0x3FFB];
	_ =	sdelay $0x3  }
0x92: {  	_ =	strace s18  }
0x93: {  	s3 =	sld [smem:$0x3FFC];
	_ =	sdelay $0x3  }
0x94: {  	_ =	strace s3  }
0x95: {  	s3 =	sld [smem:$0x3FFD];
	_ =	sdelay $0x3  }
0x96: {  	_ =	strace s3  }
0x97: {  	_ =	strace $0x8FFFFFFF  }
0x98: {  	s19 =	sld [smem:$0x3FDB];
	_ =	sdelay $0x1  }
0x99: {  	s4 =	simm.s32 $_scs_section_size  }
0x9a: {  	s5 =	simm.s32 $_size__tile_overlayer_lowered;
	s6 =	simm.s32 $_tile_overlayer_lowered  }
0x9b: {  	s22 =	simm.s32 $0x1BFF;
	s21 =	sshll.u32 s6, $0x1;
	s3 =	sadd.s32 s4, s19  }
0x9c: {  	s7 =	simm.s32 $0x0;
	s20 =	sshll.u32 s5, $0x1;
	s5 =	sadd.s32 s21, s3  }
0x9d: {  	[timem:s7], [sflag:s22] =	dma.local [hbm:s5], s20  }
0x9e: {  	_ =	swait.ge [sflag:s22], s20  }
0x9f: {  	s4 =	ssub.s32 $0x0, s20;
	[sflag:s22] =	ssyncset.done $0x0  }
0xa0: {  	[sflag:s22] =	ssyncadd.s32 s4;
	_ =	sdelay $0x1  }
0xa1: {  	s23 =	simm.s32 $0x1B8B  }
0xa2: {  	_ =	swait.ge [sflag:s23], $0x1  }
0xa3: {  	[sflag:s23] =	ssyncset.done $0x0  }
0xa4: {  	s25 =	simm.s32 $0x1B8E;
	s24 =	sld [smem:$0x3FFE];
	[sflag:s23] =	ssyncadd.s32 $0xFFFFFFFF  }
0xa5: {  	s26 =	simm.s32 $execute0_lowered;
	[smem:$0x3FD2] =	sst s25  }
0xa6: {  	s5 =	sshll.u32 s26, $0x1;
	_ =	strace $0x80000046;
	[dreg:$0x1] =	wrdreg $0xFFFFFFFF  }
0xa7: {  	s28 =	simm.s32 $_size_execute0_lowered;
	s3 =	sadd.s32 s3, s5;
	[dreg:$0x0] =	wrdreg $0x0  }
0xa8: {  	s5 =	sshll.u32 s28, $0x1;
	[dreg:$0x2] =	wrdreg s3  }
0xa9: {  	[dreg:$0x3] =	wrdreg s5  }
0xaa: {  	[dreg:$0x4] =	wrdreg $0xC0  }
0xab: {  	_ =	task [dreg:s7], $0x5FFFF  }
0xac: {  	[dreg:$0x1] =	wrdreg $0xFFFFFFFF  }
0xad: {  	[dreg:$0x0] =	wrdreg $0x60  }
0xae: {  	[dreg:$0x2] =	wrdreg s2  }
0xaf: {  	[dreg:$0x3] =	wrdreg s24  }
0xb0: {  	[dreg:$0x4] =	wrdreg $0xB5000  }
0xb1: {  	[dreg:$0x5] =	wrdreg $0xA  }
0xb2: {  	_ =	task.clear_ibuf [dreg:s7], $0x6FFFF;
	_ =	strace $0x90000046  }
0xb3: {  	s29 =	simm.s32 $0xA;
	_ =	strace $0x80000048  }
0xb4: {  	_ =	swait.ge [sflag:s29], $0x1  }
0xb5: {  	[sflag:s29] =	ssyncadd.s32 $0xFFFFFFFF  }
0xb6: {  	_ =	strace $0x90000048  }
0xb7: {  	_ =	sfence  }
0xb8: {  	s30 =	sld [smem:$0x0];
	_ =	sdelay $0x2  }
0xb9: {  	s31 =	sshll.u32 s1, $0xD;
	s1 =	sshrl.u32 s1, $0x2  }
0xba: {  	s3 =	sand.u32 $0x4000, s31;
	s1 =	sadd.s32 s1, s30  }
0xbb: {  	s0 =	sor.u32 s3, s0;
	s1 =	sshll.u32 s1, $0x11  }
0xbc: {  	s0 =	sor.u32 s1, s0  }
0xbd: {  	s0 =	sadd.s32 $0x8F2B, s0  }
0xbe: {  	[sflag:s0] =	ssyncadd.remote.s32 $0x1  }
0xbf: {  	_ =	sfence.sel $0xFFFF  }
0xc0: {  	[dreg:$0x0] =	wrdreg $0xFFFFFFFF;
	(pc) =	sbr.abs _section_cstart, $3  }
0xc1: {  	[dreg:$0x1] =	wrdreg $0xFFFFFFFF  }
0xc2: {  	_ =	task.clear_ibuf [dreg:s7], $0x2FFFF;
	_ =	strace $0x9FFFFFFF  }
0xc3: {  	(tm) =	ssettm $0x7FFFFFFF  }
tec
execute0_lowered:
.L_overlay_start_1:
0x0: {  	(tag) =	ssettag $0x1  }
0x1: {  	s1 =	rddreg [dreg:$0x0]  }
0x2: {  	s2 =	rddreg [dreg:$0x1];
	s3 =	srdreg.scid  }
0x3: {  	s0 =	stileid.u32;
	s11 =	simm.s32 $0x4F;
	s19 =	simm.s32 $0x8100  }
0x4: {  	s20 =	simm.s32 $0x2;
	s21 =	simm.s32 $0x80;
	s22 =	simm.s32 $0x4100  }
0x5: {  	s23 =	simm.s32 $0x100;
	s24 =	simm.s32 $0x1;
	s6 =	smul.u32 $0x4E00, s0  }
0x6: {  	s26 =	simm.s32 $0x0;
	s5 =	sand.u32 $0x1, s3;
	s29 =	smul.u32 $0x4E000, s0  }
0x7: {  	s4 =	sshll.u32 s0, $0x1;
	s3 =	rddreg [dreg:$0x2];
	s25 =	smul.u32 $0x2700, s0  }
0x8: {  	p0 =	slt.u32 s0, $0x2;
	s7 =	smul.u32 $0x2700, s5;
	s4 =	sor.u32 s5, s4  }
0x9: {  	s30 =	smul.u32 $0x27100, s5;
	s31 =	ssub.s32 $0x2, s5;
	s5 =	sadd.s32 $0x9E3000, s2  }
0xa: {  	s13 =	sadd.s32 $0x138000, s3;
	s11 =	simm.s32 @!p0 $0x4E;
	p0 =	sne.s32 s0, $0xF  }
0xb: {  	s8 =	smin.u32 s4, $0x4;
	s4 =	simm.s32 $0x0;
	s9 =	sshrl.u32 s31, $0x1  }
0xc: {  	s6 =	sadd.s32 s7, s6;
	s28 =	sshll.u32 s8, $0x7;
	[smem:$0x7FF] =	sst s4  }
0xd: {  	s16 =	ssub.s32 s31, s9;
	s6 =	sadd.s32 s28, s6;
	_ =	strace $0x80000047  }
0xe: {  	s16 =	smax.u32 s16, $0x1;
	s7 =	sshll.u32 s6, $0x4;
	s6 =	sshrl.u32 s6, $0x3  }
0xf: {  	s15 =	sadd.s32 s7, s2;
	s17 =	sadd.s32 s6, s2;
	s2 =	sadd.s32 s30, s2  }
0x10: {  	s7 =	sshrl.u32 s29, $0x2;
	s14 =	sadd.s32 $0x9E3800, s2;
	s15 =	sadd.s32 $0x501000, s15  }
0x11: {  	s6 =	sadd.s32 s7, s3;
	s2 =	sadd.s32 $0x4ED400, s17;
	s18 =	sadd.s32 $0x4F7200, s17  }
0x12: {  	s7 =	sadd.s32 $0x3400, s6;
	s8 =	sadd.s32 $0x6800, s6;
	s9 =	sadd.s32 $0x9C00, s6  }
0x13: {  	s10 =	sadd.s32 $0xD000, s6;
	s12 =	sadd.s32 $0x10400, s6;
	s25 =	sadd.s32 s25, s14  }
.LBB2_1:
0x14: {  	[tilespmem:s19], [sflag:$0x2] =	stream.linear.gather [hbm4b:s5+s4], $0x3400, $0x38;
	[tilespmem:$0x1ED80] =	vst v63  }
0x15: {  	_ =	swait.ge [sflag:s20], $0x3400  }
0x16: {  	[sflag:s20] =	ssyncset.done $0x0  }
0x17: {  	[sflag:s20] =	ssyncadd.s32 $0xFFFFCC00  }
0x18: {  	[spmem:s6] =	stream.linear.scatter [tilespmem:s19], [sflag:$0x2], $0x3400, $0x38;
	[tilespmem:$0x1ED80] =	vst v63  }
0x19: {  	_ =	swait.ge [sflag:s20], $0x3400  }
0x1a: {  	[sflag:s20] =	ssyncset.done $0x0  }
0x1b: {  	[sflag:s20] =	ssyncadd.s32 $0xFFFFCC00  }
0x1c: {  	[spmem:s7] =	stream.linear.scatter [tilespmem:s19], [sflag:$0x2], $0x3400, $0x38;
	[tilespmem:$0x1ED80] =	vst v63  }
0x1d: {  	_ =	swait.ge [sflag:s20], $0x3400  }
0x1e: {  	[sflag:s20] =	ssyncset.done $0x0  }
0x1f: {  	[sflag:s20] =	ssyncadd.s32 $0xFFFFCC00  }
0x20: {  	[spmem:s8] =	stream.linear.scatter [tilespmem:s19], [sflag:$0x2], $0x3400, $0x38;
	[tilespmem:$0x1ED80] =	vst v63  }
0x21: {  	_ =	swait.ge [sflag:s20], $0x3400  }
0x22: {  	[sflag:s20] =	ssyncset.done $0x0  }
0x23: {  	[sflag:s20] =	ssyncadd.s32 $0xFFFFCC00  }
0x24: {  	[spmem:s9] =	stream.linear.scatter [tilespmem:s19], [sflag:$0x2], $0x3400, $0x38;
	[tilespmem:$0x1ED80] =	vst v63  }
0x25: {  	_ =	swait.ge [sflag:s20], $0x3400  }
0x26: {  	[sflag:s20] =	ssyncset.done $0x0  }
0x27: {  	[sflag:s20] =	ssyncadd.s32 $0xFFFFCC00  }
0x28: {  	[spmem:s10] =	stream.linear.scatter [tilespmem:s19], [sflag:$0x2], $0x3400, $0x38;
	[tilespmem:$0x1ED80] =	vst v63  }
0x29: {  	_ =	swait.ge [sflag:s20], $0x3400  }
0x2a: {  	[sflag:s20] =	ssyncset.done $0x0  }
0x2b: {  	[sflag:s20] =	ssyncadd.s32 $0xFFFFCC00  }
0x2c: {  	[spmem:s12] =	stream.linear.scatter [tilespmem:s19], [sflag:$0x2], $0x3400, $0x38;
	[tilespmem:$0x1ED80] =	vst v63  }
0x2d: {  	_ =	swait.ge [sflag:s20], $0x3400  }
0x2e: {  	[sflag:s20] =	ssyncset.done $0x0  }
0x2f: {  	s17 =	simm.s32 @!p0 $0x8100;
	s28 =	simm.s32 @!p0 $0x2;
	[sflag:s20] =	ssyncadd.s32 $0xFFFFCC00  }
0x30: {  	[spmem:s13] =	stream.linear.scatter @!p0 [tilespmem:s17], [sflag:$0x2], $0x800, $0x38;
	[tilespmem:$0x1ED80] =	vst v63  }
0x31: {  	_ =	swait.ge @!p0 [sflag:s28], $0x800  }
0x32: {  	[sflag:s28] =	ssyncset.done @!p0 $0x0  }
0x33: {  	[sflag:s28] =	ssyncadd.s32 @!p0 $0xFFFFF800  }
0x34: {  	[bflag:$0x0] =	sbarrier.arrive $0xFFFF  }
0x35: {  	[tilespmem:s4], [sflag:$0x2] =	stream.linear.gather [hbm4b:s18+s4], $0x80, $0x38;
	[tilespmem:$0x1ED80] =	vst v63  }
0x36: {  	_ =	swait.ge [sflag:s20], $0x80  }
0x37: {  	[sflag:s20] =	ssyncset.done $0x0  }
0x38: {  	[sflag:s20] =	ssyncadd.s32 $0xFFFFFF80  }
0x39: {  	[tilespmem:s21], [sflag:$0x2] =	stream.linear.gather [hbm4b:s2+s4], $0x80, $0x38;
	[tilespmem:$0x1ED80] =	vst v63  }
0x3a: {  	_ =	swait.ge [sflag:s20], $0x80  }
0x3b: {  	[sflag:s20] =	ssyncset.done $0x0  }
0x3c: {  	[sflag:s20] =	ssyncadd.s32 $0xFFFFFF80  }
0x3d: {  	[tilespmem:s22], [sflag:$0x2] =	stream.linear.gather [hbm4b:s15+s4], $0x4000, $0x38;
	[tilespmem:$0x1ED80] =	vst v63  }
0x3e: {  	_ =	swait.ge [sflag:s20], $0x4000  }
0x3f: {  	[sflag:s20] =	ssyncset.done $0x0  }
0x40: {  	[sflag:s20] =	ssyncadd.s32 $0xFFFFC000  }
0x41: {  	[tilespmem:s23], [sflag:$0x1] =	stream.indirect.gather [hbm4b:s1+s21], $0x80, s4, s21, $0xb8;
	[tilespmem:$0x1ED80] =	vst v63  }
0x42: {  	_ =	swait.ge [sflag:s24], $0x4000  }
0x43: {  	[sflag:s24] =	ssyncset.done $0x0  }
0x44: {  	[sflag:s24] =	ssyncadd.s32 $0xFFFFC000  }
0x45: {  	[spmem:s3] =	stream.indirect.scatter.add.f32 [tilespmem:s23], [sflag:$0x2], $0x80, s21, s21, $0xb8;
	[tilespmem:$0x1ED80] =	vst v63  }
0x46: {  	p1 =	sne.s32 s11, $0x1;
	_ =	swait.ge [sflag:s20], $0x4000  }
.Ltmp0:
0x47: {  	[sflag:s20] =	ssyncset.done $0x0;
	(pc) =	sbr.rel @!p1 .LBB2_3-.Ltmp0, $4  }
0x48: {  	[sflag:s20] =	ssyncadd.s32 $0xFFFFC000  }
0x49: {  	[spmem:s3] =	stream.indirect.scatter.add.f32 [tilespmem:s22], [sflag:$0x2], $0x80, s21, s21, $0xb8;
	[tilespmem:$0x1ED80] =	vst v63  }
0x4a: {  	s29 =	sadd.s32 $0xFFFFFFFF, s11;
	s30 =	sadd.s32 $0x10, s18;
	_ =	swait.ge [sflag:s20], $0x4000  }
0x4b: {  	s31 =	smov.u32 s15;
	s17 =	smov.u32 s2;
	[sflag:s20] =	ssyncset.done $0x0  }
.LBB2_2:
0x4c: {  	[sflag:s20] =	ssyncadd.s32 $0xFFFFC000;
	s31 =	sadd.s32 $0x800, s31;
	s17 =	sadd.s32 $0x10, s17  }
0x4d: {  	[tilespmem:s4], [sflag:$0x2] =	stream.linear.gather [hbm4b:s30+s4], $0x80, $0x38;
	[tilespmem:$0x1ED80] =	vst v63  }
0x4e: {  	p1 =	sne.s32 s29, $0x1;
	s29 =	sadd.s32 $0xFFFFFFFF, s29;
	_ =	swait.ge [sflag:s20], $0x80  }
0x4f: {  	[sflag:s20] =	ssyncset.done $0x0  }
0x50: {  	[sflag:s20] =	ssyncadd.s32 $0xFFFFFF80  }
0x51: {  	[tilespmem:s21], [sflag:$0x2] =	stream.linear.gather [hbm4b:s17+s4], $0x80, $0x38;
	[tilespmem:$0x1ED80] =	vst v63  }
0x52: {  	_ =	swait.ge [sflag:s20], $0x80  }
0x53: {  	[sflag:s20] =	ssyncset.done $0x0  }
0x54: {  	[sflag:s20] =	ssyncadd.s32 $0xFFFFFF80  }
0x55: {  	[tilespmem:s22], [sflag:$0x2] =	stream.linear.gather [hbm4b:s31+s4], $0x4000, $0x38;
	[tilespmem:$0x1ED80] =	vst v63  }
0x56: {  	_ =	swait.ge [sflag:s20], $0x4000  }
0x57: {  	[sflag:s20] =	ssyncset.done $0x0  }
0x58: {  	[sflag:s20] =	ssyncadd.s32 $0xFFFFC000  }
0x59: {  	[tilespmem:s23], [sflag:$0x1] =	stream.indirect.gather [hbm4b:s1+s21], $0x80, s4, s21, $0xb8;
	[tilespmem:$0x1ED80] =	vst v63  }
0x5a: {  	_ =	swait.ge [sflag:s24], $0x4000  }
0x5b: {  	[sflag:s24] =	ssyncset.done $0x0  }
0x5c: {  	[sflag:s24] =	ssyncadd.s32 $0xFFFFC000  }
0x5d: {  	[spmem:s3] =	stream.indirect.scatter.add.f32 [tilespmem:s23], [sflag:$0x2], $0x80, s21, s21, $0xb8;
	[tilespmem:$0x1ED80] =	vst v63  }
0x5e: {  	_ =	swait.ge [sflag:s20], $0x4000  }
.Ltmp1:
0x5f: {  	[sflag:s20] =	ssyncset.done $0x0;
	(pc) =	sbr.rel @p1 .LBB2_2-.Ltmp1, $4  }
0x60: {  	[sflag:s20] =	ssyncadd.s32 $0xFFFFC000  }
0x61: {  	[spmem:s3] =	stream.indirect.scatter.add.f32 [tilespmem:s22], [sflag:$0x2], $0x80, s21, s21, $0xb8;
	[tilespmem:$0x1ED80] =	vst v63  }
0x62: {  	_ =	swait.ge [sflag:s20], $0x4000  }
0x63: {  	s30 =	sadd.s32 $0x10, s30;
	[sflag:s20] =	ssyncset.done $0x0  }
.LBB2_3:
0x64: {  	[sflag:s20] =	ssyncadd.s32 $0xFFFFC000;
	s17 =	sshll.u32 s0, $0x6  }
0x65: {  	s29 =	sshrl.u32 s6, $0x3;
	[bflag:$0x0] =	sbarrier.arrive $0xFFFF;
	s17 =	sor.u32 $0x1C02, s17  }
0x66: {  	[hbm:s25], [sflag:s17] =	dma.local [spmem:s29], $0x2700  }
0x67: {  	s26 =	sadd.s32 $0x1, s26;
	_ =	swait.ge [sflag:s20], $0x2700  }
0x68: {  	s30 =	sshrl.u32 @!p0 s13, $0x3;
	p1 =	sne.s32 s26, s16;
	[sflag:s20] =	ssyncset.done $0x0  }
.Ltmp2:
0x69: {  	s29 =	sadd.s32 @!p0 $0x27000, s14;
	[sflag:s20] =	ssyncadd.s32 $0xFFFFD900;
	(pc) =	sbr.rel @p1 .LBB2_1-.Ltmp2, $4  }
0x6a: {  	[hbm:s29], [sflag:s17] =	dma.local @!p0 [spmem:s30], $0x100  }
0x6b: {  	_ =	swait.ge @!p0 [sflag:s28], $0x100  }
0x6c: {  	[sflag:s28] =	ssyncset.done @!p0 $0x0  }
0x6d: {  	[sflag:s28] =	ssyncadd.s32 @!p0 $0xFFFFFF00  }
0x6e: {  	_ =	sfence.sel $0x180000  }
0x6f: {  	[bflag:$0x0] =	sbarrier.arrive $0xFFFF  }
0x70: {  	_ =	strace $0x90000047  }
0x71: {  	[bflag:$0x2] =	sbarrier.arrive $0xFFFF  }
0x72: {  	p0 =	sne.s32 s0, $0x0;
	s0 =	rddreg [dreg:$0x3]  }
0x73: {  	s0 =	sadd.s32 @!p0 $0x100000, s0  }
0x74: {  	[sflag:s0] =	ssyncadd.tile.s32 @!p0 $0x1;
	_ =	shalt  }
.Lfunc_end2:
_tile_overlayer_lowered:
.L_overlay_start_2:
0x75: {  	(tag) =	ssettag $0x2  }
0x76: {  	s0 =	rddreg [dreg:$0x0];
	s2 =	stileid.u32  }
0x77: {  	s1 =	rddreg [dreg:$0x1];
	p0 =	sne.s32 s2, $0x0  }
0x78: {  	s3 =	rddreg [dreg:$0x2];
	[bflag:$0x3] =	sbarrier.arrive $0xFFFF;
	s2 =	simm.s32 @!p0 $0x1C02  }
0x79: {  	[timem:s3], [sflag:s2] =	dma.local @!p0 [hbm:s0], s1  }
0x7a: {  	s0 =	simm.s32 @!p0 $0x2  }
0x7b: {  	_ =	swait.ge @!p0 [sflag:s0], s1  }
0x7c: {  	s1 =	ssub.s32 @!p0 $0x0, s1;
	[sflag:s0] =	ssyncset.done @!p0 $0x0  }
0x7d: {  	[sflag:s0] =	ssyncadd.s32 @!p0 s1  }
0x7e: {  	[bflag:$0x3] =	sbarrier.arrive $0xFFFF  }
0x7f: {  	_ =	shalt  }

// kernel: kernel.32.cloned.1.call-start
scs
__scs_entry_jumppad:
0x0: {  	(pc) =	sbr.rel $0x88, $3  }
0x1: {  	(tag) =	ssettag $0x0;
	lr =	simm.s32 $0x1  }
0x2: {  	[smem:$0x3F95] =	sst lr;
	_ =	strace $0xD0000000  }
0x3: {  	_ = 	snop  }
0x4: {  	_ = 	snop  }
0x5: {  	_ = 	snop  }
0x6: {  	_ = 	snop  }
0x7: {  	_ = 	snop  }
__scs_overlays_trampoline_lowered:
0x8: {  	[smem:$0x3FA4] =	sst s0  }
0x9: {  	[smem:$0x3FA5] =	sst s1  }
0xa: {  	[smem:$0x3FA6] =	sst s2  }
0xb: {  	[smem:$0x3FA7] =	sst s3  }
0xc: {  	[smem:$0x3FA8] =	sst s4  }
0xd: {  	[smem:$0x3FA9] =	sst s5  }
0xe: {  	[smem:$0x3FAA] =	sst s6  }
0xf: {  	[smem:$0x3FAB] =	sst s7  }
0x10: {  	[smem:$0x3FAC] =	sst s8  }
0x11: {  	[smem:$0x3FAD] =	sst s9;
	s0 =	simm.s32 @!p0 $0x0  }
0x12: {  	s1 =	sld [smem:$0x3F93];
	s0 =	simm.s32 @p0 $0x1  }
0x13: {  	[smem:$0x3FAE] =	sst s0;
	s0 =	simm.s32 @!p1 $0x0  }
0x14: {  	s2 =	sld [smem:$0x3F92];
	s0 =	simm.s32 @p1 $0x1  }
0x15: {  	[smem:$0x3FAF] =	sst s0;
	s0 =	simm.s32 @!p2 $0x0  }
0x16: {  	s3 =	sld [smem:$0x3FDB];
	s0 =	simm.s32 @p2 $0x1  }
0x17: {  	s4 =	simm.s32 $0x1BF5;
	[smem:$0x3FB1] =	sst s0  }
0x18: {  	s0 =	sld [smem:$0x3F94];
	_ =	swait.ge [sflag:s4], $0x0  }
0x19: {  	s7 =	sld [smem:$0x3F95]  }
0x1a: {  	s8 =	sadd.s32 $0xFFFFE003, lr  }
0x1b: {  	s9 =	sadd.s32 $0xFFFFFEF7, lr;
	s5 =	simm.s32 $0xFFFFFFFF;
	p2 =	slt.u32 s8, $0xFFFFF086  }
0x1c: {  	p1 =	slt.u32 s9, $0xF7A;
	s5 =	simm.s32 @!p2 $0x0  }
0x1d: {  	s5 =	simm.s32 @p1 $0x1;
	p0 =	seq.s32 s7, s2  }
0x1e: {  	s7 =	smul.u32 @!p0 $0xF7A, s2;
	p2 =	seq.s32 @!p0 s5, $0x0  }
0x1f: {  	s9 =	smul.u32 $0xF7A, s1;
	s8 =	simm.s32 @!p0 $0x1BF5;
	p2 =	por !p2, p0  }
0x20: {  	[sflag:s8] =	ssyncset.s32 @!p0 $0xFFFFF086;
	s6 =	sadd.s32 @!p0 s3, s7;
	s7 =	simm.s32 @!p0 $0x108  }
0x21: {  	s3 =	sadd.s32 s3, s9;
	s6 =	sadd.s32 @!p0 $0x88, s6;
	s7 =	simm.s32 @p2 $0x1082  }
0x22: {  	[simem:s7], [sflag:s8] =	dma.local @!p0 [hbm:s6], $0xF7A  }
0x23: {  	s9 =	sor.u32 $0xD0000000, s2;
	s6 =	simm.s32 $0x108;
	_ =	swait.ge @!p0 [sflag:s8], $0x0  }
0x24: {  	s3 =	sadd.s32 $0x88, s3;
	s6 =	simm.s32 @!p1 $0x1082;
	[sflag:s4] =	ssyncset.s32 $0xFFFFF086  }
0x25: {  	[simem:s6], [sflag:s4] =	dma.local [hbm:s3], $0xF7A  }
0x26: {  	[smem:$0x3F95] =	sst s1;
	(tag) =	ssettag s2;
	_ =	strace s9  }
0x27: {  	s1 =	sld [smem:$0x3FA5]  }
0x28: {  	s2 =	sld [smem:$0x3FA6]  }
0x29: {  	s4 =	sld [smem:$0x3FA8]  }
0x2a: {  	p0 =	seq.s32 s5, $0x0;
	s5 =	sld [smem:$0x3FA9]  }
0x2b: {  	s6 =	sld [smem:$0x3FAA]  }
0x2c: {  	s7 =	sld [smem:$0x3FAB]  }
0x2d: {  	s3 =	simm.s32 $0x108;
	s8 =	sld [smem:$0x3FAC]  }
0x2e: {  	s3 =	simm.s32 @!p0 $0x1082;
	s9 =	sld [smem:$0x3FAD]  }
0x2f: {  	lr =	sadd.s32 s0, s3;
	s0 =	sld [smem:$0x3FA4]  }
0x30: {  	s3 =	sld [smem:$0x3FA7]  }
0x31: {  	[smem:$0x3FB0] =	sst s10  }
0x32: {  	s10 =	sld [smem:$0x3FAE];
	_ =	sdelay $0x3  }
0x33: {  	p0 =	seq.s32 s10, $0x1;
	s10 =	sld [smem:$0x3FB0];
	_ =	sdelay $0x3  }
0x34: {  	[smem:$0x3FB0] =	sst s10  }
0x35: {  	s10 =	sld [smem:$0x3FAF];
	_ =	sdelay $0x3  }
0x36: {  	p1 =	seq.s32 s10, $0x1;
	s10 =	sld [smem:$0x3FB0];
	_ =	sdelay $0x3  }
0x37: {  	[smem:$0x3FB0] =	sst s10  }
0x38: {  	s10 =	sld [smem:$0x3FB1]  }
0x39: {  	_ = 	snop;
	(pc) =	sbr.ind lr, $3  }
0x3a: {  	_ = 	snop  }
0x3b: {  	_ = 	snop  }
0x3c: {  	p2 =	seq.s32 s10, $0x1;
	s10 =	sld [smem:$0x3FB0]  }
0x3d: {  	_ =	shalt  }
0x3e: {  	_ =	shalt  }
0x3f: {  	_ =	shalt  }
0x40: {  	_ =	shalt  }
0x41: {  	_ =	shalt  }
0x42: {  	_ =	shalt  }
0x43: {  	_ =	shalt  }
0x44: {  	_ =	shalt  }
0x45: {  	_ =	shalt  }
0x46: {  	_ =	shalt  }
0x47: {  	_ =	shalt  }
0x48: {  	_ =	shalt  }
0x49: {  	_ =	shalt  }
0x4a: {  	_ =	shalt  }
0x4b: {  	_ =	shalt  }
0x4c: {  	_ =	shalt  }
0x4d: {  	_ =	shalt  }
0x4e: {  	_ =	shalt  }
0x4f: {  	_ =	shalt  }
0x50: {  	_ =	shalt  }
0x51: {  	_ =	shalt  }
0x52: {  	_ =	shalt  }
0x53: {  	_ =	shalt  }
0x54: {  	_ =	shalt  }
0x55: {  	_ =	shalt  }
0x56: {  	_ =	shalt  }
0x57: {  	_ =	shalt  }
0x58: {  	_ =	shalt  }
0x59: {  	_ =	shalt  }
0x5a: {  	_ =	shalt  }
0x5b: {  	_ =	shalt  }
0x5c: {  	_ =	shalt  }
0x5d: {  	_ =	shalt  }
0x5e: {  	_ =	shalt  }
0x5f: {  	_ =	shalt  }
0x60: {  	_ =	shalt  }
0x61: {  	_ =	shalt  }
0x62: {  	_ =	shalt  }
0x63: {  	_ =	shalt  }
0x64: {  	_ =	shalt  }
0x65: {  	_ =	shalt  }
0x66: {  	_ =	shalt  }
0x67: {  	_ =	shalt  }
0x68: {  	_ =	shalt  }
0x69: {  	_ =	shalt  }
0x6a: {  	_ =	shalt  }
0x6b: {  	_ =	shalt  }
0x6c: {  	_ =	shalt  }
0x6d: {  	_ =	shalt  }
0x6e: {  	_ =	shalt  }
0x6f: {  	_ =	shalt  }
0x70: {  	_ =	shalt  }
0x71: {  	_ =	shalt  }
0x72: {  	_ =	shalt  }
0x73: {  	_ =	shalt  }
0x74: {  	_ =	shalt  }
0x75: {  	_ =	shalt  }
0x76: {  	_ =	shalt  }
0x77: {  	_ =	shalt  }
0x78: {  	_ =	shalt  }
0x79: {  	_ =	shalt  }
0x7a: {  	_ =	shalt  }
0x7b: {  	_ =	shalt  }
0x7c: {  	_ =	shalt  }
0x7d: {  	_ =	shalt  }
0x7e: {  	_ =	shalt  }
0x7f: {  	_ =	shalt  }
0x80: {  	_ =	shalt  }
0x81: {  	_ =	shalt  }
0x82: {  	_ =	shalt  }
0x83: {  	_ =	shalt  }
0x84: {  	_ =	shalt  }
0x85: {  	_ =	shalt  }
0x86: {  	_ =	shalt  }
0x87: {  	_ =	shalt  }
.Lfunc_end0:
.L_simem_size_0:
called_computation.4_lowered:
.L_overlay_start_0:
0x88: {  	s2 =	sld [smem:$0x3FD9]  }
0x89: {  	s3 =	sld [smem:$0x3FFE];
	_ =	sdelay $0x1  }
0x8a: {  	s1 =	srdreg.scid  }
0x8b: {  	s0 =	sand.u32 $0x1, s1  }
0x8c: {  	s17 =	sshll.u32 s0, $0xA;
	s2 =	sadd.s32 s3, s2  }
0x8d: {  	s2 =	sadd.s32 s2, s17  }
0x8e: {  	[smem:$0x3FBC] =	sst s2  }
0x8f: {  	_ = 	snop  }
0x90: {  	(tm) =	ssettm $0x1  }
0x91: {  	s18 =	sld [smem:$0x3FFB];
	_ =	sdelay $0x3  }
0x92: {  	_ =	strace s18  }
0x93: {  	s2 =	sld [smem:$0x3FFC];
	_ =	sdelay $0x3  }
0x94: {  	_ =	strace s2  }
0x95: {  	s2 =	sld [smem:$0x3FFD];
	_ =	sdelay $0x3  }
0x96: {  	_ =	strace s2  }
0x97: {  	_ =	strace $0x8FFFFFFF  }
0x98: {  	s19 =	sld [smem:$0x3FDB];
	_ =	sdelay $0x1  }
0x99: {  	s20 =	simm.s32 $_scs_section_size  }
0x9a: {  	s4 =	simm.s32 $_size__tile_overlayer_lowered;
	s5 =	simm.s32 $_tile_overlayer_lowered  }
0x9b: {  	s6 =	simm.s32 $0x1BFF;
	s21 =	sshll.u32 s5, $0x1;
	s3 =	sadd.s32 s20, s19  }
0x9c: {  	s22 =	simm.s32 $0x0;
	s4 =	sshll.u32 s4, $0x1;
	s5 =	sadd.s32 s21, s3  }
0x9d: {  	[timem:s22], [sflag:s6] =	dma.local [hbm:s5], s4  }
0x9e: {  	_ =	swait.ge [sflag:s6], s4  }
0x9f: {  	s4 =	ssub.s32 $0x0, s4;
	[sflag:s6] =	ssyncset.done $0x0  }
0xa0: {  	[sflag:s6] =	ssyncadd.s32 s4;
	_ =	sdelay $0x1  }
0xa1: {  	s23 =	simm.s32 $0x1B8B  }
0xa2: {  	_ =	swait.ge [sflag:s23], $0x1  }
0xa3: {  	[sflag:s23] =	ssyncset.done $0x0  }
0xa4: {  	[sflag:s23] =	ssyncadd.s32 $0xFFFFFFFF  }
0xa5: {  	s4 =	sld [smem:$0x0]  }
0xa6: {  	s5 =	sand.u32 $0xFFFFFFFE, s1  }
0xa7: {  	p0 =	sne.s32 s1, s5  }
0xa8: {  	s5 =	sshll.u32 @p0 s5, $0xE  }
0xa9: {  	s5 =	sadd.s32 @p0 $0x11B8D, s5;
	s6 =	sshll.u32 @p0 s4, $0x11  }
0xaa: {  	s5 =	sor.u32 @p0 s6, s5  }
0xab: {  	[sflag:s5] =	ssyncadd.remote.s32 @p0 $0x1;
	_ =	sdelay $0x1  }
0xac: {  	s5 =	simm.s32 @p0 $0x1B8D  }
0xad: {  	_ =	swait.eq @p0 [sflag:s5], $0x1  }
0xae: {  	[sflag:s5] =	ssyncadd.s32 @p0 $0xFFFFFFFF  }
0xaf: {  	s6 =	sshll.u32 @!p0 s1, $0xE  }
0xb0: {  	s6 =	sor.u32 @!p0 $0x4000, s6;
	s5 =	simm.s32 @!p0 $0x1B8D  }
0xb1: {  	s4 =	sshll.u32 @!p0 s4, $0x11;
	s6 =	sadd.s32 @!p0 $0x11B8D, s6;
	_ =	swait.eq @!p0 [sflag:s5], $0x1  }
0xb2: {  	s4 =	sor.u32 @!p0 s4, s6;
	[sflag:s5] =	ssyncadd.s32 @!p0 $0xFFFFFFFF  }
0xb3: {  	s25 =	simm.s32 $0x1B8E;
	s24 =	sld [smem:$0x3FFE];
	[sflag:s4] =	ssyncadd.remote.s32 @!p0 $0x1  }
0xb4: {  	s26 =	simm.s32 $execute0_lowered;
	[smem:$0x3FD2] =	sst s25  }
0xb5: {  	s5 =	sshll.u32 s26, $0x1;
	_ =	strace $0x8000004C;
	[dreg:$0x1] =	wrdreg $0xFFFFFFFF  }
0xb6: {  	s28 =	simm.s32 $_size_execute0_lowered;
	s3 =	sadd.s32 s3, s5;
	[dreg:$0x0] =	wrdreg $0x0  }
0xb7: {  	s5 =	sshll.u32 s28, $0x1;
	[dreg:$0x2] =	wrdreg s3  }
0xb8: {  	[dreg:$0x3] =	wrdreg s5  }
0xb9: {  	[dreg:$0x4] =	wrdreg $0xC0  }
0xba: {  	_ =	task [dreg:s22], $0x5FFFF  }
0xbb: {  	[dreg:$0x1] =	wrdreg $0xFFFFFFFF  }
0xbc: {  	[dreg:$0x0] =	wrdreg $0x60  }
0xbd: {  	[dreg:$0x2] =	wrdreg s24  }
0xbe: {  	[dreg:$0x3] =	wrdreg $0xB5000  }
0xbf: {  	[dreg:$0x4] =	wrdreg $0xA  }
0xc0: {  	_ =	task.clear_ibuf [dreg:s22], $0x5FFFF;
	_ =	strace $0x9000004C  }
0xc1: {  	s29 =	simm.s32 $0xA;
	_ =	strace $0x8000004E  }
0xc2: {  	_ =	swait.ge [sflag:s29], $0x1  }
0xc3: {  	[sflag:s29] =	ssyncadd.s32 $0xFFFFFFFF  }
0xc4: {  	_ =	strace $0x9000004E  }
0xc5: {  	_ =	sfence  }
0xc6: {  	s30 =	sld [smem:$0x0];
	_ =	sdelay $0x2  }
0xc7: {  	s31 =	sshll.u32 s1, $0xD;
	s1 =	sshrl.u32 s1, $0x2  }
0xc8: {  	s4 =	sand.u32 $0x4000, s31;
	s1 =	sadd.s32 s1, s30  }
0xc9: {  	s0 =	sor.u32 s4, s0;
	s1 =	sshll.u32 s1, $0x11  }
0xca: {  	s0 =	sor.u32 s1, s0  }
0xcb: {  	s0 =	sadd.s32 $0x8F2B, s0  }
0xcc: {  	[sflag:s0] =	ssyncadd.remote.s32 $0x1  }
0xcd: {  	_ =	sfence.sel $0xFFFF  }
0xce: {  	[dreg:$0x0] =	wrdreg $0xFFFFFFFF;
	(pc) =	sbr.abs _section_cstart, $3  }
0xcf: {  	[dreg:$0x1] =	wrdreg $0xFFFFFFFF  }
0xd0: {  	_ =	task.clear_ibuf [dreg:s22], $0x2FFFF;
	_ =	strace $0x9FFFFFFF  }
0xd1: {  	(tm) =	ssettm $0x7FFFFFFF  }
tec
execute0_lowered:
.L_overlay_start_1:
0x0: {  	(tag) =	ssettag $0x1  }
0x1: {  	s1 =	rddreg [dreg:$0x0]  }
0x2: {  	s2 =	srdreg.scid;
	s0 =	stileid.u32  }
0x3: {  	s11 =	simm.s32 $0x4F;
	s19 =	simm.s32 $0x8100;
	s20 =	simm.s32 $0x2  }
0x4: {  	s21 =	simm.s32 $0x80;
	s22 =	simm.s32 $0x4100;
	s4 =	smul.u32 $0x4E00, s0  }
0x5: {  	s23 =	simm.s32 $0x100;
	s24 =	simm.s32 $0x1;
	s30 =	smul.u32 $0x4E000, s0  }
0x6: {  	s26 =	simm.s32 $0x0;
	s5 =	sand.u32 $0x1, s2;
	s25 =	smul.u32 $0x2700, s0  }
0x7: {  	s3 =	sshll.u32 s0, $0x1;
	s2 =	rddreg [dreg:$0x1];
	s6 =	smul.u32 $0x2700, s5  }
0x8: {  	p0 =	slt.u32 s0, $0x2;
	s3 =	sor.u32 s5, s3;
	s31 =	smul.u32 $0x27100, s5  }
0x9: {  	s8 =	ssub.s32 $0x2, s5;
	s5 =	sadd.s32 $0x9E3000, s1;
	s13 =	sadd.s32 $0x138000, s2  }
0xa: {  	s11 =	simm.s32 @!p0 $0x4E;
	p0 =	sne.s32 s0, $0xF;
	s7 =	smin.u32 s3, $0x4  }
0xb: {  	s3 =	simm.s32 $0x0;
	s9 =	sshrl.u32 s8, $0x1;
	s4 =	sadd.s32 s6, s4  }
0xc: {  	s28 =	sshll.u32 s7, $0x7;
	[smem:$0x7FF] =	sst s3;
	s7 =	sshrl.u32 s30, $0x2  }
0xd: {  	s16 =	ssub.s32 s8, s9;
	s6 =	sadd.s32 s28, s4;
	_ =	strace $0x8000004D  }
0xe: {  	s4 =	sadd.s32 $0x9E3800, s1;
	s29 =	sshll.u32 s6, $0x4;
	s6 =	sshrl.u32 s6, $0x3  }
0xf: {  	s16 =	smax.u32 s16, $0x1;
	s17 =	sadd.s32 s6, s1;
	s6 =	sadd.s32 s7, s2  }
0x10: {  	s15 =	sadd.s32 s29, s1;
	s1 =	sadd.s32 s31, s1;
	s7 =	sadd.s32 $0x3400, s6  }
0x11: {  	s8 =	sadd.s32 $0x6800, s6;
	s9 =	sadd.s32 $0x9C00, s6;
	s10 =	sadd.s32 $0xD000, s6  }
0x12: {  	s12 =	sadd.s32 $0x10400, s6;
	s14 =	sadd.s32 $0x501000, s1;
	s15 =	sadd.s32 $0xF61C00, s15  }
0x13: {  	s1 =	sadd.s32 $0x4ED400, s17;
	s18 =	sadd.s32 $0x4F7200, s17;
	s25 =	sadd.s32 s25, s14  }
.LBB2_1:
0x14: {  	[tilespmem:s19], [sflag:$0x2] =	stream.linear.gather [hbm4b:s5+s3], $0x3400, $0x38;
	[tilespmem:$0x1ED80] =	vst v63  }
0x15: {  	_ =	swait.ge [sflag:s20], $0x3400  }
0x16: {  	[sflag:s20] =	ssyncset.done $0x0  }
0x17: {  	[sflag:s20] =	ssyncadd.s32 $0xFFFFCC00  }
0x18: {  	[spmem:s6] =	stream.linear.scatter [tilespmem:s19], [sflag:$0x2], $0x3400, $0x38;
	[tilespmem:$0x1ED80] =	vst v63  }
0x19: {  	_ =	swait.ge [sflag:s20], $0x3400  }
0x1a: {  	[sflag:s20] =	ssyncset.done $0x0  }
0x1b: {  	[sflag:s20] =	ssyncadd.s32 $0xFFFFCC00  }
0x1c: {  	[spmem:s7] =	stream.linear.scatter [tilespmem:s19], [sflag:$0x2], $0x3400, $0x38;
	[tilespmem:$0x1ED80] =	vst v63  }
0x1d: {  	_ =	swait.ge [sflag:s20], $0x3400  }
0x1e: {  	[sflag:s20] =	ssyncset.done $0x0  }
0x1f: {  	[sflag:s20] =	ssyncadd.s32 $0xFFFFCC00  }
0x20: {  	[spmem:s8] =	stream.linear.scatter [tilespmem:s19], [sflag:$0x2], $0x3400, $0x38;
	[tilespmem:$0x1ED80] =	vst v63  }
0x21: {  	_ =	swait.ge [sflag:s20], $0x3400  }
0x22: {  	[sflag:s20] =	ssyncset.done $0x0  }
0x23: {  	[sflag:s20] =	ssyncadd.s32 $0xFFFFCC00  }
0x24: {  	[spmem:s9] =	stream.linear.scatter [tilespmem:s19], [sflag:$0x2], $0x3400, $0x38;
	[tilespmem:$0x1ED80] =	vst v63  }
0x25: {  	_ =	swait.ge [sflag:s20], $0x3400  }
0x26: {  	[sflag:s20] =	ssyncset.done $0x0  }
0x27: {  	[sflag:s20] =	ssyncadd.s32 $0xFFFFCC00  }
0x28: {  	[spmem:s10] =	stream.linear.scatter [tilespmem:s19], [sflag:$0x2], $0x3400, $0x38;
	[tilespmem:$0x1ED80] =	vst v63  }
0x29: {  	_ =	swait.ge [sflag:s20], $0x3400  }
0x2a: {  	[sflag:s20] =	ssyncset.done $0x0  }
0x2b: {  	[sflag:s20] =	ssyncadd.s32 $0xFFFFCC00  }
0x2c: {  	[spmem:s12] =	stream.linear.scatter [tilespmem:s19], [sflag:$0x2], $0x3400, $0x38;
	[tilespmem:$0x1ED80] =	vst v63  }
0x2d: {  	_ =	swait.ge [sflag:s20], $0x3400  }
0x2e: {  	[sflag:s20] =	ssyncset.done $0x0  }
0x2f: {  	s17 =	simm.s32 @!p0 $0x8100;
	s28 =	simm.s32 @!p0 $0x2;
	[sflag:s20] =	ssyncadd.s32 $0xFFFFCC00  }
0x30: {  	[spmem:s13] =	stream.linear.scatter @!p0 [tilespmem:s17], [sflag:$0x2], $0x800, $0x38;
	[tilespmem:$0x1ED80] =	vst v63  }
0x31: {  	_ =	swait.ge @!p0 [sflag:s28], $0x800  }
0x32: {  	[sflag:s28] =	ssyncset.done @!p0 $0x0  }
0x33: {  	[sflag:s28] =	ssyncadd.s32 @!p0 $0xFFFFF800  }
0x34: {  	[bflag:$0x0] =	sbarrier.arrive $0xFFFF  }
0x35: {  	[tilespmem:s3], [sflag:$0x2] =	stream.linear.gather [hbm4b:s18+s3], $0x80, $0x38;
	[tilespmem:$0x1ED80] =	vst v63  }
0x36: {  	_ =	swait.ge [sflag:s20], $0x80  }
0x37: {  	[sflag:s20] =	ssyncset.done $0x0  }
0x38: {  	[sflag:s20] =	ssyncadd.s32 $0xFFFFFF80  }
0x39: {  	[tilespmem:s21], [sflag:$0x2] =	stream.linear.gather [hbm4b:s1+s3], $0x80, $0x38;
	[tilespmem:$0x1ED80] =	vst v63  }
0x3a: {  	_ =	swait.ge [sflag:s20], $0x80  }
0x3b: {  	[sflag:s20] =	ssyncset.done $0x0  }
0x3c: {  	[sflag:s20] =	ssyncadd.s32 $0xFFFFFF80  }
0x3d: {  	[tilespmem:s22], [sflag:$0x2] =	stream.linear.gather [hbm4b:s15+s3], $0x4000, $0x38;
	[tilespmem:$0x1ED80] =	vst v63  }
0x3e: {  	_ =	swait.ge [sflag:s20], $0x4000  }
0x3f: {  	[sflag:s20] =	ssyncset.done $0x0  }
0x40: {  	[sflag:s20] =	ssyncadd.s32 $0xFFFFC000  }
0x41: {  	[tilespmem:s23], [sflag:$0x1] =	stream.indirect.gather [hbm4b:s4+s21], $0x80, s3, s21, $0xb8;
	[tilespmem:$0x1ED80] =	vst v63  }
0x42: {  	_ =	swait.ge [sflag:s24], $0x4000  }
0x43: {  	[sflag:s24] =	ssyncset.done $0x0  }
0x44: {  	[sflag:s24] =	ssyncadd.s32 $0xFFFFC000  }
0x45: {  	[spmem:s2] =	stream.indirect.scatter.add.f32 [tilespmem:s23], [sflag:$0x2], $0x80, s21, s21, $0xb8;
	[tilespmem:$0x1ED80] =	vst v63  }
0x46: {  	p1 =	sne.s32 s11, $0x1;
	_ =	swait.ge [sflag:s20], $0x4000  }
.Ltmp0:
0x47: {  	[sflag:s20] =	ssyncset.done $0x0;
	(pc) =	sbr.rel @!p1 .LBB2_3-.Ltmp0, $4  }
0x48: {  	[sflag:s20] =	ssyncadd.s32 $0xFFFFC000  }
0x49: {  	[spmem:s2] =	stream.indirect.scatter.add.f32 [tilespmem:s22], [sflag:$0x2], $0x80, s21, s21, $0xb8;
	[tilespmem:$0x1ED80] =	vst v63  }
0x4a: {  	s29 =	sadd.s32 $0xFFFFFFFF, s11;
	s30 =	sadd.s32 $0x10, s18;
	_ =	swait.ge [sflag:s20], $0x4000  }
0x4b: {  	s31 =	smov.u32 s15;
	s17 =	smov.u32 s1;
	[sflag:s20] =	ssyncset.done $0x0  }
.LBB2_2:
0x4c: {  	[sflag:s20] =	ssyncadd.s32 $0xFFFFC000;
	s31 =	sadd.s32 $0x800, s31;
	s17 =	sadd.s32 $0x10, s17  }
0x4d: {  	[tilespmem:s3], [sflag:$0x2] =	stream.linear.gather [hbm4b:s30+s3], $0x80, $0x38;
	[tilespmem:$0x1ED80] =	vst v63  }
0x4e: {  	p1 =	sne.s32 s29, $0x1;
	s29 =	sadd.s32 $0xFFFFFFFF, s29;
	_ =	swait.ge [sflag:s20], $0x80  }
0x4f: {  	[sflag:s20] =	ssyncset.done $0x0  }
0x50: {  	[sflag:s20] =	ssyncadd.s32 $0xFFFFFF80  }
0x51: {  	[tilespmem:s21], [sflag:$0x2] =	stream.linear.gather [hbm4b:s17+s3], $0x80, $0x38;
	[tilespmem:$0x1ED80] =	vst v63  }
0x52: {  	_ =	swait.ge [sflag:s20], $0x80  }
0x53: {  	[sflag:s20] =	ssyncset.done $0x0  }
0x54: {  	[sflag:s20] =	ssyncadd.s32 $0xFFFFFF80  }
0x55: {  	[tilespmem:s22], [sflag:$0x2] =	stream.linear.gather [hbm4b:s31+s3], $0x4000, $0x38;
	[tilespmem:$0x1ED80] =	vst v63  }
0x56: {  	_ =	swait.ge [sflag:s20], $0x4000  }
0x57: {  	[sflag:s20] =	ssyncset.done $0x0  }
0x58: {  	[sflag:s20] =	ssyncadd.s32 $0xFFFFC000  }
0x59: {  	[tilespmem:s23], [sflag:$0x1] =	stream.indirect.gather [hbm4b:s4+s21], $0x80, s3, s21, $0xb8;
	[tilespmem:$0x1ED80] =	vst v63  }
0x5a: {  	_ =	swait.ge [sflag:s24], $0x4000  }
0x5b: {  	[sflag:s24] =	ssyncset.done $0x0  }
0x5c: {  	[sflag:s24] =	ssyncadd.s32 $0xFFFFC000  }
0x5d: {  	[spmem:s2] =	stream.indirect.scatter.add.f32 [tilespmem:s23], [sflag:$0x2], $0x80, s21, s21, $0xb8;
	[tilespmem:$0x1ED80] =	vst v63  }
0x5e: {  	_ =	swait.ge [sflag:s20], $0x4000  }
.Ltmp1:
0x5f: {  	[sflag:s20] =	ssyncset.done $0x0;
	(pc) =	sbr.rel @p1 .LBB2_2-.Ltmp1, $4  }
0x60: {  	[sflag:s20] =	ssyncadd.s32 $0xFFFFC000  }
0x61: {  	[spmem:s2] =	stream.indirect.scatter.add.f32 [tilespmem:s22], [sflag:$0x2], $0x80, s21, s21, $0xb8;
	[tilespmem:$0x1ED80] =	vst v63  }
0x62: {  	_ =	swait.ge [sflag:s20], $0x4000  }
0x63: {  	s30 =	sadd.s32 $0x10, s30;
	[sflag:s20] =	ssyncset.done $0x0  }
.LBB2_3:
0x64: {  	[sflag:s20] =	ssyncadd.s32 $0xFFFFC000;
	s17 =	sshll.u32 s0, $0x6  }
0x65: {  	s29 =	sshrl.u32 s6, $0x3;
	[bflag:$0x0] =	sbarrier.arrive $0xFFFF;
	s17 =	sor.u32 $0x1C02, s17  }
0x66: {  	[hbm:s25], [sflag:s17] =	dma.local [spmem:s29], $0x2700  }
0x67: {  	s26 =	sadd.s32 $0x1, s26;
	_ =	swait.ge [sflag:s20], $0x2700  }
0x68: {  	s30 =	sshrl.u32 @!p0 s13, $0x3;
	p1 =	sne.s32 s26, s16;
	[sflag:s20] =	ssyncset.done $0x0  }
.Ltmp2:
0x69: {  	s29 =	sadd.s32 @!p0 $0x27000, s14;
	[sflag:s20] =	ssyncadd.s32 $0xFFFFD900;
	(pc) =	sbr.rel @p1 .LBB2_1-.Ltmp2, $4  }
0x6a: {  	[hbm:s29], [sflag:s17] =	dma.local @!p0 [spmem:s30], $0x100  }
0x6b: {  	_ =	swait.ge @!p0 [sflag:s28], $0x100  }
0x6c: {  	[sflag:s28] =	ssyncset.done @!p0 $0x0  }
0x6d: {  	[sflag:s28] =	ssyncadd.s32 @!p0 $0xFFFFFF00  }
0x6e: {  	_ =	sfence.sel $0x180000  }
0x6f: {  	[bflag:$0x0] =	sbarrier.arrive $0xFFFF  }
0x70: {  	_ =	strace $0x9000004D  }
0x71: {  	[bflag:$0x2] =	sbarrier.arrive $0xFFFF  }
0x72: {  	p0 =	sne.s32 s0, $0x0;
	s0 =	rddreg [dreg:$0x2]  }
0x73: {  	s0 =	sadd.s32 @!p0 $0x100000, s0  }
0x74: {  	[sflag:s0] =	ssyncadd.tile.s32 @!p0 $0x1;
	_ =	shalt  }
.Lfunc_end2:
_tile_overlayer_lowered:
.L_overlay_start_2:
0x75: {  	(tag) =	ssettag $0x2  }
0x76: {  	s0 =	rddreg [dreg:$0x0];
	s2 =	stileid.u32  }
0x77: {  	s1 =	rddreg [dreg:$0x1];
	p0 =	sne.s32 s2, $0x0  }
0x78: {  	s3 =	rddreg [dreg:$0x2];
	[bflag:$0x3] =	sbarrier.arrive $0xFFFF;
	s2 =	simm.s32 @!p0 $0x1C02  }
0x79: {  	[timem:s3], [sflag:s2] =	dma.local @!p0 [hbm:s0], s1  }
0x7a: {  	s0 =	simm.s32 @!p0 $0x2  }
0x7b: {  	_ =	swait.ge @!p0 [sflag:s0], s1  }
0x7c: {  	s1 =	ssub.s32 @!p0 $0x0, s1;
	[sflag:s0] =	ssyncset.done @!p0 $0x0  }
0x7d: {  	[sflag:s0] =	ssyncadd.s32 @!p0 s1  }
0x7e: {  	[bflag:$0x3] =	sbarrier.arrive $0xFFFF  }
0x7f: {  	_ =	shalt  }

// kernel: kernel.35.cloned.1.call-start
scs
__scs_entry_jumppad:
0x0: {  	(pc) =	sbr.rel $0x88, $3  }
0x1: {  	(tag) =	ssettag $0x0;
	lr =	simm.s32 $0x1  }
0x2: {  	[smem:$0x3F95] =	sst lr;
	_ =	strace $0xD0000000  }
0x3: {  	_ = 	snop  }
0x4: {  	_ = 	snop  }
0x5: {  	_ = 	snop  }
0x6: {  	_ = 	snop  }
0x7: {  	_ = 	snop  }
__scs_overlays_trampoline_lowered:
0x8: {  	[smem:$0x3FA4] =	sst s0  }
0x9: {  	[smem:$0x3FA5] =	sst s1  }
0xa: {  	[smem:$0x3FA6] =	sst s2  }
0xb: {  	[smem:$0x3FA7] =	sst s3  }
0xc: {  	[smem:$0x3FA8] =	sst s4  }
0xd: {  	[smem:$0x3FA9] =	sst s5  }
0xe: {  	[smem:$0x3FAA] =	sst s6  }
0xf: {  	[smem:$0x3FAB] =	sst s7  }
0x10: {  	[smem:$0x3FAC] =	sst s8  }
0x11: {  	[smem:$0x3FAD] =	sst s9;
	s0 =	simm.s32 @!p0 $0x0  }
0x12: {  	s1 =	sld [smem:$0x3F93];
	s0 =	simm.s32 @p0 $0x1  }
0x13: {  	[smem:$0x3FAE] =	sst s0;
	s0 =	simm.s32 @!p1 $0x0  }
0x14: {  	s2 =	sld [smem:$0x3F92];
	s0 =	simm.s32 @p1 $0x1  }
0x15: {  	[smem:$0x3FAF] =	sst s0;
	s0 =	simm.s32 @!p2 $0x0  }
0x16: {  	s3 =	sld [smem:$0x3FDB];
	s0 =	simm.s32 @p2 $0x1  }
0x17: {  	s4 =	simm.s32 $0x1BF5;
	[smem:$0x3FB1] =	sst s0  }
0x18: {  	s0 =	sld [smem:$0x3F94];
	_ =	swait.ge [sflag:s4], $0x0  }
0x19: {  	s7 =	sld [smem:$0x3F95]  }
0x1a: {  	s8 =	sadd.s32 $0xFFFFE003, lr  }
0x1b: {  	s9 =	sadd.s32 $0xFFFFFEF7, lr;
	s5 =	simm.s32 $0xFFFFFFFF;
	p2 =	slt.u32 s8, $0xFFFFF086  }
0x1c: {  	p1 =	slt.u32 s9, $0xF7A;
	s5 =	simm.s32 @!p2 $0x0  }
0x1d: {  	s5 =	simm.s32 @p1 $0x1;
	p0 =	seq.s32 s7, s2  }
0x1e: {  	s7 =	smul.u32 @!p0 $0xF7A, s2;
	p2 =	seq.s32 @!p0 s5, $0x0  }
0x1f: {  	s9 =	smul.u32 $0xF7A, s1;
	s8 =	simm.s32 @!p0 $0x1BF5;
	p2 =	por !p2, p0  }
0x20: {  	[sflag:s8] =	ssyncset.s32 @!p0 $0xFFFFF086;
	s6 =	sadd.s32 @!p0 s3, s7;
	s7 =	simm.s32 @!p0 $0x108  }
0x21: {  	s3 =	sadd.s32 s3, s9;
	s6 =	sadd.s32 @!p0 $0x88, s6;
	s7 =	simm.s32 @p2 $0x1082  }
0x22: {  	[simem:s7], [sflag:s8] =	dma.local @!p0 [hbm:s6], $0xF7A  }
0x23: {  	s9 =	sor.u32 $0xD0000000, s2;
	s6 =	simm.s32 $0x108;
	_ =	swait.ge @!p0 [sflag:s8], $0x0  }
0x24: {  	s3 =	sadd.s32 $0x88, s3;
	s6 =	simm.s32 @!p1 $0x1082;
	[sflag:s4] =	ssyncset.s32 $0xFFFFF086  }
0x25: {  	[simem:s6], [sflag:s4] =	dma.local [hbm:s3], $0xF7A  }
0x26: {  	[smem:$0x3F95] =	sst s1;
	(tag) =	ssettag s2;
	_ =	strace s9  }
0x27: {  	s1 =	sld [smem:$0x3FA5]  }
0x28: {  	s2 =	sld [smem:$0x3FA6]  }
0x29: {  	s4 =	sld [smem:$0x3FA8]  }
0x2a: {  	p0 =	seq.s32 s5, $0x0;
	s5 =	sld [smem:$0x3FA9]  }
0x2b: {  	s6 =	sld [smem:$0x3FAA]  }
0x2c: {  	s7 =	sld [smem:$0x3FAB]  }
0x2d: {  	s3 =	simm.s32 $0x108;
	s8 =	sld [smem:$0x3FAC]  }
0x2e: {  	s3 =	simm.s32 @!p0 $0x1082;
	s9 =	sld [smem:$0x3FAD]  }
0x2f: {  	lr =	sadd.s32 s0, s3;
	s0 =	sld [smem:$0x3FA4]  }
0x30: {  	s3 =	sld [smem:$0x3FA7]  }
0x31: {  	[smem:$0x3FB0] =	sst s10  }
0x32: {  	s10 =	sld [smem:$0x3FAE];
	_ =	sdelay $0x3  }
0x33: {  	p0 =	seq.s32 s10, $0x1;
	s10 =	sld [smem:$0x3FB0];
	_ =	sdelay $0x3  }
0x34: {  	[smem:$0x3FB0] =	sst s10  }
0x35: {  	s10 =	sld [smem:$0x3FAF];
	_ =	sdelay $0x3  }
0x36: {  	p1 =	seq.s32 s10, $0x1;
	s10 =	sld [smem:$0x3FB0];
	_ =	sdelay $0x3  }
0x37: {  	[smem:$0x3FB0] =	sst s10  }
0x38: {  	s10 =	sld [smem:$0x3FB1]  }
0x39: {  	_ = 	snop;
	(pc) =	sbr.ind lr, $3  }
0x3a: {  	_ = 	snop  }
0x3b: {  	_ = 	snop  }
0x3c: {  	p2 =	seq.s32 s10, $0x1;
	s10 =	sld [smem:$0x3FB0]  }
0x3d: {  	_ =	shalt  }
0x3e: {  	_ =	shalt  }
0x3f: {  	_ =	shalt  }
0x40: {  	_ =	shalt  }
0x41: {  	_ =	shalt  }
0x42: {  	_ =	shalt  }
0x43: {  	_ =	shalt  }
0x44: {  	_ =	shalt  }
0x45: {  	_ =	shalt  }
0x46: {  	_ =	shalt  }
0x47: {  	_ =	shalt  }
0x48: {  	_ =	shalt  }
0x49: {  	_ =	shalt  }
0x4a: {  	_ =	shalt  }
0x4b: {  	_ =	shalt  }
0x4c: {  	_ =	shalt  }
0x4d: {  	_ =	shalt  }
0x4e: {  	_ =	shalt  }
0x4f: {  	_ =	shalt  }
0x50: {  	_ =	shalt  }
0x51: {  	_ =	shalt  }
0x52: {  	_ =	shalt  }
0x53: {  	_ =	shalt  }
0x54: {  	_ =	shalt  }
0x55: {  	_ =	shalt  }
0x56: {  	_ =	shalt  }
0x57: {  	_ =	shalt  }
0x58: {  	_ =	shalt  }
0x59: {  	_ =	shalt  }
0x5a: {  	_ =	shalt  }
0x5b: {  	_ =	shalt  }
0x5c: {  	_ =	shalt  }
0x5d: {  	_ =	shalt  }
0x5e: {  	_ =	shalt  }
0x5f: {  	_ =	shalt  }
0x60: {  	_ =	shalt  }
0x61: {  	_ =	shalt  }
0x62: {  	_ =	shalt  }
0x63: {  	_ =	shalt  }
0x64: {  	_ =	shalt  }
0x65: {  	_ =	shalt  }
0x66: {  	_ =	shalt  }
0x67: {  	_ =	shalt  }
0x68: {  	_ =	shalt  }
0x69: {  	_ =	shalt  }
0x6a: {  	_ =	shalt  }
0x6b: {  	_ =	shalt  }
0x6c: {  	_ =	shalt  }
0x6d: {  	_ =	shalt  }
0x6e: {  	_ =	shalt  }
0x6f: {  	_ =	shalt  }
0x70: {  	_ =	shalt  }
0x71: {  	_ =	shalt  }
0x72: {  	_ =	shalt  }
0x73: {  	_ =	shalt  }
0x74: {  	_ =	shalt  }
0x75: {  	_ =	shalt  }
0x76: {  	_ =	shalt  }
0x77: {  	_ =	shalt  }
0x78: {  	_ =	shalt  }
0x79: {  	_ =	shalt  }
0x7a: {  	_ =	shalt  }
0x7b: {  	_ =	shalt  }
0x7c: {  	_ =	shalt  }
0x7d: {  	_ =	shalt  }
0x7e: {  	_ =	shalt  }
0x7f: {  	_ =	shalt  }
0x80: {  	_ =	shalt  }
0x81: {  	_ =	shalt  }
0x82: {  	_ =	shalt  }
0x83: {  	_ =	shalt  }
0x84: {  	_ =	shalt  }
0x85: {  	_ =	shalt  }
0x86: {  	_ =	shalt  }
0x87: {  	_ =	shalt  }
.Lfunc_end0:
.L_simem_size_0:
called_computation.5_lowered:
.L_overlay_start_0:
0x88: {  	s2 =	sld [smem:$0x3FD9]  }
0x89: {  	s3 =	sld [smem:$0x3FFE];
	_ =	sdelay $0x1  }
0x8a: {  	s1 =	srdreg.scid  }
0x8b: {  	s0 =	sand.u32 $0x1, s1  }
0x8c: {  	s17 =	sshll.u32 s0, $0xA;
	s2 =	sadd.s32 s3, s2  }
0x8d: {  	s2 =	sadd.s32 s2, s17  }
0x8e: {  	[smem:$0x3FBC] =	sst s2  }
0x8f: {  	_ = 	snop  }
0x90: {  	(tm) =	ssettm $0x1  }
0x91: {  	s18 =	sld [smem:$0x3FFB];
	_ =	sdelay $0x3  }
0x92: {  	_ =	strace s18  }
0x93: {  	s2 =	sld [smem:$0x3FFC];
	_ =	sdelay $0x3  }
0x94: {  	_ =	strace s2  }
0x95: {  	s2 =	sld [smem:$0x3FFD];
	_ =	sdelay $0x3  }
0x96: {  	_ =	strace s2  }
0x97: {  	_ =	strace $0x8FFFFFFF  }
0x98: {  	s19 =	sld [smem:$0x3FDB];
	_ =	sdelay $0x1  }
0x99: {  	s20 =	simm.s32 $_scs_section_size  }
0x9a: {  	s4 =	simm.s32 $_size__tile_overlayer_lowered;
	s5 =	simm.s32 $_tile_overlayer_lowered  }
0x9b: {  	s6 =	simm.s32 $0x1BFF;
	s21 =	sshll.u32 s5, $0x1;
	s3 =	sadd.s32 s20, s19  }
0x9c: {  	s22 =	simm.s32 $0x0;
	s4 =	sshll.u32 s4, $0x1;
	s5 =	sadd.s32 s21, s3  }
0x9d: {  	[timem:s22], [sflag:s6] =	dma.local [hbm:s5], s4  }
0x9e: {  	_ =	swait.ge [sflag:s6], s4  }
0x9f: {  	s4 =	ssub.s32 $0x0, s4;
	[sflag:s6] =	ssyncset.done $0x0  }
0xa0: {  	[sflag:s6] =	ssyncadd.s32 s4;
	_ =	sdelay $0x1  }
0xa1: {  	s23 =	simm.s32 $0x1B8B  }
0xa2: {  	_ =	swait.ge [sflag:s23], $0x1  }
0xa3: {  	[sflag:s23] =	ssyncset.done $0x0  }
0xa4: {  	[sflag:s23] =	ssyncadd.s32 $0xFFFFFFFF  }
0xa5: {  	s4 =	sld [smem:$0x0]  }
0xa6: {  	s5 =	sand.u32 $0xFFFFFFFE, s1  }
0xa7: {  	p0 =	sne.s32 s1, s5  }
0xa8: {  	s5 =	sshll.u32 @p0 s5, $0xE  }
0xa9: {  	s5 =	sadd.s32 @p0 $0x11B8D, s5;
	s6 =	sshll.u32 @p0 s4, $0x11  }
0xaa: {  	s5 =	sor.u32 @p0 s6, s5  }
0xab: {  	[sflag:s5] =	ssyncadd.remote.s32 @p0 $0x1;
	_ =	sdelay $0x1  }
0xac: {  	s5 =	simm.s32 @p0 $0x1B8D  }
0xad: {  	_ =	swait.eq @p0 [sflag:s5], $0x1  }
0xae: {  	[sflag:s5] =	ssyncadd.s32 @p0 $0xFFFFFFFF  }
0xaf: {  	s6 =	sshll.u32 @!p0 s1, $0xE  }
0xb0: {  	s6 =	sor.u32 @!p0 $0x4000, s6;
	s5 =	simm.s32 @!p0 $0x1B8D  }
0xb1: {  	s4 =	sshll.u32 @!p0 s4, $0x11;
	s6 =	sadd.s32 @!p0 $0x11B8D, s6;
	_ =	swait.eq @!p0 [sflag:s5], $0x1  }
0xb2: {  	s4 =	sor.u32 @!p0 s4, s6;
	[sflag:s5] =	ssyncadd.s32 @!p0 $0xFFFFFFFF  }
0xb3: {  	s25 =	simm.s32 $0x1B8E;
	s24 =	sld [smem:$0x3FFE];
	[sflag:s4] =	ssyncadd.remote.s32 @!p0 $0x1  }
0xb4: {  	s26 =	simm.s32 $execute0_lowered;
	[smem:$0x3FD2] =	sst s25  }
0xb5: {  	s5 =	sshll.u32 s26, $0x1;
	_ =	strace $0x80000052;
	[dreg:$0x1] =	wrdreg $0xFFFFFFFF  }
0xb6: {  	s28 =	simm.s32 $_size_execute0_lowered;
	s3 =	sadd.s32 s3, s5;
	[dreg:$0x0] =	wrdreg $0x0  }
0xb7: {  	s5 =	sshll.u32 s28, $0x1;
	[dreg:$0x2] =	wrdreg s3  }
0xb8: {  	[dreg:$0x3] =	wrdreg s5  }
0xb9: {  	[dreg:$0x4] =	wrdreg $0xC0  }
0xba: {  	_ =	task [dreg:s22], $0x5FFFF  }
0xbb: {  	[dreg:$0x1] =	wrdreg $0xFFFFFFFF  }
0xbc: {  	[dreg:$0x0] =	wrdreg $0x60  }
0xbd: {  	[dreg:$0x2] =	wrdreg s24  }
0xbe: {  	[dreg:$0x3] =	wrdreg $0xB5000  }
0xbf: {  	[dreg:$0x4] =	wrdreg $0xA  }
0xc0: {  	_ =	task.clear_ibuf [dreg:s22], $0x5FFFF;
	_ =	strace $0x90000052  }
0xc1: {  	s29 =	simm.s32 $0xA;
	_ =	strace $0x80000054  }
0xc2: {  	_ =	swait.ge [sflag:s29], $0x1  }
0xc3: {  	[sflag:s29] =	ssyncadd.s32 $0xFFFFFFFF  }
0xc4: {  	_ =	strace $0x90000054  }
0xc5: {  	_ =	sfence  }
0xc6: {  	s30 =	sld [smem:$0x0];
	_ =	sdelay $0x2  }
0xc7: {  	s31 =	sshll.u32 s1, $0xD;
	s1 =	sshrl.u32 s1, $0x2  }
0xc8: {  	s4 =	sand.u32 $0x4000, s31;
	s1 =	sadd.s32 s1, s30  }
0xc9: {  	s0 =	sor.u32 s4, s0;
	s1 =	sshll.u32 s1, $0x11  }
0xca: {  	s0 =	sor.u32 s1, s0  }
0xcb: {  	s0 =	sadd.s32 $0x8F2B, s0  }
0xcc: {  	[sflag:s0] =	ssyncadd.remote.s32 $0x1  }
0xcd: {  	_ =	sfence.sel $0xFFFF  }
0xce: {  	[dreg:$0x0] =	wrdreg $0xFFFFFFFF;
	(pc) =	sbr.abs _section_cstart, $3  }
0xcf: {  	[dreg:$0x1] =	wrdreg $0xFFFFFFFF  }
0xd0: {  	_ =	task.clear_ibuf [dreg:s22], $0x2FFFF;
	_ =	strace $0x9FFFFFFF  }
0xd1: {  	(tm) =	ssettm $0x7FFFFFFF  }
tec
execute0_lowered:
.L_overlay_start_1:
0x0: {  	(tag) =	ssettag $0x1  }
0x1: {  	s1 =	rddreg [dreg:$0x0]  }
0x2: {  	s2 =	srdreg.scid;
	s0 =	stileid.u32  }
0x3: {  	s11 =	simm.s32 $0x4F;
	s19 =	simm.s32 $0x8100;
	s20 =	simm.s32 $0x2  }
0x4: {  	s21 =	simm.s32 $0x80;
	s22 =	simm.s32 $0x4100;
	s4 =	smul.u32 $0x4E00, s0  }
0x5: {  	s23 =	simm.s32 $0x100;
	s24 =	simm.s32 $0x1;
	s30 =	smul.u32 $0x4E000, s0  }
0x6: {  	s26 =	simm.s32 $0x0;
	s5 =	sand.u32 $0x1, s2;
	s25 =	smul.u32 $0x2700, s0  }
0x7: {  	s3 =	sshll.u32 s0, $0x1;
	s2 =	rddreg [dreg:$0x1];
	s6 =	smul.u32 $0x2700, s5  }
0x8: {  	p0 =	slt.u32 s0, $0x2;
	s3 =	sor.u32 s5, s3;
	s31 =	smul.u32 $0x27100, s5  }
0x9: {  	s8 =	ssub.s32 $0x2, s5;
	s5 =	sadd.s32 $0x9E3000, s1;
	s13 =	sadd.s32 $0x138000, s2  }
0xa: {  	s11 =	simm.s32 @!p0 $0x4E;
	p0 =	sne.s32 s0, $0xF;
	s7 =	smin.u32 s3, $0x4  }
0xb: {  	s3 =	simm.s32 $0x0;
	s9 =	sshrl.u32 s8, $0x1;
	s4 =	sadd.s32 s6, s4  }
0xc: {  	s28 =	sshll.u32 s7, $0x7;
	[smem:$0x7FF] =	sst s3;
	s7 =	sshrl.u32 s30, $0x2  }
0xd: {  	s16 =	ssub.s32 s8, s9;
	s6 =	sadd.s32 s28, s4;
	_ =	strace $0x80000053  }
0xe: {  	s4 =	sadd.s32 $0x9E3800, s1;
	s29 =	sshll.u32 s6, $0x4;
	s6 =	sshrl.u32 s6, $0x3  }
0xf: {  	s16 =	smax.u32 s16, $0x1;
	s17 =	sadd.s32 s6, s1;
	s6 =	sadd.s32 s7, s2  }
0x10: {  	s15 =	sadd.s32 s29, s1;
	s1 =	sadd.s32 s31, s1;
	s7 =	sadd.s32 $0x3400, s6  }
0x11: {  	s8 =	sadd.s32 $0x6800, s6;
	s9 =	sadd.s32 $0x9C00, s6;
	s10 =	sadd.s32 $0xD000, s6  }
0x12: {  	s12 =	sadd.s32 $0x10400, s6;
	s14 =	sadd.s32 $0x501000, s1;
	s15 =	sadd.s32 $0xA0AA00, s15  }
0x13: {  	s1 =	sadd.s32 $0x4ED400, s17;
	s18 =	sadd.s32 $0x4F7200, s17;
	s25 =	sadd.s32 s25, s14  }
.LBB2_1:
0x14: {  	[tilespmem:s19], [sflag:$0x2] =	stream.linear.gather [hbm4b:s5+s3], $0x3400, $0x38;
	[tilespmem:$0x1ED80] =	vst v63  }
0x15: {  	_ =	swait.ge [sflag:s20], $0x3400  }
0x16: {  	[sflag:s20] =	ssyncset.done $0x0  }
0x17: {  	[sflag:s20] =	ssyncadd.s32 $0xFFFFCC00  }
0x18: {  	[spmem:s6] =	stream.linear.scatter [tilespmem:s19], [sflag:$0x2], $0x3400, $0x38;
	[tilespmem:$0x1ED80] =	vst v63  }
0x19: {  	_ =	swait.ge [sflag:s20], $0x3400  }
0x1a: {  	[sflag:s20] =	ssyncset.done $0x0  }
0x1b: {  	[sflag:s20] =	ssyncadd.s32 $0xFFFFCC00  }
0x1c: {  	[spmem:s7] =	stream.linear.scatter [tilespmem:s19], [sflag:$0x2], $0x3400, $0x38;
	[tilespmem:$0x1ED80] =	vst v63  }
0x1d: {  	_ =	swait.ge [sflag:s20], $0x3400  }
0x1e: {  	[sflag:s20] =	ssyncset.done $0x0  }
0x1f: {  	[sflag:s20] =	ssyncadd.s32 $0xFFFFCC00  }
0x20: {  	[spmem:s8] =	stream.linear.scatter [tilespmem:s19], [sflag:$0x2], $0x3400, $0x38;
	[tilespmem:$0x1ED80] =	vst v63  }
0x21: {  	_ =	swait.ge [sflag:s20], $0x3400  }
0x22: {  	[sflag:s20] =	ssyncset.done $0x0  }
0x23: {  	[sflag:s20] =	ssyncadd.s32 $0xFFFFCC00  }
0x24: {  	[spmem:s9] =	stream.linear.scatter [tilespmem:s19], [sflag:$0x2], $0x3400, $0x38;
	[tilespmem:$0x1ED80] =	vst v63  }
0x25: {  	_ =	swait.ge [sflag:s20], $0x3400  }
0x26: {  	[sflag:s20] =	ssyncset.done $0x0  }
0x27: {  	[sflag:s20] =	ssyncadd.s32 $0xFFFFCC00  }
0x28: {  	[spmem:s10] =	stream.linear.scatter [tilespmem:s19], [sflag:$0x2], $0x3400, $0x38;
	[tilespmem:$0x1ED80] =	vst v63  }
0x29: {  	_ =	swait.ge [sflag:s20], $0x3400  }
0x2a: {  	[sflag:s20] =	ssyncset.done $0x0  }
0x2b: {  	[sflag:s20] =	ssyncadd.s32 $0xFFFFCC00  }
0x2c: {  	[spmem:s12] =	stream.linear.scatter [tilespmem:s19], [sflag:$0x2], $0x3400, $0x38;
	[tilespmem:$0x1ED80] =	vst v63  }
0x2d: {  	_ =	swait.ge [sflag:s20], $0x3400  }
0x2e: {  	[sflag:s20] =	ssyncset.done $0x0  }
0x2f: {  	s17 =	simm.s32 @!p0 $0x8100;
	s28 =	simm.s32 @!p0 $0x2;
	[sflag:s20] =	ssyncadd.s32 $0xFFFFCC00  }
0x30: {  	[spmem:s13] =	stream.linear.scatter @!p0 [tilespmem:s17], [sflag:$0x2], $0x800, $0x38;
	[tilespmem:$0x1ED80] =	vst v63  }
0x31: {  	_ =	swait.ge @!p0 [sflag:s28], $0x800  }
0x32: {  	[sflag:s28] =	ssyncset.done @!p0 $0x0  }
0x33: {  	[sflag:s28] =	ssyncadd.s32 @!p0 $0xFFFFF800  }
0x34: {  	[bflag:$0x0] =	sbarrier.arrive $0xFFFF  }
0x35: {  	[tilespmem:s3], [sflag:$0x2] =	stream.linear.gather [hbm4b:s18+s3], $0x80, $0x38;
	[tilespmem:$0x1ED80] =	vst v63  }
0x36: {  	_ =	swait.ge [sflag:s20], $0x80  }
0x37: {  	[sflag:s20] =	ssyncset.done $0x0  }
0x38: {  	[sflag:s20] =	ssyncadd.s32 $0xFFFFFF80  }
0x39: {  	[tilespmem:s21], [sflag:$0x2] =	stream.linear.gather [hbm4b:s1+s3], $0x80, $0x38;
	[tilespmem:$0x1ED80] =	vst v63  }
0x3a: {  	_ =	swait.ge [sflag:s20], $0x80  }
0x3b: {  	[sflag:s20] =	ssyncset.done $0x0  }
0x3c: {  	[sflag:s20] =	ssyncadd.s32 $0xFFFFFF80  }
0x3d: {  	[tilespmem:s22], [sflag:$0x2] =	stream.linear.gather [hbm4b:s15+s3], $0x4000, $0x38;
	[tilespmem:$0x1ED80] =	vst v63  }
0x3e: {  	_ =	swait.ge [sflag:s20], $0x4000  }
0x3f: {  	[sflag:s20] =	ssyncset.done $0x0  }
0x40: {  	[sflag:s20] =	ssyncadd.s32 $0xFFFFC000  }
0x41: {  	[tilespmem:s23], [sflag:$0x1] =	stream.indirect.gather [hbm4b:s4+s21], $0x80, s3, s21, $0xb8;
	[tilespmem:$0x1ED80] =	vst v63  }
0x42: {  	_ =	swait.ge [sflag:s24], $0x4000  }
0x43: {  	[sflag:s24] =	ssyncset.done $0x0  }
0x44: {  	[sflag:s24] =	ssyncadd.s32 $0xFFFFC000  }
0x45: {  	[spmem:s2] =	stream.indirect.scatter.add.f32 [tilespmem:s23], [sflag:$0x2], $0x80, s21, s21, $0xb8;
	[tilespmem:$0x1ED80] =	vst v63  }
0x46: {  	p1 =	sne.s32 s11, $0x1;
	_ =	swait.ge [sflag:s20], $0x4000  }
.Ltmp0:
0x47: {  	[sflag:s20] =	ssyncset.done $0x0;
	(pc) =	sbr.rel @!p1 .LBB2_3-.Ltmp0, $4  }
0x48: {  	[sflag:s20] =	ssyncadd.s32 $0xFFFFC000  }
0x49: {  	[spmem:s2] =	stream.indirect.scatter.add.f32 [tilespmem:s22], [sflag:$0x2], $0x80, s21, s21, $0xb8;
	[tilespmem:$0x1ED80] =	vst v63  }
0x4a: {  	s29 =	sadd.s32 $0xFFFFFFFF, s11;
	s30 =	sadd.s32 $0x10, s18;
	_ =	swait.ge [sflag:s20], $0x4000  }
0x4b: {  	s31 =	smov.u32 s15;
	s17 =	smov.u32 s1;
	[sflag:s20] =	ssyncset.done $0x0  }
.LBB2_2:
0x4c: {  	[sflag:s20] =	ssyncadd.s32 $0xFFFFC000;
	s31 =	sadd.s32 $0x800, s31;
	s17 =	sadd.s32 $0x10, s17  }
0x4d: {  	[tilespmem:s3], [sflag:$0x2] =	stream.linear.gather [hbm4b:s30+s3], $0x80, $0x38;
	[tilespmem:$0x1ED80] =	vst v63  }
0x4e: {  	p1 =	sne.s32 s29, $0x1;
	s29 =	sadd.s32 $0xFFFFFFFF, s29;
	_ =	swait.ge [sflag:s20], $0x80  }
0x4f: {  	[sflag:s20] =	ssyncset.done $0x0  }
0x50: {  	[sflag:s20] =	ssyncadd.s32 $0xFFFFFF80  }
0x51: {  	[tilespmem:s21], [sflag:$0x2] =	stream.linear.gather [hbm4b:s17+s3], $0x80, $0x38;
	[tilespmem:$0x1ED80] =	vst v63  }
0x52: {  	_ =	swait.ge [sflag:s20], $0x80  }
0x53: {  	[sflag:s20] =	ssyncset.done $0x0  }
0x54: {  	[sflag:s20] =	ssyncadd.s32 $0xFFFFFF80  }
0x55: {  	[tilespmem:s22], [sflag:$0x2] =	stream.linear.gather [hbm4b:s31+s3], $0x4000, $0x38;
	[tilespmem:$0x1ED80] =	vst v63  }
0x56: {  	_ =	swait.ge [sflag:s20], $0x4000  }
0x57: {  	[sflag:s20] =	ssyncset.done $0x0  }
0x58: {  	[sflag:s20] =	ssyncadd.s32 $0xFFFFC000  }
0x59: {  	[tilespmem:s23], [sflag:$0x1] =	stream.indirect.gather [hbm4b:s4+s21], $0x80, s3, s21, $0xb8;
	[tilespmem:$0x1ED80] =	vst v63  }
0x5a: {  	_ =	swait.ge [sflag:s24], $0x4000  }
0x5b: {  	[sflag:s24] =	ssyncset.done $0x0  }
0x5c: {  	[sflag:s24] =	ssyncadd.s32 $0xFFFFC000  }
0x5d: {  	[spmem:s2] =	stream.indirect.scatter.add.f32 [tilespmem:s23], [sflag:$0x2], $0x80, s21, s21, $0xb8;
	[tilespmem:$0x1ED80] =	vst v63  }
0x5e: {  	_ =	swait.ge [sflag:s20], $0x4000  }
.Ltmp1:
0x5f: {  	[sflag:s20] =	ssyncset.done $0x0;
	(pc) =	sbr.rel @p1 .LBB2_2-.Ltmp1, $4  }
0x60: {  	[sflag:s20] =	ssyncadd.s32 $0xFFFFC000  }
0x61: {  	[spmem:s2] =	stream.indirect.scatter.add.f32 [tilespmem:s22], [sflag:$0x2], $0x80, s21, s21, $0xb8;
	[tilespmem:$0x1ED80] =	vst v63  }
0x62: {  	_ =	swait.ge [sflag:s20], $0x4000  }
0x63: {  	s30 =	sadd.s32 $0x10, s30;
	[sflag:s20] =	ssyncset.done $0x0  }
.LBB2_3:
0x64: {  	[sflag:s20] =	ssyncadd.s32 $0xFFFFC000;
	s17 =	sshll.u32 s0, $0x6  }
0x65: {  	s29 =	sshrl.u32 s6, $0x3;
	[bflag:$0x0] =	sbarrier.arrive $0xFFFF;
	s17 =	sor.u32 $0x1C02, s17  }
0x66: {  	[hbm:s25], [sflag:s17] =	dma.local [spmem:s29], $0x2700  }
0x67: {  	s26 =	sadd.s32 $0x1, s26;
	_ =	swait.ge [sflag:s20], $0x2700  }
0x68: {  	s30 =	sshrl.u32 @!p0 s13, $0x3;
	p1 =	sne.s32 s26, s16;
	[sflag:s20] =	ssyncset.done $0x0  }
.Ltmp2:
0x69: {  	s29 =	sadd.s32 @!p0 $0x27000, s14;
	[sflag:s20] =	ssyncadd.s32 $0xFFFFD900;
	(pc) =	sbr.rel @p1 .LBB2_1-.Ltmp2, $4  }
0x6a: {  	[hbm:s29], [sflag:s17] =	dma.local @!p0 [spmem:s30], $0x100  }
0x6b: {  	_ =	swait.ge @!p0 [sflag:s28], $0x100  }
0x6c: {  	[sflag:s28] =	ssyncset.done @!p0 $0x0  }
0x6d: {  	[sflag:s28] =	ssyncadd.s32 @!p0 $0xFFFFFF00  }
0x6e: {  	_ =	sfence.sel $0x180000  }
0x6f: {  	[bflag:$0x0] =	sbarrier.arrive $0xFFFF  }
0x70: {  	_ =	strace $0x90000053  }
0x71: {  	[bflag:$0x2] =	sbarrier.arrive $0xFFFF  }
0x72: {  	p0 =	sne.s32 s0, $0x0;
	s0 =	rddreg [dreg:$0x2]  }
0x73: {  	s0 =	sadd.s32 @!p0 $0x100000, s0  }
0x74: {  	[sflag:s0] =	ssyncadd.tile.s32 @!p0 $0x1;
	_ =	shalt  }
.Lfunc_end2:
_tile_overlayer_lowered:
.L_overlay_start_2:
0x75: {  	(tag) =	ssettag $0x2  }
0x76: {  	s0 =	rddreg [dreg:$0x0];
	s2 =	stileid.u32  }
0x77: {  	s1 =	rddreg [dreg:$0x1];
	p0 =	sne.s32 s2, $0x0  }
0x78: {  	s3 =	rddreg [dreg:$0x2];
	[bflag:$0x3] =	sbarrier.arrive $0xFFFF;
	s2 =	simm.s32 @!p0 $0x1C02  }
0x79: {  	[timem:s3], [sflag:s2] =	dma.local @!p0 [hbm:s0], s1  }
0x7a: {  	s0 =	simm.s32 @!p0 $0x2  }
0x7b: {  	_ =	swait.ge @!p0 [sflag:s0], s1  }
0x7c: {  	s1 =	ssub.s32 @!p0 $0x0, s1;
	[sflag:s0] =	ssyncset.done @!p0 $0x0  }
0x7d: {  	[sflag:s0] =	ssyncadd.s32 @!p0 s1  }
0x7e: {  	[bflag:$0x3] =	sbarrier.arrive $0xFFFF  }
0x7f: {  	_ =	shalt  }

</sc_bundles>
